<compile_context>
chip_gen: v7x
topology: tpu7x:2x2x1
jax: 0.10.2.dev20260603
libtpu: 0.0.44.dev20260713+nightly
codegen_flags: <defaults>
</compile_context>

<pallas_src>
import functools
import math

import jax
import jax.numpy as jnp
from jax import lax
from jax.experimental import pallas as pl
from jax.experimental.pallas import tpu as pltpu
from jax.experimental.pallas import tpu_sc as plsc

N = 10000
E = 320000
DF = 128
DE = 16
G = 64
H1 = 64
H2 = 16

NC = 2
NS = 16
NW = NC * NS
LANES = 16
RPT = 624
ZROWS = 16

f32 = jnp.float32


def _edge_pass(D):
    DW = D + 2 * LANES
    DKV = 2 * D
    DQQ = D + DE
    inv = 1.0 / math.sqrt(D)
    W = 64 if D > LANES else 128
    EWIN = E // W
    WPT = EWIN // NW
    WREM = EWIN - WPT * NW
    WMAX = WPT + WREM
    mesh = plsc.VectorSubcoreMesh(core_axis_name="c", subcore_axis_name="s",
                                  num_cores=NC, num_subcores=NS)
    cp = pltpu.CompilerParams(needs_layout_passes=False,
                              use_tc_tiling_on_sc=False)

    @functools.partial(
        pl.kernel,
        compiler_params=cp,
        out_type=jax.ShapeDtypeStruct((NC, N, DW), f32),
        mesh=mesh,
        scratch_types=[
            pltpu.VMEM((WMAX * W,), jnp.int32),
            pltpu.VMEM((WMAX * W,), jnp.int32),
            pltpu.VMEM((W,), jnp.int32),
            pltpu.VMEM((W,), jnp.int32),
            pltpu.VMEM((W, DKV), f32),
            pltpu.VMEM((W, DQQ), f32),
            pltpu.VMEM((W, DE), f32),
            pltpu.VMEM((W, DKV), f32),
            pltpu.VMEM((W, DQQ), f32),
            pltpu.VMEM((W, DE), f32),
            pltpu.VMEM((W,), f32),
            pltpu.VMEM((W, DW), f32),
            pltpu.VMEM((W, DW), f32),
            pltpu.VMEM((W, LANES), f32),
            pltpu.VMEM((ZROWS, DW), f32),
            pltpu.VMEM_SHARED((N, DW), f32),
            pltpu.SemaphoreType.DMA,
            pltpu.SemaphoreType.DMA,
            pltpu.SemaphoreType.DMA,
            pltpu.SemaphoreType.DMA,
        ],
    )
    def kern(src, dst, ea, kv, qq, acc_out,
             idx_s_all, idx_d_all, idx_sc_a, idx_sc_b,
             kvg_a, qqg_a, ag_a, kvg_b, qqg_b, ag_b,
             exb, wbuf_a, wbuf_b, pbuf, zbuf, acc,
             sem_a, sem_b, sem_wa, sem_wb):
        cid = lax.axis_index("c")
        sid = lax.axis_index("s")
        wid = sid * NC + cid
        last = wid == NW - 1
        nwin = jnp.where(last, WPT + WREM, WPT)
        wbase = wid * WPT
        ebase = wbase * W
        zero16 = jnp.zeros((LANES,), f32)
        lane_iota = lax.iota(jnp.int32, LANES)

        pltpu.sync_copy(src.at[pl.ds(ebase, WPT * W)],
                        idx_s_all.at[pl.ds(0, WPT * W)])
        pltpu.sync_copy(dst.at[pl.ds(ebase, WPT * W)],
                        idx_d_all.at[pl.ds(0, WPT * W)])

        @pl.when(last)
        def _():
            pltpu.sync_copy(src.at[pl.ds(NW * WPT * W, WREM * W)],
                            idx_s_all.at[pl.ds(WPT * W, WREM * W)])
            pltpu.sync_copy(dst.at[pl.ds(NW * WPT * W, WREM * W)],
                            idx_d_all.at[pl.ds(WPT * W, WREM * W)])

        @pl.loop(0, ZROWS)
        def _(r):
            for c in range(DW // LANES):
                zbuf[r, pl.ds(c * LANES, LANES)] = zero16

        @pl.loop(0, RPT // ZROWS)
        def _(t):
            pltpu.sync_copy(zbuf, acc.at[pl.ds(sid * RPT + t * ZROWS, ZROWS)])

        @pl.when(sid == NS - 1)
        def _():
            pltpu.sync_copy(zbuf, acc.at[pl.ds(NS * RPT, ZROWS)])

        plsc.subcore_barrier()

        def gathers(j, b_kv, b_qq, b_ag, sem):
            return (
                pltpu.make_async_copy(
                    kv.at[idx_s_all.at[pl.ds(j * W, W)]], b_kv, sem),
                pltpu.make_async_copy(
                    qq.at[idx_d_all.at[pl.ds(j * W, W)]], b_qq, sem),
                pltpu.make_async_copy(ea.at[pl.ds(ebase + j * W, W)],
                                      b_ag, sem),
            )

        def issue(j, b_kv, b_qq, b_ag, sem):
            for c in gathers(j, b_kv, b_qq, b_ag, sem):
                c.start()

        def wait(j, b_kv, b_qq, b_ag, sem):
            for c in gathers(j, b_kv, b_qq, b_ag, sem):
                c.wait()

        def compute(j, b_kv, b_qq, b_ag, b_w, b_isc, sem_w):
            @plsc.parallel_loop(0, W, unroll=4)
            def _(i):
                p16 = b_qq[i, pl.ds(D, LANES)] * b_ag[i, pl.ds(0, LANES)]
                for c in range(D // LANES):
                    p16 = p16 + (b_qq[i, pl.ds(c * LANES, LANES)] *
                                 b_kv[i, pl.ds(c * LANES, LANES)])
                pbuf[i, pl.ds(0, LANES)] = p16

            @plsc.parallel_loop(0, W // LANES, unroll=2)
            def _(t):
                rows = jnp.full((LANES,), t * LANES, jnp.int32) + lane_iota
                s16 = plsc.load_gather(
                    pbuf, [rows, jnp.zeros((LANES,), jnp.int32)])
                for c in range(1, LANES):
                    s16 = s16 + plsc.load_gather(
                        pbuf, [rows, jnp.full((LANES,), c, jnp.int32)])
                exb[pl.ds(t * LANES, LANES)] = jnp.exp(s16 * inv)

            @pl.when(j >= 2)
            def _():
                pltpu.make_async_copy(b_w, acc.at[b_isc], sem_w).wait()

            @plsc.parallel_loop(0, W // LANES)
            def _(t):
                b_isc[pl.ds(t * LANES, LANES)] = idx_d_all[
                    pl.ds(j * W + t * LANES, LANES)]

            @plsc.parallel_loop(0, W, unroll=4)
            def _(i):
                b = plsc.load_gather(exb, [jnp.full((LANES,), i, jnp.int32)])
                for c in range(D // LANES):
                    b_w[i, pl.ds(c * LANES, LANES)] = (
                        b * b_kv[i, pl.ds(D + c * LANES, LANES)])
                b_w[i, pl.ds(D, LANES)] = b * b_ag[i, pl.ds(0, LANES)]
                b_w[i, pl.ds(D + LANES, LANES)] = b

            pltpu.async_copy(b_w, acc.at[b_isc], sem_w, add=True)

        bufs_a = (kvg_a, qqg_a, ag_a, sem_a)
        bufs_b = (kvg_b, qqg_b, ag_b, sem_b)
        issue(0, *bufs_a)
        issue(1, *bufs_b)

        @pl.loop(0, nwin // 2)
        def _(t):
            for slot, bufs, b_w, b_isc, sem_w in (
                    (0, bufs_a, wbuf_a, idx_sc_a, sem_wa),
                    (1, bufs_b, wbuf_b, idx_sc_b, sem_wb)):
                j = 2 * t + slot
                wait(j, *bufs)
                compute(j, *bufs[:3], b_w, b_isc, sem_w)

                @pl.when(j + 2 < nwin)
                def _():
                    issue(j + 2, *bufs)

        pltpu.make_async_copy(wbuf_a, acc.at[idx_sc_a], sem_wa).wait()
        pltpu.make_async_copy(wbuf_b, acc.at[idx_sc_b], sem_wb).wait()

        plsc.subcore_barrier()
        pltpu.sync_copy(acc.at[pl.ds(sid * RPT, RPT)],
                        acc_out.at[cid, pl.ds(sid * RPT, RPT)])

        @pl.when(sid == NS - 1)
        def _():
            pltpu.sync_copy(acc.at[pl.ds(NS * RPT, ZROWS)],
                            acc_out.at[cid, pl.ds(NS * RPT, ZROWS)])

    return kern


def _edge_pass_1(src, dst, ea, kv, qq):
    return _edge_pass(H1)(src, dst, ea, kv, qq)


def _edge_pass_2(src, dst, ea, kv, qq):
    return _edge_pass(H2)(src, dst, ea, kv, qq)


def _proj1(x, Wq, bq, Wk, bk, Wv, bv, Wsk, bsk, We):
    R = 1000

    def body(x_ref, wq, bq_, wk, bk_, wv, bv_, ws, bs_, we,
             kv_o, qq_o, s_o):
        xb = x_ref[...]
        qb = jnp.dot(xb, wq[...], preferred_element_type=f32) + bq_[...]
        kb = jnp.dot(xb, wk[...], preferred_element_type=f32) + bk_[...]
        vb = jnp.dot(xb, wv[...], preferred_element_type=f32) + bv_[...]
        s_o[...] = jnp.dot(xb, ws[...], preferred_element_type=f32) + bs_[...]
        qe = lax.dot_general(qb, we[...], (((1,), (1,)), ((), ())),
                             preferred_element_type=f32)
        kv_o[...] = jnp.concatenate([kb, vb], axis=1)
        qq_o[...] = jnp.concatenate([qb, qe], axis=1)

    full = lambda s: pl.BlockSpec(s, lambda i: (0, 0))
    return pl.pallas_call(
        body,
        grid=(N // R,),
        in_specs=[
            pl.BlockSpec((R, DF), lambda i: (i, 0)),
            full((DF, H1)), full((1, H1)),
            full((DF, H1)), full((1, H1)),
            full((DF, H1)), full((1, H1)),
            full((DF, H1)), full((1, H1)),
            full((DE, H1)),
        ],
        out_specs=[
            pl.BlockSpec((R, 2 * H1), lambda i: (i, 0)),
            pl.BlockSpec((R, H1 + DE), lambda i: (i, 0)),
            pl.BlockSpec((R, H1), lambda i: (i, 0)),
        ],
        out_shape=[
            jax.ShapeDtypeStruct((N, 2 * H1), f32),
            jax.ShapeDtypeStruct((N, H1 + DE), f32),
            jax.ShapeDtypeStruct((N, H1), f32),
        ],
    )(x, Wq, bq, Wk, bk, Wv, bv, Wsk, bsk, We)


def _fin1_proj2(accC, skip, We1_, Wq, bq, Wk, bk, Wv, bv, Wsk, bsk, We2_):
    R = 1000
    DW = H1 + 2 * LANES

    def body(a_ref, b_ref, sk_ref, we1, wq, bq_, wk, bk_, wv, bv_,
             ws, bs_, we2, kv_o, qq_o, s_o):
        accb = a_ref[0] + b_ref[0]
        num = accb[:, :H1]
        anum = accb[:, H1:H1 + DE]
        den = accb[:, H1 + DE:H1 + DE + 1]
        h = (num + jnp.dot(anum, we1[...], preferred_element_type=f32)) / (
            den + 1e-16) + sk_ref[...]
        h = jnp.maximum(h, 0.0)
        qb = jnp.dot(h, wq[...], preferred_element_type=f32) + bq_[...]
        kb = jnp.dot(h, wk[...], preferred_element_type=f32) + bk_[...]
        vb = jnp.dot(h, wv[...], preferred_element_type=f32) + bv_[...]
        s_o[...] = jnp.dot(h, ws[...], preferred_element_type=f32) + bs_[...]
        qe = lax.dot_general(qb, we2[...], (((1,), (1,)), ((), ())),
                             preferred_element_type=f32)
        kv_o[...] = jnp.concatenate([kb, vb], axis=1)
        qq_o[...] = jnp.concatenate([qb, qe], axis=1)

    full = lambda s: pl.BlockSpec(s, lambda i: (0, 0))
    return pl.pallas_call(
        body,
        grid=(N // R,),
        in_specs=[
            pl.BlockSpec((1, R, DW), lambda i: (0, i, 0)),
            pl.BlockSpec((1, R, DW), lambda i: (1, i, 0)),
            pl.BlockSpec((R, H1), lambda i: (i, 0)),
            full((DE, H1)),
            full((H1, H2)), full((1, H2)),
            full((H1, H2)), full((1, H2)),
            full((H1, H2)), full((1, H2)),
            full((H1, H2)), full((1, H2)),
            full((DE, H2)),
        ],
        out_specs=[
            pl.BlockSpec((R, 2 * H2), lambda i: (i, 0)),
            pl.BlockSpec((R, H2 + DE), lambda i: (i, 0)),
            pl.BlockSpec((R, H2), lambda i: (i, 0)),
        ],
        out_shape=[
            jax.ShapeDtypeStruct((N, 2 * H2), f32),
            jax.ShapeDtypeStruct((N, H2 + DE), f32),
            jax.ShapeDtypeStruct((N, H2), f32),
        ],
    )(accC, accC, skip, We1_, Wq, bq, Wk, bk, Wv, bv, Wsk, bsk, We2_)


def _fin2_head(accC, skip2, We2_, batch3, Wfc, bfc):
    R = 1000
    DW = H2 + 2 * LANES

    def body(a_ref, b_ref, sk_ref, we2, bt_ref, wfc, bfc_, o_ref,
             pool, cnt):
        i = pl.program_id(0)

        @pl.when(i == 0)
        def _():
            pool[...] = jnp.zeros_like(pool)
            cnt[...] = jnp.zeros_like(cnt)

        accb = a_ref[0] + b_ref[0]
        num = accb[:, :H2]
        anum = accb[:, H2:H2 + DE]
        den = accb[:, H2 + DE:H2 + DE + 1]
        h = (num + jnp.dot(anum, we2[...], preferred_element_type=f32)) / (
            den + 1e-16) + sk_ref[...]
        h = jnp.maximum(h, 0.0)
        b = bt_ref[0, 0, :]
        oh = (b[None, :] == lax.broadcasted_iota(jnp.int32, (G, R), 0)
              ).astype(f32)
        pool[...] += jnp.dot(oh, h, preferred_element_type=f32)
        cnt[...] += jnp.sum(oh, axis=1, keepdims=True)

        @pl.when(i == pl.num_programs(0) - 1)
        def _():
            z = pool[...] / jnp.maximum(cnt[...], 1.0)
            o_ref[...] = jax.nn.sigmoid(
                jnp.dot(z, wfc[...], preferred_element_type=f32) + bfc_[...])

    full = lambda s: pl.BlockSpec(s, lambda i: (0, 0))
    return pl.pallas_call(
        body,
        grid=(N // R,),
        in_specs=[
            pl.BlockSpec((1, R, DW), lambda i: (0, i, 0)),
            pl.BlockSpec((1, R, DW), lambda i: (1, i, 0)),
            pl.BlockSpec((R, H2), lambda i: (i, 0)),
            full((DE, H2)),
            pl.BlockSpec((1, 1, R), lambda i: (i, 0, 0)),
            full((H2, 1)), full((1, 1)),
        ],
        out_specs=pl.BlockSpec((G, 1), lambda i: (0, 0)),
        out_shape=jax.ShapeDtypeStruct((G, 1), f32),
        scratch_shapes=[pltpu.VMEM((G, H2), f32), pltpu.VMEM((G, 1), f32)],
    )(accC, accC, skip2, We2_, batch3, Wfc, bfc)


def kernel(x, edge_index, edge_attr, batch,
           Wq1, bq1, Wk1, bk1, Wv1, bv1, We1, Wskip1, bskip1,
           Wq2, bq2, Wk2, bk2, Wv2, bv2, We2, Wskip2, bskip2,
           Wfc, bfc):
    src = edge_index[0]
    dst = edge_index[1]
    kv1, qq1, skip1 = _proj1(
        x, Wq1, bq1.reshape(1, H1), Wk1, bk1.reshape(1, H1),
        Wv1, bv1.reshape(1, H1), Wskip1, bskip1.reshape(1, H1), We1)
    acc1 = _edge_pass_1(src, dst, edge_attr, kv1, qq1)
    kv2, qq2, skip2 = _fin1_proj2(
        acc1, skip1, We1,
        Wq2, bq2.reshape(1, H2), Wk2, bk2.reshape(1, H2),
        Wv2, bv2.reshape(1, H2), Wskip2, bskip2.reshape(1, H2), We2)
    acc2 = _edge_pass_2(src, dst, edge_attr, kv2, qq2)
    out = _fin2_head(acc2, skip2, We2,
                     batch.reshape(N // 1000, 1, 1000), Wfc,
                     bfc.reshape(1, 1))
    return out

# --- scband reference (transcript-rebuilt; emitter-appended) ---
"""Pipeline reference for scband-mosgen-27797028339917 (READ-ONLY COPY).

The authoritative reference and input builder live on the scoring server;
editing this copy changes nothing except your own understanding.
"""

import jax, jax.numpy as jnp
import numpy as np

N = 10000
E = 320000
DF = 128
DE = 16
G = 64
H1 = 64
H2 = 16


def setup_inputs(seed: int = 0) -> dict:
    key = jax.random.key(seed)
    ks = jax.random.split(key, 26)
    inp = {}
    inp["x"] = jax.random.normal(ks[0], (N, DF), dtype=jnp.float32)
    inp["edge_index"] = jax.random.randint(ks[1], (2, E), 0, N, dtype=jnp.int32)
    inp["edge_attr"] = jax.random.normal(ks[2], (E, DE), dtype=jnp.float32)
    inp["batch"] = jnp.sort(jax.random.randint(ks[3], (N,), 0, G, dtype=jnp.int32))
    s1 = 1.0 / np.sqrt(DF)
    s1e = 1.0 / np.sqrt(DE)
    s2 = 1.0 / np.sqrt(H1)
    s3 = 1.0 / np.sqrt(H2)
    # TransformerConv layer 1 (in=128, out=64, edge_dim=16, heads=1)
    inp["Wq1"] = jax.random.normal(ks[4], (DF, H1), dtype=jnp.float32) * s1
    inp["bq1"] = jnp.zeros((H1,), dtype=jnp.float32)
    inp["Wk1"] = jax.random.normal(ks[5], (DF, H1), dtype=jnp.float32) * s1
    inp["bk1"] = jnp.zeros((H1,), dtype=jnp.float32)
    inp["Wv1"] = jax.random.normal(ks[6], (DF, H1), dtype=jnp.float32) * s1
    inp["bv1"] = jnp.zeros((H1,), dtype=jnp.float32)
    inp["We1"] = jax.random.normal(ks[7], (DE, H1), dtype=jnp.float32) * s1e
    inp["Wskip1"] = jax.random.normal(ks[8], (DF, H1), dtype=jnp.float32) * s1
    inp["bskip1"] = jnp.zeros((H1,), dtype=jnp.float32)
    # TransformerConv layer 2 (in=64, out=16, edge_dim=16, heads=1)
    inp["Wq2"] = jax.random.normal(ks[9], (H1, H2), dtype=jnp.float32) * s2
    inp["bq2"] = jnp.zeros((H2,), dtype=jnp.float32)
    inp["Wk2"] = jax.random.normal(ks[10], (H1, H2), dtype=jnp.float32) * s2
    inp["bk2"] = jnp.zeros((H2,), dtype=jnp.float32)
    inp["Wv2"] = jax.random.normal(ks[11], (H1, H2), dtype=jnp.float32) * s2
    inp["bv2"] = jnp.zeros((H2,), dtype=jnp.float32)
    inp["We2"] = jax.random.normal(ks[12], (DE, H2), dtype=jnp.float32) * s1e
    inp["Wskip2"] = jax.random.normal(ks[13], (H1, H2), dtype=jnp.float32) * s2
    inp["bskip2"] = jnp.zeros((H2,), dtype=jnp.float32)
    # final FC (16 -> 1)
    inp["Wfc"] = jax.random.normal(ks[14], (H2, 1), dtype=jnp.float32) * s3
    inp["bfc"] = jnp.zeros((1,), dtype=jnp.float32)
    return inp


def _transformer_conv(x, edge_index, edge_attr, Wq, bq, Wk, bk, Wv, bv, We, Wskip, bskip):
    # PyG TransformerConv with heads=1, concat=True, root_weight=True, beta=False
    src = edge_index[0]
    dst = edge_index[1]
    n = x.shape[0]
    C = Wq.shape[1]
    q = x @ Wq + bq
    k = x @ Wk + bk
    v = x @ Wv + bv
    e = edge_attr @ We  # lin_edge (no bias)
    k_j = k[src] + e
    v_j = v[src] + e
    q_i = q[dst]
    alpha = jnp.sum(q_i * k_j, axis=-1) / jnp.sqrt(jnp.float32(C))
    # segment softmax over destination nodes
    amax = jax.ops.segment_max(alpha, dst, num_segments=n)
    amax = jnp.where(jnp.isfinite(amax), amax, 0.0)
    ex = jnp.exp(alpha - amax[dst])
    denom = jax.ops.segment_sum(ex, dst, num_segments=n)
    w = ex / (denom[dst] + 1e-16)
    out = jax.ops.segment_sum(w[:, None] * v_j, dst, num_segments=n)
    # root/skip connection
    out = out + x @ Wskip + bskip
    return out


def reference(x, edge_index, edge_attr, batch,
              Wq1, bq1, Wk1, bk1, Wv1, bv1, We1, Wskip1, bskip1,
              Wq2, bq2, Wk2, bk2, Wv2, bv2, We2, Wskip2, bskip2,
              Wfc, bfc):
    h = jax.nn.relu(_transformer_conv(x, edge_index, edge_attr,
                                      Wq1, bq1, Wk1, bk1, Wv1, bv1, We1, Wskip1, bskip1))
    h = jax.nn.relu(_transformer_conv(h, edge_index, edge_attr,
                                      Wq2, bq2, Wk2, bk2, Wv2, bv2, We2, Wskip2, bskip2))
    # global_mean_pool over graphs
    sums = jax.ops.segment_sum(h, batch, num_segments=G)
    counts = jnp.maximum(jax.ops.segment_sum(jnp.ones((h.shape[0],), dtype=h.dtype), batch, num_segments=G), 1.0)
    z = sums / counts[:, None]
    out = jax.nn.sigmoid(z @ Wfc + bfc)
    return out

if __name__ == "__main__":
    import jax
    _d = setup_inputs()
    print(jax.jit(kernel)(*tuple(_d.values())))

</pallas_src>

<mosaic_0001>
#map = affine_map<(d0, d1) -> (0)>
#map1 = affine_map<(d0, d1) -> (0, 0)>
#map2 = affine_map<(d0, d1) -> (0, 0, 0)>
module attributes {stable_mosaic.version = 14 : i64} {
  func.func @kern(%arg0: i32, %arg1: i32, %arg2: memref<320000xi32, #tpu.memory_space<hbm>>, %arg3: memref<320000xi32, #tpu.memory_space<hbm>>, %arg4: memref<320000x16xf32, #tpu.memory_space<hbm>>, %arg5: memref<10000x128xf32, #tpu.memory_space<hbm>>, %arg6: memref<10000x80xf32, #tpu.memory_space<hbm>>, %arg7: memref<2x10000x96xf32, #tpu.memory_space<hbm>>, %arg8: memref<10496xi32, #tpu.memory_space<vmem>>, %arg9: memref<10496xi32, #tpu.memory_space<vmem>>, %arg10: memref<64xi32, #tpu.memory_space<vmem>>, %arg11: memref<64xi32, #tpu.memory_space<vmem>>, %arg12: memref<64x128xf32, #tpu.memory_space<vmem>>, %arg13: memref<64x80xf32, #tpu.memory_space<vmem>>, %arg14: memref<64x16xf32, #tpu.memory_space<vmem>>, %arg15: memref<64x128xf32, #tpu.memory_space<vmem>>, %arg16: memref<64x80xf32, #tpu.memory_space<vmem>>, %arg17: memref<64x16xf32, #tpu.memory_space<vmem>>, %arg18: memref<64xf32, #tpu.memory_space<vmem>>, %arg19: memref<64x96xf32, #tpu.memory_space<vmem>>, %arg20: memref<64x96xf32, #tpu.memory_space<vmem>>, %arg21: memref<64x16xf32, #tpu.memory_space<vmem>>, %arg22: memref<16x96xf32, #tpu.memory_space<vmem>>, %arg23: memref<10000x96xf32, #tpu.memory_space<vmem_shared>>, %arg24: memref<!tpu.dma_semaphore, #tpu.memory_space<semaphore_mem>>, %arg25: memref<!tpu.dma_semaphore, #tpu.memory_space<semaphore_mem>>, %arg26: memref<!tpu.dma_semaphore, #tpu.memory_space<semaphore_mem>>, %arg27: memref<!tpu.dma_semaphore, #tpu.memory_space<semaphore_mem>>) attributes {dimension_semantics = [#tpu.dimension_semantics<core_parallel>, #tpu.dimension_semantics<subcore_parallel>], iteration_bounds = array<i64: 2, 16>, scalar_prefetch = 0 : i64, scratch_operands = 20 : i64, tpu.core_type = #tpu.core_type<sc_vector_subcore>, window_params = [{transform_indices = #map}, {transform_indices = #map}, {transform_indices = #map1}, {transform_indices = #map1}, {transform_indices = #map1}, {transform_indices = #map2}]} {
    %mul3A = arith.constant 2 : i32
    %mul3A_0 = arith.muli %arg1, %mul3A : i32
    %add3A = arith.addi %mul3A_0, %arg0 : i32
    %eq3A = arith.constant 31 : i32
    %eq3A_1 = arith.cmpi eq, %add3A, %eq3A : i32
    %jit3A = arith.constant 164 : i32
    %jit3A_2 = arith.constant 156 : i32
    %select_n3A = arith.select %eq3A_1, %jit3A, %jit3A_2 : i32
    %mul3A_3 = arith.constant 156 : i32
    %mul3A_4 = arith.muli %add3A, %mul3A_3 : i32
    %mul3A_5 = arith.constant 64 : i32
    %mul3A_6 = arith.muli %mul3A_4, %mul3A_5 : i32
    %broadcast_in_dim3A = arith.constant 0.000000e+00 : f32
    %broadcast_in_dim3A_7 = vector.broadcast %broadcast_in_dim3A : f32 to vector<16xf32>
    %iota3A = tpu.iota {dimensions = array<i32: 0>} : vector<16xi32>
    "tpu.region"() ({
      %run_scoped3A = tpu.sem_alloc : memref<!tpu.dma_semaphore, #tpu.memory_space<semaphore_mem>>
      %dma_start3A_105 = arith.constant 0 : i32
      %dma_start3A_106 = tpu.memref_slice %arg8[%dma_start3A_105] : memref<10496xi32, #tpu.memory_space<vmem>> -> memref<9984xi32, #tpu.memory_space<vmem>>
      %dma_start3A_107 = tpu.memref_slice %arg2[%mul3A_6] : memref<320000xi32, #tpu.memory_space<hbm>> -> memref<9984xi32, #tpu.memory_space<hbm>>
      %dma_start3A_108 = arith.constant 0 : i32
      %dma_start3A_109 = tpu.memref_slice %arg8[%dma_start3A_108] : memref<10496xi32, #tpu.memory_space<vmem>> -> memref<9984xi32, #tpu.memory_space<vmem>>
      %dma_start3A_110 = tpu.memref_slice %arg2[%mul3A_6] : memref<320000xi32, #tpu.memory_space<hbm>> -> memref<9984xi32, #tpu.memory_space<hbm>>
      tpu.enqueue_dma source(%dma_start3A_110 : memref<9984xi32, #tpu.memory_space<hbm>>) target(%dma_start3A_109 : memref<9984xi32, #tpu.memory_space<vmem>>) target_semaphore(%run_scoped3A : memref<!tpu.dma_semaphore, #tpu.memory_space<semaphore_mem>>)
      %dma_wait3A_111 = arith.constant 0 : i32
      %dma_wait3A_112 = tpu.memref_slice %arg8[%dma_wait3A_111] : memref<10496xi32, #tpu.memory_space<vmem>> -> memref<9984xi32, #tpu.memory_space<vmem>>
      %dma_wait3A_113 = tpu.memref_slice %arg2[%mul3A_6] : memref<320000xi32, #tpu.memory_space<hbm>> -> memref<9984xi32, #tpu.memory_space<hbm>>
      %dma_wait3A_114 = arith.constant 0 : i32
      %dma_wait3A_115 = tpu.memref_slice %arg8[%dma_wait3A_114] : memref<10496xi32, #tpu.memory_space<vmem>> -> memref<9984xi32, #tpu.memory_space<vmem>>
      %dma_wait3A_116 = tpu.memref_slice %arg2[%mul3A_6] : memref<320000xi32, #tpu.memory_space<hbm>> -> memref<9984xi32, #tpu.memory_space<hbm>>
      tpu.wait_dma2 semaphore(%run_scoped3A : memref<!tpu.dma_semaphore, #tpu.memory_space<semaphore_mem>>) src(%dma_wait3A_116 : memref<9984xi32, #tpu.memory_space<hbm>>) dst(%dma_wait3A_115 : memref<9984xi32, #tpu.memory_space<vmem>>)
      tpu.yield
    }) : () -> ()
    "tpu.region"() ({
      %run_scoped3A = tpu.sem_alloc : memref<!tpu.dma_semaphore, #tpu.memory_space<semaphore_mem>>
      %dma_start3A_105 = arith.constant 0 : i32
      %dma_start3A_106 = tpu.memref_slice %arg9[%dma_start3A_105] : memref<10496xi32, #tpu.memory_space<vmem>> -> memref<9984xi32, #tpu.memory_space<vmem>>
      %dma_start3A_107 = tpu.memref_slice %arg3[%mul3A_6] : memref<320000xi32, #tpu.memory_space<hbm>> -> memref<9984xi32, #tpu.memory_space<hbm>>
      %dma_start3A_108 = arith.constant 0 : i32
      %dma_start3A_109 = tpu.memref_slice %arg9[%dma_start3A_108] : memref<10496xi32, #tpu.memory_space<vmem>> -> memref<9984xi32, #tpu.memory_space<vmem>>
      %dma_start3A_110 = tpu.memref_slice %arg3[%mul3A_6] : memref<320000xi32, #tpu.memory_space<hbm>> -> memref<9984xi32, #tpu.memory_space<hbm>>
      tpu.enqueue_dma source(%dma_start3A_110 : memref<9984xi32, #tpu.memory_space<hbm>>) target(%dma_start3A_109 : memref<9984xi32, #tpu.memory_space<vmem>>) target_semaphore(%run_scoped3A : memref<!tpu.dma_semaphore, #tpu.memory_space<semaphore_mem>>)
      %dma_wait3A_111 = arith.constant 0 : i32
      %dma_wait3A_112 = tpu.memref_slice %arg9[%dma_wait3A_111] : memref<10496xi32, #tpu.memory_space<vmem>> -> memref<9984xi32, #tpu.memory_space<vmem>>
      %dma_wait3A_113 = tpu.memref_slice %arg3[%mul3A_6] : memref<320000xi32, #tpu.memory_space<hbm>> -> memref<9984xi32, #tpu.memory_space<hbm>>
      %dma_wait3A_114 = arith.constant 0 : i32
      %dma_wait3A_115 = tpu.memref_slice %arg9[%dma_wait3A_114] : memref<10496xi32, #tpu.memory_space<vmem>> -> memref<9984xi32, #tpu.memory_space<vmem>>
      %dma_wait3A_116 = tpu.memref_slice %arg3[%mul3A_6] : memref<320000xi32, #tpu.memory_space<hbm>> -> memref<9984xi32, #tpu.memory_space<hbm>>
      tpu.wait_dma2 semaphore(%run_scoped3A : memref<!tpu.dma_semaphore, #tpu.memory_space<semaphore_mem>>) src(%dma_wait3A_116 : memref<9984xi32, #tpu.memory_space<hbm>>) dst(%dma_wait3A_115 : memref<9984xi32, #tpu.memory_space<vmem>>)
      tpu.yield
    }) : () -> ()
    %convert_element_type3A = arith.extui %eq3A_1 : i1 to i32
    %cond3A = arith.constant 0 : i32
    %cond3A_8 = arith.cmpi ne, %convert_element_type3A, %cond3A : i32
    scf.if %cond3A_8 {
      "tpu.region"() ({
        %run_scoped3A = tpu.sem_alloc : memref<!tpu.dma_semaphore, #tpu.memory_space<semaphore_mem>>
        %dma_start3A_105 = arith.constant 9984 : i32
        %dma_start3A_106 = tpu.memref_slice %arg8[%dma_start3A_105] : memref<10496xi32, #tpu.memory_space<vmem>> -> memref<512xi32, #tpu.memory_space<vmem>>
        %dma_start3A_107 = arith.constant 319488 : i32
        %dma_start3A_108 = tpu.memref_slice %arg2[%dma_start3A_107] : memref<320000xi32, #tpu.memory_space<hbm>> -> memref<512xi32, #tpu.memory_space<hbm>>
        %dma_start3A_109 = arith.constant 9984 : i32
        %dma_start3A_110 = tpu.memref_slice %arg8[%dma_start3A_109] : memref<10496xi32, #tpu.memory_space<vmem>> -> memref<512xi32, #tpu.memory_space<vmem>>
        %dma_start3A_111 = arith.constant 319488 : i32
        %dma_start3A_112 = tpu.memref_slice %arg2[%dma_start3A_111] : memref<320000xi32, #tpu.memory_space<hbm>> -> memref<512xi32, #tpu.memory_space<hbm>>
        tpu.enqueue_dma source(%dma_start3A_112 : memref<512xi32, #tpu.memory_space<hbm>>) target(%dma_start3A_110 : memref<512xi32, #tpu.memory_space<vmem>>) target_semaphore(%run_scoped3A : memref<!tpu.dma_semaphore, #tpu.memory_space<semaphore_mem>>)
        %dma_wait3A_113 = arith.constant 9984 : i32
        %dma_wait3A_114 = tpu.memref_slice %arg8[%dma_wait3A_113] : memref<10496xi32, #tpu.memory_space<vmem>> -> memref<512xi32, #tpu.memory_space<vmem>>
        %dma_wait3A_115 = arith.constant 319488 : i32
        %dma_wait3A_116 = tpu.memref_slice %arg2[%dma_wait3A_115] : memref<320000xi32, #tpu.memory_space<hbm>> -> memref<512xi32, #tpu.memory_space<hbm>>
        %dma_wait3A_117 = arith.constant 9984 : i32
        %dma_wait3A_118 = tpu.memref_slice %arg8[%dma_wait3A_117] : memref<10496xi32, #tpu.memory_space<vmem>> -> memref<512xi32, #tpu.memory_space<vmem>>
        %dma_wait3A_119 = arith.constant 319488 : i32
        %dma_wait3A_120 = tpu.memref_slice %arg2[%dma_wait3A_119] : memref<320000xi32, #tpu.memory_space<hbm>> -> memref<512xi32, #tpu.memory_space<hbm>>
        tpu.wait_dma2 semaphore(%run_scoped3A : memref<!tpu.dma_semaphore, #tpu.memory_space<semaphore_mem>>) src(%dma_wait3A_120 : memref<512xi32, #tpu.memory_space<hbm>>) dst(%dma_wait3A_118 : memref<512xi32, #tpu.memory_space<vmem>>)
        tpu.yield
      }) : () -> ()
      "tpu.region"() ({
        %run_scoped3A = tpu.sem_alloc : memref<!tpu.dma_semaphore, #tpu.memory_space<semaphore_mem>>
        %dma_start3A_105 = arith.constant 9984 : i32
        %dma_start3A_106 = tpu.memref_slice %arg9[%dma_start3A_105] : memref<10496xi32, #tpu.memory_space<vmem>> -> memref<512xi32, #tpu.memory_space<vmem>>
        %dma_start3A_107 = arith.constant 319488 : i32
        %dma_start3A_108 = tpu.memref_slice %arg3[%dma_start3A_107] : memref<320000xi32, #tpu.memory_space<hbm>> -> memref<512xi32, #tpu.memory_space<hbm>>
        %dma_start3A_109 = arith.constant 9984 : i32
        %dma_start3A_110 = tpu.memref_slice %arg9[%dma_start3A_109] : memref<10496xi32, #tpu.memory_space<vmem>> -> memref<512xi32, #tpu.memory_space<vmem>>
        %dma_start3A_111 = arith.constant 319488 : i32
        %dma_start3A_112 = tpu.memref_slice %arg3[%dma_start3A_111] : memref<320000xi32, #tpu.memory_space<hbm>> -> memref<512xi32, #tpu.memory_space<hbm>>
        tpu.enqueue_dma source(%dma_start3A_112 : memref<512xi32, #tpu.memory_space<hbm>>) target(%dma_start3A_110 : memref<512xi32, #tpu.memory_space<vmem>>) target_semaphore(%run_scoped3A : memref<!tpu.dma_semaphore, #tpu.memory_space<semaphore_mem>>)
        %dma_wait3A_113 = arith.constant 9984 : i32
        %dma_wait3A_114 = tpu.memref_slice %arg9[%dma_wait3A_113] : memref<10496xi32, #tpu.memory_space<vmem>> -> memref<512xi32, #tpu.memory_space<vmem>>
        %dma_wait3A_115 = arith.constant 319488 : i32
        %dma_wait3A_116 = tpu.memref_slice %arg3[%dma_wait3A_115] : memref<320000xi32, #tpu.memory_space<hbm>> -> memref<512xi32, #tpu.memory_space<hbm>>
        %dma_wait3A_117 = arith.constant 9984 : i32
        %dma_wait3A_118 = tpu.memref_slice %arg9[%dma_wait3A_117] : memref<10496xi32, #tpu.memory_space<vmem>> -> memref<512xi32, #tpu.memory_space<vmem>>
        %dma_wait3A_119 = arith.constant 319488 : i32
        %dma_wait3A_120 = tpu.memref_slice %arg3[%dma_wait3A_119] : memref<320000xi32, #tpu.memory_space<hbm>> -> memref<512xi32, #tpu.memory_space<hbm>>
        tpu.wait_dma2 semaphore(%run_scoped3A : memref<!tpu.dma_semaphore, #tpu.memory_space<semaphore_mem>>) src(%dma_wait3A_120 : memref<512xi32, #tpu.memory_space<hbm>>) dst(%dma_wait3A_118 : memref<512xi32, #tpu.memory_space<vmem>>)
        tpu.yield
      }) : () -> ()
    } else {
    }
    %scan3A = arith.constant 0 : i32
    %scan3A_9 = arith.constant 16 : i32
    %scan3A_10 = arith.addi %scan3A, %scan3A_9 : i32
    %scan3A_11 = arith.constant 1 : i32
    scf.for %scan3A_105 = %scan3A to %scan3A_10 step %scan3A_11  : i32 {
      %mul3A_106 = arith.constant 1 : i32
      %mul3A_107 = arith.muli %scan3A_105, %mul3A_106 : i32
      %add3A_108 = arith.constant 0 : i32
      %add3A_109 = arith.addi %add3A_108, %mul3A_107 : i32
      %swap3A = arith.index_cast %add3A_109 : i32 to index
      %swap3A_110 = arith.constant 0 : index
      %swap3A_111 = tpu.vector_load %arg22[%swap3A, %swap3A_110] {strides = array<i32>} : memref<16x96xf32, #tpu.memory_space<vmem>>, vector<16xf32>,
      tpu.vector_store %arg22[%swap3A, %swap3A_110], %broadcast_in_dim3A_7 {strides = array<i32>} : memref<16x96xf32, #tpu.memory_space<vmem>>, vector<16xf32>,
      %swap3A_112 = arith.index_cast %add3A_109 : i32 to index
      %swap3A_113 = arith.constant 16 : index
      %swap3A_114 = tpu.vector_load %arg22[%swap3A_112, %swap3A_113] {strides = array<i32>} : memref<16x96xf32, #tpu.memory_space<vmem>>, vector<16xf32>,
      tpu.vector_store %arg22[%swap3A_112, %swap3A_113], %broadcast_in_dim3A_7 {strides = array<i32>} : memref<16x96xf32, #tpu.memory_space<vmem>>, vector<16xf32>,
      %swap3A_115 = arith.index_cast %add3A_109 : i32 to index
      %swap3A_116 = arith.constant 32 : index
      %swap3A_117 = tpu.vector_load %arg22[%swap3A_115, %swap3A_116] {strides = array<i32>} : memref<16x96xf32, #tpu.memory_space<vmem>>, vector<16xf32>,
      tpu.vector_store %arg22[%swap3A_115, %swap3A_116], %broadcast_in_dim3A_7 {strides = array<i32>} : memref<16x96xf32, #tpu.memory_space<vmem>>, vector<16xf32>,
      %swap3A_118 = arith.index_cast %add3A_109 : i32 to index
      %swap3A_119 = arith.constant 48 : index
      %swap3A_120 = tpu.vector_load %arg22[%swap3A_118, %swap3A_119] {strides = array<i32>} : memref<16x96xf32, #tpu.memory_space<vmem>>, vector<16xf32>,
      tpu.vector_store %arg22[%swap3A_118, %swap3A_119], %broadcast_in_dim3A_7 {strides = array<i32>} : memref<16x96xf32, #tpu.memory_space<vmem>>, vector<16xf32>,
      %swap3A_121 = arith.index_cast %add3A_109 : i32 to index
      %swap3A_122 = arith.constant 64 : index
      %swap3A_123 = tpu.vector_load %arg22[%swap3A_121, %swap3A_122] {strides = array<i32>} : memref<16x96xf32, #tpu.memory_space<vmem>>, vector<16xf32>,
      tpu.vector_store %arg22[%swap3A_121, %swap3A_122], %broadcast_in_dim3A_7 {strides = array<i32>} : memref<16x96xf32, #tpu.memory_space<vmem>>, vector<16xf32>,
      %swap3A_124 = arith.index_cast %add3A_109 : i32 to index
      %swap3A_125 = arith.constant 80 : index
      %swap3A_126 = tpu.vector_load %arg22[%swap3A_124, %swap3A_125] {strides = array<i32>} : memref<16x96xf32, #tpu.memory_space<vmem>>, vector<16xf32>,
      tpu.vector_store %arg22[%swap3A_124, %swap3A_125], %broadcast_in_dim3A_7 {strides = array<i32>} : memref<16x96xf32, #tpu.memory_space<vmem>>, vector<16xf32>,
    }
    %scan3A_12 = arith.constant 16 : i32
    %scan3A_13 = arith.constant 0 : i32
    %scan3A_14 = arith.constant 39 : i32
    %scan3A_15 = arith.addi %scan3A_13, %scan3A_14 : i32
    %scan3A_16 = arith.constant 1 : i32
    scf.for %scan3A_105 = %scan3A_13 to %scan3A_15 step %scan3A_16  : i32 {
      %mul3A_106 = arith.constant 1 : i32
      %mul3A_107 = arith.muli %scan3A_105, %mul3A_106 : i32
      %add3A_108 = arith.constant 0 : i32
      %add3A_109 = arith.addi %add3A_108, %mul3A_107 : i32
      %mul3A_110 = arith.constant 624 : i32
      %mul3A_111 = arith.muli %arg1, %mul3A_110 : i32
      %mul3A_112 = arith.constant 16 : i32
      %mul3A_113 = arith.muli %add3A_109, %mul3A_112 : i32
      %add3A_114 = arith.addi %mul3A_111, %mul3A_113 : i32
      "tpu.region"() ({
        %run_scoped3A = tpu.sem_alloc : memref<!tpu.dma_semaphore, #tpu.memory_space<semaphore_mem>>
        %dma_start3A_115 = arith.constant 0 : i32
        %dma_start3A_116 = tpu.memref_slice %arg23[%add3A_114, %dma_start3A_115] : memref<10000x96xf32, #tpu.memory_space<vmem_shared>> -> memref<16x96xf32, #tpu.memory_space<vmem_shared>>
        %dma_start3A_117 = arith.constant 0 : i32
        %dma_start3A_118 = tpu.memref_slice %arg23[%add3A_114, %dma_start3A_117] : memref<10000x96xf32, #tpu.memory_space<vmem_shared>> -> memref<16x96xf32, #tpu.memory_space<vmem_shared>>
        tpu.enqueue_dma source(%arg22 : memref<16x96xf32, #tpu.memory_space<vmem>>) target(%dma_start3A_118 : memref<16x96xf32, #tpu.memory_space<vmem_shared>>) target_semaphore(%run_scoped3A : memref<!tpu.dma_semaphore, #tpu.memory_space<semaphore_mem>>)
        %dma_wait3A_119 = arith.constant 0 : i32
        %dma_wait3A_120 = tpu.memref_slice %arg23[%add3A_114, %dma_wait3A_119] : memref<10000x96xf32, #tpu.memory_space<vmem_shared>> -> memref<16x96xf32, #tpu.memory_space<vmem_shared>>
        %dma_wait3A_121 = arith.constant 0 : i32
        %dma_wait3A_122 = tpu.memref_slice %arg23[%add3A_114, %dma_wait3A_121] : memref<10000x96xf32, #tpu.memory_space<vmem_shared>> -> memref<16x96xf32, #tpu.memory_space<vmem_shared>>
        tpu.wait_dma2 semaphore(%run_scoped3A : memref<!tpu.dma_semaphore, #tpu.memory_space<semaphore_mem>>) src(%arg22 : memref<16x96xf32, #tpu.memory_space<vmem>>) dst(%dma_wait3A_122 : memref<16x96xf32, #tpu.memory_space<vmem_shared>>)
        tpu.yield
      }) : () -> ()
    }
    %scan3A_17 = arith.constant 39 : i32
    %eq3A_18 = arith.constant 15 : i32
    %eq3A_19 = arith.cmpi eq, %arg1, %eq3A_18 : i32
    %convert_element_type3A_20 = arith.extui %eq3A_19 : i1 to i32
    %cond3A_21 = arith.constant 0 : i32
    %cond3A_22 = arith.cmpi ne, %convert_element_type3A_20, %cond3A_21 : i32
    scf.if %cond3A_22 {
      "tpu.region"() ({
        %run_scoped3A = tpu.sem_alloc : memref<!tpu.dma_semaphore, #tpu.memory_space<semaphore_mem>>
        %dma_start3A_105 = arith.constant 9984 : i32
        %dma_start3A_106 = arith.constant 0 : i32
        %dma_start3A_107 = tpu.memref_slice %arg23[%dma_start3A_105, %dma_start3A_106] : memref<10000x96xf32, #tpu.memory_space<vmem_shared>> -> memref<16x96xf32, #tpu.memory_space<vmem_shared>>
        %dma_start3A_108 = arith.constant 9984 : i32
        %dma_start3A_109 = arith.constant 0 : i32
        %dma_start3A_110 = tpu.memref_slice %arg23[%dma_start3A_108, %dma_start3A_109] : memref<10000x96xf32, #tpu.memory_space<vmem_shared>> -> memref<16x96xf32, #tpu.memory_space<vmem_shared>>
        tpu.enqueue_dma source(%arg22 : memref<16x96xf32, #tpu.memory_space<vmem>>) target(%dma_start3A_110 : memref<16x96xf32, #tpu.memory_space<vmem_shared>>) target_semaphore(%run_scoped3A : memref<!tpu.dma_semaphore, #tpu.memory_space<semaphore_mem>>)
        %dma_wait3A_111 = arith.constant 9984 : i32
        %dma_wait3A_112 = arith.constant 0 : i32
        %dma_wait3A_113 = tpu.memref_slice %arg23[%dma_wait3A_111, %dma_wait3A_112] : memref<10000x96xf32, #tpu.memory_space<vmem_shared>> -> memref<16x96xf32, #tpu.memory_space<vmem_shared>>
        %dma_wait3A_114 = arith.constant 9984 : i32
        %dma_wait3A_115 = arith.constant 0 : i32
        %dma_wait3A_116 = tpu.memref_slice %arg23[%dma_wait3A_114, %dma_wait3A_115] : memref<10000x96xf32, #tpu.memory_space<vmem_shared>> -> memref<16x96xf32, #tpu.memory_space<vmem_shared>>
        tpu.wait_dma2 semaphore(%run_scoped3A : memref<!tpu.dma_semaphore, #tpu.memory_space<semaphore_mem>>) src(%arg22 : memref<16x96xf32, #tpu.memory_space<vmem>>) dst(%dma_wait3A_116 : memref<16x96xf32, #tpu.memory_space<vmem_shared>>)
        tpu.yield
      }) : () -> ()
    } else {
    }
    %barrier3A = arith.constant 0 : index
    tpu.barrier barrier_id(%barrier3A)
    %add3A_23 = arith.constant 0 : i32
    %add3A_24 = arith.addi %mul3A_6, %add3A_23 : i32
    %dma_start3A = arith.constant 0 : i32
    %dma_start3A_25 = tpu.memref_slice %arg8[%dma_start3A] : memref<10496xi32, #tpu.memory_space<vmem>> -> memref<64xi32, #tpu.memory_space<vmem>>
    %dma_start3A_26 = arith.constant 0 : i32
    %dma_start3A_27 = arith.constant 0 : i32
    %dma_start3A_28 = tpu.memref_slice %arg5[%dma_start3A_26, %dma_start3A_27] : memref<10000x128xf32, #tpu.memory_space<hbm>> -> memref<10000x128xf32, #tpu.memory_space<hbm>>
    tpu.enqueue_indirect_dma source(%dma_start3A_28 : memref<10000x128xf32, #tpu.memory_space<hbm>>) target(%arg12 : memref<64x128xf32, #tpu.memory_space<vmem>>) offsets(%dma_start3A_25 : memref<64xi32, #tpu.memory_space<vmem>>) semaphore(%arg24 : memref<!tpu.dma_semaphore, #tpu.memory_space<semaphore_mem>>)
    %dma_start3A_29 = arith.constant 0 : i32
    %dma_start3A_30 = tpu.memref_slice %arg9[%dma_start3A_29] : memref<10496xi32, #tpu.memory_space<vmem>> -> memref<64xi32, #tpu.memory_space<vmem>>
    %dma_start3A_31 = arith.constant 0 : i32
    %dma_start3A_32 = arith.constant 0 : i32
    %dma_start3A_33 = tpu.memref_slice %arg6[%dma_start3A_31, %dma_start3A_32] : memref<10000x80xf32, #tpu.memory_space<hbm>> -> memref<10000x80xf32, #tpu.memory_space<hbm>>
    tpu.enqueue_indirect_dma source(%dma_start3A_33 : memref<10000x80xf32, #tpu.memory_space<hbm>>) target(%arg13 : memref<64x80xf32, #tpu.memory_space<vmem>>) offsets(%dma_start3A_30 : memref<64xi32, #tpu.memory_space<vmem>>) semaphore(%arg24 : memref<!tpu.dma_semaphore, #tpu.memory_space<semaphore_mem>>)
    %dma_start3A_34 = arith.constant 0 : i32
    %dma_start3A_35 = tpu.memref_slice %arg4[%add3A_24, %dma_start3A_34] : memref<320000x16xf32, #tpu.memory_space<hbm>> -> memref<64x16xf32, #tpu.memory_space<hbm>>
    %dma_start3A_36 = arith.constant 0 : i32
    %dma_start3A_37 = tpu.memref_slice %arg4[%add3A_24, %dma_start3A_36] : memref<320000x16xf32, #tpu.memory_space<hbm>> -> memref<64x16xf32, #tpu.memory_space<hbm>>
    tpu.enqueue_dma source(%dma_start3A_37 : memref<64x16xf32, #tpu.memory_space<hbm>>) target(%arg14 : memref<64x16xf32, #tpu.memory_space<vmem>>) target_semaphore(%arg24 : memref<!tpu.dma_semaphore, #tpu.memory_space<semaphore_mem>>)
    %add3A_38 = arith.constant 64 : i32
    %add3A_39 = arith.addi %mul3A_6, %add3A_38 : i32
    %dma_start3A_40 = arith.constant 64 : i32
    %dma_start3A_41 = tpu.memref_slice %arg8[%dma_start3A_40] : memref<10496xi32, #tpu.memory_space<vmem>> -> memref<64xi32, #tpu.memory_space<vmem>>
    %dma_start3A_42 = arith.constant 0 : i32
    %dma_start3A_43 = arith.constant 0 : i32
    %dma_start3A_44 = tpu.memref_slice %arg5[%dma_start3A_42, %dma_start3A_43] : memref<10000x128xf32, #tpu.memory_space<hbm>> -> memref<10000x128xf32, #tpu.memory_space<hbm>>
    tpu.enqueue_indirect_dma source(%dma_start3A_44 : memref<10000x128xf32, #tpu.memory_space<hbm>>) target(%arg15 : memref<64x128xf32, #tpu.memory_space<vmem>>) offsets(%dma_start3A_41 : memref<64xi32, #tpu.memory_space<vmem>>) semaphore(%arg25 : memref<!tpu.dma_semaphore, #tpu.memory_space<semaphore_mem>>)
    %dma_start3A_45 = arith.constant 64 : i32
    %dma_start3A_46 = tpu.memref_slice %arg9[%dma_start3A_45] : memref<10496xi32, #tpu.memory_space<vmem>> -> memref<64xi32, #tpu.memory_space<vmem>>
    %dma_start3A_47 = arith.constant 0 : i32
    %dma_start3A_48 = arith.constant 0 : i32
    %dma_start3A_49 = tpu.memref_slice %arg6[%dma_start3A_47, %dma_start3A_48] : memref<10000x80xf32, #tpu.memory_space<hbm>> -> memref<10000x80xf32, #tpu.memory_space<hbm>>
    tpu.enqueue_indirect_dma source(%dma_start3A_49 : memref<10000x80xf32, #tpu.memory_space<hbm>>) target(%arg16 : memref<64x80xf32, #tpu.memory_space<vmem>>) offsets(%dma_start3A_46 : memref<64xi32, #tpu.memory_space<vmem>>) semaphore(%arg25 : memref<!tpu.dma_semaphore, #tpu.memory_space<semaphore_mem>>)
    %dma_start3A_50 = arith.constant 0 : i32
    %dma_start3A_51 = tpu.memref_slice %arg4[%add3A_39, %dma_start3A_50] : memref<320000x16xf32, #tpu.memory_space<hbm>> -> memref<64x16xf32, #tpu.memory_space<hbm>>
    %dma_start3A_52 = arith.constant 0 : i32
    %dma_start3A_53 = tpu.memref_slice %arg4[%add3A_39, %dma_start3A_52] : memref<320000x16xf32, #tpu.memory_space<hbm>> -> memref<64x16xf32, #tpu.memory_space<hbm>>
    tpu.enqueue_dma source(%dma_start3A_53 : memref<64x16xf32, #tpu.memory_space<hbm>>) target(%arg17 : memref<64x16xf32, #tpu.memory_space<vmem>>) target_semaphore(%arg25 : memref<!tpu.dma_semaphore, #tpu.memory_space<semaphore_mem>>)
    %jit3A_54 = arith.constant 2 : i32
    %div3A = arith.divsi %select_n3A, %jit3A_54 : i32
    %sign3A = arith.constant 0 : i32
    %sign3A_55 = arith.cmpi sgt, %select_n3A, %sign3A : i32
    %sign3A_56 = arith.extui %sign3A_55 : i1 to i32
    %sign3A_57 = arith.constant 0 : i32
    %sign3A_58 = arith.cmpi slt, %select_n3A, %sign3A_57 : i32
    %sign3A_59 = arith.extui %sign3A_58 : i1 to i32
    %sign3A_60 = arith.subi %sign3A_56, %sign3A_59 : i32
    %sign3A_61 = arith.constant 0 : i32
    %sign3A_62 = arith.cmpi sgt, %jit3A_54, %sign3A_61 : i32
    %sign3A_63 = arith.extui %sign3A_62 : i1 to i32
    %sign3A_64 = arith.constant 0 : i32
    %sign3A_65 = arith.cmpi slt, %jit3A_54, %sign3A_64 : i32
    %sign3A_66 = arith.extui %sign3A_65 : i1 to i32
    %sign3A_67 = arith.subi %sign3A_63, %sign3A_66 : i32
    %ne3A = arith.cmpi ne, %sign3A_60, %sign3A_67 : i32
    %rem3A = arith.remsi %select_n3A, %jit3A_54 : i32
    %ne3A_68 = arith.constant 0 : i32
    %ne3A_69 = arith.cmpi ne, %rem3A, %ne3A_68 : i32
    %and3A = arith.andi %ne3A, %ne3A_69 : i1
    %sub3A = arith.constant 1 : i32
    %sub3A_70 = arith.subi %div3A, %sub3A : i32
    %select_n3A_71 = arith.select %and3A, %sub3A_70, %div3A : i32
    %sub3A_72 = arith.constant 0 : i32
    %sub3A_73 = arith.subi %select_n3A_71, %sub3A_72 : i32
    %sub3A_74 = arith.constant 1 : i32
    %sub3A_75 = arith.constant 1 : i32
    %sub3A_76 = arith.subi %sub3A_74, %sub3A_75 : i32
    %add3A_77 = arith.addi %sub3A_73, %sub3A_76 : i32
    %div3A_78 = arith.constant 1 : i32
    %div3A_79 = arith.divsi %add3A_77, %div3A_78 : i32
    %while3A = arith.constant 1 : i32
    %while3A_80 = arith.constant 0 : i32
    %while3A_81 = arith.constant 0 : i32
    %while3A_82 = arith.subi %div3A_79, %while3A_81 : i32
    %while3A_83 = arith.addi %while3A_81, %while3A_82 : i32
    %while3A_84 = arith.constant 1 : i32
    %while3A_85 = arith.divsi %while3A_82, %while3A_84 : i32
    %while3A_86 = arith.muli %while3A_85, %while3A_84 : i32
    %while3A_87 = arith.addi %while3A_81, %while3A_86 : i32
    %while3A_88 = arith.constant 1 : i32
    scf.for %while3A_105 = %while3A_81 to %while3A_87 step %while3A_88  : i32 {
      %mul3A_106 = arith.muli %while3A_105, %while3A : i32
      %add3A_107 = arith.addi %while3A_80, %mul3A_106 : i32
      %mul3A_108 = arith.constant 2 : i32
      %mul3A_109 = arith.muli %mul3A_108, %add3A_107 : i32
      %add3A_110 = arith.constant 0 : i32
      %add3A_111 = arith.addi %mul3A_109, %add3A_110 : i32
      %mul3A_112 = arith.constant 64 : i32
      %mul3A_113 = arith.muli %add3A_111, %mul3A_112 : i32
      %mul3A_114 = arith.constant 64 : i32
      %mul3A_115 = arith.muli %add3A_111, %mul3A_114 : i32
      %mul3A_116 = arith.constant 64 : i32
      %mul3A_117 = arith.muli %add3A_111, %mul3A_116 : i32
      %add3A_118 = arith.addi %mul3A_6, %mul3A_117 : i32
      %dma_wait3A_119 = tpu.memref_slice %arg8[%mul3A_113] : memref<10496xi32, #tpu.memory_space<vmem>> -> memref<64xi32, #tpu.memory_space<vmem>>
      %dma_wait3A_120 = arith.constant 0 : i32
      %dma_wait3A_121 = arith.constant 0 : i32
      %dma_wait3A_122 = tpu.memref_slice %arg5[%dma_wait3A_120, %dma_wait3A_121] : memref<10000x128xf32, #tpu.memory_space<hbm>> -> memref<10000x128xf32, #tpu.memory_space<hbm>>
      tpu.wait_indirect_dma semaphore(%arg24 : memref<!tpu.dma_semaphore, #tpu.memory_space<semaphore_mem>>) src(%dma_wait3A_122 : memref<10000x128xf32, #tpu.memory_space<hbm>>) dst(%arg12 : memref<64x128xf32, #tpu.memory_space<vmem>>)
      %dma_wait3A_123 = tpu.memref_slice %arg9[%mul3A_115] : memref<10496xi32, #tpu.memory_space<vmem>> -> memref<64xi32, #tpu.memory_space<vmem>>
      %dma_wait3A_124 = arith.constant 0 : i32
      %dma_wait3A_125 = arith.constant 0 : i32
      %dma_wait3A_126 = tpu.memref_slice %arg6[%dma_wait3A_124, %dma_wait3A_125] : memref<10000x80xf32, #tpu.memory_space<hbm>> -> memref<10000x80xf32, #tpu.memory_space<hbm>>
      tpu.wait_indirect_dma semaphore(%arg24 : memref<!tpu.dma_semaphore, #tpu.memory_space<semaphore_mem>>) src(%dma_wait3A_126 : memref<10000x80xf32, #tpu.memory_space<hbm>>) dst(%arg13 : memref<64x80xf32, #tpu.memory_space<vmem>>)
      %dma_wait3A_127 = arith.constant 0 : i32
      %dma_wait3A_128 = tpu.memref_slice %arg4[%add3A_118, %dma_wait3A_127] : memref<320000x16xf32, #tpu.memory_space<hbm>> -> memref<64x16xf32, #tpu.memory_space<hbm>>
      %dma_wait3A_129 = arith.constant 0 : i32
      %dma_wait3A_130 = tpu.memref_slice %arg4[%add3A_118, %dma_wait3A_129] : memref<320000x16xf32, #tpu.memory_space<hbm>> -> memref<64x16xf32, #tpu.memory_space<hbm>>
      tpu.wait_dma2 semaphore(%arg24 : memref<!tpu.dma_semaphore, #tpu.memory_space<semaphore_mem>>) src(%dma_wait3A_130 : memref<64x16xf32, #tpu.memory_space<hbm>>) dst(%arg14 : memref<64x16xf32, #tpu.memory_space<vmem>>)
      %parallel_loop3A = arith.constant 0 : i32
      %parallel_loop3A_131 = arith.constant 64 : i32
      %parallel_loop3A_132 = arith.constant 1 : i32
      scf.for %parallel_loop3A_203 = %parallel_loop3A to %parallel_loop3A_131 step %parallel_loop3A_132  : i32 {
        %parallel_loop3A_204 = arith.index_cast %parallel_loop3A_203 : i32 to index
        %parallel_loop3A_205 = arith.constant 64 : index
        %parallel_loop3A_206 = tpu.vector_load %arg13[%parallel_loop3A_204, %parallel_loop3A_205] {strides = array<i32>} : memref<64x80xf32, #tpu.memory_space<vmem>>, vector<16xf32>,
        %parallel_loop3A_207 = arith.index_cast %parallel_loop3A_203 : i32 to index
        %parallel_loop3A_208 = arith.constant 0 : index
        %parallel_loop3A_209 = tpu.vector_load %arg14[%parallel_loop3A_207, %parallel_loop3A_208] {strides = array<i32>} : memref<64x16xf32, #tpu.memory_space<vmem>>, vector<16xf32>,
        %parallel_loop3A_210 = arith.mulf %parallel_loop3A_206, %parallel_loop3A_209 : vector<16xf32>
        %parallel_loop3A_211 = arith.index_cast %parallel_loop3A_203 : i32 to index
        %parallel_loop3A_212 = arith.constant 0 : index
        %parallel_loop3A_213 = tpu.vector_load %arg13[%parallel_loop3A_211, %parallel_loop3A_212] {strides = array<i32>} : memref<64x80xf32, #tpu.memory_space<vmem>>, vector<16xf32>,
        %parallel_loop3A_214 = arith.index_cast %parallel_loop3A_203 : i32 to index
        %parallel_loop3A_215 = arith.constant 0 : index
        %parallel_loop3A_216 = tpu.vector_load %arg12[%parallel_loop3A_214, %parallel_loop3A_215] {strides = array<i32>} : memref<64x128xf32, #tpu.memory_space<vmem>>, vector<16xf32>,
        %parallel_loop3A_217 = arith.mulf %parallel_loop3A_213, %parallel_loop3A_216 : vector<16xf32>
        %parallel_loop3A_218 = arith.addf %parallel_loop3A_210, %parallel_loop3A_217 : vector<16xf32>
        %parallel_loop3A_219 = arith.index_cast %parallel_loop3A_203 : i32 to index
        %parallel_loop3A_220 = arith.constant 16 : index
        %parallel_loop3A_221 = tpu.vector_load %arg13[%parallel_loop3A_219, %parallel_loop3A_220] {strides = array<i32>} : memref<64x80xf32, #tpu.memory_space<vmem>>, vector<16xf32>,
        %parallel_loop3A_222 = arith.index_cast %parallel_loop3A_203 : i32 to index
        %parallel_loop3A_223 = arith.constant 16 : index
        %parallel_loop3A_224 = tpu.vector_load %arg12[%parallel_loop3A_222, %parallel_loop3A_223] {strides = array<i32>} : memref<64x128xf32, #tpu.memory_space<vmem>>, vector<16xf32>,
        %parallel_loop3A_225 = arith.mulf %parallel_loop3A_221, %parallel_loop3A_224 : vector<16xf32>
        %parallel_loop3A_226 = arith.addf %parallel_loop3A_218, %parallel_loop3A_225 : vector<16xf32>
        %parallel_loop3A_227 = arith.index_cast %parallel_loop3A_203 : i32 to index
        %parallel_loop3A_228 = arith.constant 32 : index
        %parallel_loop3A_229 = tpu.vector_load %arg13[%parallel_loop3A_227, %parallel_loop3A_228] {strides = array<i32>} : memref<64x80xf32, #tpu.memory_space<vmem>>, vector<16xf32>,
        %parallel_loop3A_230 = arith.index_cast %parallel_loop3A_203 : i32 to index
        %parallel_loop3A_231 = arith.constant 32 : index
        %parallel_loop3A_232 = tpu.vector_load %arg12[%parallel_loop3A_230, %parallel_loop3A_231] {strides = array<i32>} : memref<64x128xf32, #tpu.memory_space<vmem>>, vector<16xf32>,
        %parallel_loop3A_233 = arith.mulf %parallel_loop3A_229, %parallel_loop3A_232 : vector<16xf32>
        %parallel_loop3A_234 = arith.addf %parallel_loop3A_226, %parallel_loop3A_233 : vector<16xf32>
        %parallel_loop3A_235 = arith.index_cast %parallel_loop3A_203 : i32 to index
        %parallel_loop3A_236 = arith.constant 48 : index
        %parallel_loop3A_237 = tpu.vector_load %arg13[%parallel_loop3A_235, %parallel_loop3A_236] {strides = array<i32>} : memref<64x80xf32, #tpu.memory_space<vmem>>, vector<16xf32>,
        %parallel_loop3A_238 = arith.index_cast %parallel_loop3A_203 : i32 to index
        %parallel_loop3A_239 = arith.constant 48 : index
        %parallel_loop3A_240 = tpu.vector_load %arg12[%parallel_loop3A_238, %parallel_loop3A_239] {strides = array<i32>} : memref<64x128xf32, #tpu.memory_space<vmem>>, vector<16xf32>,
        %parallel_loop3A_241 = arith.mulf %parallel_loop3A_237, %parallel_loop3A_240 : vector<16xf32>
        %parallel_loop3A_242 = arith.addf %parallel_loop3A_234, %parallel_loop3A_241 : vector<16xf32>
        %parallel_loop3A_243 = arith.index_cast %parallel_loop3A_203 : i32 to index
        %parallel_loop3A_244 = arith.constant 0 : index
        %parallel_loop3A_245 = tpu.vector_load %arg21[%parallel_loop3A_243, %parallel_loop3A_244] {strides = array<i32>} : memref<64x16xf32, #tpu.memory_space<vmem>>, vector<16xf32>,
        tpu.vector_store %arg21[%parallel_loop3A_243, %parallel_loop3A_244], %parallel_loop3A_242 {strides = array<i32>} : memref<64x16xf32, #tpu.memory_space<vmem>>, vector<16xf32>,
      } {sc.loop_unroll_factor = 4 : i64, sc.parallel_access}
      %parallel_loop3A_133 = arith.constant 0 : i32
      %parallel_loop3A_134 = arith.constant 4 : i32
      %parallel_loop3A_135 = arith.constant 1 : i32
      scf.for %parallel_loop3A_203 = %parallel_loop3A_133 to %parallel_loop3A_134 step %parallel_loop3A_135  : i32 {
        %parallel_loop3A_204 = arith.constant 16 : i32
        %parallel_loop3A_205 = arith.muli %parallel_loop3A_203, %parallel_loop3A_204 : i32
        %parallel_loop3A_206 = vector.broadcast %parallel_loop3A_205 : i32 to vector<16xi32>
        %parallel_loop3A_207 = arith.addi %parallel_loop3A_206, %iota3A : vector<16xi32>
        %parallel_loop3A_208 = arith.constant 0 : i32
        %parallel_loop3A_209 = vector.broadcast %parallel_loop3A_208 : i32 to vector<16xi32>
        %parallel_loop3A_210 = tpu.vector_load_idx %arg21[%parallel_loop3A_207, %parallel_loop3A_209] : memref<64x16xf32, #tpu.memory_space<vmem>>[vector<16xi32>, vector<16xi32>], vector<16xf32>,
        %parallel_loop3A_211 = arith.constant 1 : i32
        %parallel_loop3A_212 = vector.broadcast %parallel_loop3A_211 : i32 to vector<16xi32>
        %parallel_loop3A_213 = tpu.vector_load_idx %arg21[%parallel_loop3A_207, %parallel_loop3A_212] : memref<64x16xf32, #tpu.memory_space<vmem>>[vector<16xi32>, vector<16xi32>], vector<16xf32>,
        %parallel_loop3A_214 = arith.addf %parallel_loop3A_210, %parallel_loop3A_213 : vector<16xf32>
        %parallel_loop3A_215 = arith.constant 2 : i32
        %parallel_loop3A_216 = vector.broadcast %parallel_loop3A_215 : i32 to vector<16xi32>
        %parallel_loop3A_217 = tpu.vector_load_idx %arg21[%parallel_loop3A_207, %parallel_loop3A_216] : memref<64x16xf32, #tpu.memory_space<vmem>>[vector<16xi32>, vector<16xi32>], vector<16xf32>,
        %parallel_loop3A_218 = arith.addf %parallel_loop3A_214, %parallel_loop3A_217 : vector<16xf32>
        %parallel_loop3A_219 = arith.constant 3 : i32
        %parallel_loop3A_220 = vector.broadcast %parallel_loop3A_219 : i32 to vector<16xi32>
        %parallel_loop3A_221 = tpu.vector_load_idx %arg21[%parallel_loop3A_207, %parallel_loop3A_220] : memref<64x16xf32, #tpu.memory_space<vmem>>[vector<16xi32>, vector<16xi32>], vector<16xf32>,
        %parallel_loop3A_222 = arith.addf %parallel_loop3A_218, %parallel_loop3A_221 : vector<16xf32>
        %parallel_loop3A_223 = arith.constant 4 : i32
        %parallel_loop3A_224 = vector.broadcast %parallel_loop3A_223 : i32 to vector<16xi32>
        %parallel_loop3A_225 = tpu.vector_load_idx %arg21[%parallel_loop3A_207, %parallel_loop3A_224] : memref<64x16xf32, #tpu.memory_space<vmem>>[vector<16xi32>, vector<16xi32>], vector<16xf32>,
        %parallel_loop3A_226 = arith.addf %parallel_loop3A_222, %parallel_loop3A_225 : vector<16xf32>
        %parallel_loop3A_227 = arith.constant 5 : i32
        %parallel_loop3A_228 = vector.broadcast %parallel_loop3A_227 : i32 to vector<16xi32>
        %parallel_loop3A_229 = tpu.vector_load_idx %arg21[%parallel_loop3A_207, %parallel_loop3A_228] : memref<64x16xf32, #tpu.memory_space<vmem>>[vector<16xi32>, vector<16xi32>], vector<16xf32>,
        %parallel_loop3A_230 = arith.addf %parallel_loop3A_226, %parallel_loop3A_229 : vector<16xf32>
        %parallel_loop3A_231 = arith.constant 6 : i32
        %parallel_loop3A_232 = vector.broadcast %parallel_loop3A_231 : i32 to vector<16xi32>
        %parallel_loop3A_233 = tpu.vector_load_idx %arg21[%parallel_loop3A_207, %parallel_loop3A_232] : memref<64x16xf32, #tpu.memory_space<vmem>>[vector<16xi32>, vector<16xi32>], vector<16xf32>,
        %parallel_loop3A_234 = arith.addf %parallel_loop3A_230, %parallel_loop3A_233 : vector<16xf32>
        %parallel_loop3A_235 = arith.constant 7 : i32
        %parallel_loop3A_236 = vector.broadcast %parallel_loop3A_235 : i32 to vector<16xi32>
        %parallel_loop3A_237 = tpu.vector_load_idx %arg21[%parallel_loop3A_207, %parallel_loop3A_236] : memref<64x16xf32, #tpu.memory_space<vmem>>[vector<16xi32>, vector<16xi32>], vector<16xf32>,
        %parallel_loop3A_238 = arith.addf %parallel_loop3A_234, %parallel_loop3A_237 : vector<16xf32>
        %parallel_loop3A_239 = arith.constant 8 : i32
        %parallel_loop3A_240 = vector.broadcast %parallel_loop3A_239 : i32 to vector<16xi32>
        %parallel_loop3A_241 = tpu.vector_load_idx %arg21[%parallel_loop3A_207, %parallel_loop3A_240] : memref<64x16xf32, #tpu.memory_space<vmem>>[vector<16xi32>, vector<16xi32>], vector<16xf32>,
        %parallel_loop3A_242 = arith.addf %parallel_loop3A_238, %parallel_loop3A_241 : vector<16xf32>
        %parallel_loop3A_243 = arith.constant 9 : i32
        %parallel_loop3A_244 = vector.broadcast %parallel_loop3A_243 : i32 to vector<16xi32>
        %parallel_loop3A_245 = tpu.vector_load_idx %arg21[%parallel_loop3A_207, %parallel_loop3A_244] : memref<64x16xf32, #tpu.memory_space<vmem>>[vector<16xi32>, vector<16xi32>], vector<16xf32>,
        %parallel_loop3A_246 = arith.addf %parallel_loop3A_242, %parallel_loop3A_245 : vector<16xf32>
        %parallel_loop3A_247 = arith.constant 10 : i32
        %parallel_loop3A_248 = vector.broadcast %parallel_loop3A_247 : i32 to vector<16xi32>
        %parallel_loop3A_249 = tpu.vector_load_idx %arg21[%parallel_loop3A_207, %parallel_loop3A_248] : memref<64x16xf32, #tpu.memory_space<vmem>>[vector<16xi32>, vector<16xi32>], vector<16xf32>,
        %parallel_loop3A_250 = arith.addf %parallel_loop3A_246, %parallel_loop3A_249 : vector<16xf32>
        %parallel_loop3A_251 = arith.constant 11 : i32
        %parallel_loop3A_252 = vector.broadcast %parallel_loop3A_251 : i32 to vector<16xi32>
        %parallel_loop3A_253 = tpu.vector_load_idx %arg21[%parallel_loop3A_207, %parallel_loop3A_252] : memref<64x16xf32, #tpu.memory_space<vmem>>[vector<16xi32>, vector<16xi32>], vector<16xf32>,
        %parallel_loop3A_254 = arith.addf %parallel_loop3A_250, %parallel_loop3A_253 : vector<16xf32>
        %parallel_loop3A_255 = arith.constant 12 : i32
        %parallel_loop3A_256 = vector.broadcast %parallel_loop3A_255 : i32 to vector<16xi32>
        %parallel_loop3A_257 = tpu.vector_load_idx %arg21[%parallel_loop3A_207, %parallel_loop3A_256] : memref<64x16xf32, #tpu.memory_space<vmem>>[vector<16xi32>, vector<16xi32>], vector<16xf32>,
        %parallel_loop3A_258 = arith.addf %parallel_loop3A_254, %parallel_loop3A_257 : vector<16xf32>
        %parallel_loop3A_259 = arith.constant 13 : i32
        %parallel_loop3A_260 = vector.broadcast %parallel_loop3A_259 : i32 to vector<16xi32>
        %parallel_loop3A_261 = tpu.vector_load_idx %arg21[%parallel_loop3A_207, %parallel_loop3A_260] : memref<64x16xf32, #tpu.memory_space<vmem>>[vector<16xi32>, vector<16xi32>], vector<16xf32>,
        %parallel_loop3A_262 = arith.addf %parallel_loop3A_258, %parallel_loop3A_261 : vector<16xf32>
        %parallel_loop3A_263 = arith.constant 14 : i32
        %parallel_loop3A_264 = vector.broadcast %parallel_loop3A_263 : i32 to vector<16xi32>
        %parallel_loop3A_265 = tpu.vector_load_idx %arg21[%parallel_loop3A_207, %parallel_loop3A_264] : memref<64x16xf32, #tpu.memory_space<vmem>>[vector<16xi32>, vector<16xi32>], vector<16xf32>,
        %parallel_loop3A_266 = arith.addf %parallel_loop3A_262, %parallel_loop3A_265 : vector<16xf32>
        %parallel_loop3A_267 = arith.constant 15 : i32
        %parallel_loop3A_268 = vector.broadcast %parallel_loop3A_267 : i32 to vector<16xi32>
        %parallel_loop3A_269 = tpu.vector_load_idx %arg21[%parallel_loop3A_207, %parallel_loop3A_268] : memref<64x16xf32, #tpu.memory_space<vmem>>[vector<16xi32>, vector<16xi32>], vector<16xf32>,
        %parallel_loop3A_270 = arith.addf %parallel_loop3A_266, %parallel_loop3A_269 : vector<16xf32>
        %parallel_loop3A_271 = arith.constant 1.250000e-01 : f32
        %parallel_loop3A_272 = vector.broadcast %parallel_loop3A_271 : f32 to vector<16xf32>
        %parallel_loop3A_273 = arith.mulf %parallel_loop3A_270, %parallel_loop3A_272 : vector<16xf32>
        %parallel_loop3A_274 = math.exp %parallel_loop3A_273 : vector<16xf32>
        %parallel_loop3A_275 = arith.constant 16 : i32
        %parallel_loop3A_276 = arith.muli %parallel_loop3A_203, %parallel_loop3A_275 : i32
        %parallel_loop3A_277 = arith.index_cast %parallel_loop3A_276 : i32 to index
        %parallel_loop3A_278 = tpu.vector_load %arg18[%parallel_loop3A_277] {strides = array<i32>} : memref<64xf32, #tpu.memory_space<vmem>>, vector<16xf32>,
        tpu.vector_store %arg18[%parallel_loop3A_277], %parallel_loop3A_274 {strides = array<i32>} : memref<64xf32, #tpu.memory_space<vmem>>, vector<16xf32>,
      } {sc.loop_unroll_factor = 2 : i64, sc.parallel_access}
      %ge3A = arith.constant 2 : i32
      %ge3A_136 = arith.cmpi sge, %add3A_111, %ge3A : i32
      %convert_element_type3A_137 = arith.extui %ge3A_136 : i1 to i32
      %cond3A_138 = arith.constant 0 : i32
      %cond3A_139 = arith.cmpi ne, %convert_element_type3A_137, %cond3A_138 : i32
      scf.if %cond3A_139 {
        %dma_wait3A_203 = arith.constant 0 : i32
        %dma_wait3A_204 = arith.constant 0 : i32
        %dma_wait3A_205 = tpu.memref_slice %arg23[%dma_wait3A_203, %dma_wait3A_204] : memref<10000x96xf32, #tpu.memory_space<vmem_shared>> -> memref<10000x96xf32, #tpu.memory_space<vmem_shared>>
        tpu.wait_indirect_dma semaphore(%arg26 : memref<!tpu.dma_semaphore, #tpu.memory_space<semaphore_mem>>) src(%arg19 : memref<64x96xf32, #tpu.memory_space<vmem>>) dst(%dma_wait3A_205 : memref<10000x96xf32, #tpu.memory_space<vmem_shared>>)
      } else {
      }
      %parallel_loop3A_140 = arith.constant 0 : i32
      %parallel_loop3A_141 = arith.constant 4 : i32
      %parallel_loop3A_142 = arith.constant 1 : i32
      scf.for %parallel_loop3A_203 = %parallel_loop3A_140 to %parallel_loop3A_141 step %parallel_loop3A_142  : i32 {
        %parallel_loop3A_204 = arith.constant 64 : i32
        %parallel_loop3A_205 = arith.muli %add3A_111, %parallel_loop3A_204 : i32
        %parallel_loop3A_206 = arith.constant 16 : i32
        %parallel_loop3A_207 = arith.muli %parallel_loop3A_203, %parallel_loop3A_206 : i32
        %parallel_loop3A_208 = arith.addi %parallel_loop3A_205, %parallel_loop3A_207 : i32
        %parallel_loop3A_209 = arith.index_cast %parallel_loop3A_208 : i32 to index
        %parallel_loop3A_210 = tpu.vector_load %arg9[%parallel_loop3A_209] {strides = array<i32>} : memref<10496xi32, #tpu.memory_space<vmem>>, vector<16xi32>,
        %parallel_loop3A_211 = arith.constant 16 : i32
        %parallel_loop3A_212 = arith.muli %parallel_loop3A_203, %parallel_loop3A_211 : i32
        %parallel_loop3A_213 = arith.index_cast %parallel_loop3A_212 : i32 to index
        %parallel_loop3A_214 = tpu.vector_load %arg10[%parallel_loop3A_213] {strides = array<i32>} : memref<64xi32, #tpu.memory_space<vmem>>, vector<16xi32>,
        tpu.vector_store %arg10[%parallel_loop3A_213], %parallel_loop3A_210 {strides = array<i32>} : memref<64xi32, #tpu.memory_space<vmem>>, vector<16xi32>,
      } {sc.loop_unroll_factor = 1 : i64, sc.parallel_access}
      %parallel_loop3A_143 = arith.constant 0 : i32
      %parallel_loop3A_144 = arith.constant 64 : i32
      %parallel_loop3A_145 = arith.constant 1 : i32
      scf.for %parallel_loop3A_203 = %parallel_loop3A_143 to %parallel_loop3A_144 step %parallel_loop3A_145  : i32 {
        %parallel_loop3A_204 = vector.broadcast %parallel_loop3A_203 : i32 to vector<16xi32>
        %parallel_loop3A_205 = tpu.vector_load_idx %arg18[%parallel_loop3A_204] : memref<64xf32, #tpu.memory_space<vmem>>[vector<16xi32>], vector<16xf32>,
        %parallel_loop3A_206 = arith.index_cast %parallel_loop3A_203 : i32 to index
        %parallel_loop3A_207 = arith.constant 64 : index
        %parallel_loop3A_208 = tpu.vector_load %arg12[%parallel_loop3A_206, %parallel_loop3A_207] {strides = array<i32>} : memref<64x128xf32, #tpu.memory_space<vmem>>, vector<16xf32>,
        %parallel_loop3A_209 = arith.mulf %parallel_loop3A_205, %parallel_loop3A_208 : vector<16xf32>
        %parallel_loop3A_210 = arith.index_cast %parallel_loop3A_203 : i32 to index
        %parallel_loop3A_211 = arith.constant 0 : index
        %parallel_loop3A_212 = tpu.vector_load %arg19[%parallel_loop3A_210, %parallel_loop3A_211] {strides = array<i32>} : memref<64x96xf32, #tpu.memory_space<vmem>>, vector<16xf32>,
        tpu.vector_store %arg19[%parallel_loop3A_210, %parallel_loop3A_211], %parallel_loop3A_209 {strides = array<i32>} : memref<64x96xf32, #tpu.memory_space<vmem>>, vector<16xf32>,
        %parallel_loop3A_213 = arith.index_cast %parallel_loop3A_203 : i32 to index
        %parallel_loop3A_214 = arith.constant 80 : index
        %parallel_loop3A_215 = tpu.vector_load %arg12[%parallel_loop3A_213, %parallel_loop3A_214] {strides = array<i32>} : memref<64x128xf32, #tpu.memory_space<vmem>>, vector<16xf32>,
        %parallel_loop3A_216 = arith.mulf %parallel_loop3A_205, %parallel_loop3A_215 : vector<16xf32>
        %parallel_loop3A_217 = arith.index_cast %parallel_loop3A_203 : i32 to index
        %parallel_loop3A_218 = arith.constant 16 : index
        %parallel_loop3A_219 = tpu.vector_load %arg19[%parallel_loop3A_217, %parallel_loop3A_218] {strides = array<i32>} : memref<64x96xf32, #tpu.memory_space<vmem>>, vector<16xf32>,
        tpu.vector_store %arg19[%parallel_loop3A_217, %parallel_loop3A_218], %parallel_loop3A_216 {strides = array<i32>} : memref<64x96xf32, #tpu.memory_space<vmem>>, vector<16xf32>,
        %parallel_loop3A_220 = arith.index_cast %parallel_loop3A_203 : i32 to index
        %parallel_loop3A_221 = arith.constant 96 : index
        %parallel_loop3A_222 = tpu.vector_load %arg12[%parallel_loop3A_220, %parallel_loop3A_221] {strides = array<i32>} : memref<64x128xf32, #tpu.memory_space<vmem>>, vector<16xf32>,
        %parallel_loop3A_223 = arith.mulf %parallel_loop3A_205, %parallel_loop3A_222 : vector<16xf32>
        %parallel_loop3A_224 = arith.index_cast %parallel_loop3A_203 : i32 to index
        %parallel_loop3A_225 = arith.constant 32 : index
        %parallel_loop3A_226 = tpu.vector_load %arg19[%parallel_loop3A_224, %parallel_loop3A_225] {strides = array<i32>} : memref<64x96xf32, #tpu.memory_space<vmem>>, vector<16xf32>,
        tpu.vector_store %arg19[%parallel_loop3A_224, %parallel_loop3A_225], %parallel_loop3A_223 {strides = array<i32>} : memref<64x96xf32, #tpu.memory_space<vmem>>, vector<16xf32>,
        %parallel_loop3A_227 = arith.index_cast %parallel_loop3A_203 : i32 to index
        %parallel_loop3A_228 = arith.constant 112 : index
        %parallel_loop3A_229 = tpu.vector_load %arg12[%parallel_loop3A_227, %parallel_loop3A_228] {strides = array<i32>} : memref<64x128xf32, #tpu.memory_space<vmem>>, vector<16xf32>,
        %parallel_loop3A_230 = arith.mulf %parallel_loop3A_205, %parallel_loop3A_229 : vector<16xf32>
        %parallel_loop3A_231 = arith.index_cast %parallel_loop3A_203 : i32 to index
        %parallel_loop3A_232 = arith.constant 48 : index
        %parallel_loop3A_233 = tpu.vector_load %arg19[%parallel_loop3A_231, %parallel_loop3A_232] {strides = array<i32>} : memref<64x96xf32, #tpu.memory_space<vmem>>, vector<16xf32>,
        tpu.vector_store %arg19[%parallel_loop3A_231, %parallel_loop3A_232], %parallel_loop3A_230 {strides = array<i32>} : memref<64x96xf32, #tpu.memory_space<vmem>>, vector<16xf32>,
        %parallel_loop3A_234 = arith.index_cast %parallel_loop3A_203 : i32 to index
        %parallel_loop3A_235 = arith.constant 0 : index
        %parallel_loop3A_236 = tpu.vector_load %arg14[%parallel_loop3A_234, %parallel_loop3A_235] {strides = array<i32>} : memref<64x16xf32, #tpu.memory_space<vmem>>, vector<16xf32>,
        %parallel_loop3A_237 = arith.mulf %parallel_loop3A_205, %parallel_loop3A_236 : vector<16xf32>
        %parallel_loop3A_238 = arith.index_cast %parallel_loop3A_203 : i32 to index
        %parallel_loop3A_239 = arith.constant 64 : index
        %parallel_loop3A_240 = tpu.vector_load %arg19[%parallel_loop3A_238, %parallel_loop3A_239] {strides = array<i32>} : memref<64x96xf32, #tpu.memory_space<vmem>>, vector<16xf32>,
        tpu.vector_store %arg19[%parallel_loop3A_238, %parallel_loop3A_239], %parallel_loop3A_237 {strides = array<i32>} : memref<64x96xf32, #tpu.memory_space<vmem>>, vector<16xf32>,
        %parallel_loop3A_241 = arith.index_cast %parallel_loop3A_203 : i32 to index
        %parallel_loop3A_242 = arith.constant 80 : index
        %parallel_loop3A_243 = tpu.vector_load %arg19[%parallel_loop3A_241, %parallel_loop3A_242] {strides = array<i32>} : memref<64x96xf32, #tpu.memory_space<vmem>>, vector<16xf32>,
        tpu.vector_store %arg19[%parallel_loop3A_241, %parallel_loop3A_242], %parallel_loop3A_205 {strides = array<i32>} : memref<64x96xf32, #tpu.memory_space<vmem>>, vector<16xf32>,
      } {sc.loop_unroll_factor = 4 : i64, sc.parallel_access}
      %dma_start3A_146 = arith.constant 0 : i32
      %dma_start3A_147 = arith.constant 0 : i32
      %dma_start3A_148 = tpu.memref_slice %arg23[%dma_start3A_146, %dma_start3A_147] : memref<10000x96xf32, #tpu.memory_space<vmem_shared>> -> memref<10000x96xf32, #tpu.memory_space<vmem_shared>>
      tpu.enqueue_indirect_dma source(%arg19 : memref<64x96xf32, #tpu.memory_space<vmem>>) target(%dma_start3A_148 : memref<10000x96xf32, #tpu.memory_space<vmem_shared>>) offsets(%arg10 : memref<64xi32, #tpu.memory_space<vmem>>) semaphore(%arg26 : memref<!tpu.dma_semaphore, #tpu.memory_space<semaphore_mem>>) {add = true}
      %add3A_149 = arith.constant 2 : i32
      %add3A_150 = arith.addi %add3A_111, %add3A_149 : i32
      %lt3A = arith.cmpi slt, %add3A_150, %select_n3A : i32
      %convert_element_type3A_151 = arith.extui %lt3A : i1 to i32
      %cond3A_152 = arith.constant 0 : i32
      %cond3A_153 = arith.cmpi ne, %convert_element_type3A_151, %cond3A_152 : i32
      scf.if %cond3A_153 {
        %add3A_203 = arith.constant 2 : i32
        %add3A_204 = arith.addi %add3A_111, %add3A_203 : i32
        %mul3A_205 = arith.constant 64 : i32
        %mul3A_206 = arith.muli %add3A_204, %mul3A_205 : i32
        %mul3A_207 = arith.constant 64 : i32
        %mul3A_208 = arith.muli %add3A_204, %mul3A_207 : i32
        %mul3A_209 = arith.constant 64 : i32
        %mul3A_210 = arith.muli %add3A_204, %mul3A_209 : i32
        %add3A_211 = arith.addi %mul3A_6, %mul3A_210 : i32
        %dma_start3A_212 = tpu.memref_slice %arg8[%mul3A_206] : memref<10496xi32, #tpu.memory_space<vmem>> -> memref<64xi32, #tpu.memory_space<vmem>>
        %dma_start3A_213 = arith.constant 0 : i32
        %dma_start3A_214 = arith.constant 0 : i32
        %dma_start3A_215 = tpu.memref_slice %arg5[%dma_start3A_213, %dma_start3A_214] : memref<10000x128xf32, #tpu.memory_space<hbm>> -> memref<10000x128xf32, #tpu.memory_space<hbm>>
        tpu.enqueue_indirect_dma source(%dma_start3A_215 : memref<10000x128xf32, #tpu.memory_space<hbm>>) target(%arg12 : memref<64x128xf32, #tpu.memory_space<vmem>>) offsets(%dma_start3A_212 : memref<64xi32, #tpu.memory_space<vmem>>) semaphore(%arg24 : memref<!tpu.dma_semaphore, #tpu.memory_space<semaphore_mem>>)
        %dma_start3A_216 = tpu.memref_slice %arg9[%mul3A_208] : memref<10496xi32, #tpu.memory_space<vmem>> -> memref<64xi32, #tpu.memory_space<vmem>>
        %dma_start3A_217 = arith.constant 0 : i32
        %dma_start3A_218 = arith.constant 0 : i32
        %dma_start3A_219 = tpu.memref_slice %arg6[%dma_start3A_217, %dma_start3A_218] : memref<10000x80xf32, #tpu.memory_space<hbm>> -> memref<10000x80xf32, #tpu.memory_space<hbm>>
        tpu.enqueue_indirect_dma source(%dma_start3A_219 : memref<10000x80xf32, #tpu.memory_space<hbm>>) target(%arg13 : memref<64x80xf32, #tpu.memory_space<vmem>>) offsets(%dma_start3A_216 : memref<64xi32, #tpu.memory_space<vmem>>) semaphore(%arg24 : memref<!tpu.dma_semaphore, #tpu.memory_space<semaphore_mem>>)
        %dma_start3A_220 = arith.constant 0 : i32
        %dma_start3A_221 = tpu.memref_slice %arg4[%add3A_211, %dma_start3A_220] : memref<320000x16xf32, #tpu.memory_space<hbm>> -> memref<64x16xf32, #tpu.memory_space<hbm>>
        %dma_start3A_222 = arith.constant 0 : i32
        %dma_start3A_223 = tpu.memref_slice %arg4[%add3A_211, %dma_start3A_222] : memref<320000x16xf32, #tpu.memory_space<hbm>> -> memref<64x16xf32, #tpu.memory_space<hbm>>
        tpu.enqueue_dma source(%dma_start3A_223 : memref<64x16xf32, #tpu.memory_space<hbm>>) target(%arg14 : memref<64x16xf32, #tpu.memory_space<vmem>>) target_semaphore(%arg24 : memref<!tpu.dma_semaphore, #tpu.memory_space<semaphore_mem>>)
      } else {
      }
      %mul3A_154 = arith.constant 2 : i32
      %mul3A_155 = arith.muli %mul3A_154, %add3A_107 : i32
      %add3A_156 = arith.constant 1 : i32
      %add3A_157 = arith.addi %mul3A_155, %add3A_156 : i32
      %mul3A_158 = arith.constant 64 : i32
      %mul3A_159 = arith.muli %add3A_157, %mul3A_158 : i32
      %mul3A_160 = arith.constant 64 : i32
      %mul3A_161 = arith.muli %add3A_157, %mul3A_160 : i32
      %mul3A_162 = arith.constant 64 : i32
      %mul3A_163 = arith.muli %add3A_157, %mul3A_162 : i32
      %add3A_164 = arith.addi %mul3A_6, %mul3A_163 : i32
      %dma_wait3A_165 = tpu.memref_slice %arg8[%mul3A_159] : memref<10496xi32, #tpu.memory_space<vmem>> -> memref<64xi32, #tpu.memory_space<vmem>>
      %dma_wait3A_166 = arith.constant 0 : i32
      %dma_wait3A_167 = arith.constant 0 : i32
      %dma_wait3A_168 = tpu.memref_slice %arg5[%dma_wait3A_166, %dma_wait3A_167] : memref<10000x128xf32, #tpu.memory_space<hbm>> -> memref<10000x128xf32, #tpu.memory_space<hbm>>
      tpu.wait_indirect_dma semaphore(%arg25 : memref<!tpu.dma_semaphore, #tpu.memory_space<semaphore_mem>>) src(%dma_wait3A_168 : memref<10000x128xf32, #tpu.memory_space<hbm>>) dst(%arg15 : memref<64x128xf32, #tpu.memory_space<vmem>>)
      %dma_wait3A_169 = tpu.memref_slice %arg9[%mul3A_161] : memref<10496xi32, #tpu.memory_space<vmem>> -> memref<64xi32, #tpu.memory_space<vmem>>
      %dma_wait3A_170 = arith.constant 0 : i32
      %dma_wait3A_171 = arith.constant 0 : i32
      %dma_wait3A_172 = tpu.memref_slice %arg6[%dma_wait3A_170, %dma_wait3A_171] : memref<10000x80xf32, #tpu.memory_space<hbm>> -> memref<10000x80xf32, #tpu.memory_space<hbm>>
      tpu.wait_indirect_dma semaphore(%arg25 : memref<!tpu.dma_semaphore, #tpu.memory_space<semaphore_mem>>) src(%dma_wait3A_172 : memref<10000x80xf32, #tpu.memory_space<hbm>>) dst(%arg16 : memref<64x80xf32, #tpu.memory_space<vmem>>)
      %dma_wait3A_173 = arith.constant 0 : i32
      %dma_wait3A_174 = tpu.memref_slice %arg4[%add3A_164, %dma_wait3A_173] : memref<320000x16xf32, #tpu.memory_space<hbm>> -> memref<64x16xf32, #tpu.memory_space<hbm>>
      %dma_wait3A_175 = arith.constant 0 : i32
      %dma_wait3A_176 = tpu.memref_slice %arg4[%add3A_164, %dma_wait3A_175] : memref<320000x16xf32, #tpu.memory_space<hbm>> -> memref<64x16xf32, #tpu.memory_space<hbm>>
      tpu.wait_dma2 semaphore(%arg25 : memref<!tpu.dma_semaphore, #tpu.memory_space<semaphore_mem>>) src(%dma_wait3A_176 : memref<64x16xf32, #tpu.memory_space<hbm>>) dst(%arg17 : memref<64x16xf32, #tpu.memory_space<vmem>>)
      %parallel_loop3A_177 = arith.constant 0 : i32
      %parallel_loop3A_178 = arith.constant 64 : i32
      %parallel_loop3A_179 = arith.constant 1 : i32
      scf.for %parallel_loop3A_203 = %parallel_loop3A_177 to %parallel_loop3A_178 step %parallel_loop3A_179  : i32 {
        %parallel_loop3A_204 = arith.index_cast %parallel_loop3A_203 : i32 to index
        %parallel_loop3A_205 = arith.constant 64 : index
        %parallel_loop3A_206 = tpu.vector_load %arg16[%parallel_loop3A_204, %parallel_loop3A_205] {strides = array<i32>} : memref<64x80xf32, #tpu.memory_space<vmem>>, vector<16xf32>,
        %parallel_loop3A_207 = arith.index_cast %parallel_loop3A_203 : i32 to index
        %parallel_loop3A_208 = arith.constant 0 : index
        %parallel_loop3A_209 = tpu.vector_load %arg17[%parallel_loop3A_207, %parallel_loop3A_208] {strides = array<i32>} : memref<64x16xf32, #tpu.memory_space<vmem>>, vector<16xf32>,
        %parallel_loop3A_210 = arith.mulf %parallel_loop3A_206, %parallel_loop3A_209 : vector<16xf32>
        %parallel_loop3A_211 = arith.index_cast %parallel_loop3A_203 : i32 to index
        %parallel_loop3A_212 = arith.constant 0 : index
        %parallel_loop3A_213 = tpu.vector_load %arg16[%parallel_loop3A_211, %parallel_loop3A_212] {strides = array<i32>} : memref<64x80xf32, #tpu.memory_space<vmem>>, vector<16xf32>,
        %parallel_loop3A_214 = arith.index_cast %parallel_loop3A_203 : i32 to index
        %parallel_loop3A_215 = arith.constant 0 : index
        %parallel_loop3A_216 = tpu.vector_load %arg15[%parallel_loop3A_214, %parallel_loop3A_215] {strides = array<i32>} : memref<64x128xf32, #tpu.memory_space<vmem>>, vector<16xf32>,
        %parallel_loop3A_217 = arith.mulf %parallel_loop3A_213, %parallel_loop3A_216 : vector<16xf32>
        %parallel_loop3A_218 = arith.addf %parallel_loop3A_210, %parallel_loop3A_217 : vector<16xf32>
        %parallel_loop3A_219 = arith.index_cast %parallel_loop3A_203 : i32 to index
        %parallel_loop3A_220 = arith.constant 16 : index
        %parallel_loop3A_221 = tpu.vector_load %arg16[%parallel_loop3A_219, %parallel_loop3A_220] {strides = array<i32>} : memref<64x80xf32, #tpu.memory_space<vmem>>, vector<16xf32>,
        %parallel_loop3A_222 = arith.index_cast %parallel_loop3A_203 : i32 to index
        %parallel_loop3A_223 = arith.constant 16 : index
        %parallel_loop3A_224 = tpu.vector_load %arg15[%parallel_loop3A_222, %parallel_loop3A_223] {strides = array<i32>} : memref<64x128xf32, #tpu.memory_space<vmem>>, vector<16xf32>,
        %parallel_loop3A_225 = arith.mulf %parallel_loop3A_221, %parallel_loop3A_224 : vector<16xf32>
        %parallel_loop3A_226 = arith.addf %parallel_loop3A_218, %parallel_loop3A_225 : vector<16xf32>
        %parallel_loop3A_227 = arith.index_cast %parallel_loop3A_203 : i32 to index
        %parallel_loop3A_228 = arith.constant 32 : index
        %parallel_loop3A_229 = tpu.vector_load %arg16[%parallel_loop3A_227, %parallel_loop3A_228] {strides = array<i32>} : memref<64x80xf32, #tpu.memory_space<vmem>>, vector<16xf32>,
        %parallel_loop3A_230 = arith.index_cast %parallel_loop3A_203 : i32 to index
        %parallel_loop3A_231 = arith.constant 32 : index
        %parallel_loop3A_232 = tpu.vector_load %arg15[%parallel_loop3A_230, %parallel_loop3A_231] {strides = array<i32>} : memref<64x128xf32, #tpu.memory_space<vmem>>, vector<16xf32>,
        %parallel_loop3A_233 = arith.mulf %parallel_loop3A_229, %parallel_loop3A_232 : vector<16xf32>
        %parallel_loop3A_234 = arith.addf %parallel_loop3A_226, %parallel_loop3A_233 : vector<16xf32>
        %parallel_loop3A_235 = arith.index_cast %parallel_loop3A_203 : i32 to index
        %parallel_loop3A_236 = arith.constant 48 : index
        %parallel_loop3A_237 = tpu.vector_load %arg16[%parallel_loop3A_235, %parallel_loop3A_236] {strides = array<i32>} : memref<64x80xf32, #tpu.memory_space<vmem>>, vector<16xf32>,
        %parallel_loop3A_238 = arith.index_cast %parallel_loop3A_203 : i32 to index
        %parallel_loop3A_239 = arith.constant 48 : index
        %parallel_loop3A_240 = tpu.vector_load %arg15[%parallel_loop3A_238, %parallel_loop3A_239] {strides = array<i32>} : memref<64x128xf32, #tpu.memory_space<vmem>>, vector<16xf32>,
        %parallel_loop3A_241 = arith.mulf %parallel_loop3A_237, %parallel_loop3A_240 : vector<16xf32>
        %parallel_loop3A_242 = arith.addf %parallel_loop3A_234, %parallel_loop3A_241 : vector<16xf32>
        %parallel_loop3A_243 = arith.index_cast %parallel_loop3A_203 : i32 to index
        %parallel_loop3A_244 = arith.constant 0 : index
        %parallel_loop3A_245 = tpu.vector_load %arg21[%parallel_loop3A_243, %parallel_loop3A_244] {strides = array<i32>} : memref<64x16xf32, #tpu.memory_space<vmem>>, vector<16xf32>,
        tpu.vector_store %arg21[%parallel_loop3A_243, %parallel_loop3A_244], %parallel_loop3A_242 {strides = array<i32>} : memref<64x16xf32, #tpu.memory_space<vmem>>, vector<16xf32>,
      } {sc.loop_unroll_factor = 4 : i64, sc.parallel_access}
      %parallel_loop3A_180 = arith.constant 0 : i32
      %parallel_loop3A_181 = arith.constant 4 : i32
      %parallel_loop3A_182 = arith.constant 1 : i32
      scf.for %parallel_loop3A_203 = %parallel_loop3A_180 to %parallel_loop3A_181 step %parallel_loop3A_182  : i32 {
        %parallel_loop3A_204 = arith.constant 16 : i32
        %parallel_loop3A_205 = arith.muli %parallel_loop3A_203, %parallel_loop3A_204 : i32
        %parallel_loop3A_206 = vector.broadcast %parallel_loop3A_205 : i32 to vector<16xi32>
        %parallel_loop3A_207 = arith.addi %parallel_loop3A_206, %iota3A : vector<16xi32>
        %parallel_loop3A_208 = arith.constant 0 : i32
        %parallel_loop3A_209 = vector.broadcast %parallel_loop3A_208 : i32 to vector<16xi32>
        %parallel_loop3A_210 = tpu.vector_load_idx %arg21[%parallel_loop3A_207, %parallel_loop3A_209] : memref<64x16xf32, #tpu.memory_space<vmem>>[vector<16xi32>, vector<16xi32>], vector<16xf32>,
        %parallel_loop3A_211 = arith.constant 1 : i32
        %parallel_loop3A_212 = vector.broadcast %parallel_loop3A_211 : i32 to vector<16xi32>
        %parallel_loop3A_213 = tpu.vector_load_idx %arg21[%parallel_loop3A_207, %parallel_loop3A_212] : memref<64x16xf32, #tpu.memory_space<vmem>>[vector<16xi32>, vector<16xi32>], vector<16xf32>,
        %parallel_loop3A_214 = arith.addf %parallel_loop3A_210, %parallel_loop3A_213 : vector<16xf32>
        %parallel_loop3A_215 = arith.constant 2 : i32
        %parallel_loop3A_216 = vector.broadcast %parallel_loop3A_215 : i32 to vector<16xi32>
        %parallel_loop3A_217 = tpu.vector_load_idx %arg21[%parallel_loop3A_207, %parallel_loop3A_216] : memref<64x16xf32, #tpu.memory_space<vmem>>[vector<16xi32>, vector<16xi32>], vector<16xf32>,
        %parallel_loop3A_218 = arith.addf %parallel_loop3A_214, %parallel_loop3A_217 : vector<16xf32>
        %parallel_loop3A_219 = arith.constant 3 : i32
        %parallel_loop3A_220 = vector.broadcast %parallel_loop3A_219 : i32 to vector<16xi32>
        %parallel_loop3A_221 = tpu.vector_load_idx %arg21[%parallel_loop3A_207, %parallel_loop3A_220] : memref<64x16xf32, #tpu.memory_space<vmem>>[vector<16xi32>, vector<16xi32>], vector<16xf32>,
        %parallel_loop3A_222 = arith.addf %parallel_loop3A_218, %parallel_loop3A_221 : vector<16xf32>
        %parallel_loop3A_223 = arith.constant 4 : i32
        %parallel_loop3A_224 = vector.broadcast %parallel_loop3A_223 : i32 to vector<16xi32>
        %parallel_loop3A_225 = tpu.vector_load_idx %arg21[%parallel_loop3A_207, %parallel_loop3A_224] : memref<64x16xf32, #tpu.memory_space<vmem>>[vector<16xi32>, vector<16xi32>], vector<16xf32>,
        %parallel_loop3A_226 = arith.addf %parallel_loop3A_222, %parallel_loop3A_225 : vector<16xf32>
        %parallel_loop3A_227 = arith.constant 5 : i32
        %parallel_loop3A_228 = vector.broadcast %parallel_loop3A_227 : i32 to vector<16xi32>
        %parallel_loop3A_229 = tpu.vector_load_idx %arg21[%parallel_loop3A_207, %parallel_loop3A_228] : memref<64x16xf32, #tpu.memory_space<vmem>>[vector<16xi32>, vector<16xi32>], vector<16xf32>,
        %parallel_loop3A_230 = arith.addf %parallel_loop3A_226, %parallel_loop3A_229 : vector<16xf32>
        %parallel_loop3A_231 = arith.constant 6 : i32
        %parallel_loop3A_232 = vector.broadcast %parallel_loop3A_231 : i32 to vector<16xi32>
        %parallel_loop3A_233 = tpu.vector_load_idx %arg21[%parallel_loop3A_207, %parallel_loop3A_232] : memref<64x16xf32, #tpu.memory_space<vmem>>[vector<16xi32>, vector<16xi32>], vector<16xf32>,
        %parallel_loop3A_234 = arith.addf %parallel_loop3A_230, %parallel_loop3A_233 : vector<16xf32>
        %parallel_loop3A_235 = arith.constant 7 : i32
        %parallel_loop3A_236 = vector.broadcast %parallel_loop3A_235 : i32 to vector<16xi32>
        %parallel_loop3A_237 = tpu.vector_load_idx %arg21[%parallel_loop3A_207, %parallel_loop3A_236] : memref<64x16xf32, #tpu.memory_space<vmem>>[vector<16xi32>, vector<16xi32>], vector<16xf32>,
        %parallel_loop3A_238 = arith.addf %parallel_loop3A_234, %parallel_loop3A_237 : vector<16xf32>
        %parallel_loop3A_239 = arith.constant 8 : i32
        %parallel_loop3A_240 = vector.broadcast %parallel_loop3A_239 : i32 to vector<16xi32>
        %parallel_loop3A_241 = tpu.vector_load_idx %arg21[%parallel_loop3A_207, %parallel_loop3A_240] : memref<64x16xf32, #tpu.memory_space<vmem>>[vector<16xi32>, vector<16xi32>], vector<16xf32>,
        %parallel_loop3A_242 = arith.addf %parallel_loop3A_238, %parallel_loop3A_241 : vector<16xf32>
        %parallel_loop3A_243 = arith.constant 9 : i32
        %parallel_loop3A_244 = vector.broadcast %parallel_loop3A_243 : i32 to vector<16xi32>
        %parallel_loop3A_245 = tpu.vector_load_idx %arg21[%parallel_loop3A_207, %parallel_loop3A_244] : memref<64x16xf32, #tpu.memory_space<vmem>>[vector<16xi32>, vector<16xi32>], vector<16xf32>,
        %parallel_loop3A_246 = arith.addf %parallel_loop3A_242, %parallel_loop3A_245 : vector<16xf32>
        %parallel_loop3A_247 = arith.constant 10 : i32
        %parallel_loop3A_248 = vector.broadcast %parallel_loop3A_247 : i32 to vector<16xi32>
        %parallel_loop3A_249 = tpu.vector_load_idx %arg21[%parallel_loop3A_207, %parallel_loop3A_248] : memref<64x16xf32, #tpu.memory_space<vmem>>[vector<16xi32>, vector<16xi32>], vector<16xf32>,
        %parallel_loop3A_250 = arith.addf %parallel_loop3A_246, %parallel_loop3A_249 : vector<16xf32>
        %parallel_loop3A_251 = arith.constant 11 : i32
        %parallel_loop3A_252 = vector.broadcast %parallel_loop3A_251 : i32 to vector<16xi32>
        %parallel_loop3A_253 = tpu.vector_load_idx %arg21[%parallel_loop3A_207, %parallel_loop3A_252] : memref<64x16xf32, #tpu.memory_space<vmem>>[vector<16xi32>, vector<16xi32>], vector<16xf32>,
        %parallel_loop3A_254 = arith.addf %parallel_loop3A_250, %parallel_loop3A_253 : vector<16xf32>
        %parallel_loop3A_255 = arith.constant 12 : i32
        %parallel_loop3A_256 = vector.broadcast %parallel_loop3A_255 : i32 to vector<16xi32>
        %parallel_loop3A_257 = tpu.vector_load_idx %arg21[%parallel_loop3A_207, %parallel_loop3A_256] : memref<64x16xf32, #tpu.memory_space<vmem>>[vector<16xi32>, vector<16xi32>], vector<16xf32>,
        %parallel_loop3A_258 = arith.addf %parallel_loop3A_254, %parallel_loop3A_257 : vector<16xf32>
        %parallel_loop3A_259 = arith.constant 13 : i32
        %parallel_loop3A_260 = vector.broadcast %parallel_loop3A_259 : i32 to vector<16xi32>
        %parallel_loop3A_261 = tpu.vector_load_idx %arg21[%parallel_loop3A_207, %parallel_loop3A_260] : memref<64x16xf32, #tpu.memory_space<vmem>>[vector<16xi32>, vector<16xi32>], vector<16xf32>,
        %parallel_loop3A_262 = arith.addf %parallel_loop3A_258, %parallel_loop3A_261 : vector<16xf32>
        %parallel_loop3A_263 = arith.constant 14 : i32
        %parallel_loop3A_264 = vector.broadcast %parallel_loop3A_263 : i32 to vector<16xi32>
        %parallel_loop3A_265 = tpu.vector_load_idx %arg21[%parallel_loop3A_207, %parallel_loop3A_264] : memref<64x16xf32, #tpu.memory_space<vmem>>[vector<16xi32>, vector<16xi32>], vector<16xf32>,
        %parallel_loop3A_266 = arith.addf %parallel_loop3A_262, %parallel_loop3A_265 : vector<16xf32>
        %parallel_loop3A_267 = arith.constant 15 : i32
        %parallel_loop3A_268 = vector.broadcast %parallel_loop3A_267 : i32 to vector<16xi32>
        %parallel_loop3A_269 = tpu.vector_load_idx %arg21[%parallel_loop3A_207, %parallel_loop3A_268] : memref<64x16xf32, #tpu.memory_space<vmem>>[vector<16xi32>, vector<16xi32>], vector<16xf32>,
        %parallel_loop3A_270 = arith.addf %parallel_loop3A_266, %parallel_loop3A_269 : vector<16xf32>
        %parallel_loop3A_271 = arith.constant 1.250000e-01 : f32
        %parallel_loop3A_272 = vector.broadcast %parallel_loop3A_271 : f32 to vector<16xf32>
        %parallel_loop3A_273 = arith.mulf %parallel_loop3A_270, %parallel_loop3A_272 : vector<16xf32>
        %parallel_loop3A_274 = math.exp %parallel_loop3A_273 : vector<16xf32>
        %parallel_loop3A_275 = arith.constant 16 : i32
        %parallel_loop3A_276 = arith.muli %parallel_loop3A_203, %parallel_loop3A_275 : i32
        %parallel_loop3A_277 = arith.index_cast %parallel_loop3A_276 : i32 to index
        %parallel_loop3A_278 = tpu.vector_load %arg18[%parallel_loop3A_277] {strides = array<i32>} : memref<64xf32, #tpu.memory_space<vmem>>, vector<16xf32>,
        tpu.vector_store %arg18[%parallel_loop3A_277], %parallel_loop3A_274 {strides = array<i32>} : memref<64xf32, #tpu.memory_space<vmem>>, vector<16xf32>,
      } {sc.loop_unroll_factor = 2 : i64, sc.parallel_access}
      %ge3A_183 = arith.constant 2 : i32
      %ge3A_184 = arith.cmpi sge, %add3A_157, %ge3A_183 : i32
      %convert_element_type3A_185 = arith.extui %ge3A_184 : i1 to i32
      %cond3A_186 = arith.constant 0 : i32
      %cond3A_187 = arith.cmpi ne, %convert_element_type3A_185, %cond3A_186 : i32
      scf.if %cond3A_187 {
        %dma_wait3A_203 = arith.constant 0 : i32
        %dma_wait3A_204 = arith.constant 0 : i32
        %dma_wait3A_205 = tpu.memref_slice %arg23[%dma_wait3A_203, %dma_wait3A_204] : memref<10000x96xf32, #tpu.memory_space<vmem_shared>> -> memref<10000x96xf32, #tpu.memory_space<vmem_shared>>
        tpu.wait_indirect_dma semaphore(%arg27 : memref<!tpu.dma_semaphore, #tpu.memory_space<semaphore_mem>>) src(%arg20 : memref<64x96xf32, #tpu.memory_space<vmem>>) dst(%dma_wait3A_205 : memref<10000x96xf32, #tpu.memory_space<vmem_shared>>)
      } else {
      }
      %parallel_loop3A_188 = arith.constant 0 : i32
      %parallel_loop3A_189 = arith.constant 4 : i32
      %parallel_loop3A_190 = arith.constant 1 : i32
      scf.for %parallel_loop3A_203 = %parallel_loop3A_188 to %parallel_loop3A_189 step %parallel_loop3A_190  : i32 {
        %parallel_loop3A_204 = arith.constant 64 : i32
        %parallel_loop3A_205 = arith.muli %add3A_157, %parallel_loop3A_204 : i32
        %parallel_loop3A_206 = arith.constant 16 : i32
        %parallel_loop3A_207 = arith.muli %parallel_loop3A_203, %parallel_loop3A_206 : i32
        %parallel_loop3A_208 = arith.addi %parallel_loop3A_205, %parallel_loop3A_207 : i32
        %parallel_loop3A_209 = arith.index_cast %parallel_loop3A_208 : i32 to index
        %parallel_loop3A_210 = tpu.vector_load %arg9[%parallel_loop3A_209] {strides = array<i32>} : memref<10496xi32, #tpu.memory_space<vmem>>, vector<16xi32>,
        %parallel_loop3A_211 = arith.constant 16 : i32
        %parallel_loop3A_212 = arith.muli %parallel_loop3A_203, %parallel_loop3A_211 : i32
        %parallel_loop3A_213 = arith.index_cast %parallel_loop3A_212 : i32 to index
        %parallel_loop3A_214 = tpu.vector_load %arg11[%parallel_loop3A_213] {strides = array<i32>} : memref<64xi32, #tpu.memory_space<vmem>>, vector<16xi32>,
        tpu.vector_store %arg11[%parallel_loop3A_213], %parallel_loop3A_210 {strides = array<i32>} : memref<64xi32, #tpu.memory_space<vmem>>, vector<16xi32>,
      } {sc.loop_unroll_factor = 1 : i64, sc.parallel_access}
      %parallel_loop3A_191 = arith.constant 0 : i32
      %parallel_loop3A_192 = arith.constant 64 : i32
      %parallel_loop3A_193 = arith.constant 1 : i32
      scf.for %parallel_loop3A_203 = %parallel_loop3A_191 to %parallel_loop3A_192 step %parallel_loop3A_193  : i32 {
        %parallel_loop3A_204 = vector.broadcast %parallel_loop3A_203 : i32 to vector<16xi32>
        %parallel_loop3A_205 = tpu.vector_load_idx %arg18[%parallel_loop3A_204] : memref<64xf32, #tpu.memory_space<vmem>>[vector<16xi32>], vector<16xf32>,
        %parallel_loop3A_206 = arith.index_cast %parallel_loop3A_203 : i32 to index
        %parallel_loop3A_207 = arith.constant 64 : index
        %parallel_loop3A_208 = tpu.vector_load %arg15[%parallel_loop3A_206, %parallel_loop3A_207] {strides = array<i32>} : memref<64x128xf32, #tpu.memory_space<vmem>>, vector<16xf32>,
        %parallel_loop3A_209 = arith.mulf %parallel_loop3A_205, %parallel_loop3A_208 : vector<16xf32>
        %parallel_loop3A_210 = arith.index_cast %parallel_loop3A_203 : i32 to index
        %parallel_loop3A_211 = arith.constant 0 : index
        %parallel_loop3A_212 = tpu.vector_load %arg20[%parallel_loop3A_210, %parallel_loop3A_211] {strides = array<i32>} : memref<64x96xf32, #tpu.memory_space<vmem>>, vector<16xf32>,
        tpu.vector_store %arg20[%parallel_loop3A_210, %parallel_loop3A_211], %parallel_loop3A_209 {strides = array<i32>} : memref<64x96xf32, #tpu.memory_space<vmem>>, vector<16xf32>,
        %parallel_loop3A_213 = arith.index_cast %parallel_loop3A_203 : i32 to index
        %parallel_loop3A_214 = arith.constant 80 : index
        %parallel_loop3A_215 = tpu.vector_load %arg15[%parallel_loop3A_213, %parallel_loop3A_214] {strides = array<i32>} : memref<64x128xf32, #tpu.memory_space<vmem>>, vector<16xf32>,
        %parallel_loop3A_216 = arith.mulf %parallel_loop3A_205, %parallel_loop3A_215 : vector<16xf32>
        %parallel_loop3A_217 = arith.index_cast %parallel_loop3A_203 : i32 to index
        %parallel_loop3A_218 = arith.constant 16 : index
        %parallel_loop3A_219 = tpu.vector_load %arg20[%parallel_loop3A_217, %parallel_loop3A_218] {strides = array<i32>} : memref<64x96xf32, #tpu.memory_space<vmem>>, vector<16xf32>,
        tpu.vector_store %arg20[%parallel_loop3A_217, %parallel_loop3A_218], %parallel_loop3A_216 {strides = array<i32>} : memref<64x96xf32, #tpu.memory_space<vmem>>, vector<16xf32>,
        %parallel_loop3A_220 = arith.index_cast %parallel_loop3A_203 : i32 to index
        %parallel_loop3A_221 = arith.constant 96 : index
        %parallel_loop3A_222 = tpu.vector_load %arg15[%parallel_loop3A_220, %parallel_loop3A_221] {strides = array<i32>} : memref<64x128xf32, #tpu.memory_space<vmem>>, vector<16xf32>,
        %parallel_loop3A_223 = arith.mulf %parallel_loop3A_205, %parallel_loop3A_222 : vector<16xf32>
        %parallel_loop3A_224 = arith.index_cast %parallel_loop3A_203 : i32 to index
        %parallel_loop3A_225 = arith.constant 32 : index
        %parallel_loop3A_226 = tpu.vector_load %arg20[%parallel_loop3A_224, %parallel_loop3A_225] {strides = array<i32>} : memref<64x96xf32, #tpu.memory_space<vmem>>, vector<16xf32>,
        tpu.vector_store %arg20[%parallel_loop3A_224, %parallel_loop3A_225], %parallel_loop3A_223 {strides = array<i32>} : memref<64x96xf32, #tpu.memory_space<vmem>>, vector<16xf32>,
        %parallel_loop3A_227 = arith.index_cast %parallel_loop3A_203 : i32 to index
        %parallel_loop3A_228 = arith.constant 112 : index
        %parallel_loop3A_229 = tpu.vector_load %arg15[%parallel_loop3A_227, %parallel_loop3A_228] {strides = array<i32>} : memref<64x128xf32, #tpu.memory_space<vmem>>, vector<16xf32>,
        %parallel_loop3A_230 = arith.mulf %parallel_loop3A_205, %parallel_loop3A_229 : vector<16xf32>
        %parallel_loop3A_231 = arith.index_cast %parallel_loop3A_203 : i32 to index
        %parallel_loop3A_232 = arith.constant 48 : index
        %parallel_loop3A_233 = tpu.vector_load %arg20[%parallel_loop3A_231, %parallel_loop3A_232] {strides = array<i32>} : memref<64x96xf32, #tpu.memory_space<vmem>>, vector<16xf32>,
        tpu.vector_store %arg20[%parallel_loop3A_231, %parallel_loop3A_232], %parallel_loop3A_230 {strides = array<i32>} : memref<64x96xf32, #tpu.memory_space<vmem>>, vector<16xf32>,
        %parallel_loop3A_234 = arith.index_cast %parallel_loop3A_203 : i32 to index
        %parallel_loop3A_235 = arith.constant 0 : index
        %parallel_loop3A_236 = tpu.vector_load %arg17[%parallel_loop3A_234, %parallel_loop3A_235] {strides = array<i32>} : memref<64x16xf32, #tpu.memory_space<vmem>>, vector<16xf32>,
        %parallel_loop3A_237 = arith.mulf %parallel_loop3A_205, %parallel_loop3A_236 : vector<16xf32>
        %parallel_loop3A_238 = arith.index_cast %parallel_loop3A_203 : i32 to index
        %parallel_loop3A_239 = arith.constant 64 : index
        %parallel_loop3A_240 = tpu.vector_load %arg20[%parallel_loop3A_238, %parallel_loop3A_239] {strides = array<i32>} : memref<64x96xf32, #tpu.memory_space<vmem>>, vector<16xf32>,
        tpu.vector_store %arg20[%parallel_loop3A_238, %parallel_loop3A_239], %parallel_loop3A_237 {strides = array<i32>} : memref<64x96xf32, #tpu.memory_space<vmem>>, vector<16xf32>,
        %parallel_loop3A_241 = arith.index_cast %parallel_loop3A_203 : i32 to index
        %parallel_loop3A_242 = arith.constant 80 : index
        %parallel_loop3A_243 = tpu.vector_load %arg20[%parallel_loop3A_241, %parallel_loop3A_242] {strides = array<i32>} : memref<64x96xf32, #tpu.memory_space<vmem>>, vector<16xf32>,
        tpu.vector_store %arg20[%parallel_loop3A_241, %parallel_loop3A_242], %parallel_loop3A_205 {strides = array<i32>} : memref<64x96xf32, #tpu.memory_space<vmem>>, vector<16xf32>,
      } {sc.loop_unroll_factor = 4 : i64, sc.parallel_access}
      %dma_start3A_194 = arith.constant 0 : i32
      %dma_start3A_195 = arith.constant 0 : i32
      %dma_start3A_196 = tpu.memref_slice %arg23[%dma_start3A_194, %dma_start3A_195] : memref<10000x96xf32, #tpu.memory_space<vmem_shared>> -> memref<10000x96xf32, #tpu.memory_space<vmem_shared>>
      tpu.enqueue_indirect_dma source(%arg20 : memref<64x96xf32, #tpu.memory_space<vmem>>) target(%dma_start3A_196 : memref<10000x96xf32, #tpu.memory_space<vmem_shared>>) offsets(%arg11 : memref<64xi32, #tpu.memory_space<vmem>>) semaphore(%arg27 : memref<!tpu.dma_semaphore, #tpu.memory_space<semaphore_mem>>) {add = true}
      %add3A_197 = arith.constant 2 : i32
      %add3A_198 = arith.addi %add3A_157, %add3A_197 : i32
      %lt3A_199 = arith.cmpi slt, %add3A_198, %select_n3A : i32
      %convert_element_type3A_200 = arith.extui %lt3A_199 : i1 to i32
      %cond3A_201 = arith.constant 0 : i32
      %cond3A_202 = arith.cmpi ne, %convert_element_type3A_200, %cond3A_201 : i32
      scf.if %cond3A_202 {
        %add3A_203 = arith.constant 2 : i32
        %add3A_204 = arith.addi %add3A_157, %add3A_203 : i32
        %mul3A_205 = arith.constant 64 : i32
        %mul3A_206 = arith.muli %add3A_204, %mul3A_205 : i32
        %mul3A_207 = arith.constant 64 : i32
        %mul3A_208 = arith.muli %add3A_204, %mul3A_207 : i32
        %mul3A_209 = arith.constant 64 : i32
        %mul3A_210 = arith.muli %add3A_204, %mul3A_209 : i32
        %add3A_211 = arith.addi %mul3A_6, %mul3A_210 : i32
        %dma_start3A_212 = tpu.memref_slice %arg8[%mul3A_206] : memref<10496xi32, #tpu.memory_space<vmem>> -> memref<64xi32, #tpu.memory_space<vmem>>
        %dma_start3A_213 = arith.constant 0 : i32
        %dma_start3A_214 = arith.constant 0 : i32
        %dma_start3A_215 = tpu.memref_slice %arg5[%dma_start3A_213, %dma_start3A_214] : memref<10000x128xf32, #tpu.memory_space<hbm>> -> memref<10000x128xf32, #tpu.memory_space<hbm>>
        tpu.enqueue_indirect_dma source(%dma_start3A_215 : memref<10000x128xf32, #tpu.memory_space<hbm>>) target(%arg15 : memref<64x128xf32, #tpu.memory_space<vmem>>) offsets(%dma_start3A_212 : memref<64xi32, #tpu.memory_space<vmem>>) semaphore(%arg25 : memref<!tpu.dma_semaphore, #tpu.memory_space<semaphore_mem>>)
        %dma_start3A_216 = tpu.memref_slice %arg9[%mul3A_208] : memref<10496xi32, #tpu.memory_space<vmem>> -> memref<64xi32, #tpu.memory_space<vmem>>
        %dma_start3A_217 = arith.constant 0 : i32
        %dma_start3A_218 = arith.constant 0 : i32
        %dma_start3A_219 = tpu.memref_slice %arg6[%dma_start3A_217, %dma_start3A_218] : memref<10000x80xf32, #tpu.memory_space<hbm>> -> memref<10000x80xf32, #tpu.memory_space<hbm>>
        tpu.enqueue_indirect_dma source(%dma_start3A_219 : memref<10000x80xf32, #tpu.memory_space<hbm>>) target(%arg16 : memref<64x80xf32, #tpu.memory_space<vmem>>) offsets(%dma_start3A_216 : memref<64xi32, #tpu.memory_space<vmem>>) semaphore(%arg25 : memref<!tpu.dma_semaphore, #tpu.memory_space<semaphore_mem>>)
        %dma_start3A_220 = arith.constant 0 : i32
        %dma_start3A_221 = tpu.memref_slice %arg4[%add3A_211, %dma_start3A_220] : memref<320000x16xf32, #tpu.memory_space<hbm>> -> memref<64x16xf32, #tpu.memory_space<hbm>>
        %dma_start3A_222 = arith.constant 0 : i32
        %dma_start3A_223 = tpu.memref_slice %arg4[%add3A_211, %dma_start3A_222] : memref<320000x16xf32, #tpu.memory_space<hbm>> -> memref<64x16xf32, #tpu.memory_space<hbm>>
        tpu.enqueue_dma source(%dma_start3A_223 : memref<64x16xf32, #tpu.memory_space<hbm>>) target(%arg17 : memref<64x16xf32, #tpu.memory_space<vmem>>) target_semaphore(%arg25 : memref<!tpu.dma_semaphore, #tpu.memory_space<semaphore_mem>>)
      } else {
      }
    }
    %while3A_89 = arith.constant 1 : i32
    scf.for %while3A_105 = %while3A_87 to %while3A_83 step %while3A_89  : i32 {
      %mul3A_106 = arith.muli %while3A_105, %while3A : i32
      %add3A_107 = arith.addi %while3A_80, %mul3A_106 : i32
      %mul3A_108 = arith.constant 2 : i32
      %mul3A_109 = arith.muli %mul3A_108, %add3A_107 : i32
      %add3A_110 = arith.constant 0 : i32
      %add3A_111 = arith.addi %mul3A_109, %add3A_110 : i32
      %mul3A_112 = arith.constant 64 : i32
      %mul3A_113 = arith.muli %add3A_111, %mul3A_112 : i32
      %mul3A_114 = arith.constant 64 : i32
      %mul3A_115 = arith.muli %add3A_111, %mul3A_114 : i32
      %mul3A_116 = arith.constant 64 : i32
      %mul3A_117 = arith.muli %add3A_111, %mul3A_116 : i32
      %add3A_118 = arith.addi %mul3A_6, %mul3A_117 : i32
      %dma_wait3A_119 = tpu.memref_slice %arg8[%mul3A_113] : memref<10496xi32, #tpu.memory_space<vmem>> -> memref<64xi32, #tpu.memory_space<vmem>>
      %dma_wait3A_120 = arith.constant 0 : i32
      %dma_wait3A_121 = arith.constant 0 : i32
      %dma_wait3A_122 = tpu.memref_slice %arg5[%dma_wait3A_120, %dma_wait3A_121] : memref<10000x128xf32, #tpu.memory_space<hbm>> -> memref<10000x128xf32, #tpu.memory_space<hbm>>
      tpu.wait_indirect_dma semaphore(%arg24 : memref<!tpu.dma_semaphore, #tpu.memory_space<semaphore_mem>>) src(%dma_wait3A_122 : memref<10000x128xf32, #tpu.memory_space<hbm>>) dst(%arg12 : memref<64x128xf32, #tpu.memory_space<vmem>>)
      %dma_wait3A_123 = tpu.memref_slice %arg9[%mul3A_115] : memref<10496xi32, #tpu.memory_space<vmem>> -> memref<64xi32, #tpu.memory_space<vmem>>
      %dma_wait3A_124 = arith.constant 0 : i32
      %dma_wait3A_125 = arith.constant 0 : i32
      %dma_wait3A_126 = tpu.memref_slice %arg6[%dma_wait3A_124, %dma_wait3A_125] : memref<10000x80xf32, #tpu.memory_space<hbm>> -> memref<10000x80xf32, #tpu.memory_space<hbm>>
      tpu.wait_indirect_dma semaphore(%arg24 : memref<!tpu.dma_semaphore, #tpu.memory_space<semaphore_mem>>) src(%dma_wait3A_126 : memref<10000x80xf32, #tpu.memory_space<hbm>>) dst(%arg13 : memref<64x80xf32, #tpu.memory_space<vmem>>)
      %dma_wait3A_127 = arith.constant 0 : i32
      %dma_wait3A_128 = tpu.memref_slice %arg4[%add3A_118, %dma_wait3A_127] : memref<320000x16xf32, #tpu.memory_space<hbm>> -> memref<64x16xf32, #tpu.memory_space<hbm>>
      %dma_wait3A_129 = arith.constant 0 : i32
      %dma_wait3A_130 = tpu.memref_slice %arg4[%add3A_118, %dma_wait3A_129] : memref<320000x16xf32, #tpu.memory_space<hbm>> -> memref<64x16xf32, #tpu.memory_space<hbm>>
      tpu.wait_dma2 semaphore(%arg24 : memref<!tpu.dma_semaphore, #tpu.memory_space<semaphore_mem>>) src(%dma_wait3A_130 : memref<64x16xf32, #tpu.memory_space<hbm>>) dst(%arg14 : memref<64x16xf32, #tpu.memory_space<vmem>>)
      %parallel_loop3A = arith.constant 0 : i32
      %parallel_loop3A_131 = arith.constant 64 : i32
      %parallel_loop3A_132 = arith.constant 1 : i32
      scf.for %parallel_loop3A_203 = %parallel_loop3A to %parallel_loop3A_131 step %parallel_loop3A_132  : i32 {
        %parallel_loop3A_204 = arith.index_cast %parallel_loop3A_203 : i32 to index
        %parallel_loop3A_205 = arith.constant 64 : index
        %parallel_loop3A_206 = tpu.vector_load %arg13[%parallel_loop3A_204, %parallel_loop3A_205] {strides = array<i32>} : memref<64x80xf32, #tpu.memory_space<vmem>>, vector<16xf32>,
        %parallel_loop3A_207 = arith.index_cast %parallel_loop3A_203 : i32 to index
        %parallel_loop3A_208 = arith.constant 0 : index
        %parallel_loop3A_209 = tpu.vector_load %arg14[%parallel_loop3A_207, %parallel_loop3A_208] {strides = array<i32>} : memref<64x16xf32, #tpu.memory_space<vmem>>, vector<16xf32>,
        %parallel_loop3A_210 = arith.mulf %parallel_loop3A_206, %parallel_loop3A_209 : vector<16xf32>
        %parallel_loop3A_211 = arith.index_cast %parallel_loop3A_203 : i32 to index
        %parallel_loop3A_212 = arith.constant 0 : index
        %parallel_loop3A_213 = tpu.vector_load %arg13[%parallel_loop3A_211, %parallel_loop3A_212] {strides = array<i32>} : memref<64x80xf32, #tpu.memory_space<vmem>>, vector<16xf32>,
        %parallel_loop3A_214 = arith.index_cast %parallel_loop3A_203 : i32 to index
        %parallel_loop3A_215 = arith.constant 0 : index
        %parallel_loop3A_216 = tpu.vector_load %arg12[%parallel_loop3A_214, %parallel_loop3A_215] {strides = array<i32>} : memref<64x128xf32, #tpu.memory_space<vmem>>, vector<16xf32>,
        %parallel_loop3A_217 = arith.mulf %parallel_loop3A_213, %parallel_loop3A_216 : vector<16xf32>
        %parallel_loop3A_218 = arith.addf %parallel_loop3A_210, %parallel_loop3A_217 : vector<16xf32>
        %parallel_loop3A_219 = arith.index_cast %parallel_loop3A_203 : i32 to index
        %parallel_loop3A_220 = arith.constant 16 : index
        %parallel_loop3A_221 = tpu.vector_load %arg13[%parallel_loop3A_219, %parallel_loop3A_220] {strides = array<i32>} : memref<64x80xf32, #tpu.memory_space<vmem>>, vector<16xf32>,
        %parallel_loop3A_222 = arith.index_cast %parallel_loop3A_203 : i32 to index
        %parallel_loop3A_223 = arith.constant 16 : index
        %parallel_loop3A_224 = tpu.vector_load %arg12[%parallel_loop3A_222, %parallel_loop3A_223] {strides = array<i32>} : memref<64x128xf32, #tpu.memory_space<vmem>>, vector<16xf32>,
        %parallel_loop3A_225 = arith.mulf %parallel_loop3A_221, %parallel_loop3A_224 : vector<16xf32>
        %parallel_loop3A_226 = arith.addf %parallel_loop3A_218, %parallel_loop3A_225 : vector<16xf32>
        %parallel_loop3A_227 = arith.index_cast %parallel_loop3A_203 : i32 to index
        %parallel_loop3A_228 = arith.constant 32 : index
        %parallel_loop3A_229 = tpu.vector_load %arg13[%parallel_loop3A_227, %parallel_loop3A_228] {strides = array<i32>} : memref<64x80xf32, #tpu.memory_space<vmem>>, vector<16xf32>,
        %parallel_loop3A_230 = arith.index_cast %parallel_loop3A_203 : i32 to index
        %parallel_loop3A_231 = arith.constant 32 : index
        %parallel_loop3A_232 = tpu.vector_load %arg12[%parallel_loop3A_230, %parallel_loop3A_231] {strides = array<i32>} : memref<64x128xf32, #tpu.memory_space<vmem>>, vector<16xf32>,
        %parallel_loop3A_233 = arith.mulf %parallel_loop3A_229, %parallel_loop3A_232 : vector<16xf32>
        %parallel_loop3A_234 = arith.addf %parallel_loop3A_226, %parallel_loop3A_233 : vector<16xf32>
        %parallel_loop3A_235 = arith.index_cast %parallel_loop3A_203 : i32 to index
        %parallel_loop3A_236 = arith.constant 48 : index
        %parallel_loop3A_237 = tpu.vector_load %arg13[%parallel_loop3A_235, %parallel_loop3A_236] {strides = array<i32>} : memref<64x80xf32, #tpu.memory_space<vmem>>, vector<16xf32>,
        %parallel_loop3A_238 = arith.index_cast %parallel_loop3A_203 : i32 to index
        %parallel_loop3A_239 = arith.constant 48 : index
        %parallel_loop3A_240 = tpu.vector_load %arg12[%parallel_loop3A_238, %parallel_loop3A_239] {strides = array<i32>} : memref<64x128xf32, #tpu.memory_space<vmem>>, vector<16xf32>,
        %parallel_loop3A_241 = arith.mulf %parallel_loop3A_237, %parallel_loop3A_240 : vector<16xf32>
        %parallel_loop3A_242 = arith.addf %parallel_loop3A_234, %parallel_loop3A_241 : vector<16xf32>
        %parallel_loop3A_243 = arith.index_cast %parallel_loop3A_203 : i32 to index
        %parallel_loop3A_244 = arith.constant 0 : index
        %parallel_loop3A_245 = tpu.vector_load %arg21[%parallel_loop3A_243, %parallel_loop3A_244] {strides = array<i32>} : memref<64x16xf32, #tpu.memory_space<vmem>>, vector<16xf32>,
        tpu.vector_store %arg21[%parallel_loop3A_243, %parallel_loop3A_244], %parallel_loop3A_242 {strides = array<i32>} : memref<64x16xf32, #tpu.memory_space<vmem>>, vector<16xf32>,
      } {sc.loop_unroll_factor = 4 : i64, sc.parallel_access}
      %parallel_loop3A_133 = arith.constant 0 : i32
      %parallel_loop3A_134 = arith.constant 4 : i32
      %parallel_loop3A_135 = arith.constant 1 : i32
      scf.for %parallel_loop3A_203 = %parallel_loop3A_133 to %parallel_loop3A_134 step %parallel_loop3A_135  : i32 {
        %parallel_loop3A_204 = arith.constant 16 : i32
        %parallel_loop3A_205 = arith.muli %parallel_loop3A_203, %parallel_loop3A_204 : i32
        %parallel_loop3A_206 = vector.broadcast %parallel_loop3A_205 : i32 to vector<16xi32>
        %parallel_loop3A_207 = arith.addi %parallel_loop3A_206, %iota3A : vector<16xi32>
        %parallel_loop3A_208 = arith.constant 0 : i32
        %parallel_loop3A_209 = vector.broadcast %parallel_loop3A_208 : i32 to vector<16xi32>
        %parallel_loop3A_210 = tpu.vector_load_idx %arg21[%parallel_loop3A_207, %parallel_loop3A_209] : memref<64x16xf32, #tpu.memory_space<vmem>>[vector<16xi32>, vector<16xi32>], vector<16xf32>,
        %parallel_loop3A_211 = arith.constant 1 : i32
        %parallel_loop3A_212 = vector.broadcast %parallel_loop3A_211 : i32 to vector<16xi32>
        %parallel_loop3A_213 = tpu.vector_load_idx %arg21[%parallel_loop3A_207, %parallel_loop3A_212] : memref<64x16xf32, #tpu.memory_space<vmem>>[vector<16xi32>, vector<16xi32>], vector<16xf32>,
        %parallel_loop3A_214 = arith.addf %parallel_loop3A_210, %parallel_loop3A_213 : vector<16xf32>
        %parallel_loop3A_215 = arith.constant 2 : i32
        %parallel_loop3A_216 = vector.broadcast %parallel_loop3A_215 : i32 to vector<16xi32>
        %parallel_loop3A_217 = tpu.vector_load_idx %arg21[%parallel_loop3A_207, %parallel_loop3A_216] : memref<64x16xf32, #tpu.memory_space<vmem>>[vector<16xi32>, vector<16xi32>], vector<16xf32>,
        %parallel_loop3A_218 = arith.addf %parallel_loop3A_214, %parallel_loop3A_217 : vector<16xf32>
        %parallel_loop3A_219 = arith.constant 3 : i32
        %parallel_loop3A_220 = vector.broadcast %parallel_loop3A_219 : i32 to vector<16xi32>
        %parallel_loop3A_221 = tpu.vector_load_idx %arg21[%parallel_loop3A_207, %parallel_loop3A_220] : memref<64x16xf32, #tpu.memory_space<vmem>>[vector<16xi32>, vector<16xi32>], vector<16xf32>,
        %parallel_loop3A_222 = arith.addf %parallel_loop3A_218, %parallel_loop3A_221 : vector<16xf32>
        %parallel_loop3A_223 = arith.constant 4 : i32
        %parallel_loop3A_224 = vector.broadcast %parallel_loop3A_223 : i32 to vector<16xi32>
        %parallel_loop3A_225 = tpu.vector_load_idx %arg21[%parallel_loop3A_207, %parallel_loop3A_224] : memref<64x16xf32, #tpu.memory_space<vmem>>[vector<16xi32>, vector<16xi32>], vector<16xf32>,
        %parallel_loop3A_226 = arith.addf %parallel_loop3A_222, %parallel_loop3A_225 : vector<16xf32>
        %parallel_loop3A_227 = arith.constant 5 : i32
        %parallel_loop3A_228 = vector.broadcast %parallel_loop3A_227 : i32 to vector<16xi32>
        %parallel_loop3A_229 = tpu.vector_load_idx %arg21[%parallel_loop3A_207, %parallel_loop3A_228] : memref<64x16xf32, #tpu.memory_space<vmem>>[vector<16xi32>, vector<16xi32>], vector<16xf32>,
        %parallel_loop3A_230 = arith.addf %parallel_loop3A_226, %parallel_loop3A_229 : vector<16xf32>
        %parallel_loop3A_231 = arith.constant 6 : i32
        %parallel_loop3A_232 = vector.broadcast %parallel_loop3A_231 : i32 to vector<16xi32>
        %parallel_loop3A_233 = tpu.vector_load_idx %arg21[%parallel_loop3A_207, %parallel_loop3A_232] : memref<64x16xf32, #tpu.memory_space<vmem>>[vector<16xi32>, vector<16xi32>], vector<16xf32>,
        %parallel_loop3A_234 = arith.addf %parallel_loop3A_230, %parallel_loop3A_233 : vector<16xf32>
        %parallel_loop3A_235 = arith.constant 7 : i32
        %parallel_loop3A_236 = vector.broadcast %parallel_loop3A_235 : i32 to vector<16xi32>
        %parallel_loop3A_237 = tpu.vector_load_idx %arg21[%parallel_loop3A_207, %parallel_loop3A_236] : memref<64x16xf32, #tpu.memory_space<vmem>>[vector<16xi32>, vector<16xi32>], vector<16xf32>,
        %parallel_loop3A_238 = arith.addf %parallel_loop3A_234, %parallel_loop3A_237 : vector<16xf32>
        %parallel_loop3A_239 = arith.constant 8 : i32
        %parallel_loop3A_240 = vector.broadcast %parallel_loop3A_239 : i32 to vector<16xi32>
        %parallel_loop3A_241 = tpu.vector_load_idx %arg21[%parallel_loop3A_207, %parallel_loop3A_240] : memref<64x16xf32, #tpu.memory_space<vmem>>[vector<16xi32>, vector<16xi32>], vector<16xf32>,
        %parallel_loop3A_242 = arith.addf %parallel_loop3A_238, %parallel_loop3A_241 : vector<16xf32>
        %parallel_loop3A_243 = arith.constant 9 : i32
        %parallel_loop3A_244 = vector.broadcast %parallel_loop3A_243 : i32 to vector<16xi32>
        %parallel_loop3A_245 = tpu.vector_load_idx %arg21[%parallel_loop3A_207, %parallel_loop3A_244] : memref<64x16xf32, #tpu.memory_space<vmem>>[vector<16xi32>, vector<16xi32>], vector<16xf32>,
        %parallel_loop3A_246 = arith.addf %parallel_loop3A_242, %parallel_loop3A_245 : vector<16xf32>
        %parallel_loop3A_247 = arith.constant 10 : i32
        %parallel_loop3A_248 = vector.broadcast %parallel_loop3A_247 : i32 to vector<16xi32>
        %parallel_loop3A_249 = tpu.vector_load_idx %arg21[%parallel_loop3A_207, %parallel_loop3A_248] : memref<64x16xf32, #tpu.memory_space<vmem>>[vector<16xi32>, vector<16xi32>], vector<16xf32>,
        %parallel_loop3A_250 = arith.addf %parallel_loop3A_246, %parallel_loop3A_249 : vector<16xf32>
        %parallel_loop3A_251 = arith.constant 11 : i32
        %parallel_loop3A_252 = vector.broadcast %parallel_loop3A_251 : i32 to vector<16xi32>
        %parallel_loop3A_253 = tpu.vector_load_idx %arg21[%parallel_loop3A_207, %parallel_loop3A_252] : memref<64x16xf32, #tpu.memory_space<vmem>>[vector<16xi32>, vector<16xi32>], vector<16xf32>,
        %parallel_loop3A_254 = arith.addf %parallel_loop3A_250, %parallel_loop3A_253 : vector<16xf32>
        %parallel_loop3A_255 = arith.constant 12 : i32
        %parallel_loop3A_256 = vector.broadcast %parallel_loop3A_255 : i32 to vector<16xi32>
        %parallel_loop3A_257 = tpu.vector_load_idx %arg21[%parallel_loop3A_207, %parallel_loop3A_256] : memref<64x16xf32, #tpu.memory_space<vmem>>[vector<16xi32>, vector<16xi32>], vector<16xf32>,
        %parallel_loop3A_258 = arith.addf %parallel_loop3A_254, %parallel_loop3A_257 : vector<16xf32>
        %parallel_loop3A_259 = arith.constant 13 : i32
        %parallel_loop3A_260 = vector.broadcast %parallel_loop3A_259 : i32 to vector<16xi32>
        %parallel_loop3A_261 = tpu.vector_load_idx %arg21[%parallel_loop3A_207, %parallel_loop3A_260] : memref<64x16xf32, #tpu.memory_space<vmem>>[vector<16xi32>, vector<16xi32>], vector<16xf32>,
        %parallel_loop3A_262 = arith.addf %parallel_loop3A_258, %parallel_loop3A_261 : vector<16xf32>
        %parallel_loop3A_263 = arith.constant 14 : i32
        %parallel_loop3A_264 = vector.broadcast %parallel_loop3A_263 : i32 to vector<16xi32>
        %parallel_loop3A_265 = tpu.vector_load_idx %arg21[%parallel_loop3A_207, %parallel_loop3A_264] : memref<64x16xf32, #tpu.memory_space<vmem>>[vector<16xi32>, vector<16xi32>], vector<16xf32>,
        %parallel_loop3A_266 = arith.addf %parallel_loop3A_262, %parallel_loop3A_265 : vector<16xf32>
        %parallel_loop3A_267 = arith.constant 15 : i32
        %parallel_loop3A_268 = vector.broadcast %parallel_loop3A_267 : i32 to vector<16xi32>
        %parallel_loop3A_269 = tpu.vector_load_idx %arg21[%parallel_loop3A_207, %parallel_loop3A_268] : memref<64x16xf32, #tpu.memory_space<vmem>>[vector<16xi32>, vector<16xi32>], vector<16xf32>,
        %parallel_loop3A_270 = arith.addf %parallel_loop3A_266, %parallel_loop3A_269 : vector<16xf32>
        %parallel_loop3A_271 = arith.constant 1.250000e-01 : f32
        %parallel_loop3A_272 = vector.broadcast %parallel_loop3A_271 : f32 to vector<16xf32>
        %parallel_loop3A_273 = arith.mulf %parallel_loop3A_270, %parallel_loop3A_272 : vector<16xf32>
        %parallel_loop3A_274 = math.exp %parallel_loop3A_273 : vector<16xf32>
        %parallel_loop3A_275 = arith.constant 16 : i32
        %parallel_loop3A_276 = arith.muli %parallel_loop3A_203, %parallel_loop3A_275 : i32
        %parallel_loop3A_277 = arith.index_cast %parallel_loop3A_276 : i32 to index
        %parallel_loop3A_278 = tpu.vector_load %arg18[%parallel_loop3A_277] {strides = array<i32>} : memref<64xf32, #tpu.memory_space<vmem>>, vector<16xf32>,
        tpu.vector_store %arg18[%parallel_loop3A_277], %parallel_loop3A_274 {strides = array<i32>} : memref<64xf32, #tpu.memory_space<vmem>>, vector<16xf32>,
      } {sc.loop_unroll_factor = 2 : i64, sc.parallel_access}
      %ge3A = arith.constant 2 : i32
      %ge3A_136 = arith.cmpi sge, %add3A_111, %ge3A : i32
      %convert_element_type3A_137 = arith.extui %ge3A_136 : i1 to i32
      %cond3A_138 = arith.constant 0 : i32
      %cond3A_139 = arith.cmpi ne, %convert_element_type3A_137, %cond3A_138 : i32
      scf.if %cond3A_139 {
        %dma_wait3A_203 = arith.constant 0 : i32
        %dma_wait3A_204 = arith.constant 0 : i32
        %dma_wait3A_205 = tpu.memref_slice %arg23[%dma_wait3A_203, %dma_wait3A_204] : memref<10000x96xf32, #tpu.memory_space<vmem_shared>> -> memref<10000x96xf32, #tpu.memory_space<vmem_shared>>
        tpu.wait_indirect_dma semaphore(%arg26 : memref<!tpu.dma_semaphore, #tpu.memory_space<semaphore_mem>>) src(%arg19 : memref<64x96xf32, #tpu.memory_space<vmem>>) dst(%dma_wait3A_205 : memref<10000x96xf32, #tpu.memory_space<vmem_shared>>)
      } else {
      }
      %parallel_loop3A_140 = arith.constant 0 : i32
      %parallel_loop3A_141 = arith.constant 4 : i32
      %parallel_loop3A_142 = arith.constant 1 : i32
      scf.for %parallel_loop3A_203 = %parallel_loop3A_140 to %parallel_loop3A_141 step %parallel_loop3A_142  : i32 {
        %parallel_loop3A_204 = arith.constant 64 : i32
        %parallel_loop3A_205 = arith.muli %add3A_111, %parallel_loop3A_204 : i32
        %parallel_loop3A_206 = arith.constant 16 : i32
        %parallel_loop3A_207 = arith.muli %parallel_loop3A_203, %parallel_loop3A_206 : i32
        %parallel_loop3A_208 = arith.addi %parallel_loop3A_205, %parallel_loop3A_207 : i32
        %parallel_loop3A_209 = arith.index_cast %parallel_loop3A_208 : i32 to index
        %parallel_loop3A_210 = tpu.vector_load %arg9[%parallel_loop3A_209] {strides = array<i32>} : memref<10496xi32, #tpu.memory_space<vmem>>, vector<16xi32>,
        %parallel_loop3A_211 = arith.constant 16 : i32
        %parallel_loop3A_212 = arith.muli %parallel_loop3A_203, %parallel_loop3A_211 : i32
        %parallel_loop3A_213 = arith.index_cast %parallel_loop3A_212 : i32 to index
        %parallel_loop3A_214 = tpu.vector_load %arg10[%parallel_loop3A_213] {strides = array<i32>} : memref<64xi32, #tpu.memory_space<vmem>>, vector<16xi32>,
        tpu.vector_store %arg10[%parallel_loop3A_213], %parallel_loop3A_210 {strides = array<i32>} : memref<64xi32, #tpu.memory_space<vmem>>, vector<16xi32>,
      } {sc.loop_unroll_factor = 1 : i64, sc.parallel_access}
      %parallel_loop3A_143 = arith.constant 0 : i32
      %parallel_loop3A_144 = arith.constant 64 : i32
      %parallel_loop3A_145 = arith.constant 1 : i32
      scf.for %parallel_loop3A_203 = %parallel_loop3A_143 to %parallel_loop3A_144 step %parallel_loop3A_145  : i32 {
        %parallel_loop3A_204 = vector.broadcast %parallel_loop3A_203 : i32 to vector<16xi32>
        %parallel_loop3A_205 = tpu.vector_load_idx %arg18[%parallel_loop3A_204] : memref<64xf32, #tpu.memory_space<vmem>>[vector<16xi32>], vector<16xf32>,
        %parallel_loop3A_206 = arith.index_cast %parallel_loop3A_203 : i32 to index
        %parallel_loop3A_207 = arith.constant 64 : index
        %parallel_loop3A_208 = tpu.vector_load %arg12[%parallel_loop3A_206, %parallel_loop3A_207] {strides = array<i32>} : memref<64x128xf32, #tpu.memory_space<vmem>>, vector<16xf32>,
        %parallel_loop3A_209 = arith.mulf %parallel_loop3A_205, %parallel_loop3A_208 : vector<16xf32>
        %parallel_loop3A_210 = arith.index_cast %parallel_loop3A_203 : i32 to index
        %parallel_loop3A_211 = arith.constant 0 : index
        %parallel_loop3A_212 = tpu.vector_load %arg19[%parallel_loop3A_210, %parallel_loop3A_211] {strides = array<i32>} : memref<64x96xf32, #tpu.memory_space<vmem>>, vector<16xf32>,
        tpu.vector_store %arg19[%parallel_loop3A_210, %parallel_loop3A_211], %parallel_loop3A_209 {strides = array<i32>} : memref<64x96xf32, #tpu.memory_space<vmem>>, vector<16xf32>,
        %parallel_loop3A_213 = arith.index_cast %parallel_loop3A_203 : i32 to index
        %parallel_loop3A_214 = arith.constant 80 : index
        %parallel_loop3A_215 = tpu.vector_load %arg12[%parallel_loop3A_213, %parallel_loop3A_214] {strides = array<i32>} : memref<64x128xf32, #tpu.memory_space<vmem>>, vector<16xf32>,
        %parallel_loop3A_216 = arith.mulf %parallel_loop3A_205, %parallel_loop3A_215 : vector<16xf32>
        %parallel_loop3A_217 = arith.index_cast %parallel_loop3A_203 : i32 to index
        %parallel_loop3A_218 = arith.constant 16 : index
        %parallel_loop3A_219 = tpu.vector_load %arg19[%parallel_loop3A_217, %parallel_loop3A_218] {strides = array<i32>} : memref<64x96xf32, #tpu.memory_space<vmem>>, vector<16xf32>,
        tpu.vector_store %arg19[%parallel_loop3A_217, %parallel_loop3A_218], %parallel_loop3A_216 {strides = array<i32>} : memref<64x96xf32, #tpu.memory_space<vmem>>, vector<16xf32>,
        %parallel_loop3A_220 = arith.index_cast %parallel_loop3A_203 : i32 to index
        %parallel_loop3A_221 = arith.constant 96 : index
        %parallel_loop3A_222 = tpu.vector_load %arg12[%parallel_loop3A_220, %parallel_loop3A_221] {strides = array<i32>} : memref<64x128xf32, #tpu.memory_space<vmem>>, vector<16xf32>,
        %parallel_loop3A_223 = arith.mulf %parallel_loop3A_205, %parallel_loop3A_222 : vector<16xf32>
        %parallel_loop3A_224 = arith.index_cast %parallel_loop3A_203 : i32 to index
        %parallel_loop3A_225 = arith.constant 32 : index
        %parallel_loop3A_226 = tpu.vector_load %arg19[%parallel_loop3A_224, %parallel_loop3A_225] {strides = array<i32>} : memref<64x96xf32, #tpu.memory_space<vmem>>, vector<16xf32>,
        tpu.vector_store %arg19[%parallel_loop3A_224, %parallel_loop3A_225], %parallel_loop3A_223 {strides = array<i32>} : memref<64x96xf32, #tpu.memory_space<vmem>>, vector<16xf32>,
        %parallel_loop3A_227 = arith.index_cast %parallel_loop3A_203 : i32 to index
        %parallel_loop3A_228 = arith.constant 112 : index
        %parallel_loop3A_229 = tpu.vector_load %arg12[%parallel_loop3A_227, %parallel_loop3A_228] {strides = array<i32>} : memref<64x128xf32, #tpu.memory_space<vmem>>, vector<16xf32>,
        %parallel_loop3A_230 = arith.mulf %parallel_loop3A_205, %parallel_loop3A_229 : vector<16xf32>
        %parallel_loop3A_231 = arith.index_cast %parallel_loop3A_203 : i32 to index
        %parallel_loop3A_232 = arith.constant 48 : index
        %parallel_loop3A_233 = tpu.vector_load %arg19[%parallel_loop3A_231, %parallel_loop3A_232] {strides = array<i32>} : memref<64x96xf32, #tpu.memory_space<vmem>>, vector<16xf32>,
        tpu.vector_store %arg19[%parallel_loop3A_231, %parallel_loop3A_232], %parallel_loop3A_230 {strides = array<i32>} : memref<64x96xf32, #tpu.memory_space<vmem>>, vector<16xf32>,
        %parallel_loop3A_234 = arith.index_cast %parallel_loop3A_203 : i32 to index
        %parallel_loop3A_235 = arith.constant 0 : index
        %parallel_loop3A_236 = tpu.vector_load %arg14[%parallel_loop3A_234, %parallel_loop3A_235] {strides = array<i32>} : memref<64x16xf32, #tpu.memory_space<vmem>>, vector<16xf32>,
        %parallel_loop3A_237 = arith.mulf %parallel_loop3A_205, %parallel_loop3A_236 : vector<16xf32>
        %parallel_loop3A_238 = arith.index_cast %parallel_loop3A_203 : i32 to index
        %parallel_loop3A_239 = arith.constant 64 : index
        %parallel_loop3A_240 = tpu.vector_load %arg19[%parallel_loop3A_238, %parallel_loop3A_239] {strides = array<i32>} : memref<64x96xf32, #tpu.memory_space<vmem>>, vector<16xf32>,
        tpu.vector_store %arg19[%parallel_loop3A_238, %parallel_loop3A_239], %parallel_loop3A_237 {strides = array<i32>} : memref<64x96xf32, #tpu.memory_space<vmem>>, vector<16xf32>,
        %parallel_loop3A_241 = arith.index_cast %parallel_loop3A_203 : i32 to index
        %parallel_loop3A_242 = arith.constant 80 : index
        %parallel_loop3A_243 = tpu.vector_load %arg19[%parallel_loop3A_241, %parallel_loop3A_242] {strides = array<i32>} : memref<64x96xf32, #tpu.memory_space<vmem>>, vector<16xf32>,
        tpu.vector_store %arg19[%parallel_loop3A_241, %parallel_loop3A_242], %parallel_loop3A_205 {strides = array<i32>} : memref<64x96xf32, #tpu.memory_space<vmem>>, vector<16xf32>,
      } {sc.loop_unroll_factor = 4 : i64, sc.parallel_access}
      %dma_start3A_146 = arith.constant 0 : i32
      %dma_start3A_147 = arith.constant 0 : i32
      %dma_start3A_148 = tpu.memref_slice %arg23[%dma_start3A_146, %dma_start3A_147] : memref<10000x96xf32, #tpu.memory_space<vmem_shared>> -> memref<10000x96xf32, #tpu.memory_space<vmem_shared>>
      tpu.enqueue_indirect_dma source(%arg19 : memref<64x96xf32, #tpu.memory_space<vmem>>) target(%dma_start3A_148 : memref<10000x96xf32, #tpu.memory_space<vmem_shared>>) offsets(%arg10 : memref<64xi32, #tpu.memory_space<vmem>>) semaphore(%arg26 : memref<!tpu.dma_semaphore, #tpu.memory_space<semaphore_mem>>) {add = true}
      %add3A_149 = arith.constant 2 : i32
      %add3A_150 = arith.addi %add3A_111, %add3A_149 : i32
      %lt3A = arith.cmpi slt, %add3A_150, %select_n3A : i32
      %convert_element_type3A_151 = arith.extui %lt3A : i1 to i32
      %cond3A_152 = arith.constant 0 : i32
      %cond3A_153 = arith.cmpi ne, %convert_element_type3A_151, %cond3A_152 : i32
      scf.if %cond3A_153 {
        %add3A_203 = arith.constant 2 : i32
        %add3A_204 = arith.addi %add3A_111, %add3A_203 : i32
        %mul3A_205 = arith.constant 64 : i32
        %mul3A_206 = arith.muli %add3A_204, %mul3A_205 : i32
        %mul3A_207 = arith.constant 64 : i32
        %mul3A_208 = arith.muli %add3A_204, %mul3A_207 : i32
        %mul3A_209 = arith.constant 64 : i32
        %mul3A_210 = arith.muli %add3A_204, %mul3A_209 : i32
        %add3A_211 = arith.addi %mul3A_6, %mul3A_210 : i32
        %dma_start3A_212 = tpu.memref_slice %arg8[%mul3A_206] : memref<10496xi32, #tpu.memory_space<vmem>> -> memref<64xi32, #tpu.memory_space<vmem>>
        %dma_start3A_213 = arith.constant 0 : i32
        %dma_start3A_214 = arith.constant 0 : i32
        %dma_start3A_215 = tpu.memref_slice %arg5[%dma_start3A_213, %dma_start3A_214] : memref<10000x128xf32, #tpu.memory_space<hbm>> -> memref<10000x128xf32, #tpu.memory_space<hbm>>
        tpu.enqueue_indirect_dma source(%dma_start3A_215 : memref<10000x128xf32, #tpu.memory_space<hbm>>) target(%arg12 : memref<64x128xf32, #tpu.memory_space<vmem>>) offsets(%dma_start3A_212 : memref<64xi32, #tpu.memory_space<vmem>>) semaphore(%arg24 : memref<!tpu.dma_semaphore, #tpu.memory_space<semaphore_mem>>)
        %dma_start3A_216 = tpu.memref_slice %arg9[%mul3A_208] : memref<10496xi32, #tpu.memory_space<vmem>> -> memref<64xi32, #tpu.memory_space<vmem>>
        %dma_start3A_217 = arith.constant 0 : i32
        %dma_start3A_218 = arith.constant 0 : i32
        %dma_start3A_219 = tpu.memref_slice %arg6[%dma_start3A_217, %dma_start3A_218] : memref<10000x80xf32, #tpu.memory_space<hbm>> -> memref<10000x80xf32, #tpu.memory_space<hbm>>
        tpu.enqueue_indirect_dma source(%dma_start3A_219 : memref<10000x80xf32, #tpu.memory_space<hbm>>) target(%arg13 : memref<64x80xf32, #tpu.memory_space<vmem>>) offsets(%dma_start3A_216 : memref<64xi32, #tpu.memory_space<vmem>>) semaphore(%arg24 : memref<!tpu.dma_semaphore, #tpu.memory_space<semaphore_mem>>)
        %dma_start3A_220 = arith.constant 0 : i32
        %dma_start3A_221 = tpu.memref_slice %arg4[%add3A_211, %dma_start3A_220] : memref<320000x16xf32, #tpu.memory_space<hbm>> -> memref<64x16xf32, #tpu.memory_space<hbm>>
        %dma_start3A_222 = arith.constant 0 : i32
        %dma_start3A_223 = tpu.memref_slice %arg4[%add3A_211, %dma_start3A_222] : memref<320000x16xf32, #tpu.memory_space<hbm>> -> memref<64x16xf32, #tpu.memory_space<hbm>>
        tpu.enqueue_dma source(%dma_start3A_223 : memref<64x16xf32, #tpu.memory_space<hbm>>) target(%arg14 : memref<64x16xf32, #tpu.memory_space<vmem>>) target_semaphore(%arg24 : memref<!tpu.dma_semaphore, #tpu.memory_space<semaphore_mem>>)
      } else {
      }
      %mul3A_154 = arith.constant 2 : i32
      %mul3A_155 = arith.muli %mul3A_154, %add3A_107 : i32
      %add3A_156 = arith.constant 1 : i32
      %add3A_157 = arith.addi %mul3A_155, %add3A_156 : i32
      %mul3A_158 = arith.constant 64 : i32
      %mul3A_159 = arith.muli %add3A_157, %mul3A_158 : i32
      %mul3A_160 = arith.constant 64 : i32
      %mul3A_161 = arith.muli %add3A_157, %mul3A_160 : i32
      %mul3A_162 = arith.constant 64 : i32
      %mul3A_163 = arith.muli %add3A_157, %mul3A_162 : i32
      %add3A_164 = arith.addi %mul3A_6, %mul3A_163 : i32
      %dma_wait3A_165 = tpu.memref_slice %arg8[%mul3A_159] : memref<10496xi32, #tpu.memory_space<vmem>> -> memref<64xi32, #tpu.memory_space<vmem>>
      %dma_wait3A_166 = arith.constant 0 : i32
      %dma_wait3A_167 = arith.constant 0 : i32
      %dma_wait3A_168 = tpu.memref_slice %arg5[%dma_wait3A_166, %dma_wait3A_167] : memref<10000x128xf32, #tpu.memory_space<hbm>> -> memref<10000x128xf32, #tpu.memory_space<hbm>>
      tpu.wait_indirect_dma semaphore(%arg25 : memref<!tpu.dma_semaphore, #tpu.memory_space<semaphore_mem>>) src(%dma_wait3A_168 : memref<10000x128xf32, #tpu.memory_space<hbm>>) dst(%arg15 : memref<64x128xf32, #tpu.memory_space<vmem>>)
      %dma_wait3A_169 = tpu.memref_slice %arg9[%mul3A_161] : memref<10496xi32, #tpu.memory_space<vmem>> -> memref<64xi32, #tpu.memory_space<vmem>>
      %dma_wait3A_170 = arith.constant 0 : i32
      %dma_wait3A_171 = arith.constant 0 : i32
      %dma_wait3A_172 = tpu.memref_slice %arg6[%dma_wait3A_170, %dma_wait3A_171] : memref<10000x80xf32, #tpu.memory_space<hbm>> -> memref<10000x80xf32, #tpu.memory_space<hbm>>
      tpu.wait_indirect_dma semaphore(%arg25 : memref<!tpu.dma_semaphore, #tpu.memory_space<semaphore_mem>>) src(%dma_wait3A_172 : memref<10000x80xf32, #tpu.memory_space<hbm>>) dst(%arg16 : memref<64x80xf32, #tpu.memory_space<vmem>>)
      %dma_wait3A_173 = arith.constant 0 : i32
      %dma_wait3A_174 = tpu.memref_slice %arg4[%add3A_164, %dma_wait3A_173] : memref<320000x16xf32, #tpu.memory_space<hbm>> -> memref<64x16xf32, #tpu.memory_space<hbm>>
      %dma_wait3A_175 = arith.constant 0 : i32
      %dma_wait3A_176 = tpu.memref_slice %arg4[%add3A_164, %dma_wait3A_175] : memref<320000x16xf32, #tpu.memory_space<hbm>> -> memref<64x16xf32, #tpu.memory_space<hbm>>
      tpu.wait_dma2 semaphore(%arg25 : memref<!tpu.dma_semaphore, #tpu.memory_space<semaphore_mem>>) src(%dma_wait3A_176 : memref<64x16xf32, #tpu.memory_space<hbm>>) dst(%arg17 : memref<64x16xf32, #tpu.memory_space<vmem>>)
      %parallel_loop3A_177 = arith.constant 0 : i32
      %parallel_loop3A_178 = arith.constant 64 : i32
      %parallel_loop3A_179 = arith.constant 1 : i32
      scf.for %parallel_loop3A_203 = %parallel_loop3A_177 to %parallel_loop3A_178 step %parallel_loop3A_179  : i32 {
        %parallel_loop3A_204 = arith.index_cast %parallel_loop3A_203 : i32 to index
        %parallel_loop3A_205 = arith.constant 64 : index
        %parallel_loop3A_206 = tpu.vector_load %arg16[%parallel_loop3A_204, %parallel_loop3A_205] {strides = array<i32>} : memref<64x80xf32, #tpu.memory_space<vmem>>, vector<16xf32>,
        %parallel_loop3A_207 = arith.index_cast %parallel_loop3A_203 : i32 to index
        %parallel_loop3A_208 = arith.constant 0 : index
        %parallel_loop3A_209 = tpu.vector_load %arg17[%parallel_loop3A_207, %parallel_loop3A_208] {strides = array<i32>} : memref<64x16xf32, #tpu.memory_space<vmem>>, vector<16xf32>,
        %parallel_loop3A_210 = arith.mulf %parallel_loop3A_206, %parallel_loop3A_209 : vector<16xf32>
        %parallel_loop3A_211 = arith.index_cast %parallel_loop3A_203 : i32 to index
        %parallel_loop3A_212 = arith.constant 0 : index
        %parallel_loop3A_213 = tpu.vector_load %arg16[%parallel_loop3A_211, %parallel_loop3A_212] {strides = array<i32>} : memref<64x80xf32, #tpu.memory_space<vmem>>, vector<16xf32>,
        %parallel_loop3A_214 = arith.index_cast %parallel_loop3A_203 : i32 to index
        %parallel_loop3A_215 = arith.constant 0 : index
        %parallel_loop3A_216 = tpu.vector_load %arg15[%parallel_loop3A_214, %parallel_loop3A_215] {strides = array<i32>} : memref<64x128xf32, #tpu.memory_space<vmem>>, vector<16xf32>,
        %parallel_loop3A_217 = arith.mulf %parallel_loop3A_213, %parallel_loop3A_216 : vector<16xf32>
        %parallel_loop3A_218 = arith.addf %parallel_loop3A_210, %parallel_loop3A_217 : vector<16xf32>
        %parallel_loop3A_219 = arith.index_cast %parallel_loop3A_203 : i32 to index
        %parallel_loop3A_220 = arith.constant 16 : index
        %parallel_loop3A_221 = tpu.vector_load %arg16[%parallel_loop3A_219, %parallel_loop3A_220] {strides = array<i32>} : memref<64x80xf32, #tpu.memory_space<vmem>>, vector<16xf32>,
        %parallel_loop3A_222 = arith.index_cast %parallel_loop3A_203 : i32 to index
        %parallel_loop3A_223 = arith.constant 16 : index
        %parallel_loop3A_224 = tpu.vector_load %arg15[%parallel_loop3A_222, %parallel_loop3A_223] {strides = array<i32>} : memref<64x128xf32, #tpu.memory_space<vmem>>, vector<16xf32>,
        %parallel_loop3A_225 = arith.mulf %parallel_loop3A_221, %parallel_loop3A_224 : vector<16xf32>
        %parallel_loop3A_226 = arith.addf %parallel_loop3A_218, %parallel_loop3A_225 : vector<16xf32>
        %parallel_loop3A_227 = arith.index_cast %parallel_loop3A_203 : i32 to index
        %parallel_loop3A_228 = arith.constant 32 : index
        %parallel_loop3A_229 = tpu.vector_load %arg16[%parallel_loop3A_227, %parallel_loop3A_228] {strides = array<i32>} : memref<64x80xf32, #tpu.memory_space<vmem>>, vector<16xf32>,
        %parallel_loop3A_230 = arith.index_cast %parallel_loop3A_203 : i32 to index
        %parallel_loop3A_231 = arith.constant 32 : index
        %parallel_loop3A_232 = tpu.vector_load %arg15[%parallel_loop3A_230, %parallel_loop3A_231] {strides = array<i32>} : memref<64x128xf32, #tpu.memory_space<vmem>>, vector<16xf32>,
        %parallel_loop3A_233 = arith.mulf %parallel_loop3A_229, %parallel_loop3A_232 : vector<16xf32>
        %parallel_loop3A_234 = arith.addf %parallel_loop3A_226, %parallel_loop3A_233 : vector<16xf32>
        %parallel_loop3A_235 = arith.index_cast %parallel_loop3A_203 : i32 to index
        %parallel_loop3A_236 = arith.constant 48 : index
        %parallel_loop3A_237 = tpu.vector_load %arg16[%parallel_loop3A_235, %parallel_loop3A_236] {strides = array<i32>} : memref<64x80xf32, #tpu.memory_space<vmem>>, vector<16xf32>,
        %parallel_loop3A_238 = arith.index_cast %parallel_loop3A_203 : i32 to index
        %parallel_loop3A_239 = arith.constant 48 : index
        %parallel_loop3A_240 = tpu.vector_load %arg15[%parallel_loop3A_238, %parallel_loop3A_239] {strides = array<i32>} : memref<64x128xf32, #tpu.memory_space<vmem>>, vector<16xf32>,
        %parallel_loop3A_241 = arith.mulf %parallel_loop3A_237, %parallel_loop3A_240 : vector<16xf32>
        %parallel_loop3A_242 = arith.addf %parallel_loop3A_234, %parallel_loop3A_241 : vector<16xf32>
        %parallel_loop3A_243 = arith.index_cast %parallel_loop3A_203 : i32 to index
        %parallel_loop3A_244 = arith.constant 0 : index
        %parallel_loop3A_245 = tpu.vector_load %arg21[%parallel_loop3A_243, %parallel_loop3A_244] {strides = array<i32>} : memref<64x16xf32, #tpu.memory_space<vmem>>, vector<16xf32>,
        tpu.vector_store %arg21[%parallel_loop3A_243, %parallel_loop3A_244], %parallel_loop3A_242 {strides = array<i32>} : memref<64x16xf32, #tpu.memory_space<vmem>>, vector<16xf32>,
      } {sc.loop_unroll_factor = 4 : i64, sc.parallel_access}
      %parallel_loop3A_180 = arith.constant 0 : i32
      %parallel_loop3A_181 = arith.constant 4 : i32
      %parallel_loop3A_182 = arith.constant 1 : i32
      scf.for %parallel_loop3A_203 = %parallel_loop3A_180 to %parallel_loop3A_181 step %parallel_loop3A_182  : i32 {
        %parallel_loop3A_204 = arith.constant 16 : i32
        %parallel_loop3A_205 = arith.muli %parallel_loop3A_203, %parallel_loop3A_204 : i32
        %parallel_loop3A_206 = vector.broadcast %parallel_loop3A_205 : i32 to vector<16xi32>
        %parallel_loop3A_207 = arith.addi %parallel_loop3A_206, %iota3A : vector<16xi32>
        %parallel_loop3A_208 = arith.constant 0 : i32
        %parallel_loop3A_209 = vector.broadcast %parallel_loop3A_208 : i32 to vector<16xi32>
        %parallel_loop3A_210 = tpu.vector_load_idx %arg21[%parallel_loop3A_207, %parallel_loop3A_209] : memref<64x16xf32, #tpu.memory_space<vmem>>[vector<16xi32>, vector<16xi32>], vector<16xf32>,
        %parallel_loop3A_211 = arith.constant 1 : i32
        %parallel_loop3A_212 = vector.broadcast %parallel_loop3A_211 : i32 to vector<16xi32>
        %parallel_loop3A_213 = tpu.vector_load_idx %arg21[%parallel_loop3A_207, %parallel_loop3A_212] : memref<64x16xf32, #tpu.memory_space<vmem>>[vector<16xi32>, vector<16xi32>], vector<16xf32>,
        %parallel_loop3A_214 = arith.addf %parallel_loop3A_210, %parallel_loop3A_213 : vector<16xf32>
        %parallel_loop3A_215 = arith.constant 2 : i32
        %parallel_loop3A_216 = vector.broadcast %parallel_loop3A_215 : i32 to vector<16xi32>
        %parallel_loop3A_217 = tpu.vector_load_idx %arg21[%parallel_loop3A_207, %parallel_loop3A_216] : memref<64x16xf32, #tpu.memory_space<vmem>>[vector<16xi32>, vector<16xi32>], vector<16xf32>,
        %parallel_loop3A_218 = arith.addf %parallel_loop3A_214, %parallel_loop3A_217 : vector<16xf32>
        %parallel_loop3A_219 = arith.constant 3 : i32
        %parallel_loop3A_220 = vector.broadcast %parallel_loop3A_219 : i32 to vector<16xi32>
        %parallel_loop3A_221 = tpu.vector_load_idx %arg21[%parallel_loop3A_207, %parallel_loop3A_220] : memref<64x16xf32, #tpu.memory_space<vmem>>[vector<16xi32>, vector<16xi32>], vector<16xf32>,
        %parallel_loop3A_222 = arith.addf %parallel_loop3A_218, %parallel_loop3A_221 : vector<16xf32>
        %parallel_loop3A_223 = arith.constant 4 : i32
        %parallel_loop3A_224 = vector.broadcast %parallel_loop3A_223 : i32 to vector<16xi32>
        %parallel_loop3A_225 = tpu.vector_load_idx %arg21[%parallel_loop3A_207, %parallel_loop3A_224] : memref<64x16xf32, #tpu.memory_space<vmem>>[vector<16xi32>, vector<16xi32>], vector<16xf32>,
        %parallel_loop3A_226 = arith.addf %parallel_loop3A_222, %parallel_loop3A_225 : vector<16xf32>
        %parallel_loop3A_227 = arith.constant 5 : i32
        %parallel_loop3A_228 = vector.broadcast %parallel_loop3A_227 : i32 to vector<16xi32>
        %parallel_loop3A_229 = tpu.vector_load_idx %arg21[%parallel_loop3A_207, %parallel_loop3A_228] : memref<64x16xf32, #tpu.memory_space<vmem>>[vector<16xi32>, vector<16xi32>], vector<16xf32>,
        %parallel_loop3A_230 = arith.addf %parallel_loop3A_226, %parallel_loop3A_229 : vector<16xf32>
        %parallel_loop3A_231 = arith.constant 6 : i32
        %parallel_loop3A_232 = vector.broadcast %parallel_loop3A_231 : i32 to vector<16xi32>
        %parallel_loop3A_233 = tpu.vector_load_idx %arg21[%parallel_loop3A_207, %parallel_loop3A_232] : memref<64x16xf32, #tpu.memory_space<vmem>>[vector<16xi32>, vector<16xi32>], vector<16xf32>,
        %parallel_loop3A_234 = arith.addf %parallel_loop3A_230, %parallel_loop3A_233 : vector<16xf32>
        %parallel_loop3A_235 = arith.constant 7 : i32
        %parallel_loop3A_236 = vector.broadcast %parallel_loop3A_235 : i32 to vector<16xi32>
        %parallel_loop3A_237 = tpu.vector_load_idx %arg21[%parallel_loop3A_207, %parallel_loop3A_236] : memref<64x16xf32, #tpu.memory_space<vmem>>[vector<16xi32>, vector<16xi32>], vector<16xf32>,
        %parallel_loop3A_238 = arith.addf %parallel_loop3A_234, %parallel_loop3A_237 : vector<16xf32>
        %parallel_loop3A_239 = arith.constant 8 : i32
        %parallel_loop3A_240 = vector.broadcast %parallel_loop3A_239 : i32 to vector<16xi32>
        %parallel_loop3A_241 = tpu.vector_load_idx %arg21[%parallel_loop3A_207, %parallel_loop3A_240] : memref<64x16xf32, #tpu.memory_space<vmem>>[vector<16xi32>, vector<16xi32>], vector<16xf32>,
        %parallel_loop3A_242 = arith.addf %parallel_loop3A_238, %parallel_loop3A_241 : vector<16xf32>
        %parallel_loop3A_243 = arith.constant 9 : i32
        %parallel_loop3A_244 = vector.broadcast %parallel_loop3A_243 : i32 to vector<16xi32>
        %parallel_loop3A_245 = tpu.vector_load_idx %arg21[%parallel_loop3A_207, %parallel_loop3A_244] : memref<64x16xf32, #tpu.memory_space<vmem>>[vector<16xi32>, vector<16xi32>], vector<16xf32>,
        %parallel_loop3A_246 = arith.addf %parallel_loop3A_242, %parallel_loop3A_245 : vector<16xf32>
        %parallel_loop3A_247 = arith.constant 10 : i32
        %parallel_loop3A_248 = vector.broadcast %parallel_loop3A_247 : i32 to vector<16xi32>
        %parallel_loop3A_249 = tpu.vector_load_idx %arg21[%parallel_loop3A_207, %parallel_loop3A_248] : memref<64x16xf32, #tpu.memory_space<vmem>>[vector<16xi32>, vector<16xi32>], vector<16xf32>,
        %parallel_loop3A_250 = arith.addf %parallel_loop3A_246, %parallel_loop3A_249 : vector<16xf32>
        %parallel_loop3A_251 = arith.constant 11 : i32
        %parallel_loop3A_252 = vector.broadcast %parallel_loop3A_251 : i32 to vector<16xi32>
        %parallel_loop3A_253 = tpu.vector_load_idx %arg21[%parallel_loop3A_207, %parallel_loop3A_252] : memref<64x16xf32, #tpu.memory_space<vmem>>[vector<16xi32>, vector<16xi32>], vector<16xf32>,
        %parallel_loop3A_254 = arith.addf %parallel_loop3A_250, %parallel_loop3A_253 : vector<16xf32>
        %parallel_loop3A_255 = arith.constant 12 : i32
        %parallel_loop3A_256 = vector.broadcast %parallel_loop3A_255 : i32 to vector<16xi32>
        %parallel_loop3A_257 = tpu.vector_load_idx %arg21[%parallel_loop3A_207, %parallel_loop3A_256] : memref<64x16xf32, #tpu.memory_space<vmem>>[vector<16xi32>, vector<16xi32>], vector<16xf32>,
        %parallel_loop3A_258 = arith.addf %parallel_loop3A_254, %parallel_loop3A_257 : vector<16xf32>
        %parallel_loop3A_259 = arith.constant 13 : i32
        %parallel_loop3A_260 = vector.broadcast %parallel_loop3A_259 : i32 to vector<16xi32>
        %parallel_loop3A_261 = tpu.vector_load_idx %arg21[%parallel_loop3A_207, %parallel_loop3A_260] : memref<64x16xf32, #tpu.memory_space<vmem>>[vector<16xi32>, vector<16xi32>], vector<16xf32>,
        %parallel_loop3A_262 = arith.addf %parallel_loop3A_258, %parallel_loop3A_261 : vector<16xf32>
        %parallel_loop3A_263 = arith.constant 14 : i32
        %parallel_loop3A_264 = vector.broadcast %parallel_loop3A_263 : i32 to vector<16xi32>
        %parallel_loop3A_265 = tpu.vector_load_idx %arg21[%parallel_loop3A_207, %parallel_loop3A_264] : memref<64x16xf32, #tpu.memory_space<vmem>>[vector<16xi32>, vector<16xi32>], vector<16xf32>,
        %parallel_loop3A_266 = arith.addf %parallel_loop3A_262, %parallel_loop3A_265 : vector<16xf32>
        %parallel_loop3A_267 = arith.constant 15 : i32
        %parallel_loop3A_268 = vector.broadcast %parallel_loop3A_267 : i32 to vector<16xi32>
        %parallel_loop3A_269 = tpu.vector_load_idx %arg21[%parallel_loop3A_207, %parallel_loop3A_268] : memref<64x16xf32, #tpu.memory_space<vmem>>[vector<16xi32>, vector<16xi32>], vector<16xf32>,
        %parallel_loop3A_270 = arith.addf %parallel_loop3A_266, %parallel_loop3A_269 : vector<16xf32>
        %parallel_loop3A_271 = arith.constant 1.250000e-01 : f32
        %parallel_loop3A_272 = vector.broadcast %parallel_loop3A_271 : f32 to vector<16xf32>
        %parallel_loop3A_273 = arith.mulf %parallel_loop3A_270, %parallel_loop3A_272 : vector<16xf32>
        %parallel_loop3A_274 = math.exp %parallel_loop3A_273 : vector<16xf32>
        %parallel_loop3A_275 = arith.constant 16 : i32
        %parallel_loop3A_276 = arith.muli %parallel_loop3A_203, %parallel_loop3A_275 : i32
        %parallel_loop3A_277 = arith.index_cast %parallel_loop3A_276 : i32 to index
        %parallel_loop3A_278 = tpu.vector_load %arg18[%parallel_loop3A_277] {strides = array<i32>} : memref<64xf32, #tpu.memory_space<vmem>>, vector<16xf32>,
        tpu.vector_store %arg18[%parallel_loop3A_277], %parallel_loop3A_274 {strides = array<i32>} : memref<64xf32, #tpu.memory_space<vmem>>, vector<16xf32>,
      } {sc.loop_unroll_factor = 2 : i64, sc.parallel_access}
      %ge3A_183 = arith.constant 2 : i32
      %ge3A_184 = arith.cmpi sge, %add3A_157, %ge3A_183 : i32
      %convert_element_type3A_185 = arith.extui %ge3A_184 : i1 to i32
      %cond3A_186 = arith.constant 0 : i32
      %cond3A_187 = arith.cmpi ne, %convert_element_type3A_185, %cond3A_186 : i32
      scf.if %cond3A_187 {
        %dma_wait3A_203 = arith.constant 0 : i32
        %dma_wait3A_204 = arith.constant 0 : i32
        %dma_wait3A_205 = tpu.memref_slice %arg23[%dma_wait3A_203, %dma_wait3A_204] : memref<10000x96xf32, #tpu.memory_space<vmem_shared>> -> memref<10000x96xf32, #tpu.memory_space<vmem_shared>>
        tpu.wait_indirect_dma semaphore(%arg27 : memref<!tpu.dma_semaphore, #tpu.memory_space<semaphore_mem>>) src(%arg20 : memref<64x96xf32, #tpu.memory_space<vmem>>) dst(%dma_wait3A_205 : memref<10000x96xf32, #tpu.memory_space<vmem_shared>>)
      } else {
      }
      %parallel_loop3A_188 = arith.constant 0 : i32
      %parallel_loop3A_189 = arith.constant 4 : i32
      %parallel_loop3A_190 = arith.constant 1 : i32
      scf.for %parallel_loop3A_203 = %parallel_loop3A_188 to %parallel_loop3A_189 step %parallel_loop3A_190  : i32 {
        %parallel_loop3A_204 = arith.constant 64 : i32
        %parallel_loop3A_205 = arith.muli %add3A_157, %parallel_loop3A_204 : i32
        %parallel_loop3A_206 = arith.constant 16 : i32
        %parallel_loop3A_207 = arith.muli %parallel_loop3A_203, %parallel_loop3A_206 : i32
        %parallel_loop3A_208 = arith.addi %parallel_loop3A_205, %parallel_loop3A_207 : i32
        %parallel_loop3A_209 = arith.index_cast %parallel_loop3A_208 : i32 to index
        %parallel_loop3A_210 = tpu.vector_load %arg9[%parallel_loop3A_209] {strides = array<i32>} : memref<10496xi32, #tpu.memory_space<vmem>>, vector<16xi32>,
        %parallel_loop3A_211 = arith.constant 16 : i32
        %parallel_loop3A_212 = arith.muli %parallel_loop3A_203, %parallel_loop3A_211 : i32
        %parallel_loop3A_213 = arith.index_cast %parallel_loop3A_212 : i32 to index
        %parallel_loop3A_214 = tpu.vector_load %arg11[%parallel_loop3A_213] {strides = array<i32>} : memref<64xi32, #tpu.memory_space<vmem>>, vector<16xi32>,
        tpu.vector_store %arg11[%parallel_loop3A_213], %parallel_loop3A_210 {strides = array<i32>} : memref<64xi32, #tpu.memory_space<vmem>>, vector<16xi32>,
      } {sc.loop_unroll_factor = 1 : i64, sc.parallel_access}
      %parallel_loop3A_191 = arith.constant 0 : i32
      %parallel_loop3A_192 = arith.constant 64 : i32
      %parallel_loop3A_193 = arith.constant 1 : i32
      scf.for %parallel_loop3A_203 = %parallel_loop3A_191 to %parallel_loop3A_192 step %parallel_loop3A_193  : i32 {
        %parallel_loop3A_204 = vector.broadcast %parallel_loop3A_203 : i32 to vector<16xi32>
        %parallel_loop3A_205 = tpu.vector_load_idx %arg18[%parallel_loop3A_204] : memref<64xf32, #tpu.memory_space<vmem>>[vector<16xi32>], vector<16xf32>,
        %parallel_loop3A_206 = arith.index_cast %parallel_loop3A_203 : i32 to index
        %parallel_loop3A_207 = arith.constant 64 : index
        %parallel_loop3A_208 = tpu.vector_load %arg15[%parallel_loop3A_206, %parallel_loop3A_207] {strides = array<i32>} : memref<64x128xf32, #tpu.memory_space<vmem>>, vector<16xf32>,
        %parallel_loop3A_209 = arith.mulf %parallel_loop3A_205, %parallel_loop3A_208 : vector<16xf32>
        %parallel_loop3A_210 = arith.index_cast %parallel_loop3A_203 : i32 to index
        %parallel_loop3A_211 = arith.constant 0 : index
        %parallel_loop3A_212 = tpu.vector_load %arg20[%parallel_loop3A_210, %parallel_loop3A_211] {strides = array<i32>} : memref<64x96xf32, #tpu.memory_space<vmem>>, vector<16xf32>,
        tpu.vector_store %arg20[%parallel_loop3A_210, %parallel_loop3A_211], %parallel_loop3A_209 {strides = array<i32>} : memref<64x96xf32, #tpu.memory_space<vmem>>, vector<16xf32>,
        %parallel_loop3A_213 = arith.index_cast %parallel_loop3A_203 : i32 to index
        %parallel_loop3A_214 = arith.constant 80 : index
        %parallel_loop3A_215 = tpu.vector_load %arg15[%parallel_loop3A_213, %parallel_loop3A_214] {strides = array<i32>} : memref<64x128xf32, #tpu.memory_space<vmem>>, vector<16xf32>,
        %parallel_loop3A_216 = arith.mulf %parallel_loop3A_205, %parallel_loop3A_215 : vector<16xf32>
        %parallel_loop3A_217 = arith.index_cast %parallel_loop3A_203 : i32 to index
        %parallel_loop3A_218 = arith.constant 16 : index
        %parallel_loop3A_219 = tpu.vector_load %arg20[%parallel_loop3A_217, %parallel_loop3A_218] {strides = array<i32>} : memref<64x96xf32, #tpu.memory_space<vmem>>, vector<16xf32>,
        tpu.vector_store %arg20[%parallel_loop3A_217, %parallel_loop3A_218], %parallel_loop3A_216 {strides = array<i32>} : memref<64x96xf32, #tpu.memory_space<vmem>>, vector<16xf32>,
        %parallel_loop3A_220 = arith.index_cast %parallel_loop3A_203 : i32 to index
        %parallel_loop3A_221 = arith.constant 96 : index
        %parallel_loop3A_222 = tpu.vector_load %arg15[%parallel_loop3A_220, %parallel_loop3A_221] {strides = array<i32>} : memref<64x128xf32, #tpu.memory_space<vmem>>, vector<16xf32>,
        %parallel_loop3A_223 = arith.mulf %parallel_loop3A_205, %parallel_loop3A_222 : vector<16xf32>
        %parallel_loop3A_224 = arith.index_cast %parallel_loop3A_203 : i32 to index
        %parallel_loop3A_225 = arith.constant 32 : index
        %parallel_loop3A_226 = tpu.vector_load %arg20[%parallel_loop3A_224, %parallel_loop3A_225] {strides = array<i32>} : memref<64x96xf32, #tpu.memory_space<vmem>>, vector<16xf32>,
        tpu.vector_store %arg20[%parallel_loop3A_224, %parallel_loop3A_225], %parallel_loop3A_223 {strides = array<i32>} : memref<64x96xf32, #tpu.memory_space<vmem>>, vector<16xf32>,
        %parallel_loop3A_227 = arith.index_cast %parallel_loop3A_203 : i32 to index
        %parallel_loop3A_228 = arith.constant 112 : index
        %parallel_loop3A_229 = tpu.vector_load %arg15[%parallel_loop3A_227, %parallel_loop3A_228] {strides = array<i32>} : memref<64x128xf32, #tpu.memory_space<vmem>>, vector<16xf32>,
        %parallel_loop3A_230 = arith.mulf %parallel_loop3A_205, %parallel_loop3A_229 : vector<16xf32>
        %parallel_loop3A_231 = arith.index_cast %parallel_loop3A_203 : i32 to index
        %parallel_loop3A_232 = arith.constant 48 : index
        %parallel_loop3A_233 = tpu.vector_load %arg20[%parallel_loop3A_231, %parallel_loop3A_232] {strides = array<i32>} : memref<64x96xf32, #tpu.memory_space<vmem>>, vector<16xf32>,
        tpu.vector_store %arg20[%parallel_loop3A_231, %parallel_loop3A_232], %parallel_loop3A_230 {strides = array<i32>} : memref<64x96xf32, #tpu.memory_space<vmem>>, vector<16xf32>,
        %parallel_loop3A_234 = arith.index_cast %parallel_loop3A_203 : i32 to index
        %parallel_loop3A_235 = arith.constant 0 : index
        %parallel_loop3A_236 = tpu.vector_load %arg17[%parallel_loop3A_234, %parallel_loop3A_235] {strides = array<i32>} : memref<64x16xf32, #tpu.memory_space<vmem>>, vector<16xf32>,
        %parallel_loop3A_237 = arith.mulf %parallel_loop3A_205, %parallel_loop3A_236 : vector<16xf32>
        %parallel_loop3A_238 = arith.index_cast %parallel_loop3A_203 : i32 to index
        %parallel_loop3A_239 = arith.constant 64 : index
        %parallel_loop3A_240 = tpu.vector_load %arg20[%parallel_loop3A_238, %parallel_loop3A_239] {strides = array<i32>} : memref<64x96xf32, #tpu.memory_space<vmem>>, vector<16xf32>,
        tpu.vector_store %arg20[%parallel_loop3A_238, %parallel_loop3A_239], %parallel_loop3A_237 {strides = array<i32>} : memref<64x96xf32, #tpu.memory_space<vmem>>, vector<16xf32>,
        %parallel_loop3A_241 = arith.index_cast %parallel_loop3A_203 : i32 to index
        %parallel_loop3A_242 = arith.constant 80 : index
        %parallel_loop3A_243 = tpu.vector_load %arg20[%parallel_loop3A_241, %parallel_loop3A_242] {strides = array<i32>} : memref<64x96xf32, #tpu.memory_space<vmem>>, vector<16xf32>,
        tpu.vector_store %arg20[%parallel_loop3A_241, %parallel_loop3A_242], %parallel_loop3A_205 {strides = array<i32>} : memref<64x96xf32, #tpu.memory_space<vmem>>, vector<16xf32>,
      } {sc.loop_unroll_factor = 4 : i64, sc.parallel_access}
      %dma_start3A_194 = arith.constant 0 : i32
      %dma_start3A_195 = arith.constant 0 : i32
      %dma_start3A_196 = tpu.memref_slice %arg23[%dma_start3A_194, %dma_start3A_195] : memref<10000x96xf32, #tpu.memory_space<vmem_shared>> -> memref<10000x96xf32, #tpu.memory_space<vmem_shared>>
      tpu.enqueue_indirect_dma source(%arg20 : memref<64x96xf32, #tpu.memory_space<vmem>>) target(%dma_start3A_196 : memref<10000x96xf32, #tpu.memory_space<vmem_shared>>) offsets(%arg11 : memref<64xi32, #tpu.memory_space<vmem>>) semaphore(%arg27 : memref<!tpu.dma_semaphore, #tpu.memory_space<semaphore_mem>>) {add = true}
      %add3A_197 = arith.constant 2 : i32
      %add3A_198 = arith.addi %add3A_157, %add3A_197 : i32
      %lt3A_199 = arith.cmpi slt, %add3A_198, %select_n3A : i32
      %convert_element_type3A_200 = arith.extui %lt3A_199 : i1 to i32
      %cond3A_201 = arith.constant 0 : i32
      %cond3A_202 = arith.cmpi ne, %convert_element_type3A_200, %cond3A_201 : i32
      scf.if %cond3A_202 {
        %add3A_203 = arith.constant 2 : i32
        %add3A_204 = arith.addi %add3A_157, %add3A_203 : i32
        %mul3A_205 = arith.constant 64 : i32
        %mul3A_206 = arith.muli %add3A_204, %mul3A_205 : i32
        %mul3A_207 = arith.constant 64 : i32
        %mul3A_208 = arith.muli %add3A_204, %mul3A_207 : i32
        %mul3A_209 = arith.constant 64 : i32
        %mul3A_210 = arith.muli %add3A_204, %mul3A_209 : i32
        %add3A_211 = arith.addi %mul3A_6, %mul3A_210 : i32
        %dma_start3A_212 = tpu.memref_slice %arg8[%mul3A_206] : memref<10496xi32, #tpu.memory_space<vmem>> -> memref<64xi32, #tpu.memory_space<vmem>>
        %dma_start3A_213 = arith.constant 0 : i32
        %dma_start3A_214 = arith.constant 0 : i32
        %dma_start3A_215 = tpu.memref_slice %arg5[%dma_start3A_213, %dma_start3A_214] : memref<10000x128xf32, #tpu.memory_space<hbm>> -> memref<10000x128xf32, #tpu.memory_space<hbm>>
        tpu.enqueue_indirect_dma source(%dma_start3A_215 : memref<10000x128xf32, #tpu.memory_space<hbm>>) target(%arg15 : memref<64x128xf32, #tpu.memory_space<vmem>>) offsets(%dma_start3A_212 : memref<64xi32, #tpu.memory_space<vmem>>) semaphore(%arg25 : memref<!tpu.dma_semaphore, #tpu.memory_space<semaphore_mem>>)
        %dma_start3A_216 = tpu.memref_slice %arg9[%mul3A_208] : memref<10496xi32, #tpu.memory_space<vmem>> -> memref<64xi32, #tpu.memory_space<vmem>>
        %dma_start3A_217 = arith.constant 0 : i32
        %dma_start3A_218 = arith.constant 0 : i32
        %dma_start3A_219 = tpu.memref_slice %arg6[%dma_start3A_217, %dma_start3A_218] : memref<10000x80xf32, #tpu.memory_space<hbm>> -> memref<10000x80xf32, #tpu.memory_space<hbm>>
        tpu.enqueue_indirect_dma source(%dma_start3A_219 : memref<10000x80xf32, #tpu.memory_space<hbm>>) target(%arg16 : memref<64x80xf32, #tpu.memory_space<vmem>>) offsets(%dma_start3A_216 : memref<64xi32, #tpu.memory_space<vmem>>) semaphore(%arg25 : memref<!tpu.dma_semaphore, #tpu.memory_space<semaphore_mem>>)
        %dma_start3A_220 = arith.constant 0 : i32
        %dma_start3A_221 = tpu.memref_slice %arg4[%add3A_211, %dma_start3A_220] : memref<320000x16xf32, #tpu.memory_space<hbm>> -> memref<64x16xf32, #tpu.memory_space<hbm>>
        %dma_start3A_222 = arith.constant 0 : i32
        %dma_start3A_223 = tpu.memref_slice %arg4[%add3A_211, %dma_start3A_222] : memref<320000x16xf32, #tpu.memory_space<hbm>> -> memref<64x16xf32, #tpu.memory_space<hbm>>
        tpu.enqueue_dma source(%dma_start3A_223 : memref<64x16xf32, #tpu.memory_space<hbm>>) target(%arg17 : memref<64x16xf32, #tpu.memory_space<vmem>>) target_semaphore(%arg25 : memref<!tpu.dma_semaphore, #tpu.memory_space<semaphore_mem>>)
      } else {
      }
    }
    %dma_wait3A = arith.constant 0 : i32
    %dma_wait3A_90 = arith.constant 0 : i32
    %dma_wait3A_91 = tpu.memref_slice %arg23[%dma_wait3A, %dma_wait3A_90] : memref<10000x96xf32, #tpu.memory_space<vmem_shared>> -> memref<10000x96xf32, #tpu.memory_space<vmem_shared>>
    tpu.wait_indirect_dma semaphore(%arg26 : memref<!tpu.dma_semaphore, #tpu.memory_space<semaphore_mem>>) src(%arg19 : memref<64x96xf32, #tpu.memory_space<vmem>>) dst(%dma_wait3A_91 : memref<10000x96xf32, #tpu.memory_space<vmem_shared>>)
    %dma_wait3A_92 = arith.constant 0 : i32
    %dma_wait3A_93 = arith.constant 0 : i32
    %dma_wait3A_94 = tpu.memref_slice %arg23[%dma_wait3A_92, %dma_wait3A_93] : memref<10000x96xf32, #tpu.memory_space<vmem_shared>> -> memref<10000x96xf32, #tpu.memory_space<vmem_shared>>
    tpu.wait_indirect_dma semaphore(%arg27 : memref<!tpu.dma_semaphore, #tpu.memory_space<semaphore_mem>>) src(%arg20 : memref<64x96xf32, #tpu.memory_space<vmem>>) dst(%dma_wait3A_94 : memref<10000x96xf32, #tpu.memory_space<vmem_shared>>)
    %barrier3A_95 = arith.constant 0 : index
    tpu.barrier barrier_id(%barrier3A_95)
    %mul3A_96 = arith.constant 624 : i32
    %mul3A_97 = arith.muli %arg1, %mul3A_96 : i32
    %mul3A_98 = arith.constant 624 : i32
    %mul3A_99 = arith.muli %arg1, %mul3A_98 : i32
    "tpu.region"() ({
      %run_scoped3A = tpu.sem_alloc : memref<!tpu.dma_semaphore, #tpu.memory_space<semaphore_mem>>
      %dma_start3A_105 = arith.constant 0 : i32
      %dma_start3A_106 = tpu.memref_slice %arg7[%arg0, %mul3A_99, %dma_start3A_105] : memref<2x10000x96xf32, #tpu.memory_space<hbm>> -> memref<1x624x96xf32, #tpu.memory_space<hbm>>
      %dma_start3A_107 = tpu.memref_squeeze %dma_start3A_106 : memref<1x624x96xf32, #tpu.memory_space<hbm>> -> memref<624x96xf32, #tpu.memory_space<hbm>>
      %dma_start3A_108 = arith.constant 0 : i32
      %dma_start3A_109 = tpu.memref_slice %arg23[%mul3A_97, %dma_start3A_108] : memref<10000x96xf32, #tpu.memory_space<vmem_shared>> -> memref<624x96xf32, #tpu.memory_space<vmem_shared>>
      tpu.enqueue_dma source(%dma_start3A_109 : memref<624x96xf32, #tpu.memory_space<vmem_shared>>) target(%dma_start3A_107 : memref<624x96xf32, #tpu.memory_space<hbm>>) target_semaphore(%run_scoped3A : memref<!tpu.dma_semaphore, #tpu.memory_space<semaphore_mem>>)
      %dma_wait3A_110 = arith.constant 0 : i32
      %dma_wait3A_111 = tpu.memref_slice %arg7[%arg0, %mul3A_99, %dma_wait3A_110] : memref<2x10000x96xf32, #tpu.memory_space<hbm>> -> memref<1x624x96xf32, #tpu.memory_space<hbm>>
      %dma_wait3A_112 = tpu.memref_squeeze %dma_wait3A_111 : memref<1x624x96xf32, #tpu.memory_space<hbm>> -> memref<624x96xf32, #tpu.memory_space<hbm>>
      %dma_wait3A_113 = arith.constant 0 : i32
      %dma_wait3A_114 = tpu.memref_slice %arg23[%mul3A_97, %dma_wait3A_113] : memref<10000x96xf32, #tpu.memory_space<vmem_shared>> -> memref<624x96xf32, #tpu.memory_space<vmem_shared>>
      tpu.wait_dma2 semaphore(%run_scoped3A : memref<!tpu.dma_semaphore, #tpu.memory_space<semaphore_mem>>) src(%dma_wait3A_114 : memref<624x96xf32, #tpu.memory_space<vmem_shared>>) dst(%dma_wait3A_112 : memref<624x96xf32, #tpu.memory_space<hbm>>)
      tpu.yield
    }) : () -> ()
    %eq3A_100 = arith.constant 15 : i32
    %eq3A_101 = arith.cmpi eq, %arg1, %eq3A_100 : i32
    %convert_element_type3A_102 = arith.extui %eq3A_101 : i1 to i32
    %cond3A_103 = arith.constant 0 : i32
    %cond3A_104 = arith.cmpi ne, %convert_element_type3A_102, %cond3A_103 : i32
    scf.if %cond3A_104 {
      "tpu.region"() ({
        %run_scoped3A = tpu.sem_alloc : memref<!tpu.dma_semaphore, #tpu.memory_space<semaphore_mem>>
        %dma_start3A_105 = arith.constant 9984 : i32
        %dma_start3A_106 = arith.constant 0 : i32
        %dma_start3A_107 = tpu.memref_slice %arg7[%arg0, %dma_start3A_105, %dma_start3A_106] : memref<2x10000x96xf32, #tpu.memory_space<hbm>> -> memref<1x16x96xf32, #tpu.memory_space<hbm>>
        %dma_start3A_108 = tpu.memref_squeeze %dma_start3A_107 : memref<1x16x96xf32, #tpu.memory_space<hbm>> -> memref<16x96xf32, #tpu.memory_space<hbm>>
        %dma_start3A_109 = arith.constant 9984 : i32
        %dma_start3A_110 = arith.constant 0 : i32
        %dma_start3A_111 = tpu.memref_slice %arg23[%dma_start3A_109, %dma_start3A_110] : memref<10000x96xf32, #tpu.memory_space<vmem_shared>> -> memref<16x96xf32, #tpu.memory_space<vmem_shared>>
        tpu.enqueue_dma source(%dma_start3A_111 : memref<16x96xf32, #tpu.memory_space<vmem_shared>>) target(%dma_start3A_108 : memref<16x96xf32, #tpu.memory_space<hbm>>) target_semaphore(%run_scoped3A : memref<!tpu.dma_semaphore, #tpu.memory_space<semaphore_mem>>)
        %dma_wait3A_112 = arith.constant 9984 : i32
        %dma_wait3A_113 = arith.constant 0 : i32
        %dma_wait3A_114 = tpu.memref_slice %arg7[%arg0, %dma_wait3A_112, %dma_wait3A_113] : memref<2x10000x96xf32, #tpu.memory_space<hbm>> -> memref<1x16x96xf32, #tpu.memory_space<hbm>>
        %dma_wait3A_115 = tpu.memref_squeeze %dma_wait3A_114 : memref<1x16x96xf32, #tpu.memory_space<hbm>> -> memref<16x96xf32, #tpu.memory_space<hbm>>
        %dma_wait3A_116 = arith.constant 9984 : i32
        %dma_wait3A_117 = arith.constant 0 : i32
        %dma_wait3A_118 = tpu.memref_slice %arg23[%dma_wait3A_116, %dma_wait3A_117] : memref<10000x96xf32, #tpu.memory_space<vmem_shared>> -> memref<16x96xf32, #tpu.memory_space<vmem_shared>>
        tpu.wait_dma2 semaphore(%run_scoped3A : memref<!tpu.dma_semaphore, #tpu.memory_space<semaphore_mem>>) src(%dma_wait3A_118 : memref<16x96xf32, #tpu.memory_space<vmem_shared>>) dst(%dma_wait3A_115 : memref<16x96xf32, #tpu.memory_space<hbm>>)
        tpu.yield
      }) : () -> ()
    } else {
    }
    return
  }
}

#map = affine_map<(d0, d1) -> (0)>
#map1 = affine_map<(d0, d1) -> (0, 0)>
#map2 = affine_map<(d0, d1) -> (0, 0, 0)>
module attributes {stable_mosaic.version = 14 : i64} {
  func.func @kern(%arg0: i32, %arg1: i32, %arg2: memref<320000xi32, #tpu.memory_space<hbm>>, %arg3: memref<320000xi32, #tpu.memory_space<hbm>>, %arg4: memref<320000x16xf32, #tpu.memory_space<hbm>>, %arg5: memref<10000x32xf32, #tpu.memory_space<hbm>>, %arg6: memref<10000x32xf32, #tpu.memory_space<hbm>>, %arg7: memref<2x10000x48xf32, #tpu.memory_space<hbm>>, %arg8: memref<10496xi32, #tpu.memory_space<vmem>>, %arg9: memref<10496xi32, #tpu.memory_space<vmem>>, %arg10: memref<128xi32, #tpu.memory_space<vmem>>, %arg11: memref<128xi32, #tpu.memory_space<vmem>>, %arg12: memref<128x32xf32, #tpu.memory_space<vmem>>, %arg13: memref<128x32xf32, #tpu.memory_space<vmem>>, %arg14: memref<128x16xf32, #tpu.memory_space<vmem>>, %arg15: memref<128x32xf32, #tpu.memory_space<vmem>>, %arg16: memref<128x32xf32, #tpu.memory_space<vmem>>, %arg17: memref<128x16xf32, #tpu.memory_space<vmem>>, %arg18: memref<128xf32, #tpu.memory_space<vmem>>, %arg19: memref<128x48xf32, #tpu.memory_space<vmem>>, %arg20: memref<128x48xf32, #tpu.memory_space<vmem>>, %arg21: memref<128x16xf32, #tpu.memory_space<vmem>>, %arg22: memref<16x48xf32, #tpu.memory_space<vmem>>, %arg23: memref<10000x48xf32, #tpu.memory_space<vmem_shared>>, %arg24: memref<!tpu.dma_semaphore, #tpu.memory_space<semaphore_mem>>, %arg25: memref<!tpu.dma_semaphore, #tpu.memory_space<semaphore_mem>>, %arg26: memref<!tpu.dma_semaphore, #tpu.memory_space<semaphore_mem>>, %arg27: memref<!tpu.dma_semaphore, #tpu.memory_space<semaphore_mem>>) attributes {dimension_semantics = [#tpu.dimension_semantics<core_parallel>, #tpu.dimension_semantics<subcore_parallel>], iteration_bounds = array<i64: 2, 16>, scalar_prefetch = 0 : i64, scratch_operands = 20 : i64, tpu.core_type = #tpu.core_type<sc_vector_subcore>, window_params = [{transform_indices = #map}, {transform_indices = #map}, {transform_indices = #map1}, {transform_indices = #map1}, {transform_indices = #map1}, {transform_indices = #map2}]} {
    %mul3A = arith.constant 2 : i32
    %mul3A_0 = arith.muli %arg1, %mul3A : i32
    %add3A = arith.addi %mul3A_0, %arg0 : i32
    %eq3A = arith.constant 31 : i32
    %eq3A_1 = arith.cmpi eq, %add3A, %eq3A : i32
    %jit3A = arith.constant 82 : i32
    %jit3A_2 = arith.constant 78 : i32
    %select_n3A = arith.select %eq3A_1, %jit3A, %jit3A_2 : i32
    %mul3A_3 = arith.constant 78 : i32
    %mul3A_4 = arith.muli %add3A, %mul3A_3 : i32
    %mul3A_5 = arith.constant 128 : i32
    %mul3A_6 = arith.muli %mul3A_4, %mul3A_5 : i32
    %broadcast_in_dim3A = arith.constant 0.000000e+00 : f32
    %broadcast_in_dim3A_7 = vector.broadcast %broadcast_in_dim3A : f32 to vector<16xf32>
    %iota3A = tpu.iota {dimensions = array<i32: 0>} : vector<16xi32>
    "tpu.region"() ({
      %run_scoped3A = tpu.sem_alloc : memref<!tpu.dma_semaphore, #tpu.memory_space<semaphore_mem>>
      %dma_start3A_105 = arith.constant 0 : i32
      %dma_start3A_106 = tpu.memref_slice %arg8[%dma_start3A_105] : memref<10496xi32, #tpu.memory_space<vmem>> -> memref<9984xi32, #tpu.memory_space<vmem>>
      %dma_start3A_107 = tpu.memref_slice %arg2[%mul3A_6] : memref<320000xi32, #tpu.memory_space<hbm>> -> memref<9984xi32, #tpu.memory_space<hbm>>
      %dma_start3A_108 = arith.constant 0 : i32
      %dma_start3A_109 = tpu.memref_slice %arg8[%dma_start3A_108] : memref<10496xi32, #tpu.memory_space<vmem>> -> memref<9984xi32, #tpu.memory_space<vmem>>
      %dma_start3A_110 = tpu.memref_slice %arg2[%mul3A_6] : memref<320000xi32, #tpu.memory_space<hbm>> -> memref<9984xi32, #tpu.memory_space<hbm>>
      tpu.enqueue_dma source(%dma_start3A_110 : memref<9984xi32, #tpu.memory_space<hbm>>) target(%dma_start3A_109 : memref<9984xi32, #tpu.memory_space<vmem>>) target_semaphore(%run_scoped3A : memref<!tpu.dma_semaphore, #tpu.memory_space<semaphore_mem>>)
      %dma_wait3A_111 = arith.constant 0 : i32
      %dma_wait3A_112 = tpu.memref_slice %arg8[%dma_wait3A_111] : memref<10496xi32, #tpu.memory_space<vmem>> -> memref<9984xi32, #tpu.memory_space<vmem>>
      %dma_wait3A_113 = tpu.memref_slice %arg2[%mul3A_6] : memref<320000xi32, #tpu.memory_space<hbm>> -> memref<9984xi32, #tpu.memory_space<hbm>>
      %dma_wait3A_114 = arith.constant 0 : i32
      %dma_wait3A_115 = tpu.memref_slice %arg8[%dma_wait3A_114] : memref<10496xi32, #tpu.memory_space<vmem>> -> memref<9984xi32, #tpu.memory_space<vmem>>
      %dma_wait3A_116 = tpu.memref_slice %arg2[%mul3A_6] : memref<320000xi32, #tpu.memory_space<hbm>> -> memref<9984xi32, #tpu.memory_space<hbm>>
      tpu.wait_dma2 semaphore(%run_scoped3A : memref<!tpu.dma_semaphore, #tpu.memory_space<semaphore_mem>>) src(%dma_wait3A_116 : memref<9984xi32, #tpu.memory_space<hbm>>) dst(%dma_wait3A_115 : memref<9984xi32, #tpu.memory_space<vmem>>)
      tpu.yield
    }) : () -> ()
    "tpu.region"() ({
      %run_scoped3A = tpu.sem_alloc : memref<!tpu.dma_semaphore, #tpu.memory_space<semaphore_mem>>
      %dma_start3A_105 = arith.constant 0 : i32
      %dma_start3A_106 = tpu.memref_slice %arg9[%dma_start3A_105] : memref<10496xi32, #tpu.memory_space<vmem>> -> memref<9984xi32, #tpu.memory_space<vmem>>
      %dma_start3A_107 = tpu.memref_slice %arg3[%mul3A_6] : memref<320000xi32, #tpu.memory_space<hbm>> -> memref<9984xi32, #tpu.memory_space<hbm>>
      %dma_start3A_108 = arith.constant 0 : i32
      %dma_start3A_109 = tpu.memref_slice %arg9[%dma_start3A_108] : memref<10496xi32, #tpu.memory_space<vmem>> -> memref<9984xi32, #tpu.memory_space<vmem>>
      %dma_start3A_110 = tpu.memref_slice %arg3[%mul3A_6] : memref<320000xi32, #tpu.memory_space<hbm>> -> memref<9984xi32, #tpu.memory_space<hbm>>
      tpu.enqueue_dma source(%dma_start3A_110 : memref<9984xi32, #tpu.memory_space<hbm>>) target(%dma_start3A_109 : memref<9984xi32, #tpu.memory_space<vmem>>) target_semaphore(%run_scoped3A : memref<!tpu.dma_semaphore, #tpu.memory_space<semaphore_mem>>)
      %dma_wait3A_111 = arith.constant 0 : i32
      %dma_wait3A_112 = tpu.memref_slice %arg9[%dma_wait3A_111] : memref<10496xi32, #tpu.memory_space<vmem>> -> memref<9984xi32, #tpu.memory_space<vmem>>
      %dma_wait3A_113 = tpu.memref_slice %arg3[%mul3A_6] : memref<320000xi32, #tpu.memory_space<hbm>> -> memref<9984xi32, #tpu.memory_space<hbm>>
      %dma_wait3A_114 = arith.constant 0 : i32
      %dma_wait3A_115 = tpu.memref_slice %arg9[%dma_wait3A_114] : memref<10496xi32, #tpu.memory_space<vmem>> -> memref<9984xi32, #tpu.memory_space<vmem>>
      %dma_wait3A_116 = tpu.memref_slice %arg3[%mul3A_6] : memref<320000xi32, #tpu.memory_space<hbm>> -> memref<9984xi32, #tpu.memory_space<hbm>>
      tpu.wait_dma2 semaphore(%run_scoped3A : memref<!tpu.dma_semaphore, #tpu.memory_space<semaphore_mem>>) src(%dma_wait3A_116 : memref<9984xi32, #tpu.memory_space<hbm>>) dst(%dma_wait3A_115 : memref<9984xi32, #tpu.memory_space<vmem>>)
      tpu.yield
    }) : () -> ()
    %convert_element_type3A = arith.extui %eq3A_1 : i1 to i32
    %cond3A = arith.constant 0 : i32
    %cond3A_8 = arith.cmpi ne, %convert_element_type3A, %cond3A : i32
    scf.if %cond3A_8 {
      "tpu.region"() ({
        %run_scoped3A = tpu.sem_alloc : memref<!tpu.dma_semaphore, #tpu.memory_space<semaphore_mem>>
        %dma_start3A_105 = arith.constant 9984 : i32
        %dma_start3A_106 = tpu.memref_slice %arg8[%dma_start3A_105] : memref<10496xi32, #tpu.memory_space<vmem>> -> memref<512xi32, #tpu.memory_space<vmem>>
        %dma_start3A_107 = arith.constant 319488 : i32
        %dma_start3A_108 = tpu.memref_slice %arg2[%dma_start3A_107] : memref<320000xi32, #tpu.memory_space<hbm>> -> memref<512xi32, #tpu.memory_space<hbm>>
        %dma_start3A_109 = arith.constant 9984 : i32
        %dma_start3A_110 = tpu.memref_slice %arg8[%dma_start3A_109] : memref<10496xi32, #tpu.memory_space<vmem>> -> memref<512xi32, #tpu.memory_space<vmem>>
        %dma_start3A_111 = arith.constant 319488 : i32
        %dma_start3A_112 = tpu.memref_slice %arg2[%dma_start3A_111] : memref<320000xi32, #tpu.memory_space<hbm>> -> memref<512xi32, #tpu.memory_space<hbm>>
        tpu.enqueue_dma source(%dma_start3A_112 : memref<512xi32, #tpu.memory_space<hbm>>) target(%dma_start3A_110 : memref<512xi32, #tpu.memory_space<vmem>>) target_semaphore(%run_scoped3A : memref<!tpu.dma_semaphore, #tpu.memory_space<semaphore_mem>>)
        %dma_wait3A_113 = arith.constant 9984 : i32
        %dma_wait3A_114 = tpu.memref_slice %arg8[%dma_wait3A_113] : memref<10496xi32, #tpu.memory_space<vmem>> -> memref<512xi32, #tpu.memory_space<vmem>>
        %dma_wait3A_115 = arith.constant 319488 : i32
        %dma_wait3A_116 = tpu.memref_slice %arg2[%dma_wait3A_115] : memref<320000xi32, #tpu.memory_space<hbm>> -> memref<512xi32, #tpu.memory_space<hbm>>
        %dma_wait3A_117 = arith.constant 9984 : i32
        %dma_wait3A_118 = tpu.memref_slice %arg8[%dma_wait3A_117] : memref<10496xi32, #tpu.memory_space<vmem>> -> memref<512xi32, #tpu.memory_space<vmem>>
        %dma_wait3A_119 = arith.constant 319488 : i32
        %dma_wait3A_120 = tpu.memref_slice %arg2[%dma_wait3A_119] : memref<320000xi32, #tpu.memory_space<hbm>> -> memref<512xi32, #tpu.memory_space<hbm>>
        tpu.wait_dma2 semaphore(%run_scoped3A : memref<!tpu.dma_semaphore, #tpu.memory_space<semaphore_mem>>) src(%dma_wait3A_120 : memref<512xi32, #tpu.memory_space<hbm>>) dst(%dma_wait3A_118 : memref<512xi32, #tpu.memory_space<vmem>>)
        tpu.yield
      }) : () -> ()
      "tpu.region"() ({
        %run_scoped3A = tpu.sem_alloc : memref<!tpu.dma_semaphore, #tpu.memory_space<semaphore_mem>>
        %dma_start3A_105 = arith.constant 9984 : i32
        %dma_start3A_106 = tpu.memref_slice %arg9[%dma_start3A_105] : memref<10496xi32, #tpu.memory_space<vmem>> -> memref<512xi32, #tpu.memory_space<vmem>>
        %dma_start3A_107 = arith.constant 319488 : i32
        %dma_start3A_108 = tpu.memref_slice %arg3[%dma_start3A_107] : memref<320000xi32, #tpu.memory_space<hbm>> -> memref<512xi32, #tpu.memory_space<hbm>>
        %dma_start3A_109 = arith.constant 9984 : i32
        %dma_start3A_110 = tpu.memref_slice %arg9[%dma_start3A_109] : memref<10496xi32, #tpu.memory_space<vmem>> -> memref<512xi32, #tpu.memory_space<vmem>>
        %dma_start3A_111 = arith.constant 319488 : i32
        %dma_start3A_112 = tpu.memref_slice %arg3[%dma_start3A_111] : memref<320000xi32, #tpu.memory_space<hbm>> -> memref<512xi32, #tpu.memory_space<hbm>>
        tpu.enqueue_dma source(%dma_start3A_112 : memref<512xi32, #tpu.memory_space<hbm>>) target(%dma_start3A_110 : memref<512xi32, #tpu.memory_space<vmem>>) target_semaphore(%run_scoped3A : memref<!tpu.dma_semaphore, #tpu.memory_space<semaphore_mem>>)
        %dma_wait3A_113 = arith.constant 9984 : i32
        %dma_wait3A_114 = tpu.memref_slice %arg9[%dma_wait3A_113] : memref<10496xi32, #tpu.memory_space<vmem>> -> memref<512xi32, #tpu.memory_space<vmem>>
        %dma_wait3A_115 = arith.constant 319488 : i32
        %dma_wait3A_116 = tpu.memref_slice %arg3[%dma_wait3A_115] : memref<320000xi32, #tpu.memory_space<hbm>> -> memref<512xi32, #tpu.memory_space<hbm>>
        %dma_wait3A_117 = arith.constant 9984 : i32
        %dma_wait3A_118 = tpu.memref_slice %arg9[%dma_wait3A_117] : memref<10496xi32, #tpu.memory_space<vmem>> -> memref<512xi32, #tpu.memory_space<vmem>>
        %dma_wait3A_119 = arith.constant 319488 : i32
        %dma_wait3A_120 = tpu.memref_slice %arg3[%dma_wait3A_119] : memref<320000xi32, #tpu.memory_space<hbm>> -> memref<512xi32, #tpu.memory_space<hbm>>
        tpu.wait_dma2 semaphore(%run_scoped3A : memref<!tpu.dma_semaphore, #tpu.memory_space<semaphore_mem>>) src(%dma_wait3A_120 : memref<512xi32, #tpu.memory_space<hbm>>) dst(%dma_wait3A_118 : memref<512xi32, #tpu.memory_space<vmem>>)
        tpu.yield
      }) : () -> ()
    } else {
    }
    %scan3A = arith.constant 0 : i32
    %scan3A_9 = arith.constant 16 : i32
    %scan3A_10 = arith.addi %scan3A, %scan3A_9 : i32
    %scan3A_11 = arith.constant 1 : i32
    scf.for %scan3A_105 = %scan3A to %scan3A_10 step %scan3A_11  : i32 {
      %mul3A_106 = arith.constant 1 : i32
      %mul3A_107 = arith.muli %scan3A_105, %mul3A_106 : i32
      %add3A_108 = arith.constant 0 : i32
      %add3A_109 = arith.addi %add3A_108, %mul3A_107 : i32
      %swap3A = arith.index_cast %add3A_109 : i32 to index
      %swap3A_110 = arith.constant 0 : index
      %swap3A_111 = tpu.vector_load %arg22[%swap3A, %swap3A_110] {strides = array<i32>} : memref<16x48xf32, #tpu.memory_space<vmem>>, vector<16xf32>,
      tpu.vector_store %arg22[%swap3A, %swap3A_110], %broadcast_in_dim3A_7 {strides = array<i32>} : memref<16x48xf32, #tpu.memory_space<vmem>>, vector<16xf32>,
      %swap3A_112 = arith.index_cast %add3A_109 : i32 to index
      %swap3A_113 = arith.constant 16 : index
      %swap3A_114 = tpu.vector_load %arg22[%swap3A_112, %swap3A_113] {strides = array<i32>} : memref<16x48xf32, #tpu.memory_space<vmem>>, vector<16xf32>,
      tpu.vector_store %arg22[%swap3A_112, %swap3A_113], %broadcast_in_dim3A_7 {strides = array<i32>} : memref<16x48xf32, #tpu.memory_space<vmem>>, vector<16xf32>,
      %swap3A_115 = arith.index_cast %add3A_109 : i32 to index
      %swap3A_116 = arith.constant 32 : index
      %swap3A_117 = tpu.vector_load %arg22[%swap3A_115, %swap3A_116] {strides = array<i32>} : memref<16x48xf32, #tpu.memory_space<vmem>>, vector<16xf32>,
      tpu.vector_store %arg22[%swap3A_115, %swap3A_116], %broadcast_in_dim3A_7 {strides = array<i32>} : memref<16x48xf32, #tpu.memory_space<vmem>>, vector<16xf32>,
    }
    %scan3A_12 = arith.constant 16 : i32
    %scan3A_13 = arith.constant 0 : i32
    %scan3A_14 = arith.constant 39 : i32
    %scan3A_15 = arith.addi %scan3A_13, %scan3A_14 : i32
    %scan3A_16 = arith.constant 1 : i32
    scf.for %scan3A_105 = %scan3A_13 to %scan3A_15 step %scan3A_16  : i32 {
      %mul3A_106 = arith.constant 1 : i32
      %mul3A_107 = arith.muli %scan3A_105, %mul3A_106 : i32
      %add3A_108 = arith.constant 0 : i32
      %add3A_109 = arith.addi %add3A_108, %mul3A_107 : i32
      %mul3A_110 = arith.constant 624 : i32
      %mul3A_111 = arith.muli %arg1, %mul3A_110 : i32
      %mul3A_112 = arith.constant 16 : i32
      %mul3A_113 = arith.muli %add3A_109, %mul3A_112 : i32
      %add3A_114 = arith.addi %mul3A_111, %mul3A_113 : i32
      "tpu.region"() ({
        %run_scoped3A = tpu.sem_alloc : memref<!tpu.dma_semaphore, #tpu.memory_space<semaphore_mem>>
        %dma_start3A_115 = arith.constant 0 : i32
        %dma_start3A_116 = tpu.memref_slice %arg23[%add3A_114, %dma_start3A_115] : memref<10000x48xf32, #tpu.memory_space<vmem_shared>> -> memref<16x48xf32, #tpu.memory_space<vmem_shared>>
        %dma_start3A_117 = arith.constant 0 : i32
        %dma_start3A_118 = tpu.memref_slice %arg23[%add3A_114, %dma_start3A_117] : memref<10000x48xf32, #tpu.memory_space<vmem_shared>> -> memref<16x48xf32, #tpu.memory_space<vmem_shared>>
        tpu.enqueue_dma source(%arg22 : memref<16x48xf32, #tpu.memory_space<vmem>>) target(%dma_start3A_118 : memref<16x48xf32, #tpu.memory_space<vmem_shared>>) target_semaphore(%run_scoped3A : memref<!tpu.dma_semaphore, #tpu.memory_space<semaphore_mem>>)
        %dma_wait3A_119 = arith.constant 0 : i32
        %dma_wait3A_120 = tpu.memref_slice %arg23[%add3A_114, %dma_wait3A_119] : memref<10000x48xf32, #tpu.memory_space<vmem_shared>> -> memref<16x48xf32, #tpu.memory_space<vmem_shared>>
        %dma_wait3A_121 = arith.constant 0 : i32
        %dma_wait3A_122 = tpu.memref_slice %arg23[%add3A_114, %dma_wait3A_121] : memref<10000x48xf32, #tpu.memory_space<vmem_shared>> -> memref<16x48xf32, #tpu.memory_space<vmem_shared>>
        tpu.wait_dma2 semaphore(%run_scoped3A : memref<!tpu.dma_semaphore, #tpu.memory_space<semaphore_mem>>) src(%arg22 : memref<16x48xf32, #tpu.memory_space<vmem>>) dst(%dma_wait3A_122 : memref<16x48xf32, #tpu.memory_space<vmem_shared>>)
        tpu.yield
      }) : () -> ()
    }
    %scan3A_17 = arith.constant 39 : i32
    %eq3A_18 = arith.constant 15 : i32
    %eq3A_19 = arith.cmpi eq, %arg1, %eq3A_18 : i32
    %convert_element_type3A_20 = arith.extui %eq3A_19 : i1 to i32
    %cond3A_21 = arith.constant 0 : i32
    %cond3A_22 = arith.cmpi ne, %convert_element_type3A_20, %cond3A_21 : i32
    scf.if %cond3A_22 {
      "tpu.region"() ({
        %run_scoped3A = tpu.sem_alloc : memref<!tpu.dma_semaphore, #tpu.memory_space<semaphore_mem>>
        %dma_start3A_105 = arith.constant 9984 : i32
        %dma_start3A_106 = arith.constant 0 : i32
        %dma_start3A_107 = tpu.memref_slice %arg23[%dma_start3A_105, %dma_start3A_106] : memref<10000x48xf32, #tpu.memory_space<vmem_shared>> -> memref<16x48xf32, #tpu.memory_space<vmem_shared>>
        %dma_start3A_108 = arith.constant 9984 : i32
        %dma_start3A_109 = arith.constant 0 : i32
        %dma_start3A_110 = tpu.memref_slice %arg23[%dma_start3A_108, %dma_start3A_109] : memref<10000x48xf32, #tpu.memory_space<vmem_shared>> -> memref<16x48xf32, #tpu.memory_space<vmem_shared>>
        tpu.enqueue_dma source(%arg22 : memref<16x48xf32, #tpu.memory_space<vmem>>) target(%dma_start3A_110 : memref<16x48xf32, #tpu.memory_space<vmem_shared>>) target_semaphore(%run_scoped3A : memref<!tpu.dma_semaphore, #tpu.memory_space<semaphore_mem>>)
        %dma_wait3A_111 = arith.constant 9984 : i32
        %dma_wait3A_112 = arith.constant 0 : i32
        %dma_wait3A_113 = tpu.memref_slice %arg23[%dma_wait3A_111, %dma_wait3A_112] : memref<10000x48xf32, #tpu.memory_space<vmem_shared>> -> memref<16x48xf32, #tpu.memory_space<vmem_shared>>
        %dma_wait3A_114 = arith.constant 9984 : i32
        %dma_wait3A_115 = arith.constant 0 : i32
        %dma_wait3A_116 = tpu.memref_slice %arg23[%dma_wait3A_114, %dma_wait3A_115] : memref<10000x48xf32, #tpu.memory_space<vmem_shared>> -> memref<16x48xf32, #tpu.memory_space<vmem_shared>>
        tpu.wait_dma2 semaphore(%run_scoped3A : memref<!tpu.dma_semaphore, #tpu.memory_space<semaphore_mem>>) src(%arg22 : memref<16x48xf32, #tpu.memory_space<vmem>>) dst(%dma_wait3A_116 : memref<16x48xf32, #tpu.memory_space<vmem_shared>>)
        tpu.yield
      }) : () -> ()
    } else {
    }
    %barrier3A = arith.constant 0 : index
    tpu.barrier barrier_id(%barrier3A)
    %add3A_23 = arith.constant 0 : i32
    %add3A_24 = arith.addi %mul3A_6, %add3A_23 : i32
    %dma_start3A = arith.constant 0 : i32
    %dma_start3A_25 = tpu.memref_slice %arg8[%dma_start3A] : memref<10496xi32, #tpu.memory_space<vmem>> -> memref<128xi32, #tpu.memory_space<vmem>>
    %dma_start3A_26 = arith.constant 0 : i32
    %dma_start3A_27 = arith.constant 0 : i32
    %dma_start3A_28 = tpu.memref_slice %arg5[%dma_start3A_26, %dma_start3A_27] : memref<10000x32xf32, #tpu.memory_space<hbm>> -> memref<10000x32xf32, #tpu.memory_space<hbm>>
    tpu.enqueue_indirect_dma source(%dma_start3A_28 : memref<10000x32xf32, #tpu.memory_space<hbm>>) target(%arg12 : memref<128x32xf32, #tpu.memory_space<vmem>>) offsets(%dma_start3A_25 : memref<128xi32, #tpu.memory_space<vmem>>) semaphore(%arg24 : memref<!tpu.dma_semaphore, #tpu.memory_space<semaphore_mem>>)
    %dma_start3A_29 = arith.constant 0 : i32
    %dma_start3A_30 = tpu.memref_slice %arg9[%dma_start3A_29] : memref<10496xi32, #tpu.memory_space<vmem>> -> memref<128xi32, #tpu.memory_space<vmem>>
    %dma_start3A_31 = arith.constant 0 : i32
    %dma_start3A_32 = arith.constant 0 : i32
    %dma_start3A_33 = tpu.memref_slice %arg6[%dma_start3A_31, %dma_start3A_32] : memref<10000x32xf32, #tpu.memory_space<hbm>> -> memref<10000x32xf32, #tpu.memory_space<hbm>>
    tpu.enqueue_indirect_dma source(%dma_start3A_33 : memref<10000x32xf32, #tpu.memory_space<hbm>>) target(%arg13 : memref<128x32xf32, #tpu.memory_space<vmem>>) offsets(%dma_start3A_30 : memref<128xi32, #tpu.memory_space<vmem>>) semaphore(%arg24 : memref<!tpu.dma_semaphore, #tpu.memory_space<semaphore_mem>>)
    %dma_start3A_34 = arith.constant 0 : i32
    %dma_start3A_35 = tpu.memref_slice %arg4[%add3A_24, %dma_start3A_34] : memref<320000x16xf32, #tpu.memory_space<hbm>> -> memref<128x16xf32, #tpu.memory_space<hbm>>
    %dma_start3A_36 = arith.constant 0 : i32
    %dma_start3A_37 = tpu.memref_slice %arg4[%add3A_24, %dma_start3A_36] : memref<320000x16xf32, #tpu.memory_space<hbm>> -> memref<128x16xf32, #tpu.memory_space<hbm>>
    tpu.enqueue_dma source(%dma_start3A_37 : memref<128x16xf32, #tpu.memory_space<hbm>>) target(%arg14 : memref<128x16xf32, #tpu.memory_space<vmem>>) target_semaphore(%arg24 : memref<!tpu.dma_semaphore, #tpu.memory_space<semaphore_mem>>)
    %add3A_38 = arith.constant 128 : i32
    %add3A_39 = arith.addi %mul3A_6, %add3A_38 : i32
    %dma_start3A_40 = arith.constant 128 : i32
    %dma_start3A_41 = tpu.memref_slice %arg8[%dma_start3A_40] : memref<10496xi32, #tpu.memory_space<vmem>> -> memref<128xi32, #tpu.memory_space<vmem>>
    %dma_start3A_42 = arith.constant 0 : i32
    %dma_start3A_43 = arith.constant 0 : i32
    %dma_start3A_44 = tpu.memref_slice %arg5[%dma_start3A_42, %dma_start3A_43] : memref<10000x32xf32, #tpu.memory_space<hbm>> -> memref<10000x32xf32, #tpu.memory_space<hbm>>
    tpu.enqueue_indirect_dma source(%dma_start3A_44 : memref<10000x32xf32, #tpu.memory_space<hbm>>) target(%arg15 : memref<128x32xf32, #tpu.memory_space<vmem>>) offsets(%dma_start3A_41 : memref<128xi32, #tpu.memory_space<vmem>>) semaphore(%arg25 : memref<!tpu.dma_semaphore, #tpu.memory_space<semaphore_mem>>)
    %dma_start3A_45 = arith.constant 128 : i32
    %dma_start3A_46 = tpu.memref_slice %arg9[%dma_start3A_45] : memref<10496xi32, #tpu.memory_space<vmem>> -> memref<128xi32, #tpu.memory_space<vmem>>
    %dma_start3A_47 = arith.constant 0 : i32
    %dma_start3A_48 = arith.constant 0 : i32
    %dma_start3A_49 = tpu.memref_slice %arg6[%dma_start3A_47, %dma_start3A_48] : memref<10000x32xf32, #tpu.memory_space<hbm>> -> memref<10000x32xf32, #tpu.memory_space<hbm>>
    tpu.enqueue_indirect_dma source(%dma_start3A_49 : memref<10000x32xf32, #tpu.memory_space<hbm>>) target(%arg16 : memref<128x32xf32, #tpu.memory_space<vmem>>) offsets(%dma_start3A_46 : memref<128xi32, #tpu.memory_space<vmem>>) semaphore(%arg25 : memref<!tpu.dma_semaphore, #tpu.memory_space<semaphore_mem>>)
    %dma_start3A_50 = arith.constant 0 : i32
    %dma_start3A_51 = tpu.memref_slice %arg4[%add3A_39, %dma_start3A_50] : memref<320000x16xf32, #tpu.memory_space<hbm>> -> memref<128x16xf32, #tpu.memory_space<hbm>>
    %dma_start3A_52 = arith.constant 0 : i32
    %dma_start3A_53 = tpu.memref_slice %arg4[%add3A_39, %dma_start3A_52] : memref<320000x16xf32, #tpu.memory_space<hbm>> -> memref<128x16xf32, #tpu.memory_space<hbm>>
    tpu.enqueue_dma source(%dma_start3A_53 : memref<128x16xf32, #tpu.memory_space<hbm>>) target(%arg17 : memref<128x16xf32, #tpu.memory_space<vmem>>) target_semaphore(%arg25 : memref<!tpu.dma_semaphore, #tpu.memory_space<semaphore_mem>>)
    %jit3A_54 = arith.constant 2 : i32
    %div3A = arith.divsi %select_n3A, %jit3A_54 : i32
    %sign3A = arith.constant 0 : i32
    %sign3A_55 = arith.cmpi sgt, %select_n3A, %sign3A : i32
    %sign3A_56 = arith.extui %sign3A_55 : i1 to i32
    %sign3A_57 = arith.constant 0 : i32
    %sign3A_58 = arith.cmpi slt, %select_n3A, %sign3A_57 : i32
    %sign3A_59 = arith.extui %sign3A_58 : i1 to i32
    %sign3A_60 = arith.subi %sign3A_56, %sign3A_59 : i32
    %sign3A_61 = arith.constant 0 : i32
    %sign3A_62 = arith.cmpi sgt, %jit3A_54, %sign3A_61 : i32
    %sign3A_63 = arith.extui %sign3A_62 : i1 to i32
    %sign3A_64 = arith.constant 0 : i32
    %sign3A_65 = arith.cmpi slt, %jit3A_54, %sign3A_64 : i32
    %sign3A_66 = arith.extui %sign3A_65 : i1 to i32
    %sign3A_67 = arith.subi %sign3A_63, %sign3A_66 : i32
    %ne3A = arith.cmpi ne, %sign3A_60, %sign3A_67 : i32
    %rem3A = arith.remsi %select_n3A, %jit3A_54 : i32
    %ne3A_68 = arith.constant 0 : i32
    %ne3A_69 = arith.cmpi ne, %rem3A, %ne3A_68 : i32
    %and3A = arith.andi %ne3A, %ne3A_69 : i1
    %sub3A = arith.constant 1 : i32
    %sub3A_70 = arith.subi %div3A, %sub3A : i32
    %select_n3A_71 = arith.select %and3A, %sub3A_70, %div3A : i32
    %sub3A_72 = arith.constant 0 : i32
    %sub3A_73 = arith.subi %select_n3A_71, %sub3A_72 : i32
    %sub3A_74 = arith.constant 1 : i32
    %sub3A_75 = arith.constant 1 : i32
    %sub3A_76 = arith.subi %sub3A_74, %sub3A_75 : i32
    %add3A_77 = arith.addi %sub3A_73, %sub3A_76 : i32
    %div3A_78 = arith.constant 1 : i32
    %div3A_79 = arith.divsi %add3A_77, %div3A_78 : i32
    %while3A = arith.constant 1 : i32
    %while3A_80 = arith.constant 0 : i32
    %while3A_81 = arith.constant 0 : i32
    %while3A_82 = arith.subi %div3A_79, %while3A_81 : i32
    %while3A_83 = arith.addi %while3A_81, %while3A_82 : i32
    %while3A_84 = arith.constant 1 : i32
    %while3A_85 = arith.divsi %while3A_82, %while3A_84 : i32
    %while3A_86 = arith.muli %while3A_85, %while3A_84 : i32
    %while3A_87 = arith.addi %while3A_81, %while3A_86 : i32
    %while3A_88 = arith.constant 1 : i32
    scf.for %while3A_105 = %while3A_81 to %while3A_87 step %while3A_88  : i32 {
      %mul3A_106 = arith.muli %while3A_105, %while3A : i32
      %add3A_107 = arith.addi %while3A_80, %mul3A_106 : i32
      %mul3A_108 = arith.constant 2 : i32
      %mul3A_109 = arith.muli %mul3A_108, %add3A_107 : i32
      %add3A_110 = arith.constant 0 : i32
      %add3A_111 = arith.addi %mul3A_109, %add3A_110 : i32
      %mul3A_112 = arith.constant 128 : i32
      %mul3A_113 = arith.muli %add3A_111, %mul3A_112 : i32
      %mul3A_114 = arith.constant 128 : i32
      %mul3A_115 = arith.muli %add3A_111, %mul3A_114 : i32
      %mul3A_116 = arith.constant 128 : i32
      %mul3A_117 = arith.muli %add3A_111, %mul3A_116 : i32
      %add3A_118 = arith.addi %mul3A_6, %mul3A_117 : i32
      %dma_wait3A_119 = tpu.memref_slice %arg8[%mul3A_113] : memref<10496xi32, #tpu.memory_space<vmem>> -> memref<128xi32, #tpu.memory_space<vmem>>
      %dma_wait3A_120 = arith.constant 0 : i32
      %dma_wait3A_121 = arith.constant 0 : i32
      %dma_wait3A_122 = tpu.memref_slice %arg5[%dma_wait3A_120, %dma_wait3A_121] : memref<10000x32xf32, #tpu.memory_space<hbm>> -> memref<10000x32xf32, #tpu.memory_space<hbm>>
      tpu.wait_indirect_dma semaphore(%arg24 : memref<!tpu.dma_semaphore, #tpu.memory_space<semaphore_mem>>) src(%dma_wait3A_122 : memref<10000x32xf32, #tpu.memory_space<hbm>>) dst(%arg12 : memref<128x32xf32, #tpu.memory_space<vmem>>)
      %dma_wait3A_123 = tpu.memref_slice %arg9[%mul3A_115] : memref<10496xi32, #tpu.memory_space<vmem>> -> memref<128xi32, #tpu.memory_space<vmem>>
      %dma_wait3A_124 = arith.constant 0 : i32
      %dma_wait3A_125 = arith.constant 0 : i32
      %dma_wait3A_126 = tpu.memref_slice %arg6[%dma_wait3A_124, %dma_wait3A_125] : memref<10000x32xf32, #tpu.memory_space<hbm>> -> memref<10000x32xf32, #tpu.memory_space<hbm>>
      tpu.wait_indirect_dma semaphore(%arg24 : memref<!tpu.dma_semaphore, #tpu.memory_space<semaphore_mem>>) src(%dma_wait3A_126 : memref<10000x32xf32, #tpu.memory_space<hbm>>) dst(%arg13 : memref<128x32xf32, #tpu.memory_space<vmem>>)
      %dma_wait3A_127 = arith.constant 0 : i32
      %dma_wait3A_128 = tpu.memref_slice %arg4[%add3A_118, %dma_wait3A_127] : memref<320000x16xf32, #tpu.memory_space<hbm>> -> memref<128x16xf32, #tpu.memory_space<hbm>>
      %dma_wait3A_129 = arith.constant 0 : i32
      %dma_wait3A_130 = tpu.memref_slice %arg4[%add3A_118, %dma_wait3A_129] : memref<320000x16xf32, #tpu.memory_space<hbm>> -> memref<128x16xf32, #tpu.memory_space<hbm>>
      tpu.wait_dma2 semaphore(%arg24 : memref<!tpu.dma_semaphore, #tpu.memory_space<semaphore_mem>>) src(%dma_wait3A_130 : memref<128x16xf32, #tpu.memory_space<hbm>>) dst(%arg14 : memref<128x16xf32, #tpu.memory_space<vmem>>)
      %parallel_loop3A = arith.constant 0 : i32
      %parallel_loop3A_131 = arith.constant 128 : i32
      %parallel_loop3A_132 = arith.constant 1 : i32
      scf.for %parallel_loop3A_203 = %parallel_loop3A to %parallel_loop3A_131 step %parallel_loop3A_132  : i32 {
        %parallel_loop3A_204 = arith.index_cast %parallel_loop3A_203 : i32 to index
        %parallel_loop3A_205 = arith.constant 16 : index
        %parallel_loop3A_206 = tpu.vector_load %arg13[%parallel_loop3A_204, %parallel_loop3A_205] {strides = array<i32>} : memref<128x32xf32, #tpu.memory_space<vmem>>, vector<16xf32>,
        %parallel_loop3A_207 = arith.index_cast %parallel_loop3A_203 : i32 to index
        %parallel_loop3A_208 = arith.constant 0 : index
        %parallel_loop3A_209 = tpu.vector_load %arg14[%parallel_loop3A_207, %parallel_loop3A_208] {strides = array<i32>} : memref<128x16xf32, #tpu.memory_space<vmem>>, vector<16xf32>,
        %parallel_loop3A_210 = arith.mulf %parallel_loop3A_206, %parallel_loop3A_209 : vector<16xf32>
        %parallel_loop3A_211 = arith.index_cast %parallel_loop3A_203 : i32 to index
        %parallel_loop3A_212 = arith.constant 0 : index
        %parallel_loop3A_213 = tpu.vector_load %arg13[%parallel_loop3A_211, %parallel_loop3A_212] {strides = array<i32>} : memref<128x32xf32, #tpu.memory_space<vmem>>, vector<16xf32>,
        %parallel_loop3A_214 = arith.index_cast %parallel_loop3A_203 : i32 to index
        %parallel_loop3A_215 = arith.constant 0 : index
        %parallel_loop3A_216 = tpu.vector_load %arg12[%parallel_loop3A_214, %parallel_loop3A_215] {strides = array<i32>} : memref<128x32xf32, #tpu.memory_space<vmem>>, vector<16xf32>,
        %parallel_loop3A_217 = arith.mulf %parallel_loop3A_213, %parallel_loop3A_216 : vector<16xf32>
        %parallel_loop3A_218 = arith.addf %parallel_loop3A_210, %parallel_loop3A_217 : vector<16xf32>
        %parallel_loop3A_219 = arith.index_cast %parallel_loop3A_203 : i32 to index
        %parallel_loop3A_220 = arith.constant 0 : index
        %parallel_loop3A_221 = tpu.vector_load %arg21[%parallel_loop3A_219, %parallel_loop3A_220] {strides = array<i32>} : memref<128x16xf32, #tpu.memory_space<vmem>>, vector<16xf32>,
        tpu.vector_store %arg21[%parallel_loop3A_219, %parallel_loop3A_220], %parallel_loop3A_218 {strides = array<i32>} : memref<128x16xf32, #tpu.memory_space<vmem>>, vector<16xf32>,
      } {sc.loop_unroll_factor = 4 : i64, sc.parallel_access}
      %parallel_loop3A_133 = arith.constant 0 : i32
      %parallel_loop3A_134 = arith.constant 8 : i32
      %parallel_loop3A_135 = arith.constant 1 : i32
      scf.for %parallel_loop3A_203 = %parallel_loop3A_133 to %parallel_loop3A_134 step %parallel_loop3A_135  : i32 {
        %parallel_loop3A_204 = arith.constant 16 : i32
        %parallel_loop3A_205 = arith.muli %parallel_loop3A_203, %parallel_loop3A_204 : i32
        %parallel_loop3A_206 = vector.broadcast %parallel_loop3A_205 : i32 to vector<16xi32>
        %parallel_loop3A_207 = arith.addi %parallel_loop3A_206, %iota3A : vector<16xi32>
        %parallel_loop3A_208 = arith.constant 0 : i32
        %parallel_loop3A_209 = vector.broadcast %parallel_loop3A_208 : i32 to vector<16xi32>
        %parallel_loop3A_210 = tpu.vector_load_idx %arg21[%parallel_loop3A_207, %parallel_loop3A_209] : memref<128x16xf32, #tpu.memory_space<vmem>>[vector<16xi32>, vector<16xi32>], vector<16xf32>,
        %parallel_loop3A_211 = arith.constant 1 : i32
        %parallel_loop3A_212 = vector.broadcast %parallel_loop3A_211 : i32 to vector<16xi32>
        %parallel_loop3A_213 = tpu.vector_load_idx %arg21[%parallel_loop3A_207, %parallel_loop3A_212] : memref<128x16xf32, #tpu.memory_space<vmem>>[vector<16xi32>, vector<16xi32>], vector<16xf32>,
        %parallel_loop3A_214 = arith.addf %parallel_loop3A_210, %parallel_loop3A_213 : vector<16xf32>
        %parallel_loop3A_215 = arith.constant 2 : i32
        %parallel_loop3A_216 = vector.broadcast %parallel_loop3A_215 : i32 to vector<16xi32>
        %parallel_loop3A_217 = tpu.vector_load_idx %arg21[%parallel_loop3A_207, %parallel_loop3A_216] : memref<128x16xf32, #tpu.memory_space<vmem>>[vector<16xi32>, vector<16xi32>], vector<16xf32>,
        %parallel_loop3A_218 = arith.addf %parallel_loop3A_214, %parallel_loop3A_217 : vector<16xf32>
        %parallel_loop3A_219 = arith.constant 3 : i32
        %parallel_loop3A_220 = vector.broadcast %parallel_loop3A_219 : i32 to vector<16xi32>
        %parallel_loop3A_221 = tpu.vector_load_idx %arg21[%parallel_loop3A_207, %parallel_loop3A_220] : memref<128x16xf32, #tpu.memory_space<vmem>>[vector<16xi32>, vector<16xi32>], vector<16xf32>,
        %parallel_loop3A_222 = arith.addf %parallel_loop3A_218, %parallel_loop3A_221 : vector<16xf32>
        %parallel_loop3A_223 = arith.constant 4 : i32
        %parallel_loop3A_224 = vector.broadcast %parallel_loop3A_223 : i32 to vector<16xi32>
        %parallel_loop3A_225 = tpu.vector_load_idx %arg21[%parallel_loop3A_207, %parallel_loop3A_224] : memref<128x16xf32, #tpu.memory_space<vmem>>[vector<16xi32>, vector<16xi32>], vector<16xf32>,
        %parallel_loop3A_226 = arith.addf %parallel_loop3A_222, %parallel_loop3A_225 : vector<16xf32>
        %parallel_loop3A_227 = arith.constant 5 : i32
        %parallel_loop3A_228 = vector.broadcast %parallel_loop3A_227 : i32 to vector<16xi32>
        %parallel_loop3A_229 = tpu.vector_load_idx %arg21[%parallel_loop3A_207, %parallel_loop3A_228] : memref<128x16xf32, #tpu.memory_space<vmem>>[vector<16xi32>, vector<16xi32>], vector<16xf32>,
        %parallel_loop3A_230 = arith.addf %parallel_loop3A_226, %parallel_loop3A_229 : vector<16xf32>
        %parallel_loop3A_231 = arith.constant 6 : i32
        %parallel_loop3A_232 = vector.broadcast %parallel_loop3A_231 : i32 to vector<16xi32>
        %parallel_loop3A_233 = tpu.vector_load_idx %arg21[%parallel_loop3A_207, %parallel_loop3A_232] : memref<128x16xf32, #tpu.memory_space<vmem>>[vector<16xi32>, vector<16xi32>], vector<16xf32>,
        %parallel_loop3A_234 = arith.addf %parallel_loop3A_230, %parallel_loop3A_233 : vector<16xf32>
        %parallel_loop3A_235 = arith.constant 7 : i32
        %parallel_loop3A_236 = vector.broadcast %parallel_loop3A_235 : i32 to vector<16xi32>
        %parallel_loop3A_237 = tpu.vector_load_idx %arg21[%parallel_loop3A_207, %parallel_loop3A_236] : memref<128x16xf32, #tpu.memory_space<vmem>>[vector<16xi32>, vector<16xi32>], vector<16xf32>,
        %parallel_loop3A_238 = arith.addf %parallel_loop3A_234, %parallel_loop3A_237 : vector<16xf32>
        %parallel_loop3A_239 = arith.constant 8 : i32
        %parallel_loop3A_240 = vector.broadcast %parallel_loop3A_239 : i32 to vector<16xi32>
        %parallel_loop3A_241 = tpu.vector_load_idx %arg21[%parallel_loop3A_207, %parallel_loop3A_240] : memref<128x16xf32, #tpu.memory_space<vmem>>[vector<16xi32>, vector<16xi32>], vector<16xf32>,
        %parallel_loop3A_242 = arith.addf %parallel_loop3A_238, %parallel_loop3A_241 : vector<16xf32>
        %parallel_loop3A_243 = arith.constant 9 : i32
        %parallel_loop3A_244 = vector.broadcast %parallel_loop3A_243 : i32 to vector<16xi32>
        %parallel_loop3A_245 = tpu.vector_load_idx %arg21[%parallel_loop3A_207, %parallel_loop3A_244] : memref<128x16xf32, #tpu.memory_space<vmem>>[vector<16xi32>, vector<16xi32>], vector<16xf32>,
        %parallel_loop3A_246 = arith.addf %parallel_loop3A_242, %parallel_loop3A_245 : vector<16xf32>
        %parallel_loop3A_247 = arith.constant 10 : i32
        %parallel_loop3A_248 = vector.broadcast %parallel_loop3A_247 : i32 to vector<16xi32>
        %parallel_loop3A_249 = tpu.vector_load_idx %arg21[%parallel_loop3A_207, %parallel_loop3A_248] : memref<128x16xf32, #tpu.memory_space<vmem>>[vector<16xi32>, vector<16xi32>], vector<16xf32>,
        %parallel_loop3A_250 = arith.addf %parallel_loop3A_246, %parallel_loop3A_249 : vector<16xf32>
        %parallel_loop3A_251 = arith.constant 11 : i32
        %parallel_loop3A_252 = vector.broadcast %parallel_loop3A_251 : i32 to vector<16xi32>
        %parallel_loop3A_253 = tpu.vector_load_idx %arg21[%parallel_loop3A_207, %parallel_loop3A_252] : memref<128x16xf32, #tpu.memory_space<vmem>>[vector<16xi32>, vector<16xi32>], vector<16xf32>,
        %parallel_loop3A_254 = arith.addf %parallel_loop3A_250, %parallel_loop3A_253 : vector<16xf32>
        %parallel_loop3A_255 = arith.constant 12 : i32
        %parallel_loop3A_256 = vector.broadcast %parallel_loop3A_255 : i32 to vector<16xi32>
        %parallel_loop3A_257 = tpu.vector_load_idx %arg21[%parallel_loop3A_207, %parallel_loop3A_256] : memref<128x16xf32, #tpu.memory_space<vmem>>[vector<16xi32>, vector<16xi32>], vector<16xf32>,
        %parallel_loop3A_258 = arith.addf %parallel_loop3A_254, %parallel_loop3A_257 : vector<16xf32>
        %parallel_loop3A_259 = arith.constant 13 : i32
        %parallel_loop3A_260 = vector.broadcast %parallel_loop3A_259 : i32 to vector<16xi32>
        %parallel_loop3A_261 = tpu.vector_load_idx %arg21[%parallel_loop3A_207, %parallel_loop3A_260] : memref<128x16xf32, #tpu.memory_space<vmem>>[vector<16xi32>, vector<16xi32>], vector<16xf32>,
        %parallel_loop3A_262 = arith.addf %parallel_loop3A_258, %parallel_loop3A_261 : vector<16xf32>
        %parallel_loop3A_263 = arith.constant 14 : i32
        %parallel_loop3A_264 = vector.broadcast %parallel_loop3A_263 : i32 to vector<16xi32>
        %parallel_loop3A_265 = tpu.vector_load_idx %arg21[%parallel_loop3A_207, %parallel_loop3A_264] : memref<128x16xf32, #tpu.memory_space<vmem>>[vector<16xi32>, vector<16xi32>], vector<16xf32>,
        %parallel_loop3A_266 = arith.addf %parallel_loop3A_262, %parallel_loop3A_265 : vector<16xf32>
        %parallel_loop3A_267 = arith.constant 15 : i32
        %parallel_loop3A_268 = vector.broadcast %parallel_loop3A_267 : i32 to vector<16xi32>
        %parallel_loop3A_269 = tpu.vector_load_idx %arg21[%parallel_loop3A_207, %parallel_loop3A_268] : memref<128x16xf32, #tpu.memory_space<vmem>>[vector<16xi32>, vector<16xi32>], vector<16xf32>,
        %parallel_loop3A_270 = arith.addf %parallel_loop3A_266, %parallel_loop3A_269 : vector<16xf32>
        %parallel_loop3A_271 = arith.constant 2.500000e-01 : f32
        %parallel_loop3A_272 = vector.broadcast %parallel_loop3A_271 : f32 to vector<16xf32>
        %parallel_loop3A_273 = arith.mulf %parallel_loop3A_270, %parallel_loop3A_272 : vector<16xf32>
        %parallel_loop3A_274 = math.exp %parallel_loop3A_273 : vector<16xf32>
        %parallel_loop3A_275 = arith.constant 16 : i32
        %parallel_loop3A_276 = arith.muli %parallel_loop3A_203, %parallel_loop3A_275 : i32
        %parallel_loop3A_277 = arith.index_cast %parallel_loop3A_276 : i32 to index
        %parallel_loop3A_278 = tpu.vector_load %arg18[%parallel_loop3A_277] {strides = array<i32>} : memref<128xf32, #tpu.memory_space<vmem>>, vector<16xf32>,
        tpu.vector_store %arg18[%parallel_loop3A_277], %parallel_loop3A_274 {strides = array<i32>} : memref<128xf32, #tpu.memory_space<vmem>>, vector<16xf32>,
      } {sc.loop_unroll_factor = 2 : i64, sc.parallel_access}
      %ge3A = arith.constant 2 : i32
      %ge3A_136 = arith.cmpi sge, %add3A_111, %ge3A : i32
      %convert_element_type3A_137 = arith.extui %ge3A_136 : i1 to i32
      %cond3A_138 = arith.constant 0 : i32
      %cond3A_139 = arith.cmpi ne, %convert_element_type3A_137, %cond3A_138 : i32
      scf.if %cond3A_139 {
        %dma_wait3A_203 = arith.constant 0 : i32
        %dma_wait3A_204 = arith.constant 0 : i32
        %dma_wait3A_205 = tpu.memref_slice %arg23[%dma_wait3A_203, %dma_wait3A_204] : memref<10000x48xf32, #tpu.memory_space<vmem_shared>> -> memref<10000x48xf32, #tpu.memory_space<vmem_shared>>
        tpu.wait_indirect_dma semaphore(%arg26 : memref<!tpu.dma_semaphore, #tpu.memory_space<semaphore_mem>>) src(%arg19 : memref<128x48xf32, #tpu.memory_space<vmem>>) dst(%dma_wait3A_205 : memref<10000x48xf32, #tpu.memory_space<vmem_shared>>)
      } else {
      }
      %parallel_loop3A_140 = arith.constant 0 : i32
      %parallel_loop3A_141 = arith.constant 8 : i32
      %parallel_loop3A_142 = arith.constant 1 : i32
      scf.for %parallel_loop3A_203 = %parallel_loop3A_140 to %parallel_loop3A_141 step %parallel_loop3A_142  : i32 {
        %parallel_loop3A_204 = arith.constant 128 : i32
        %parallel_loop3A_205 = arith.muli %add3A_111, %parallel_loop3A_204 : i32
        %parallel_loop3A_206 = arith.constant 16 : i32
        %parallel_loop3A_207 = arith.muli %parallel_loop3A_203, %parallel_loop3A_206 : i32
        %parallel_loop3A_208 = arith.addi %parallel_loop3A_205, %parallel_loop3A_207 : i32
        %parallel_loop3A_209 = arith.index_cast %parallel_loop3A_208 : i32 to index
        %parallel_loop3A_210 = tpu.vector_load %arg9[%parallel_loop3A_209] {strides = array<i32>} : memref<10496xi32, #tpu.memory_space<vmem>>, vector<16xi32>,
        %parallel_loop3A_211 = arith.constant 16 : i32
        %parallel_loop3A_212 = arith.muli %parallel_loop3A_203, %parallel_loop3A_211 : i32
        %parallel_loop3A_213 = arith.index_cast %parallel_loop3A_212 : i32 to index
        %parallel_loop3A_214 = tpu.vector_load %arg10[%parallel_loop3A_213] {strides = array<i32>} : memref<128xi32, #tpu.memory_space<vmem>>, vector<16xi32>,
        tpu.vector_store %arg10[%parallel_loop3A_213], %parallel_loop3A_210 {strides = array<i32>} : memref<128xi32, #tpu.memory_space<vmem>>, vector<16xi32>,
      } {sc.loop_unroll_factor = 1 : i64, sc.parallel_access}
      %parallel_loop3A_143 = arith.constant 0 : i32
      %parallel_loop3A_144 = arith.constant 128 : i32
      %parallel_loop3A_145 = arith.constant 1 : i32
      scf.for %parallel_loop3A_203 = %parallel_loop3A_143 to %parallel_loop3A_144 step %parallel_loop3A_145  : i32 {
        %parallel_loop3A_204 = vector.broadcast %parallel_loop3A_203 : i32 to vector<16xi32>
        %parallel_loop3A_205 = tpu.vector_load_idx %arg18[%parallel_loop3A_204] : memref<128xf32, #tpu.memory_space<vmem>>[vector<16xi32>], vector<16xf32>,
        %parallel_loop3A_206 = arith.index_cast %parallel_loop3A_203 : i32 to index
        %parallel_loop3A_207 = arith.constant 16 : index
        %parallel_loop3A_208 = tpu.vector_load %arg12[%parallel_loop3A_206, %parallel_loop3A_207] {strides = array<i32>} : memref<128x32xf32, #tpu.memory_space<vmem>>, vector<16xf32>,
        %parallel_loop3A_209 = arith.mulf %parallel_loop3A_205, %parallel_loop3A_208 : vector<16xf32>
        %parallel_loop3A_210 = arith.index_cast %parallel_loop3A_203 : i32 to index
        %parallel_loop3A_211 = arith.constant 0 : index
        %parallel_loop3A_212 = tpu.vector_load %arg19[%parallel_loop3A_210, %parallel_loop3A_211] {strides = array<i32>} : memref<128x48xf32, #tpu.memory_space<vmem>>, vector<16xf32>,
        tpu.vector_store %arg19[%parallel_loop3A_210, %parallel_loop3A_211], %parallel_loop3A_209 {strides = array<i32>} : memref<128x48xf32, #tpu.memory_space<vmem>>, vector<16xf32>,
        %parallel_loop3A_213 = arith.index_cast %parallel_loop3A_203 : i32 to index
        %parallel_loop3A_214 = arith.constant 0 : index
        %parallel_loop3A_215 = tpu.vector_load %arg14[%parallel_loop3A_213, %parallel_loop3A_214] {strides = array<i32>} : memref<128x16xf32, #tpu.memory_space<vmem>>, vector<16xf32>,
        %parallel_loop3A_216 = arith.mulf %parallel_loop3A_205, %parallel_loop3A_215 : vector<16xf32>
        %parallel_loop3A_217 = arith.index_cast %parallel_loop3A_203 : i32 to index
        %parallel_loop3A_218 = arith.constant 16 : index
        %parallel_loop3A_219 = tpu.vector_load %arg19[%parallel_loop3A_217, %parallel_loop3A_218] {strides = array<i32>} : memref<128x48xf32, #tpu.memory_space<vmem>>, vector<16xf32>,
        tpu.vector_store %arg19[%parallel_loop3A_217, %parallel_loop3A_218], %parallel_loop3A_216 {strides = array<i32>} : memref<128x48xf32, #tpu.memory_space<vmem>>, vector<16xf32>,
        %parallel_loop3A_220 = arith.index_cast %parallel_loop3A_203 : i32 to index
        %parallel_loop3A_221 = arith.constant 32 : index
        %parallel_loop3A_222 = tpu.vector_load %arg19[%parallel_loop3A_220, %parallel_loop3A_221] {strides = array<i32>} : memref<128x48xf32, #tpu.memory_space<vmem>>, vector<16xf32>,
        tpu.vector_store %arg19[%parallel_loop3A_220, %parallel_loop3A_221], %parallel_loop3A_205 {strides = array<i32>} : memref<128x48xf32, #tpu.memory_space<vmem>>, vector<16xf32>,
      } {sc.loop_unroll_factor = 4 : i64, sc.parallel_access}
      %dma_start3A_146 = arith.constant 0 : i32
      %dma_start3A_147 = arith.constant 0 : i32
      %dma_start3A_148 = tpu.memref_slice %arg23[%dma_start3A_146, %dma_start3A_147] : memref<10000x48xf32, #tpu.memory_space<vmem_shared>> -> memref<10000x48xf32, #tpu.memory_space<vmem_shared>>
      tpu.enqueue_indirect_dma source(%arg19 : memref<128x48xf32, #tpu.memory_space<vmem>>) target(%dma_start3A_148 : memref<10000x48xf32, #tpu.memory_space<vmem_shared>>) offsets(%arg10 : memref<128xi32, #tpu.memory_space<vmem>>) semaphore(%arg26 : memref<!tpu.dma_semaphore, #tpu.memory_space<semaphore_mem>>) {add = true}
      %add3A_149 = arith.constant 2 : i32
      %add3A_150 = arith.addi %add3A_111, %add3A_149 : i32
      %lt3A = arith.cmpi slt, %add3A_150, %select_n3A : i32
      %convert_element_type3A_151 = arith.extui %lt3A : i1 to i32
      %cond3A_152 = arith.constant 0 : i32
      %cond3A_153 = arith.cmpi ne, %convert_element_type3A_151, %cond3A_152 : i32
      scf.if %cond3A_153 {
        %add3A_203 = arith.constant 2 : i32
        %add3A_204 = arith.addi %add3A_111, %add3A_203 : i32
        %mul3A_205 = arith.constant 128 : i32
        %mul3A_206 = arith.muli %add3A_204, %mul3A_205 : i32
        %mul3A_207 = arith.constant 128 : i32
        %mul3A_208 = arith.muli %add3A_204, %mul3A_207 : i32
        %mul3A_209 = arith.constant 128 : i32
        %mul3A_210 = arith.muli %add3A_204, %mul3A_209 : i32
        %add3A_211 = arith.addi %mul3A_6, %mul3A_210 : i32
        %dma_start3A_212 = tpu.memref_slice %arg8[%mul3A_206] : memref<10496xi32, #tpu.memory_space<vmem>> -> memref<128xi32, #tpu.memory_space<vmem>>
        %dma_start3A_213 = arith.constant 0 : i32
        %dma_start3A_214 = arith.constant 0 : i32
        %dma_start3A_215 = tpu.memref_slice %arg5[%dma_start3A_213, %dma_start3A_214] : memref<10000x32xf32, #tpu.memory_space<hbm>> -> memref<10000x32xf32, #tpu.memory_space<hbm>>
        tpu.enqueue_indirect_dma source(%dma_start3A_215 : memref<10000x32xf32, #tpu.memory_space<hbm>>) target(%arg12 : memref<128x32xf32, #tpu.memory_space<vmem>>) offsets(%dma_start3A_212 : memref<128xi32, #tpu.memory_space<vmem>>) semaphore(%arg24 : memref<!tpu.dma_semaphore, #tpu.memory_space<semaphore_mem>>)
        %dma_start3A_216 = tpu.memref_slice %arg9[%mul3A_208] : memref<10496xi32, #tpu.memory_space<vmem>> -> memref<128xi32, #tpu.memory_space<vmem>>
        %dma_start3A_217 = arith.constant 0 : i32
        %dma_start3A_218 = arith.constant 0 : i32
        %dma_start3A_219 = tpu.memref_slice %arg6[%dma_start3A_217, %dma_start3A_218] : memref<10000x32xf32, #tpu.memory_space<hbm>> -> memref<10000x32xf32, #tpu.memory_space<hbm>>
        tpu.enqueue_indirect_dma source(%dma_start3A_219 : memref<10000x32xf32, #tpu.memory_space<hbm>>) target(%arg13 : memref<128x32xf32, #tpu.memory_space<vmem>>) offsets(%dma_start3A_216 : memref<128xi32, #tpu.memory_space<vmem>>) semaphore(%arg24 : memref<!tpu.dma_semaphore, #tpu.memory_space<semaphore_mem>>)
        %dma_start3A_220 = arith.constant 0 : i32
        %dma_start3A_221 = tpu.memref_slice %arg4[%add3A_211, %dma_start3A_220] : memref<320000x16xf32, #tpu.memory_space<hbm>> -> memref<128x16xf32, #tpu.memory_space<hbm>>
        %dma_start3A_222 = arith.constant 0 : i32
        %dma_start3A_223 = tpu.memref_slice %arg4[%add3A_211, %dma_start3A_222] : memref<320000x16xf32, #tpu.memory_space<hbm>> -> memref<128x16xf32, #tpu.memory_space<hbm>>
        tpu.enqueue_dma source(%dma_start3A_223 : memref<128x16xf32, #tpu.memory_space<hbm>>) target(%arg14 : memref<128x16xf32, #tpu.memory_space<vmem>>) target_semaphore(%arg24 : memref<!tpu.dma_semaphore, #tpu.memory_space<semaphore_mem>>)
      } else {
      }
      %mul3A_154 = arith.constant 2 : i32
      %mul3A_155 = arith.muli %mul3A_154, %add3A_107 : i32
      %add3A_156 = arith.constant 1 : i32
      %add3A_157 = arith.addi %mul3A_155, %add3A_156 : i32
      %mul3A_158 = arith.constant 128 : i32
      %mul3A_159 = arith.muli %add3A_157, %mul3A_158 : i32
      %mul3A_160 = arith.constant 128 : i32
      %mul3A_161 = arith.muli %add3A_157, %mul3A_160 : i32
      %mul3A_162 = arith.constant 128 : i32
      %mul3A_163 = arith.muli %add3A_157, %mul3A_162 : i32
      %add3A_164 = arith.addi %mul3A_6, %mul3A_163 : i32
      %dma_wait3A_165 = tpu.memref_slice %arg8[%mul3A_159] : memref<10496xi32, #tpu.memory_space<vmem>> -> memref<128xi32, #tpu.memory_space<vmem>>
      %dma_wait3A_166 = arith.constant 0 : i32
      %dma_wait3A_167 = arith.constant 0 : i32
      %dma_wait3A_168 = tpu.memref_slice %arg5[%dma_wait3A_166, %dma_wait3A_167] : memref<10000x32xf32, #tpu.memory_space<hbm>> -> memref<10000x32xf32, #tpu.memory_space<hbm>>
      tpu.wait_indirect_dma semaphore(%arg25 : memref<!tpu.dma_semaphore, #tpu.memory_space<semaphore_mem>>) src(%dma_wait3A_168 : memref<10000x32xf32, #tpu.memory_space<hbm>>) dst(%arg15 : memref<128x32xf32, #tpu.memory_space<vmem>>)
      %dma_wait3A_169 = tpu.memref_slice %arg9[%mul3A_161] : memref<10496xi32, #tpu.memory_space<vmem>> -> memref<128xi32, #tpu.memory_space<vmem>>
      %dma_wait3A_170 = arith.constant 0 : i32
      %dma_wait3A_171 = arith.constant 0 : i32
      %dma_wait3A_172 = tpu.memref_slice %arg6[%dma_wait3A_170, %dma_wait3A_171] : memref<10000x32xf32, #tpu.memory_space<hbm>> -> memref<10000x32xf32, #tpu.memory_space<hbm>>
      tpu.wait_indirect_dma semaphore(%arg25 : memref<!tpu.dma_semaphore, #tpu.memory_space<semaphore_mem>>) src(%dma_wait3A_172 : memref<10000x32xf32, #tpu.memory_space<hbm>>) dst(%arg16 : memref<128x32xf32, #tpu.memory_space<vmem>>)
      %dma_wait3A_173 = arith.constant 0 : i32
      %dma_wait3A_174 = tpu.memref_slice %arg4[%add3A_164, %dma_wait3A_173] : memref<320000x16xf32, #tpu.memory_space<hbm>> -> memref<128x16xf32, #tpu.memory_space<hbm>>
      %dma_wait3A_175 = arith.constant 0 : i32
      %dma_wait3A_176 = tpu.memref_slice %arg4[%add3A_164, %dma_wait3A_175] : memref<320000x16xf32, #tpu.memory_space<hbm>> -> memref<128x16xf32, #tpu.memory_space<hbm>>
      tpu.wait_dma2 semaphore(%arg25 : memref<!tpu.dma_semaphore, #tpu.memory_space<semaphore_mem>>) src(%dma_wait3A_176 : memref<128x16xf32, #tpu.memory_space<hbm>>) dst(%arg17 : memref<128x16xf32, #tpu.memory_space<vmem>>)
      %parallel_loop3A_177 = arith.constant 0 : i32
      %parallel_loop3A_178 = arith.constant 128 : i32
      %parallel_loop3A_179 = arith.constant 1 : i32
      scf.for %parallel_loop3A_203 = %parallel_loop3A_177 to %parallel_loop3A_178 step %parallel_loop3A_179  : i32 {
        %parallel_loop3A_204 = arith.index_cast %parallel_loop3A_203 : i32 to index
        %parallel_loop3A_205 = arith.constant 16 : index
        %parallel_loop3A_206 = tpu.vector_load %arg16[%parallel_loop3A_204, %parallel_loop3A_205] {strides = array<i32>} : memref<128x32xf32, #tpu.memory_space<vmem>>, vector<16xf32>,
        %parallel_loop3A_207 = arith.index_cast %parallel_loop3A_203 : i32 to index
        %parallel_loop3A_208 = arith.constant 0 : index
        %parallel_loop3A_209 = tpu.vector_load %arg17[%parallel_loop3A_207, %parallel_loop3A_208] {strides = array<i32>} : memref<128x16xf32, #tpu.memory_space<vmem>>, vector<16xf32>,
        %parallel_loop3A_210 = arith.mulf %parallel_loop3A_206, %parallel_loop3A_209 : vector<16xf32>
        %parallel_loop3A_211 = arith.index_cast %parallel_loop3A_203 : i32 to index
        %parallel_loop3A_212 = arith.constant 0 : index
        %parallel_loop3A_213 = tpu.vector_load %arg16[%parallel_loop3A_211, %parallel_loop3A_212] {strides = array<i32>} : memref<128x32xf32, #tpu.memory_space<vmem>>, vector<16xf32>,
        %parallel_loop3A_214 = arith.index_cast %parallel_loop3A_203 : i32 to index
        %parallel_loop3A_215 = arith.constant 0 : index
        %parallel_loop3A_216 = tpu.vector_load %arg15[%parallel_loop3A_214, %parallel_loop3A_215] {strides = array<i32>} : memref<128x32xf32, #tpu.memory_space<vmem>>, vector<16xf32>,
        %parallel_loop3A_217 = arith.mulf %parallel_loop3A_213, %parallel_loop3A_216 : vector<16xf32>
        %parallel_loop3A_218 = arith.addf %parallel_loop3A_210, %parallel_loop3A_217 : vector<16xf32>
        %parallel_loop3A_219 = arith.index_cast %parallel_loop3A_203 : i32 to index
        %parallel_loop3A_220 = arith.constant 0 : index
        %parallel_loop3A_221 = tpu.vector_load %arg21[%parallel_loop3A_219, %parallel_loop3A_220] {strides = array<i32>} : memref<128x16xf32, #tpu.memory_space<vmem>>, vector<16xf32>,
        tpu.vector_store %arg21[%parallel_loop3A_219, %parallel_loop3A_220], %parallel_loop3A_218 {strides = array<i32>} : memref<128x16xf32, #tpu.memory_space<vmem>>, vector<16xf32>,
      } {sc.loop_unroll_factor = 4 : i64, sc.parallel_access}
      %parallel_loop3A_180 = arith.constant 0 : i32
      %parallel_loop3A_181 = arith.constant 8 : i32
      %parallel_loop3A_182 = arith.constant 1 : i32
      scf.for %parallel_loop3A_203 = %parallel_loop3A_180 to %parallel_loop3A_181 step %parallel_loop3A_182  : i32 {
        %parallel_loop3A_204 = arith.constant 16 : i32
        %parallel_loop3A_205 = arith.muli %parallel_loop3A_203, %parallel_loop3A_204 : i32
        %parallel_loop3A_206 = vector.broadcast %parallel_loop3A_205 : i32 to vector<16xi32>
        %parallel_loop3A_207 = arith.addi %parallel_loop3A_206, %iota3A : vector<16xi32>
        %parallel_loop3A_208 = arith.constant 0 : i32
        %parallel_loop3A_209 = vector.broadcast %parallel_loop3A_208 : i32 to vector<16xi32>
        %parallel_loop3A_210 = tpu.vector_load_idx %arg21[%parallel_loop3A_207, %parallel_loop3A_209] : memref<128x16xf32, #tpu.memory_space<vmem>>[vector<16xi32>, vector<16xi32>], vector<16xf32>,
        %parallel_loop3A_211 = arith.constant 1 : i32
        %parallel_loop3A_212 = vector.broadcast %parallel_loop3A_211 : i32 to vector<16xi32>
        %parallel_loop3A_213 = tpu.vector_load_idx %arg21[%parallel_loop3A_207, %parallel_loop3A_212] : memref<128x16xf32, #tpu.memory_space<vmem>>[vector<16xi32>, vector<16xi32>], vector<16xf32>,
        %parallel_loop3A_214 = arith.addf %parallel_loop3A_210, %parallel_loop3A_213 : vector<16xf32>
        %parallel_loop3A_215 = arith.constant 2 : i32
        %parallel_loop3A_216 = vector.broadcast %parallel_loop3A_215 : i32 to vector<16xi32>
        %parallel_loop3A_217 = tpu.vector_load_idx %arg21[%parallel_loop3A_207, %parallel_loop3A_216] : memref<128x16xf32, #tpu.memory_space<vmem>>[vector<16xi32>, vector<16xi32>], vector<16xf32>,
        %parallel_loop3A_218 = arith.addf %parallel_loop3A_214, %parallel_loop3A_217 : vector<16xf32>
        %parallel_loop3A_219 = arith.constant 3 : i32
        %parallel_loop3A_220 = vector.broadcast %parallel_loop3A_219 : i32 to vector<16xi32>
        %parallel_loop3A_221 = tpu.vector_load_idx %arg21[%parallel_loop3A_207, %parallel_loop3A_220] : memref<128x16xf32, #tpu.memory_space<vmem>>[vector<16xi32>, vector<16xi32>], vector<16xf32>,
        %parallel_loop3A_222 = arith.addf %parallel_loop3A_218, %parallel_loop3A_221 : vector<16xf32>
        %parallel_loop3A_223 = arith.constant 4 : i32
        %parallel_loop3A_224 = vector.broadcast %parallel_loop3A_223 : i32 to vector<16xi32>
        %parallel_loop3A_225 = tpu.vector_load_idx %arg21[%parallel_loop3A_207, %parallel_loop3A_224] : memref<128x16xf32, #tpu.memory_space<vmem>>[vector<16xi32>, vector<16xi32>], vector<16xf32>,
        %parallel_loop3A_226 = arith.addf %parallel_loop3A_222, %parallel_loop3A_225 : vector<16xf32>
        %parallel_loop3A_227 = arith.constant 5 : i32
        %parallel_loop3A_228 = vector.broadcast %parallel_loop3A_227 : i32 to vector<16xi32>
        %parallel_loop3A_229 = tpu.vector_load_idx %arg21[%parallel_loop3A_207, %parallel_loop3A_228] : memref<128x16xf32, #tpu.memory_space<vmem>>[vector<16xi32>, vector<16xi32>], vector<16xf32>,
        %parallel_loop3A_230 = arith.addf %parallel_loop3A_226, %parallel_loop3A_229 : vector<16xf32>
        %parallel_loop3A_231 = arith.constant 6 : i32
        %parallel_loop3A_232 = vector.broadcast %parallel_loop3A_231 : i32 to vector<16xi32>
        %parallel_loop3A_233 = tpu.vector_load_idx %arg21[%parallel_loop3A_207, %parallel_loop3A_232] : memref<128x16xf32, #tpu.memory_space<vmem>>[vector<16xi32>, vector<16xi32>], vector<16xf32>,
        %parallel_loop3A_234 = arith.addf %parallel_loop3A_230, %parallel_loop3A_233 : vector<16xf32>
        %parallel_loop3A_235 = arith.constant 7 : i32
        %parallel_loop3A_236 = vector.broadcast %parallel_loop3A_235 : i32 to vector<16xi32>
        %parallel_loop3A_237 = tpu.vector_load_idx %arg21[%parallel_loop3A_207, %parallel_loop3A_236] : memref<128x16xf32, #tpu.memory_space<vmem>>[vector<16xi32>, vector<16xi32>], vector<16xf32>,
        %parallel_loop3A_238 = arith.addf %parallel_loop3A_234, %parallel_loop3A_237 : vector<16xf32>
        %parallel_loop3A_239 = arith.constant 8 : i32
        %parallel_loop3A_240 = vector.broadcast %parallel_loop3A_239 : i32 to vector<16xi32>
        %parallel_loop3A_241 = tpu.vector_load_idx %arg21[%parallel_loop3A_207, %parallel_loop3A_240] : memref<128x16xf32, #tpu.memory_space<vmem>>[vector<16xi32>, vector<16xi32>], vector<16xf32>,
        %parallel_loop3A_242 = arith.addf %parallel_loop3A_238, %parallel_loop3A_241 : vector<16xf32>
        %parallel_loop3A_243 = arith.constant 9 : i32
        %parallel_loop3A_244 = vector.broadcast %parallel_loop3A_243 : i32 to vector<16xi32>
        %parallel_loop3A_245 = tpu.vector_load_idx %arg21[%parallel_loop3A_207, %parallel_loop3A_244] : memref<128x16xf32, #tpu.memory_space<vmem>>[vector<16xi32>, vector<16xi32>], vector<16xf32>,
        %parallel_loop3A_246 = arith.addf %parallel_loop3A_242, %parallel_loop3A_245 : vector<16xf32>
        %parallel_loop3A_247 = arith.constant 10 : i32
        %parallel_loop3A_248 = vector.broadcast %parallel_loop3A_247 : i32 to vector<16xi32>
        %parallel_loop3A_249 = tpu.vector_load_idx %arg21[%parallel_loop3A_207, %parallel_loop3A_248] : memref<128x16xf32, #tpu.memory_space<vmem>>[vector<16xi32>, vector<16xi32>], vector<16xf32>,
        %parallel_loop3A_250 = arith.addf %parallel_loop3A_246, %parallel_loop3A_249 : vector<16xf32>
        %parallel_loop3A_251 = arith.constant 11 : i32
        %parallel_loop3A_252 = vector.broadcast %parallel_loop3A_251 : i32 to vector<16xi32>
        %parallel_loop3A_253 = tpu.vector_load_idx %arg21[%parallel_loop3A_207, %parallel_loop3A_252] : memref<128x16xf32, #tpu.memory_space<vmem>>[vector<16xi32>, vector<16xi32>], vector<16xf32>,
        %parallel_loop3A_254 = arith.addf %parallel_loop3A_250, %parallel_loop3A_253 : vector<16xf32>
        %parallel_loop3A_255 = arith.constant 12 : i32
        %parallel_loop3A_256 = vector.broadcast %parallel_loop3A_255 : i32 to vector<16xi32>
        %parallel_loop3A_257 = tpu.vector_load_idx %arg21[%parallel_loop3A_207, %parallel_loop3A_256] : memref<128x16xf32, #tpu.memory_space<vmem>>[vector<16xi32>, vector<16xi32>], vector<16xf32>,
        %parallel_loop3A_258 = arith.addf %parallel_loop3A_254, %parallel_loop3A_257 : vector<16xf32>
        %parallel_loop3A_259 = arith.constant 13 : i32
        %parallel_loop3A_260 = vector.broadcast %parallel_loop3A_259 : i32 to vector<16xi32>
        %parallel_loop3A_261 = tpu.vector_load_idx %arg21[%parallel_loop3A_207, %parallel_loop3A_260] : memref<128x16xf32, #tpu.memory_space<vmem>>[vector<16xi32>, vector<16xi32>], vector<16xf32>,
        %parallel_loop3A_262 = arith.addf %parallel_loop3A_258, %parallel_loop3A_261 : vector<16xf32>
        %parallel_loop3A_263 = arith.constant 14 : i32
        %parallel_loop3A_264 = vector.broadcast %parallel_loop3A_263 : i32 to vector<16xi32>
        %parallel_loop3A_265 = tpu.vector_load_idx %arg21[%parallel_loop3A_207, %parallel_loop3A_264] : memref<128x16xf32, #tpu.memory_space<vmem>>[vector<16xi32>, vector<16xi32>], vector<16xf32>,
        %parallel_loop3A_266 = arith.addf %parallel_loop3A_262, %parallel_loop3A_265 : vector<16xf32>
        %parallel_loop3A_267 = arith.constant 15 : i32
        %parallel_loop3A_268 = vector.broadcast %parallel_loop3A_267 : i32 to vector<16xi32>
        %parallel_loop3A_269 = tpu.vector_load_idx %arg21[%parallel_loop3A_207, %parallel_loop3A_268] : memref<128x16xf32, #tpu.memory_space<vmem>>[vector<16xi32>, vector<16xi32>], vector<16xf32>,
        %parallel_loop3A_270 = arith.addf %parallel_loop3A_266, %parallel_loop3A_269 : vector<16xf32>
        %parallel_loop3A_271 = arith.constant 2.500000e-01 : f32
        %parallel_loop3A_272 = vector.broadcast %parallel_loop3A_271 : f32 to vector<16xf32>
        %parallel_loop3A_273 = arith.mulf %parallel_loop3A_270, %parallel_loop3A_272 : vector<16xf32>
        %parallel_loop3A_274 = math.exp %parallel_loop3A_273 : vector<16xf32>
        %parallel_loop3A_275 = arith.constant 16 : i32
        %parallel_loop3A_276 = arith.muli %parallel_loop3A_203, %parallel_loop3A_275 : i32
        %parallel_loop3A_277 = arith.index_cast %parallel_loop3A_276 : i32 to index
        %parallel_loop3A_278 = tpu.vector_load %arg18[%parallel_loop3A_277] {strides = array<i32>} : memref<128xf32, #tpu.memory_space<vmem>>, vector<16xf32>,
        tpu.vector_store %arg18[%parallel_loop3A_277], %parallel_loop3A_274 {strides = array<i32>} : memref<128xf32, #tpu.memory_space<vmem>>, vector<16xf32>,
      } {sc.loop_unroll_factor = 2 : i64, sc.parallel_access}
      %ge3A_183 = arith.constant 2 : i32
      %ge3A_184 = arith.cmpi sge, %add3A_157, %ge3A_183 : i32
      %convert_element_type3A_185 = arith.extui %ge3A_184 : i1 to i32
      %cond3A_186 = arith.constant 0 : i32
      %cond3A_187 = arith.cmpi ne, %convert_element_type3A_185, %cond3A_186 : i32
      scf.if %cond3A_187 {
        %dma_wait3A_203 = arith.constant 0 : i32
        %dma_wait3A_204 = arith.constant 0 : i32
        %dma_wait3A_205 = tpu.memref_slice %arg23[%dma_wait3A_203, %dma_wait3A_204] : memref<10000x48xf32, #tpu.memory_space<vmem_shared>> -> memref<10000x48xf32, #tpu.memory_space<vmem_shared>>
        tpu.wait_indirect_dma semaphore(%arg27 : memref<!tpu.dma_semaphore, #tpu.memory_space<semaphore_mem>>) src(%arg20 : memref<128x48xf32, #tpu.memory_space<vmem>>) dst(%dma_wait3A_205 : memref<10000x48xf32, #tpu.memory_space<vmem_shared>>)
      } else {
      }
      %parallel_loop3A_188 = arith.constant 0 : i32
      %parallel_loop3A_189 = arith.constant 8 : i32
      %parallel_loop3A_190 = arith.constant 1 : i32
      scf.for %parallel_loop3A_203 = %parallel_loop3A_188 to %parallel_loop3A_189 step %parallel_loop3A_190  : i32 {
        %parallel_loop3A_204 = arith.constant 128 : i32
        %parallel_loop3A_205 = arith.muli %add3A_157, %parallel_loop3A_204 : i32
        %parallel_loop3A_206 = arith.constant 16 : i32
        %parallel_loop3A_207 = arith.muli %parallel_loop3A_203, %parallel_loop3A_206 : i32
        %parallel_loop3A_208 = arith.addi %parallel_loop3A_205, %parallel_loop3A_207 : i32
        %parallel_loop3A_209 = arith.index_cast %parallel_loop3A_208 : i32 to index
        %parallel_loop3A_210 = tpu.vector_load %arg9[%parallel_loop3A_209] {strides = array<i32>} : memref<10496xi32, #tpu.memory_space<vmem>>, vector<16xi32>,
        %parallel_loop3A_211 = arith.constant 16 : i32
        %parallel_loop3A_212 = arith.muli %parallel_loop3A_203, %parallel_loop3A_211 : i32
        %parallel_loop3A_213 = arith.index_cast %parallel_loop3A_212 : i32 to index
        %parallel_loop3A_214 = tpu.vector_load %arg11[%parallel_loop3A_213] {strides = array<i32>} : memref<128xi32, #tpu.memory_space<vmem>>, vector<16xi32>,
        tpu.vector_store %arg11[%parallel_loop3A_213], %parallel_loop3A_210 {strides = array<i32>} : memref<128xi32, #tpu.memory_space<vmem>>, vector<16xi32>,
      } {sc.loop_unroll_factor = 1 : i64, sc.parallel_access}
      %parallel_loop3A_191 = arith.constant 0 : i32
      %parallel_loop3A_192 = arith.constant 128 : i32
      %parallel_loop3A_193 = arith.constant 1 : i32
      scf.for %parallel_loop3A_203 = %parallel_loop3A_191 to %parallel_loop3A_192 step %parallel_loop3A_193  : i32 {
        %parallel_loop3A_204 = vector.broadcast %parallel_loop3A_203 : i32 to vector<16xi32>
        %parallel_loop3A_205 = tpu.vector_load_idx %arg18[%parallel_loop3A_204] : memref<128xf32, #tpu.memory_space<vmem>>[vector<16xi32>], vector<16xf32>,
        %parallel_loop3A_206 = arith.index_cast %parallel_loop3A_203 : i32 to index
        %parallel_loop3A_207 = arith.constant 16 : index
        %parallel_loop3A_208 = tpu.vector_load %arg15[%parallel_loop3A_206, %parallel_loop3A_207] {strides = array<i32>} : memref<128x32xf32, #tpu.memory_space<vmem>>, vector<16xf32>,
        %parallel_loop3A_209 = arith.mulf %parallel_loop3A_205, %parallel_loop3A_208 : vector<16xf32>
        %parallel_loop3A_210 = arith.index_cast %parallel_loop3A_203 : i32 to index
        %parallel_loop3A_211 = arith.constant 0 : index
        %parallel_loop3A_212 = tpu.vector_load %arg20[%parallel_loop3A_210, %parallel_loop3A_211] {strides = array<i32>} : memref<128x48xf32, #tpu.memory_space<vmem>>, vector<16xf32>,
        tpu.vector_store %arg20[%parallel_loop3A_210, %parallel_loop3A_211], %parallel_loop3A_209 {strides = array<i32>} : memref<128x48xf32, #tpu.memory_space<vmem>>, vector<16xf32>,
        %parallel_loop3A_213 = arith.index_cast %parallel_loop3A_203 : i32 to index
        %parallel_loop3A_214 = arith.constant 0 : index
        %parallel_loop3A_215 = tpu.vector_load %arg17[%parallel_loop3A_213, %parallel_loop3A_214] {strides = array<i32>} : memref<128x16xf32, #tpu.memory_space<vmem>>, vector<16xf32>,
        %parallel_loop3A_216 = arith.mulf %parallel_loop3A_205, %parallel_loop3A_215 : vector<16xf32>
        %parallel_loop3A_217 = arith.index_cast %parallel_loop3A_203 : i32 to index
        %parallel_loop3A_218 = arith.constant 16 : index
        %parallel_loop3A_219 = tpu.vector_load %arg20[%parallel_loop3A_217, %parallel_loop3A_218] {strides = array<i32>} : memref<128x48xf32, #tpu.memory_space<vmem>>, vector<16xf32>,
        tpu.vector_store %arg20[%parallel_loop3A_217, %parallel_loop3A_218], %parallel_loop3A_216 {strides = array<i32>} : memref<128x48xf32, #tpu.memory_space<vmem>>, vector<16xf32>,
        %parallel_loop3A_220 = arith.index_cast %parallel_loop3A_203 : i32 to index
        %parallel_loop3A_221 = arith.constant 32 : index
        %parallel_loop3A_222 = tpu.vector_load %arg20[%parallel_loop3A_220, %parallel_loop3A_221] {strides = array<i32>} : memref<128x48xf32, #tpu.memory_space<vmem>>, vector<16xf32>,
        tpu.vector_store %arg20[%parallel_loop3A_220, %parallel_loop3A_221], %parallel_loop3A_205 {strides = array<i32>} : memref<128x48xf32, #tpu.memory_space<vmem>>, vector<16xf32>,
      } {sc.loop_unroll_factor = 4 : i64, sc.parallel_access}
      %dma_start3A_194 = arith.constant 0 : i32
      %dma_start3A_195 = arith.constant 0 : i32
      %dma_start3A_196 = tpu.memref_slice %arg23[%dma_start3A_194, %dma_start3A_195] : memref<10000x48xf32, #tpu.memory_space<vmem_shared>> -> memref<10000x48xf32, #tpu.memory_space<vmem_shared>>
      tpu.enqueue_indirect_dma source(%arg20 : memref<128x48xf32, #tpu.memory_space<vmem>>) target(%dma_start3A_196 : memref<10000x48xf32, #tpu.memory_space<vmem_shared>>) offsets(%arg11 : memref<128xi32, #tpu.memory_space<vmem>>) semaphore(%arg27 : memref<!tpu.dma_semaphore, #tpu.memory_space<semaphore_mem>>) {add = true}
      %add3A_197 = arith.constant 2 : i32
      %add3A_198 = arith.addi %add3A_157, %add3A_197 : i32
      %lt3A_199 = arith.cmpi slt, %add3A_198, %select_n3A : i32
      %convert_element_type3A_200 = arith.extui %lt3A_199 : i1 to i32
      %cond3A_201 = arith.constant 0 : i32
      %cond3A_202 = arith.cmpi ne, %convert_element_type3A_200, %cond3A_201 : i32
      scf.if %cond3A_202 {
        %add3A_203 = arith.constant 2 : i32
        %add3A_204 = arith.addi %add3A_157, %add3A_203 : i32
        %mul3A_205 = arith.constant 128 : i32
        %mul3A_206 = arith.muli %add3A_204, %mul3A_205 : i32
        %mul3A_207 = arith.constant 128 : i32
        %mul3A_208 = arith.muli %add3A_204, %mul3A_207 : i32
        %mul3A_209 = arith.constant 128 : i32
        %mul3A_210 = arith.muli %add3A_204, %mul3A_209 : i32
        %add3A_211 = arith.addi %mul3A_6, %mul3A_210 : i32
        %dma_start3A_212 = tpu.memref_slice %arg8[%mul3A_206] : memref<10496xi32, #tpu.memory_space<vmem>> -> memref<128xi32, #tpu.memory_space<vmem>>
        %dma_start3A_213 = arith.constant 0 : i32
        %dma_start3A_214 = arith.constant 0 : i32
        %dma_start3A_215 = tpu.memref_slice %arg5[%dma_start3A_213, %dma_start3A_214] : memref<10000x32xf32, #tpu.memory_space<hbm>> -> memref<10000x32xf32, #tpu.memory_space<hbm>>
        tpu.enqueue_indirect_dma source(%dma_start3A_215 : memref<10000x32xf32, #tpu.memory_space<hbm>>) target(%arg15 : memref<128x32xf32, #tpu.memory_space<vmem>>) offsets(%dma_start3A_212 : memref<128xi32, #tpu.memory_space<vmem>>) semaphore(%arg25 : memref<!tpu.dma_semaphore, #tpu.memory_space<semaphore_mem>>)
        %dma_start3A_216 = tpu.memref_slice %arg9[%mul3A_208] : memref<10496xi32, #tpu.memory_space<vmem>> -> memref<128xi32, #tpu.memory_space<vmem>>
        %dma_start3A_217 = arith.constant 0 : i32
        %dma_start3A_218 = arith.constant 0 : i32
        %dma_start3A_219 = tpu.memref_slice %arg6[%dma_start3A_217, %dma_start3A_218] : memref<10000x32xf32, #tpu.memory_space<hbm>> -> memref<10000x32xf32, #tpu.memory_space<hbm>>
        tpu.enqueue_indirect_dma source(%dma_start3A_219 : memref<10000x32xf32, #tpu.memory_space<hbm>>) target(%arg16 : memref<128x32xf32, #tpu.memory_space<vmem>>) offsets(%dma_start3A_216 : memref<128xi32, #tpu.memory_space<vmem>>) semaphore(%arg25 : memref<!tpu.dma_semaphore, #tpu.memory_space<semaphore_mem>>)
        %dma_start3A_220 = arith.constant 0 : i32
        %dma_start3A_221 = tpu.memref_slice %arg4[%add3A_211, %dma_start3A_220] : memref<320000x16xf32, #tpu.memory_space<hbm>> -> memref<128x16xf32, #tpu.memory_space<hbm>>
        %dma_start3A_222 = arith.constant 0 : i32
        %dma_start3A_223 = tpu.memref_slice %arg4[%add3A_211, %dma_start3A_222] : memref<320000x16xf32, #tpu.memory_space<hbm>> -> memref<128x16xf32, #tpu.memory_space<hbm>>
        tpu.enqueue_dma source(%dma_start3A_223 : memref<128x16xf32, #tpu.memory_space<hbm>>) target(%arg17 : memref<128x16xf32, #tpu.memory_space<vmem>>) target_semaphore(%arg25 : memref<!tpu.dma_semaphore, #tpu.memory_space<semaphore_mem>>)
      } else {
      }
    }
    %while3A_89 = arith.constant 1 : i32
    scf.for %while3A_105 = %while3A_87 to %while3A_83 step %while3A_89  : i32 {
      %mul3A_106 = arith.muli %while3A_105, %while3A : i32
      %add3A_107 = arith.addi %while3A_80, %mul3A_106 : i32
      %mul3A_108 = arith.constant 2 : i32
      %mul3A_109 = arith.muli %mul3A_108, %add3A_107 : i32
      %add3A_110 = arith.constant 0 : i32
      %add3A_111 = arith.addi %mul3A_109, %add3A_110 : i32
      %mul3A_112 = arith.constant 128 : i32
      %mul3A_113 = arith.muli %add3A_111, %mul3A_112 : i32
      %mul3A_114 = arith.constant 128 : i32
      %mul3A_115 = arith.muli %add3A_111, %mul3A_114 : i32
      %mul3A_116 = arith.constant 128 : i32
      %mul3A_117 = arith.muli %add3A_111, %mul3A_116 : i32
      %add3A_118 = arith.addi %mul3A_6, %mul3A_117 : i32
      %dma_wait3A_119 = tpu.memref_slice %arg8[%mul3A_113] : memref<10496xi32, #tpu.memory_space<vmem>> -> memref<128xi32, #tpu.memory_space<vmem>>
      %dma_wait3A_120 = arith.constant 0 : i32
      %dma_wait3A_121 = arith.constant 0 : i32
      %dma_wait3A_122 = tpu.memref_slice %arg5[%dma_wait3A_120, %dma_wait3A_121] : memref<10000x32xf32, #tpu.memory_space<hbm>> -> memref<10000x32xf32, #tpu.memory_space<hbm>>
      tpu.wait_indirect_dma semaphore(%arg24 : memref<!tpu.dma_semaphore, #tpu.memory_space<semaphore_mem>>) src(%dma_wait3A_122 : memref<10000x32xf32, #tpu.memory_space<hbm>>) dst(%arg12 : memref<128x32xf32, #tpu.memory_space<vmem>>)
      %dma_wait3A_123 = tpu.memref_slice %arg9[%mul3A_115] : memref<10496xi32, #tpu.memory_space<vmem>> -> memref<128xi32, #tpu.memory_space<vmem>>
      %dma_wait3A_124 = arith.constant 0 : i32
      %dma_wait3A_125 = arith.constant 0 : i32
      %dma_wait3A_126 = tpu.memref_slice %arg6[%dma_wait3A_124, %dma_wait3A_125] : memref<10000x32xf32, #tpu.memory_space<hbm>> -> memref<10000x32xf32, #tpu.memory_space<hbm>>
      tpu.wait_indirect_dma semaphore(%arg24 : memref<!tpu.dma_semaphore, #tpu.memory_space<semaphore_mem>>) src(%dma_wait3A_126 : memref<10000x32xf32, #tpu.memory_space<hbm>>) dst(%arg13 : memref<128x32xf32, #tpu.memory_space<vmem>>)
      %dma_wait3A_127 = arith.constant 0 : i32
      %dma_wait3A_128 = tpu.memref_slice %arg4[%add3A_118, %dma_wait3A_127] : memref<320000x16xf32, #tpu.memory_space<hbm>> -> memref<128x16xf32, #tpu.memory_space<hbm>>
      %dma_wait3A_129 = arith.constant 0 : i32
      %dma_wait3A_130 = tpu.memref_slice %arg4[%add3A_118, %dma_wait3A_129] : memref<320000x16xf32, #tpu.memory_space<hbm>> -> memref<128x16xf32, #tpu.memory_space<hbm>>
      tpu.wait_dma2 semaphore(%arg24 : memref<!tpu.dma_semaphore, #tpu.memory_space<semaphore_mem>>) src(%dma_wait3A_130 : memref<128x16xf32, #tpu.memory_space<hbm>>) dst(%arg14 : memref<128x16xf32, #tpu.memory_space<vmem>>)
      %parallel_loop3A = arith.constant 0 : i32
      %parallel_loop3A_131 = arith.constant 128 : i32
      %parallel_loop3A_132 = arith.constant 1 : i32
      scf.for %parallel_loop3A_203 = %parallel_loop3A to %parallel_loop3A_131 step %parallel_loop3A_132  : i32 {
        %parallel_loop3A_204 = arith.index_cast %parallel_loop3A_203 : i32 to index
        %parallel_loop3A_205 = arith.constant 16 : index
        %parallel_loop3A_206 = tpu.vector_load %arg13[%parallel_loop3A_204, %parallel_loop3A_205] {strides = array<i32>} : memref<128x32xf32, #tpu.memory_space<vmem>>, vector<16xf32>,
        %parallel_loop3A_207 = arith.index_cast %parallel_loop3A_203 : i32 to index
        %parallel_loop3A_208 = arith.constant 0 : index
        %parallel_loop3A_209 = tpu.vector_load %arg14[%parallel_loop3A_207, %parallel_loop3A_208] {strides = array<i32>} : memref<128x16xf32, #tpu.memory_space<vmem>>, vector<16xf32>,
        %parallel_loop3A_210 = arith.mulf %parallel_loop3A_206, %parallel_loop3A_209 : vector<16xf32>
        %parallel_loop3A_211 = arith.index_cast %parallel_loop3A_203 : i32 to index
        %parallel_loop3A_212 = arith.constant 0 : index
        %parallel_loop3A_213 = tpu.vector_load %arg13[%parallel_loop3A_211, %parallel_loop3A_212] {strides = array<i32>} : memref<128x32xf32, #tpu.memory_space<vmem>>, vector<16xf32>,
        %parallel_loop3A_214 = arith.index_cast %parallel_loop3A_203 : i32 to index
        %parallel_loop3A_215 = arith.constant 0 : index
        %parallel_loop3A_216 = tpu.vector_load %arg12[%parallel_loop3A_214, %parallel_loop3A_215] {strides = array<i32>} : memref<128x32xf32, #tpu.memory_space<vmem>>, vector<16xf32>,
        %parallel_loop3A_217 = arith.mulf %parallel_loop3A_213, %parallel_loop3A_216 : vector<16xf32>
        %parallel_loop3A_218 = arith.addf %parallel_loop3A_210, %parallel_loop3A_217 : vector<16xf32>
        %parallel_loop3A_219 = arith.index_cast %parallel_loop3A_203 : i32 to index
        %parallel_loop3A_220 = arith.constant 0 : index
        %parallel_loop3A_221 = tpu.vector_load %arg21[%parallel_loop3A_219, %parallel_loop3A_220] {strides = array<i32>} : memref<128x16xf32, #tpu.memory_space<vmem>>, vector<16xf32>,
        tpu.vector_store %arg21[%parallel_loop3A_219, %parallel_loop3A_220], %parallel_loop3A_218 {strides = array<i32>} : memref<128x16xf32, #tpu.memory_space<vmem>>, vector<16xf32>,
      } {sc.loop_unroll_factor = 4 : i64, sc.parallel_access}
      %parallel_loop3A_133 = arith.constant 0 : i32
      %parallel_loop3A_134 = arith.constant 8 : i32
      %parallel_loop3A_135 = arith.constant 1 : i32
      scf.for %parallel_loop3A_203 = %parallel_loop3A_133 to %parallel_loop3A_134 step %parallel_loop3A_135  : i32 {
        %parallel_loop3A_204 = arith.constant 16 : i32
        %parallel_loop3A_205 = arith.muli %parallel_loop3A_203, %parallel_loop3A_204 : i32
        %parallel_loop3A_206 = vector.broadcast %parallel_loop3A_205 : i32 to vector<16xi32>
        %parallel_loop3A_207 = arith.addi %parallel_loop3A_206, %iota3A : vector<16xi32>
        %parallel_loop3A_208 = arith.constant 0 : i32
        %parallel_loop3A_209 = vector.broadcast %parallel_loop3A_208 : i32 to vector<16xi32>
        %parallel_loop3A_210 = tpu.vector_load_idx %arg21[%parallel_loop3A_207, %parallel_loop3A_209] : memref<128x16xf32, #tpu.memory_space<vmem>>[vector<16xi32>, vector<16xi32>], vector<16xf32>,
        %parallel_loop3A_211 = arith.constant 1 : i32
        %parallel_loop3A_212 = vector.broadcast %parallel_loop3A_211 : i32 to vector<16xi32>
        %parallel_loop3A_213 = tpu.vector_load_idx %arg21[%parallel_loop3A_207, %parallel_loop3A_212] : memref<128x16xf32, #tpu.memory_space<vmem>>[vector<16xi32>, vector<16xi32>], vector<16xf32>,
        %parallel_loop3A_214 = arith.addf %parallel_loop3A_210, %parallel_loop3A_213 : vector<16xf32>
        %parallel_loop3A_215 = arith.constant 2 : i32
        %parallel_loop3A_216 = vector.broadcast %parallel_loop3A_215 : i32 to vector<16xi32>
        %parallel_loop3A_217 = tpu.vector_load_idx %arg21[%parallel_loop3A_207, %parallel_loop3A_216] : memref<128x16xf32, #tpu.memory_space<vmem>>[vector<16xi32>, vector<16xi32>], vector<16xf32>,
        %parallel_loop3A_218 = arith.addf %parallel_loop3A_214, %parallel_loop3A_217 : vector<16xf32>
        %parallel_loop3A_219 = arith.constant 3 : i32
        %parallel_loop3A_220 = vector.broadcast %parallel_loop3A_219 : i32 to vector<16xi32>
        %parallel_loop3A_221 = tpu.vector_load_idx %arg21[%parallel_loop3A_207, %parallel_loop3A_220] : memref<128x16xf32, #tpu.memory_space<vmem>>[vector<16xi32>, vector<16xi32>], vector<16xf32>,
        %parallel_loop3A_222 = arith.addf %parallel_loop3A_218, %parallel_loop3A_221 : vector<16xf32>
        %parallel_loop3A_223 = arith.constant 4 : i32
        %parallel_loop3A_224 = vector.broadcast %parallel_loop3A_223 : i32 to vector<16xi32>
        %parallel_loop3A_225 = tpu.vector_load_idx %arg21[%parallel_loop3A_207, %parallel_loop3A_224] : memref<128x16xf32, #tpu.memory_space<vmem>>[vector<16xi32>, vector<16xi32>], vector<16xf32>,
        %parallel_loop3A_226 = arith.addf %parallel_loop3A_222, %parallel_loop3A_225 : vector<16xf32>
        %parallel_loop3A_227 = arith.constant 5 : i32
        %parallel_loop3A_228 = vector.broadcast %parallel_loop3A_227 : i32 to vector<16xi32>
        %parallel_loop3A_229 = tpu.vector_load_idx %arg21[%parallel_loop3A_207, %parallel_loop3A_228] : memref<128x16xf32, #tpu.memory_space<vmem>>[vector<16xi32>, vector<16xi32>], vector<16xf32>,
        %parallel_loop3A_230 = arith.addf %parallel_loop3A_226, %parallel_loop3A_229 : vector<16xf32>
        %parallel_loop3A_231 = arith.constant 6 : i32
        %parallel_loop3A_232 = vector.broadcast %parallel_loop3A_231 : i32 to vector<16xi32>
        %parallel_loop3A_233 = tpu.vector_load_idx %arg21[%parallel_loop3A_207, %parallel_loop3A_232] : memref<128x16xf32, #tpu.memory_space<vmem>>[vector<16xi32>, vector<16xi32>], vector<16xf32>,
        %parallel_loop3A_234 = arith.addf %parallel_loop3A_230, %parallel_loop3A_233 : vector<16xf32>
        %parallel_loop3A_235 = arith.constant 7 : i32
        %parallel_loop3A_236 = vector.broadcast %parallel_loop3A_235 : i32 to vector<16xi32>
        %parallel_loop3A_237 = tpu.vector_load_idx %arg21[%parallel_loop3A_207, %parallel_loop3A_236] : memref<128x16xf32, #tpu.memory_space<vmem>>[vector<16xi32>, vector<16xi32>], vector<16xf32>,
        %parallel_loop3A_238 = arith.addf %parallel_loop3A_234, %parallel_loop3A_237 : vector<16xf32>
        %parallel_loop3A_239 = arith.constant 8 : i32
        %parallel_loop3A_240 = vector.broadcast %parallel_loop3A_239 : i32 to vector<16xi32>
        %parallel_loop3A_241 = tpu.vector_load_idx %arg21[%parallel_loop3A_207, %parallel_loop3A_240] : memref<128x16xf32, #tpu.memory_space<vmem>>[vector<16xi32>, vector<16xi32>], vector<16xf32>,
        %parallel_loop3A_242 = arith.addf %parallel_loop3A_238, %parallel_loop3A_241 : vector<16xf32>
        %parallel_loop3A_243 = arith.constant 9 : i32
        %parallel_loop3A_244 = vector.broadcast %parallel_loop3A_243 : i32 to vector<16xi32>
        %parallel_loop3A_245 = tpu.vector_load_idx %arg21[%parallel_loop3A_207, %parallel_loop3A_244] : memref<128x16xf32, #tpu.memory_space<vmem>>[vector<16xi32>, vector<16xi32>], vector<16xf32>,
        %parallel_loop3A_246 = arith.addf %parallel_loop3A_242, %parallel_loop3A_245 : vector<16xf32>
        %parallel_loop3A_247 = arith.constant 10 : i32
        %parallel_loop3A_248 = vector.broadcast %parallel_loop3A_247 : i32 to vector<16xi32>
        %parallel_loop3A_249 = tpu.vector_load_idx %arg21[%parallel_loop3A_207, %parallel_loop3A_248] : memref<128x16xf32, #tpu.memory_space<vmem>>[vector<16xi32>, vector<16xi32>], vector<16xf32>,
        %parallel_loop3A_250 = arith.addf %parallel_loop3A_246, %parallel_loop3A_249 : vector<16xf32>
        %parallel_loop3A_251 = arith.constant 11 : i32
        %parallel_loop3A_252 = vector.broadcast %parallel_loop3A_251 : i32 to vector<16xi32>
        %parallel_loop3A_253 = tpu.vector_load_idx %arg21[%parallel_loop3A_207, %parallel_loop3A_252] : memref<128x16xf32, #tpu.memory_space<vmem>>[vector<16xi32>, vector<16xi32>], vector<16xf32>,
        %parallel_loop3A_254 = arith.addf %parallel_loop3A_250, %parallel_loop3A_253 : vector<16xf32>
        %parallel_loop3A_255 = arith.constant 12 : i32
        %parallel_loop3A_256 = vector.broadcast %parallel_loop3A_255 : i32 to vector<16xi32>
        %parallel_loop3A_257 = tpu.vector_load_idx %arg21[%parallel_loop3A_207, %parallel_loop3A_256] : memref<128x16xf32, #tpu.memory_space<vmem>>[vector<16xi32>, vector<16xi32>], vector<16xf32>,
        %parallel_loop3A_258 = arith.addf %parallel_loop3A_254, %parallel_loop3A_257 : vector<16xf32>
        %parallel_loop3A_259 = arith.constant 13 : i32
        %parallel_loop3A_260 = vector.broadcast %parallel_loop3A_259 : i32 to vector<16xi32>
        %parallel_loop3A_261 = tpu.vector_load_idx %arg21[%parallel_loop3A_207, %parallel_loop3A_260] : memref<128x16xf32, #tpu.memory_space<vmem>>[vector<16xi32>, vector<16xi32>], vector<16xf32>,
        %parallel_loop3A_262 = arith.addf %parallel_loop3A_258, %parallel_loop3A_261 : vector<16xf32>
        %parallel_loop3A_263 = arith.constant 14 : i32
        %parallel_loop3A_264 = vector.broadcast %parallel_loop3A_263 : i32 to vector<16xi32>
        %parallel_loop3A_265 = tpu.vector_load_idx %arg21[%parallel_loop3A_207, %parallel_loop3A_264] : memref<128x16xf32, #tpu.memory_space<vmem>>[vector<16xi32>, vector<16xi32>], vector<16xf32>,
        %parallel_loop3A_266 = arith.addf %parallel_loop3A_262, %parallel_loop3A_265 : vector<16xf32>
        %parallel_loop3A_267 = arith.constant 15 : i32
        %parallel_loop3A_268 = vector.broadcast %parallel_loop3A_267 : i32 to vector<16xi32>
        %parallel_loop3A_269 = tpu.vector_load_idx %arg21[%parallel_loop3A_207, %parallel_loop3A_268] : memref<128x16xf32, #tpu.memory_space<vmem>>[vector<16xi32>, vector<16xi32>], vector<16xf32>,
        %parallel_loop3A_270 = arith.addf %parallel_loop3A_266, %parallel_loop3A_269 : vector<16xf32>
        %parallel_loop3A_271 = arith.constant 2.500000e-01 : f32
        %parallel_loop3A_272 = vector.broadcast %parallel_loop3A_271 : f32 to vector<16xf32>
        %parallel_loop3A_273 = arith.mulf %parallel_loop3A_270, %parallel_loop3A_272 : vector<16xf32>
        %parallel_loop3A_274 = math.exp %parallel_loop3A_273 : vector<16xf32>
        %parallel_loop3A_275 = arith.constant 16 : i32
        %parallel_loop3A_276 = arith.muli %parallel_loop3A_203, %parallel_loop3A_275 : i32
        %parallel_loop3A_277 = arith.index_cast %parallel_loop3A_276 : i32 to index
        %parallel_loop3A_278 = tpu.vector_load %arg18[%parallel_loop3A_277] {strides = array<i32>} : memref<128xf32, #tpu.memory_space<vmem>>, vector<16xf32>,
        tpu.vector_store %arg18[%parallel_loop3A_277], %parallel_loop3A_274 {strides = array<i32>} : memref<128xf32, #tpu.memory_space<vmem>>, vector<16xf32>,
      } {sc.loop_unroll_factor = 2 : i64, sc.parallel_access}
      %ge3A = arith.constant 2 : i32
      %ge3A_136 = arith.cmpi sge, %add3A_111, %ge3A : i32
      %convert_element_type3A_137 = arith.extui %ge3A_136 : i1 to i32
      %cond3A_138 = arith.constant 0 : i32
      %cond3A_139 = arith.cmpi ne, %convert_element_type3A_137, %cond3A_138 : i32
      scf.if %cond3A_139 {
        %dma_wait3A_203 = arith.constant 0 : i32
        %dma_wait3A_204 = arith.constant 0 : i32
        %dma_wait3A_205 = tpu.memref_slice %arg23[%dma_wait3A_203, %dma_wait3A_204] : memref<10000x48xf32, #tpu.memory_space<vmem_shared>> -> memref<10000x48xf32, #tpu.memory_space<vmem_shared>>
        tpu.wait_indirect_dma semaphore(%arg26 : memref<!tpu.dma_semaphore, #tpu.memory_space<semaphore_mem>>) src(%arg19 : memref<128x48xf32, #tpu.memory_space<vmem>>) dst(%dma_wait3A_205 : memref<10000x48xf32, #tpu.memory_space<vmem_shared>>)
      } else {
      }
      %parallel_loop3A_140 = arith.constant 0 : i32
      %parallel_loop3A_141 = arith.constant 8 : i32
      %parallel_loop3A_142 = arith.constant 1 : i32
      scf.for %parallel_loop3A_203 = %parallel_loop3A_140 to %parallel_loop3A_141 step %parallel_loop3A_142  : i32 {
        %parallel_loop3A_204 = arith.constant 128 : i32
        %parallel_loop3A_205 = arith.muli %add3A_111, %parallel_loop3A_204 : i32
        %parallel_loop3A_206 = arith.constant 16 : i32
        %parallel_loop3A_207 = arith.muli %parallel_loop3A_203, %parallel_loop3A_206 : i32
        %parallel_loop3A_208 = arith.addi %parallel_loop3A_205, %parallel_loop3A_207 : i32
        %parallel_loop3A_209 = arith.index_cast %parallel_loop3A_208 : i32 to index
        %parallel_loop3A_210 = tpu.vector_load %arg9[%parallel_loop3A_209] {strides = array<i32>} : memref<10496xi32, #tpu.memory_space<vmem>>, vector<16xi32>,
        %parallel_loop3A_211 = arith.constant 16 : i32
        %parallel_loop3A_212 = arith.muli %parallel_loop3A_203, %parallel_loop3A_211 : i32
        %parallel_loop3A_213 = arith.index_cast %parallel_loop3A_212 : i32 to index
        %parallel_loop3A_214 = tpu.vector_load %arg10[%parallel_loop3A_213] {strides = array<i32>} : memref<128xi32, #tpu.memory_space<vmem>>, vector<16xi32>,
        tpu.vector_store %arg10[%parallel_loop3A_213], %parallel_loop3A_210 {strides = array<i32>} : memref<128xi32, #tpu.memory_space<vmem>>, vector<16xi32>,
      } {sc.loop_unroll_factor = 1 : i64, sc.parallel_access}
      %parallel_loop3A_143 = arith.constant 0 : i32
      %parallel_loop3A_144 = arith.constant 128 : i32
      %parallel_loop3A_145 = arith.constant 1 : i32
      scf.for %parallel_loop3A_203 = %parallel_loop3A_143 to %parallel_loop3A_144 step %parallel_loop3A_145  : i32 {
        %parallel_loop3A_204 = vector.broadcast %parallel_loop3A_203 : i32 to vector<16xi32>
        %parallel_loop3A_205 = tpu.vector_load_idx %arg18[%parallel_loop3A_204] : memref<128xf32, #tpu.memory_space<vmem>>[vector<16xi32>], vector<16xf32>,
        %parallel_loop3A_206 = arith.index_cast %parallel_loop3A_203 : i32 to index
        %parallel_loop3A_207 = arith.constant 16 : index
        %parallel_loop3A_208 = tpu.vector_load %arg12[%parallel_loop3A_206, %parallel_loop3A_207] {strides = array<i32>} : memref<128x32xf32, #tpu.memory_space<vmem>>, vector<16xf32>,
        %parallel_loop3A_209 = arith.mulf %parallel_loop3A_205, %parallel_loop3A_208 : vector<16xf32>
        %parallel_loop3A_210 = arith.index_cast %parallel_loop3A_203 : i32 to index
        %parallel_loop3A_211 = arith.constant 0 : index
        %parallel_loop3A_212 = tpu.vector_load %arg19[%parallel_loop3A_210, %parallel_loop3A_211] {strides = array<i32>} : memref<128x48xf32, #tpu.memory_space<vmem>>, vector<16xf32>,
        tpu.vector_store %arg19[%parallel_loop3A_210, %parallel_loop3A_211], %parallel_loop3A_209 {strides = array<i32>} : memref<128x48xf32, #tpu.memory_space<vmem>>, vector<16xf32>,
        %parallel_loop3A_213 = arith.index_cast %parallel_loop3A_203 : i32 to index
        %parallel_loop3A_214 = arith.constant 0 : index
        %parallel_loop3A_215 = tpu.vector_load %arg14[%parallel_loop3A_213, %parallel_loop3A_214] {strides = array<i32>} : memref<128x16xf32, #tpu.memory_space<vmem>>, vector<16xf32>,
        %parallel_loop3A_216 = arith.mulf %parallel_loop3A_205, %parallel_loop3A_215 : vector<16xf32>
        %parallel_loop3A_217 = arith.index_cast %parallel_loop3A_203 : i32 to index
        %parallel_loop3A_218 = arith.constant 16 : index
        %parallel_loop3A_219 = tpu.vector_load %arg19[%parallel_loop3A_217, %parallel_loop3A_218] {strides = array<i32>} : memref<128x48xf32, #tpu.memory_space<vmem>>, vector<16xf32>,
        tpu.vector_store %arg19[%parallel_loop3A_217, %parallel_loop3A_218], %parallel_loop3A_216 {strides = array<i32>} : memref<128x48xf32, #tpu.memory_space<vmem>>, vector<16xf32>,
        %parallel_loop3A_220 = arith.index_cast %parallel_loop3A_203 : i32 to index
        %parallel_loop3A_221 = arith.constant 32 : index
        %parallel_loop3A_222 = tpu.vector_load %arg19[%parallel_loop3A_220, %parallel_loop3A_221] {strides = array<i32>} : memref<128x48xf32, #tpu.memory_space<vmem>>, vector<16xf32>,
        tpu.vector_store %arg19[%parallel_loop3A_220, %parallel_loop3A_221], %parallel_loop3A_205 {strides = array<i32>} : memref<128x48xf32, #tpu.memory_space<vmem>>, vector<16xf32>,
      } {sc.loop_unroll_factor = 4 : i64, sc.parallel_access}
      %dma_start3A_146 = arith.constant 0 : i32
      %dma_start3A_147 = arith.constant 0 : i32
      %dma_start3A_148 = tpu.memref_slice %arg23[%dma_start3A_146, %dma_start3A_147] : memref<10000x48xf32, #tpu.memory_space<vmem_shared>> -> memref<10000x48xf32, #tpu.memory_space<vmem_shared>>
      tpu.enqueue_indirect_dma source(%arg19 : memref<128x48xf32, #tpu.memory_space<vmem>>) target(%dma_start3A_148 : memref<10000x48xf32, #tpu.memory_space<vmem_shared>>) offsets(%arg10 : memref<128xi32, #tpu.memory_space<vmem>>) semaphore(%arg26 : memref<!tpu.dma_semaphore, #tpu.memory_space<semaphore_mem>>) {add = true}
      %add3A_149 = arith.constant 2 : i32
      %add3A_150 = arith.addi %add3A_111, %add3A_149 : i32
      %lt3A = arith.cmpi slt, %add3A_150, %select_n3A : i32
      %convert_element_type3A_151 = arith.extui %lt3A : i1 to i32
      %cond3A_152 = arith.constant 0 : i32
      %cond3A_153 = arith.cmpi ne, %convert_element_type3A_151, %cond3A_152 : i32
      scf.if %cond3A_153 {
        %add3A_203 = arith.constant 2 : i32
        %add3A_204 = arith.addi %add3A_111, %add3A_203 : i32
        %mul3A_205 = arith.constant 128 : i32
        %mul3A_206 = arith.muli %add3A_204, %mul3A_205 : i32
        %mul3A_207 = arith.constant 128 : i32
        %mul3A_208 = arith.muli %add3A_204, %mul3A_207 : i32
        %mul3A_209 = arith.constant 128 : i32
        %mul3A_210 = arith.muli %add3A_204, %mul3A_209 : i32
        %add3A_211 = arith.addi %mul3A_6, %mul3A_210 : i32
        %dma_start3A_212 = tpu.memref_slice %arg8[%mul3A_206] : memref<10496xi32, #tpu.memory_space<vmem>> -> memref<128xi32, #tpu.memory_space<vmem>>
        %dma_start3A_213 = arith.constant 0 : i32
        %dma_start3A_214 = arith.constant 0 : i32
        %dma_start3A_215 = tpu.memref_slice %arg5[%dma_start3A_213, %dma_start3A_214] : memref<10000x32xf32, #tpu.memory_space<hbm>> -> memref<10000x32xf32, #tpu.memory_space<hbm>>
        tpu.enqueue_indirect_dma source(%dma_start3A_215 : memref<10000x32xf32, #tpu.memory_space<hbm>>) target(%arg12 : memref<128x32xf32, #tpu.memory_space<vmem>>) offsets(%dma_start3A_212 : memref<128xi32, #tpu.memory_space<vmem>>) semaphore(%arg24 : memref<!tpu.dma_semaphore, #tpu.memory_space<semaphore_mem>>)
        %dma_start3A_216 = tpu.memref_slice %arg9[%mul3A_208] : memref<10496xi32, #tpu.memory_space<vmem>> -> memref<128xi32, #tpu.memory_space<vmem>>
        %dma_start3A_217 = arith.constant 0 : i32
        %dma_start3A_218 = arith.constant 0 : i32
        %dma_start3A_219 = tpu.memref_slice %arg6[%dma_start3A_217, %dma_start3A_218] : memref<10000x32xf32, #tpu.memory_space<hbm>> -> memref<10000x32xf32, #tpu.memory_space<hbm>>
        tpu.enqueue_indirect_dma source(%dma_start3A_219 : memref<10000x32xf32, #tpu.memory_space<hbm>>) target(%arg13 : memref<128x32xf32, #tpu.memory_space<vmem>>) offsets(%dma_start3A_216 : memref<128xi32, #tpu.memory_space<vmem>>) semaphore(%arg24 : memref<!tpu.dma_semaphore, #tpu.memory_space<semaphore_mem>>)
        %dma_start3A_220 = arith.constant 0 : i32
        %dma_start3A_221 = tpu.memref_slice %arg4[%add3A_211, %dma_start3A_220] : memref<320000x16xf32, #tpu.memory_space<hbm>> -> memref<128x16xf32, #tpu.memory_space<hbm>>
        %dma_start3A_222 = arith.constant 0 : i32
        %dma_start3A_223 = tpu.memref_slice %arg4[%add3A_211, %dma_start3A_222] : memref<320000x16xf32, #tpu.memory_space<hbm>> -> memref<128x16xf32, #tpu.memory_space<hbm>>
        tpu.enqueue_dma source(%dma_start3A_223 : memref<128x16xf32, #tpu.memory_space<hbm>>) target(%arg14 : memref<128x16xf32, #tpu.memory_space<vmem>>) target_semaphore(%arg24 : memref<!tpu.dma_semaphore, #tpu.memory_space<semaphore_mem>>)
      } else {
      }
      %mul3A_154 = arith.constant 2 : i32
      %mul3A_155 = arith.muli %mul3A_154, %add3A_107 : i32
      %add3A_156 = arith.constant 1 : i32
      %add3A_157 = arith.addi %mul3A_155, %add3A_156 : i32
      %mul3A_158 = arith.constant 128 : i32
      %mul3A_159 = arith.muli %add3A_157, %mul3A_158 : i32
      %mul3A_160 = arith.constant 128 : i32
      %mul3A_161 = arith.muli %add3A_157, %mul3A_160 : i32
      %mul3A_162 = arith.constant 128 : i32
      %mul3A_163 = arith.muli %add3A_157, %mul3A_162 : i32
      %add3A_164 = arith.addi %mul3A_6, %mul3A_163 : i32
      %dma_wait3A_165 = tpu.memref_slice %arg8[%mul3A_159] : memref<10496xi32, #tpu.memory_space<vmem>> -> memref<128xi32, #tpu.memory_space<vmem>>
      %dma_wait3A_166 = arith.constant 0 : i32
      %dma_wait3A_167 = arith.constant 0 : i32
      %dma_wait3A_168 = tpu.memref_slice %arg5[%dma_wait3A_166, %dma_wait3A_167] : memref<10000x32xf32, #tpu.memory_space<hbm>> -> memref<10000x32xf32, #tpu.memory_space<hbm>>
      tpu.wait_indirect_dma semaphore(%arg25 : memref<!tpu.dma_semaphore, #tpu.memory_space<semaphore_mem>>) src(%dma_wait3A_168 : memref<10000x32xf32, #tpu.memory_space<hbm>>) dst(%arg15 : memref<128x32xf32, #tpu.memory_space<vmem>>)
      %dma_wait3A_169 = tpu.memref_slice %arg9[%mul3A_161] : memref<10496xi32, #tpu.memory_space<vmem>> -> memref<128xi32, #tpu.memory_space<vmem>>
      %dma_wait3A_170 = arith.constant 0 : i32
      %dma_wait3A_171 = arith.constant 0 : i32
      %dma_wait3A_172 = tpu.memref_slice %arg6[%dma_wait3A_170, %dma_wait3A_171] : memref<10000x32xf32, #tpu.memory_space<hbm>> -> memref<10000x32xf32, #tpu.memory_space<hbm>>
      tpu.wait_indirect_dma semaphore(%arg25 : memref<!tpu.dma_semaphore, #tpu.memory_space<semaphore_mem>>) src(%dma_wait3A_172 : memref<10000x32xf32, #tpu.memory_space<hbm>>) dst(%arg16 : memref<128x32xf32, #tpu.memory_space<vmem>>)
      %dma_wait3A_173 = arith.constant 0 : i32
      %dma_wait3A_174 = tpu.memref_slice %arg4[%add3A_164, %dma_wait3A_173] : memref<320000x16xf32, #tpu.memory_space<hbm>> -> memref<128x16xf32, #tpu.memory_space<hbm>>
      %dma_wait3A_175 = arith.constant 0 : i32
      %dma_wait3A_176 = tpu.memref_slice %arg4[%add3A_164, %dma_wait3A_175] : memref<320000x16xf32, #tpu.memory_space<hbm>> -> memref<128x16xf32, #tpu.memory_space<hbm>>
      tpu.wait_dma2 semaphore(%arg25 : memref<!tpu.dma_semaphore, #tpu.memory_space<semaphore_mem>>) src(%dma_wait3A_176 : memref<128x16xf32, #tpu.memory_space<hbm>>) dst(%arg17 : memref<128x16xf32, #tpu.memory_space<vmem>>)
      %parallel_loop3A_177 = arith.constant 0 : i32
      %parallel_loop3A_178 = arith.constant 128 : i32
      %parallel_loop3A_179 = arith.constant 1 : i32
      scf.for %parallel_loop3A_203 = %parallel_loop3A_177 to %parallel_loop3A_178 step %parallel_loop3A_179  : i32 {
        %parallel_loop3A_204 = arith.index_cast %parallel_loop3A_203 : i32 to index
        %parallel_loop3A_205 = arith.constant 16 : index
        %parallel_loop3A_206 = tpu.vector_load %arg16[%parallel_loop3A_204, %parallel_loop3A_205] {strides = array<i32>} : memref<128x32xf32, #tpu.memory_space<vmem>>, vector<16xf32>,
        %parallel_loop3A_207 = arith.index_cast %parallel_loop3A_203 : i32 to index
        %parallel_loop3A_208 = arith.constant 0 : index
        %parallel_loop3A_209 = tpu.vector_load %arg17[%parallel_loop3A_207, %parallel_loop3A_208] {strides = array<i32>} : memref<128x16xf32, #tpu.memory_space<vmem>>, vector<16xf32>,
        %parallel_loop3A_210 = arith.mulf %parallel_loop3A_206, %parallel_loop3A_209 : vector<16xf32>
        %parallel_loop3A_211 = arith.index_cast %parallel_loop3A_203 : i32 to index
        %parallel_loop3A_212 = arith.constant 0 : index
        %parallel_loop3A_213 = tpu.vector_load %arg16[%parallel_loop3A_211, %parallel_loop3A_212] {strides = array<i32>} : memref<128x32xf32, #tpu.memory_space<vmem>>, vector<16xf32>,
        %parallel_loop3A_214 = arith.index_cast %parallel_loop3A_203 : i32 to index
        %parallel_loop3A_215 = arith.constant 0 : index
        %parallel_loop3A_216 = tpu.vector_load %arg15[%parallel_loop3A_214, %parallel_loop3A_215] {strides = array<i32>} : memref<128x32xf32, #tpu.memory_space<vmem>>, vector<16xf32>,
        %parallel_loop3A_217 = arith.mulf %parallel_loop3A_213, %parallel_loop3A_216 : vector<16xf32>
        %parallel_loop3A_218 = arith.addf %parallel_loop3A_210, %parallel_loop3A_217 : vector<16xf32>
        %parallel_loop3A_219 = arith.index_cast %parallel_loop3A_203 : i32 to index
        %parallel_loop3A_220 = arith.constant 0 : index
        %parallel_loop3A_221 = tpu.vector_load %arg21[%parallel_loop3A_219, %parallel_loop3A_220] {strides = array<i32>} : memref<128x16xf32, #tpu.memory_space<vmem>>, vector<16xf32>,
        tpu.vector_store %arg21[%parallel_loop3A_219, %parallel_loop3A_220], %parallel_loop3A_218 {strides = array<i32>} : memref<128x16xf32, #tpu.memory_space<vmem>>, vector<16xf32>,
      } {sc.loop_unroll_factor = 4 : i64, sc.parallel_access}
      %parallel_loop3A_180 = arith.constant 0 : i32
      %parallel_loop3A_181 = arith.constant 8 : i32
      %parallel_loop3A_182 = arith.constant 1 : i32
      scf.for %parallel_loop3A_203 = %parallel_loop3A_180 to %parallel_loop3A_181 step %parallel_loop3A_182  : i32 {
        %parallel_loop3A_204 = arith.constant 16 : i32
        %parallel_loop3A_205 = arith.muli %parallel_loop3A_203, %parallel_loop3A_204 : i32
        %parallel_loop3A_206 = vector.broadcast %parallel_loop3A_205 : i32 to vector<16xi32>
        %parallel_loop3A_207 = arith.addi %parallel_loop3A_206, %iota3A : vector<16xi32>
        %parallel_loop3A_208 = arith.constant 0 : i32
        %parallel_loop3A_209 = vector.broadcast %parallel_loop3A_208 : i32 to vector<16xi32>
        %parallel_loop3A_210 = tpu.vector_load_idx %arg21[%parallel_loop3A_207, %parallel_loop3A_209] : memref<128x16xf32, #tpu.memory_space<vmem>>[vector<16xi32>, vector<16xi32>], vector<16xf32>,
        %parallel_loop3A_211 = arith.constant 1 : i32
        %parallel_loop3A_212 = vector.broadcast %parallel_loop3A_211 : i32 to vector<16xi32>
        %parallel_loop3A_213 = tpu.vector_load_idx %arg21[%parallel_loop3A_207, %parallel_loop3A_212] : memref<128x16xf32, #tpu.memory_space<vmem>>[vector<16xi32>, vector<16xi32>], vector<16xf32>,
        %parallel_loop3A_214 = arith.addf %parallel_loop3A_210, %parallel_loop3A_213 : vector<16xf32>
        %parallel_loop3A_215 = arith.constant 2 : i32
        %parallel_loop3A_216 = vector.broadcast %parallel_loop3A_215 : i32 to vector<16xi32>
        %parallel_loop3A_217 = tpu.vector_load_idx %arg21[%parallel_loop3A_207, %parallel_loop3A_216] : memref<128x16xf32, #tpu.memory_space<vmem>>[vector<16xi32>, vector<16xi32>], vector<16xf32>,
        %parallel_loop3A_218 = arith.addf %parallel_loop3A_214, %parallel_loop3A_217 : vector<16xf32>
        %parallel_loop3A_219 = arith.constant 3 : i32
        %parallel_loop3A_220 = vector.broadcast %parallel_loop3A_219 : i32 to vector<16xi32>
        %parallel_loop3A_221 = tpu.vector_load_idx %arg21[%parallel_loop3A_207, %parallel_loop3A_220] : memref<128x16xf32, #tpu.memory_space<vmem>>[vector<16xi32>, vector<16xi32>], vector<16xf32>,
        %parallel_loop3A_222 = arith.addf %parallel_loop3A_218, %parallel_loop3A_221 : vector<16xf32>
        %parallel_loop3A_223 = arith.constant 4 : i32
        %parallel_loop3A_224 = vector.broadcast %parallel_loop3A_223 : i32 to vector<16xi32>
        %parallel_loop3A_225 = tpu.vector_load_idx %arg21[%parallel_loop3A_207, %parallel_loop3A_224] : memref<128x16xf32, #tpu.memory_space<vmem>>[vector<16xi32>, vector<16xi32>], vector<16xf32>,
        %parallel_loop3A_226 = arith.addf %parallel_loop3A_222, %parallel_loop3A_225 : vector<16xf32>
        %parallel_loop3A_227 = arith.constant 5 : i32
        %parallel_loop3A_228 = vector.broadcast %parallel_loop3A_227 : i32 to vector<16xi32>
        %parallel_loop3A_229 = tpu.vector_load_idx %arg21[%parallel_loop3A_207, %parallel_loop3A_228] : memref<128x16xf32, #tpu.memory_space<vmem>>[vector<16xi32>, vector<16xi32>], vector<16xf32>,
        %parallel_loop3A_230 = arith.addf %parallel_loop3A_226, %parallel_loop3A_229 : vector<16xf32>
        %parallel_loop3A_231 = arith.constant 6 : i32
        %parallel_loop3A_232 = vector.broadcast %parallel_loop3A_231 : i32 to vector<16xi32>
        %parallel_loop3A_233 = tpu.vector_load_idx %arg21[%parallel_loop3A_207, %parallel_loop3A_232] : memref<128x16xf32, #tpu.memory_space<vmem>>[vector<16xi32>, vector<16xi32>], vector<16xf32>,
        %parallel_loop3A_234 = arith.addf %parallel_loop3A_230, %parallel_loop3A_233 : vector<16xf32>
        %parallel_loop3A_235 = arith.constant 7 : i32
        %parallel_loop3A_236 = vector.broadcast %parallel_loop3A_235 : i32 to vector<16xi32>
        %parallel_loop3A_237 = tpu.vector_load_idx %arg21[%parallel_loop3A_207, %parallel_loop3A_236] : memref<128x16xf32, #tpu.memory_space<vmem>>[vector<16xi32>, vector<16xi32>], vector<16xf32>,
        %parallel_loop3A_238 = arith.addf %parallel_loop3A_234, %parallel_loop3A_237 : vector<16xf32>
        %parallel_loop3A_239 = arith.constant 8 : i32
        %parallel_loop3A_240 = vector.broadcast %parallel_loop3A_239 : i32 to vector<16xi32>
        %parallel_loop3A_241 = tpu.vector_load_idx %arg21[%parallel_loop3A_207, %parallel_loop3A_240] : memref<128x16xf32, #tpu.memory_space<vmem>>[vector<16xi32>, vector<16xi32>], vector<16xf32>,
        %parallel_loop3A_242 = arith.addf %parallel_loop3A_238, %parallel_loop3A_241 : vector<16xf32>
        %parallel_loop3A_243 = arith.constant 9 : i32
        %parallel_loop3A_244 = vector.broadcast %parallel_loop3A_243 : i32 to vector<16xi32>
        %parallel_loop3A_245 = tpu.vector_load_idx %arg21[%parallel_loop3A_207, %parallel_loop3A_244] : memref<128x16xf32, #tpu.memory_space<vmem>>[vector<16xi32>, vector<16xi32>], vector<16xf32>,
        %parallel_loop3A_246 = arith.addf %parallel_loop3A_242, %parallel_loop3A_245 : vector<16xf32>
        %parallel_loop3A_247 = arith.constant 10 : i32
        %parallel_loop3A_248 = vector.broadcast %parallel_loop3A_247 : i32 to vector<16xi32>
        %parallel_loop3A_249 = tpu.vector_load_idx %arg21[%parallel_loop3A_207, %parallel_loop3A_248] : memref<128x16xf32, #tpu.memory_space<vmem>>[vector<16xi32>, vector<16xi32>], vector<16xf32>,
        %parallel_loop3A_250 = arith.addf %parallel_loop3A_246, %parallel_loop3A_249 : vector<16xf32>
        %parallel_loop3A_251 = arith.constant 11 : i32
        %parallel_loop3A_252 = vector.broadcast %parallel_loop3A_251 : i32 to vector<16xi32>
        %parallel_loop3A_253 = tpu.vector_load_idx %arg21[%parallel_loop3A_207, %parallel_loop3A_252] : memref<128x16xf32, #tpu.memory_space<vmem>>[vector<16xi32>, vector<16xi32>], vector<16xf32>,
        %parallel_loop3A_254 = arith.addf %parallel_loop3A_250, %parallel_loop3A_253 : vector<16xf32>
        %parallel_loop3A_255 = arith.constant 12 : i32
        %parallel_loop3A_256 = vector.broadcast %parallel_loop3A_255 : i32 to vector<16xi32>
        %parallel_loop3A_257 = tpu.vector_load_idx %arg21[%parallel_loop3A_207, %parallel_loop3A_256] : memref<128x16xf32, #tpu.memory_space<vmem>>[vector<16xi32>, vector<16xi32>], vector<16xf32>,
        %parallel_loop3A_258 = arith.addf %parallel_loop3A_254, %parallel_loop3A_257 : vector<16xf32>
        %parallel_loop3A_259 = arith.constant 13 : i32
        %parallel_loop3A_260 = vector.broadcast %parallel_loop3A_259 : i32 to vector<16xi32>
        %parallel_loop3A_261 = tpu.vector_load_idx %arg21[%parallel_loop3A_207, %parallel_loop3A_260] : memref<128x16xf32, #tpu.memory_space<vmem>>[vector<16xi32>, vector<16xi32>], vector<16xf32>,
        %parallel_loop3A_262 = arith.addf %parallel_loop3A_258, %parallel_loop3A_261 : vector<16xf32>
        %parallel_loop3A_263 = arith.constant 14 : i32
        %parallel_loop3A_264 = vector.broadcast %parallel_loop3A_263 : i32 to vector<16xi32>
        %parallel_loop3A_265 = tpu.vector_load_idx %arg21[%parallel_loop3A_207, %parallel_loop3A_264] : memref<128x16xf32, #tpu.memory_space<vmem>>[vector<16xi32>, vector<16xi32>], vector<16xf32>,
        %parallel_loop3A_266 = arith.addf %parallel_loop3A_262, %parallel_loop3A_265 : vector<16xf32>
        %parallel_loop3A_267 = arith.constant 15 : i32
        %parallel_loop3A_268 = vector.broadcast %parallel_loop3A_267 : i32 to vector<16xi32>
        %parallel_loop3A_269 = tpu.vector_load_idx %arg21[%parallel_loop3A_207, %parallel_loop3A_268] : memref<128x16xf32, #tpu.memory_space<vmem>>[vector<16xi32>, vector<16xi32>], vector<16xf32>,
        %parallel_loop3A_270 = arith.addf %parallel_loop3A_266, %parallel_loop3A_269 : vector<16xf32>
        %parallel_loop3A_271 = arith.constant 2.500000e-01 : f32
        %parallel_loop3A_272 = vector.broadcast %parallel_loop3A_271 : f32 to vector<16xf32>
        %parallel_loop3A_273 = arith.mulf %parallel_loop3A_270, %parallel_loop3A_272 : vector<16xf32>
        %parallel_loop3A_274 = math.exp %parallel_loop3A_273 : vector<16xf32>
        %parallel_loop3A_275 = arith.constant 16 : i32
        %parallel_loop3A_276 = arith.muli %parallel_loop3A_203, %parallel_loop3A_275 : i32
        %parallel_loop3A_277 = arith.index_cast %parallel_loop3A_276 : i32 to index
        %parallel_loop3A_278 = tpu.vector_load %arg18[%parallel_loop3A_277] {strides = array<i32>} : memref<128xf32, #tpu.memory_space<vmem>>, vector<16xf32>,
        tpu.vector_store %arg18[%parallel_loop3A_277], %parallel_loop3A_274 {strides = array<i32>} : memref<128xf32, #tpu.memory_space<vmem>>, vector<16xf32>,
      } {sc.loop_unroll_factor = 2 : i64, sc.parallel_access}
      %ge3A_183 = arith.constant 2 : i32
      %ge3A_184 = arith.cmpi sge, %add3A_157, %ge3A_183 : i32
      %convert_element_type3A_185 = arith.extui %ge3A_184 : i1 to i32
      %cond3A_186 = arith.constant 0 : i32
      %cond3A_187 = arith.cmpi ne, %convert_element_type3A_185, %cond3A_186 : i32
      scf.if %cond3A_187 {
        %dma_wait3A_203 = arith.constant 0 : i32
        %dma_wait3A_204 = arith.constant 0 : i32
        %dma_wait3A_205 = tpu.memref_slice %arg23[%dma_wait3A_203, %dma_wait3A_204] : memref<10000x48xf32, #tpu.memory_space<vmem_shared>> -> memref<10000x48xf32, #tpu.memory_space<vmem_shared>>
        tpu.wait_indirect_dma semaphore(%arg27 : memref<!tpu.dma_semaphore, #tpu.memory_space<semaphore_mem>>) src(%arg20 : memref<128x48xf32, #tpu.memory_space<vmem>>) dst(%dma_wait3A_205 : memref<10000x48xf32, #tpu.memory_space<vmem_shared>>)
      } else {
      }
      %parallel_loop3A_188 = arith.constant 0 : i32
      %parallel_loop3A_189 = arith.constant 8 : i32
      %parallel_loop3A_190 = arith.constant 1 : i32
      scf.for %parallel_loop3A_203 = %parallel_loop3A_188 to %parallel_loop3A_189 step %parallel_loop3A_190  : i32 {
        %parallel_loop3A_204 = arith.constant 128 : i32
        %parallel_loop3A_205 = arith.muli %add3A_157, %parallel_loop3A_204 : i32
        %parallel_loop3A_206 = arith.constant 16 : i32
        %parallel_loop3A_207 = arith.muli %parallel_loop3A_203, %parallel_loop3A_206 : i32
        %parallel_loop3A_208 = arith.addi %parallel_loop3A_205, %parallel_loop3A_207 : i32
        %parallel_loop3A_209 = arith.index_cast %parallel_loop3A_208 : i32 to index
        %parallel_loop3A_210 = tpu.vector_load %arg9[%parallel_loop3A_209] {strides = array<i32>} : memref<10496xi32, #tpu.memory_space<vmem>>, vector<16xi32>,
        %parallel_loop3A_211 = arith.constant 16 : i32
        %parallel_loop3A_212 = arith.muli %parallel_loop3A_203, %parallel_loop3A_211 : i32
        %parallel_loop3A_213 = arith.index_cast %parallel_loop3A_212 : i32 to index
        %parallel_loop3A_214 = tpu.vector_load %arg11[%parallel_loop3A_213] {strides = array<i32>} : memref<128xi32, #tpu.memory_space<vmem>>, vector<16xi32>,
        tpu.vector_store %arg11[%parallel_loop3A_213], %parallel_loop3A_210 {strides = array<i32>} : memref<128xi32, #tpu.memory_space<vmem>>, vector<16xi32>,
      } {sc.loop_unroll_factor = 1 : i64, sc.parallel_access}
      %parallel_loop3A_191 = arith.constant 0 : i32
      %parallel_loop3A_192 = arith.constant 128 : i32
      %parallel_loop3A_193 = arith.constant 1 : i32
      scf.for %parallel_loop3A_203 = %parallel_loop3A_191 to %parallel_loop3A_192 step %parallel_loop3A_193  : i32 {
        %parallel_loop3A_204 = vector.broadcast %parallel_loop3A_203 : i32 to vector<16xi32>
        %parallel_loop3A_205 = tpu.vector_load_idx %arg18[%parallel_loop3A_204] : memref<128xf32, #tpu.memory_space<vmem>>[vector<16xi32>], vector<16xf32>,
        %parallel_loop3A_206 = arith.index_cast %parallel_loop3A_203 : i32 to index
        %parallel_loop3A_207 = arith.constant 16 : index
        %parallel_loop3A_208 = tpu.vector_load %arg15[%parallel_loop3A_206, %parallel_loop3A_207] {strides = array<i32>} : memref<128x32xf32, #tpu.memory_space<vmem>>, vector<16xf32>,
        %parallel_loop3A_209 = arith.mulf %parallel_loop3A_205, %parallel_loop3A_208 : vector<16xf32>
        %parallel_loop3A_210 = arith.index_cast %parallel_loop3A_203 : i32 to index
        %parallel_loop3A_211 = arith.constant 0 : index
        %parallel_loop3A_212 = tpu.vector_load %arg20[%parallel_loop3A_210, %parallel_loop3A_211] {strides = array<i32>} : memref<128x48xf32, #tpu.memory_space<vmem>>, vector<16xf32>,
        tpu.vector_store %arg20[%parallel_loop3A_210, %parallel_loop3A_211], %parallel_loop3A_209 {strides = array<i32>} : memref<128x48xf32, #tpu.memory_space<vmem>>, vector<16xf32>,
        %parallel_loop3A_213 = arith.index_cast %parallel_loop3A_203 : i32 to index
        %parallel_loop3A_214 = arith.constant 0 : index
        %parallel_loop3A_215 = tpu.vector_load %arg17[%parallel_loop3A_213, %parallel_loop3A_214] {strides = array<i32>} : memref<128x16xf32, #tpu.memory_space<vmem>>, vector<16xf32>,
        %parallel_loop3A_216 = arith.mulf %parallel_loop3A_205, %parallel_loop3A_215 : vector<16xf32>
        %parallel_loop3A_217 = arith.index_cast %parallel_loop3A_203 : i32 to index
        %parallel_loop3A_218 = arith.constant 16 : index
        %parallel_loop3A_219 = tpu.vector_load %arg20[%parallel_loop3A_217, %parallel_loop3A_218] {strides = array<i32>} : memref<128x48xf32, #tpu.memory_space<vmem>>, vector<16xf32>,
        tpu.vector_store %arg20[%parallel_loop3A_217, %parallel_loop3A_218], %parallel_loop3A_216 {strides = array<i32>} : memref<128x48xf32, #tpu.memory_space<vmem>>, vector<16xf32>,
        %parallel_loop3A_220 = arith.index_cast %parallel_loop3A_203 : i32 to index
        %parallel_loop3A_221 = arith.constant 32 : index
        %parallel_loop3A_222 = tpu.vector_load %arg20[%parallel_loop3A_220, %parallel_loop3A_221] {strides = array<i32>} : memref<128x48xf32, #tpu.memory_space<vmem>>, vector<16xf32>,
        tpu.vector_store %arg20[%parallel_loop3A_220, %parallel_loop3A_221], %parallel_loop3A_205 {strides = array<i32>} : memref<128x48xf32, #tpu.memory_space<vmem>>, vector<16xf32>,
      } {sc.loop_unroll_factor = 4 : i64, sc.parallel_access}
      %dma_start3A_194 = arith.constant 0 : i32
      %dma_start3A_195 = arith.constant 0 : i32
      %dma_start3A_196 = tpu.memref_slice %arg23[%dma_start3A_194, %dma_start3A_195] : memref<10000x48xf32, #tpu.memory_space<vmem_shared>> -> memref<10000x48xf32, #tpu.memory_space<vmem_shared>>
      tpu.enqueue_indirect_dma source(%arg20 : memref<128x48xf32, #tpu.memory_space<vmem>>) target(%dma_start3A_196 : memref<10000x48xf32, #tpu.memory_space<vmem_shared>>) offsets(%arg11 : memref<128xi32, #tpu.memory_space<vmem>>) semaphore(%arg27 : memref<!tpu.dma_semaphore, #tpu.memory_space<semaphore_mem>>) {add = true}
      %add3A_197 = arith.constant 2 : i32
      %add3A_198 = arith.addi %add3A_157, %add3A_197 : i32
      %lt3A_199 = arith.cmpi slt, %add3A_198, %select_n3A : i32
      %convert_element_type3A_200 = arith.extui %lt3A_199 : i1 to i32
      %cond3A_201 = arith.constant 0 : i32
      %cond3A_202 = arith.cmpi ne, %convert_element_type3A_200, %cond3A_201 : i32
      scf.if %cond3A_202 {
        %add3A_203 = arith.constant 2 : i32
        %add3A_204 = arith.addi %add3A_157, %add3A_203 : i32
        %mul3A_205 = arith.constant 128 : i32
        %mul3A_206 = arith.muli %add3A_204, %mul3A_205 : i32
        %mul3A_207 = arith.constant 128 : i32
        %mul3A_208 = arith.muli %add3A_204, %mul3A_207 : i32
        %mul3A_209 = arith.constant 128 : i32
        %mul3A_210 = arith.muli %add3A_204, %mul3A_209 : i32
        %add3A_211 = arith.addi %mul3A_6, %mul3A_210 : i32
        %dma_start3A_212 = tpu.memref_slice %arg8[%mul3A_206] : memref<10496xi32, #tpu.memory_space<vmem>> -> memref<128xi32, #tpu.memory_space<vmem>>
        %dma_start3A_213 = arith.constant 0 : i32
        %dma_start3A_214 = arith.constant 0 : i32
        %dma_start3A_215 = tpu.memref_slice %arg5[%dma_start3A_213, %dma_start3A_214] : memref<10000x32xf32, #tpu.memory_space<hbm>> -> memref<10000x32xf32, #tpu.memory_space<hbm>>
        tpu.enqueue_indirect_dma source(%dma_start3A_215 : memref<10000x32xf32, #tpu.memory_space<hbm>>) target(%arg15 : memref<128x32xf32, #tpu.memory_space<vmem>>) offsets(%dma_start3A_212 : memref<128xi32, #tpu.memory_space<vmem>>) semaphore(%arg25 : memref<!tpu.dma_semaphore, #tpu.memory_space<semaphore_mem>>)
        %dma_start3A_216 = tpu.memref_slice %arg9[%mul3A_208] : memref<10496xi32, #tpu.memory_space<vmem>> -> memref<128xi32, #tpu.memory_space<vmem>>
        %dma_start3A_217 = arith.constant 0 : i32
        %dma_start3A_218 = arith.constant 0 : i32
        %dma_start3A_219 = tpu.memref_slice %arg6[%dma_start3A_217, %dma_start3A_218] : memref<10000x32xf32, #tpu.memory_space<hbm>> -> memref<10000x32xf32, #tpu.memory_space<hbm>>
        tpu.enqueue_indirect_dma source(%dma_start3A_219 : memref<10000x32xf32, #tpu.memory_space<hbm>>) target(%arg16 : memref<128x32xf32, #tpu.memory_space<vmem>>) offsets(%dma_start3A_216 : memref<128xi32, #tpu.memory_space<vmem>>) semaphore(%arg25 : memref<!tpu.dma_semaphore, #tpu.memory_space<semaphore_mem>>)
        %dma_start3A_220 = arith.constant 0 : i32
        %dma_start3A_221 = tpu.memref_slice %arg4[%add3A_211, %dma_start3A_220] : memref<320000x16xf32, #tpu.memory_space<hbm>> -> memref<128x16xf32, #tpu.memory_space<hbm>>
        %dma_start3A_222 = arith.constant 0 : i32
        %dma_start3A_223 = tpu.memref_slice %arg4[%add3A_211, %dma_start3A_222] : memref<320000x16xf32, #tpu.memory_space<hbm>> -> memref<128x16xf32, #tpu.memory_space<hbm>>
        tpu.enqueue_dma source(%dma_start3A_223 : memref<128x16xf32, #tpu.memory_space<hbm>>) target(%arg17 : memref<128x16xf32, #tpu.memory_space<vmem>>) target_semaphore(%arg25 : memref<!tpu.dma_semaphore, #tpu.memory_space<semaphore_mem>>)
      } else {
      }
    }
    %dma_wait3A = arith.constant 0 : i32
    %dma_wait3A_90 = arith.constant 0 : i32
    %dma_wait3A_91 = tpu.memref_slice %arg23[%dma_wait3A, %dma_wait3A_90] : memref<10000x48xf32, #tpu.memory_space<vmem_shared>> -> memref<10000x48xf32, #tpu.memory_space<vmem_shared>>
    tpu.wait_indirect_dma semaphore(%arg26 : memref<!tpu.dma_semaphore, #tpu.memory_space<semaphore_mem>>) src(%arg19 : memref<128x48xf32, #tpu.memory_space<vmem>>) dst(%dma_wait3A_91 : memref<10000x48xf32, #tpu.memory_space<vmem_shared>>)
    %dma_wait3A_92 = arith.constant 0 : i32
    %dma_wait3A_93 = arith.constant 0 : i32
    %dma_wait3A_94 = tpu.memref_slice %arg23[%dma_wait3A_92, %dma_wait3A_93] : memref<10000x48xf32, #tpu.memory_space<vmem_shared>> -> memref<10000x48xf32, #tpu.memory_space<vmem_shared>>
    tpu.wait_indirect_dma semaphore(%arg27 : memref<!tpu.dma_semaphore, #tpu.memory_space<semaphore_mem>>) src(%arg20 : memref<128x48xf32, #tpu.memory_space<vmem>>) dst(%dma_wait3A_94 : memref<10000x48xf32, #tpu.memory_space<vmem_shared>>)
    %barrier3A_95 = arith.constant 0 : index
    tpu.barrier barrier_id(%barrier3A_95)
    %mul3A_96 = arith.constant 624 : i32
    %mul3A_97 = arith.muli %arg1, %mul3A_96 : i32
    %mul3A_98 = arith.constant 624 : i32
    %mul3A_99 = arith.muli %arg1, %mul3A_98 : i32
    "tpu.region"() ({
      %run_scoped3A = tpu.sem_alloc : memref<!tpu.dma_semaphore, #tpu.memory_space<semaphore_mem>>
      %dma_start3A_105 = arith.constant 0 : i32
      %dma_start3A_106 = tpu.memref_slice %arg7[%arg0, %mul3A_99, %dma_start3A_105] : memref<2x10000x48xf32, #tpu.memory_space<hbm>> -> memref<1x624x48xf32, #tpu.memory_space<hbm>>
      %dma_start3A_107 = tpu.memref_squeeze %dma_start3A_106 : memref<1x624x48xf32, #tpu.memory_space<hbm>> -> memref<624x48xf32, #tpu.memory_space<hbm>>
      %dma_start3A_108 = arith.constant 0 : i32
      %dma_start3A_109 = tpu.memref_slice %arg23[%mul3A_97, %dma_start3A_108] : memref<10000x48xf32, #tpu.memory_space<vmem_shared>> -> memref<624x48xf32, #tpu.memory_space<vmem_shared>>
      tpu.enqueue_dma source(%dma_start3A_109 : memref<624x48xf32, #tpu.memory_space<vmem_shared>>) target(%dma_start3A_107 : memref<624x48xf32, #tpu.memory_space<hbm>>) target_semaphore(%run_scoped3A : memref<!tpu.dma_semaphore, #tpu.memory_space<semaphore_mem>>)
      %dma_wait3A_110 = arith.constant 0 : i32
      %dma_wait3A_111 = tpu.memref_slice %arg7[%arg0, %mul3A_99, %dma_wait3A_110] : memref<2x10000x48xf32, #tpu.memory_space<hbm>> -> memref<1x624x48xf32, #tpu.memory_space<hbm>>
      %dma_wait3A_112 = tpu.memref_squeeze %dma_wait3A_111 : memref<1x624x48xf32, #tpu.memory_space<hbm>> -> memref<624x48xf32, #tpu.memory_space<hbm>>
      %dma_wait3A_113 = arith.constant 0 : i32
      %dma_wait3A_114 = tpu.memref_slice %arg23[%mul3A_97, %dma_wait3A_113] : memref<10000x48xf32, #tpu.memory_space<vmem_shared>> -> memref<624x48xf32, #tpu.memory_space<vmem_shared>>
      tpu.wait_dma2 semaphore(%run_scoped3A : memref<!tpu.dma_semaphore, #tpu.memory_space<semaphore_mem>>) src(%dma_wait3A_114 : memref<624x48xf32, #tpu.memory_space<vmem_shared>>) dst(%dma_wait3A_112 : memref<624x48xf32, #tpu.memory_space<hbm>>)
      tpu.yield
    }) : () -> ()
    %eq3A_100 = arith.constant 15 : i32
    %eq3A_101 = arith.cmpi eq, %arg1, %eq3A_100 : i32
    %convert_element_type3A_102 = arith.extui %eq3A_101 : i1 to i32
    %cond3A_103 = arith.constant 0 : i32
    %cond3A_104 = arith.cmpi ne, %convert_element_type3A_102, %cond3A_103 : i32
    scf.if %cond3A_104 {
      "tpu.region"() ({
        %run_scoped3A = tpu.sem_alloc : memref<!tpu.dma_semaphore, #tpu.memory_space<semaphore_mem>>
        %dma_start3A_105 = arith.constant 9984 : i32
        %dma_start3A_106 = arith.constant 0 : i32
        %dma_start3A_107 = tpu.memref_slice %arg7[%arg0, %dma_start3A_105, %dma_start3A_106] : memref<2x10000x48xf32, #tpu.memory_space<hbm>> -> memref<1x16x48xf32, #tpu.memory_space<hbm>>
        %dma_start3A_108 = tpu.memref_squeeze %dma_start3A_107 : memref<1x16x48xf32, #tpu.memory_space<hbm>> -> memref<16x48xf32, #tpu.memory_space<hbm>>
        %dma_start3A_109 = arith.constant 9984 : i32
        %dma_start3A_110 = arith.constant 0 : i32
        %dma_start3A_111 = tpu.memref_slice %arg23[%dma_start3A_109, %dma_start3A_110] : memref<10000x48xf32, #tpu.memory_space<vmem_shared>> -> memref<16x48xf32, #tpu.memory_space<vmem_shared>>
        tpu.enqueue_dma source(%dma_start3A_111 : memref<16x48xf32, #tpu.memory_space<vmem_shared>>) target(%dma_start3A_108 : memref<16x48xf32, #tpu.memory_space<hbm>>) target_semaphore(%run_scoped3A : memref<!tpu.dma_semaphore, #tpu.memory_space<semaphore_mem>>)
        %dma_wait3A_112 = arith.constant 9984 : i32
        %dma_wait3A_113 = arith.constant 0 : i32
        %dma_wait3A_114 = tpu.memref_slice %arg7[%arg0, %dma_wait3A_112, %dma_wait3A_113] : memref<2x10000x48xf32, #tpu.memory_space<hbm>> -> memref<1x16x48xf32, #tpu.memory_space<hbm>>
        %dma_wait3A_115 = tpu.memref_squeeze %dma_wait3A_114 : memref<1x16x48xf32, #tpu.memory_space<hbm>> -> memref<16x48xf32, #tpu.memory_space<hbm>>
        %dma_wait3A_116 = arith.constant 9984 : i32
        %dma_wait3A_117 = arith.constant 0 : i32
        %dma_wait3A_118 = tpu.memref_slice %arg23[%dma_wait3A_116, %dma_wait3A_117] : memref<10000x48xf32, #tpu.memory_space<vmem_shared>> -> memref<16x48xf32, #tpu.memory_space<vmem_shared>>
        tpu.wait_dma2 semaphore(%run_scoped3A : memref<!tpu.dma_semaphore, #tpu.memory_space<semaphore_mem>>) src(%dma_wait3A_118 : memref<16x48xf32, #tpu.memory_space<vmem_shared>>) dst(%dma_wait3A_115 : memref<16x48xf32, #tpu.memory_space<hbm>>)
        tpu.yield
      }) : () -> ()
    } else {
    }
    return
  }
}

module attributes {stable_mosaic.version = 14 : i64} {
  func.func @body(%arg0: i32, %arg1: memref<1000x128xf32, #tpu.memory_space<vmem>>, %arg2: memref<128x64xf32, #tpu.memory_space<vmem>>, %arg3: memref<1x64xf32, #tpu.memory_space<vmem>>, %arg4: memref<128x64xf32, #tpu.memory_space<vmem>>, %arg5: memref<1x64xf32, #tpu.memory_space<vmem>>, %arg6: memref<128x64xf32, #tpu.memory_space<vmem>>, %arg7: memref<1x64xf32, #tpu.memory_space<vmem>>, %arg8: memref<128x64xf32, #tpu.memory_space<vmem>>, %arg9: memref<1x64xf32, #tpu.memory_space<vmem>>, %arg10: memref<16x64xf32, #tpu.memory_space<vmem>>, %arg11: memref<1000x128xf32, #tpu.memory_space<vmem>>, %arg12: memref<1000x80xf32, #tpu.memory_space<vmem>>, %arg13: memref<1000x64xf32, #tpu.memory_space<vmem>>) attributes {dimension_semantics = [#tpu.dimension_semantics<arbitrary>], iteration_bounds = array<i64: 10>, scalar_prefetch = 0 : i64, scratch_operands = 0 : i64, tpu.core_type = #tpu.core_type<tc>, window_params = [{transform_indices = @transform_0, window_bounds = array<i64: 1000, 128>}, {pipeline_mode = #tpu.pipeline_mode<synchronous>, transform_indices = @transform_1, window_bounds = array<i64: 128, 64>}, {pipeline_mode = #tpu.pipeline_mode<synchronous>, transform_indices = @transform_2, window_bounds = array<i64: 1, 64>}, {pipeline_mode = #tpu.pipeline_mode<synchronous>, transform_indices = @transform_3, window_bounds = array<i64: 128, 64>}, {pipeline_mode = #tpu.pipeline_mode<synchronous>, transform_indices = @transform_4, window_bounds = array<i64: 1, 64>}, {pipeline_mode = #tpu.pipeline_mode<synchronous>, transform_indices = @transform_5, window_bounds = array<i64: 128, 64>}, {pipeline_mode = #tpu.pipeline_mode<synchronous>, transform_indices = @transform_6, window_bounds = array<i64: 1, 64>}, {pipeline_mode = #tpu.pipeline_mode<synchronous>, transform_indices = @transform_7, window_bounds = array<i64: 128, 64>}, {pipeline_mode = #tpu.pipeline_mode<synchronous>, transform_indices = @transform_8, window_bounds = array<i64: 1, 64>}, {pipeline_mode = #tpu.pipeline_mode<synchronous>, transform_indices = @transform_9, window_bounds = array<i64: 16, 64>}, {transform_indices = @transform_10, window_bounds = array<i64: 1000, 128>}, {transform_indices = @transform_11, window_bounds = array<i64: 1000, 80>}, {transform_indices = @transform_12, window_bounds = array<i64: 1000, 64>}]} {
    %get3A = arith.constant 0 : index
    %get3A_0 = arith.constant 0 : index
    %get3A_1 = vector.load %arg1[%get3A, %get3A_0] : memref<1000x128xf32, #tpu.memory_space<vmem>>, vector<1000x128xf32>
    %get3A_2 = arith.constant 0 : index
    %get3A_3 = arith.constant 0 : index
    %get3A_4 = vector.load %arg2[%get3A_2, %get3A_3] : memref<128x64xf32, #tpu.memory_space<vmem>>, vector<128x64xf32>
    %dot_general3A = arith.constant dense<0.000000e+00> : vector<1000x64xf32>
    %dot_general3A_5 = tpu.matmul %get3A_1, %get3A_4, %dot_general3A {dimension_numbers = #tpu.dot_dimension_numbers<[1], [0], [0], [1], [0, 0, 1, 1], [], []>, transpose_lhs_hint = false} : vector<1000x128xf32>, vector<128x64xf32>, vector<1000x64xf32> -> vector<1000x64xf32>
    %get3A_6 = arith.constant 0 : index
    %get3A_7 = arith.constant 0 : index
    %get3A_8 = vector.load %arg3[%get3A_6, %get3A_7] : memref<1x64xf32, #tpu.memory_space<vmem>>, vector<1x64xf32>
    %add3A = vector.broadcast %get3A_8 : vector<1x64xf32> to vector<1000x64xf32>
    %add3A_9 = arith.addf %dot_general3A_5, %add3A : vector<1000x64xf32>
    %get3A_10 = arith.constant 0 : index
    %get3A_11 = arith.constant 0 : index
    %get3A_12 = vector.load %arg4[%get3A_10, %get3A_11] : memref<128x64xf32, #tpu.memory_space<vmem>>, vector<128x64xf32>
    %dot_general3A_13 = arith.constant dense<0.000000e+00> : vector<1000x64xf32>
    %dot_general3A_14 = tpu.matmul %get3A_1, %get3A_12, %dot_general3A_13 {dimension_numbers = #tpu.dot_dimension_numbers<[1], [0], [0], [1], [0, 0, 1, 1], [], []>, transpose_lhs_hint = false} : vector<1000x128xf32>, vector<128x64xf32>, vector<1000x64xf32> -> vector<1000x64xf32>
    %get3A_15 = arith.constant 0 : index
    %get3A_16 = arith.constant 0 : index
    %get3A_17 = vector.load %arg5[%get3A_15, %get3A_16] : memref<1x64xf32, #tpu.memory_space<vmem>>, vector<1x64xf32>
    %add3A_18 = vector.broadcast %get3A_17 : vector<1x64xf32> to vector<1000x64xf32>
    %add3A_19 = arith.addf %dot_general3A_14, %add3A_18 : vector<1000x64xf32>
    %get3A_20 = arith.constant 0 : index
    %get3A_21 = arith.constant 0 : index
    %get3A_22 = vector.load %arg6[%get3A_20, %get3A_21] : memref<128x64xf32, #tpu.memory_space<vmem>>, vector<128x64xf32>
    %dot_general3A_23 = arith.constant dense<0.000000e+00> : vector<1000x64xf32>
    %dot_general3A_24 = tpu.matmul %get3A_1, %get3A_22, %dot_general3A_23 {dimension_numbers = #tpu.dot_dimension_numbers<[1], [0], [0], [1], [0, 0, 1, 1], [], []>, transpose_lhs_hint = false} : vector<1000x128xf32>, vector<128x64xf32>, vector<1000x64xf32> -> vector<1000x64xf32>
    %get3A_25 = arith.constant 0 : index
    %get3A_26 = arith.constant 0 : index
    %get3A_27 = vector.load %arg7[%get3A_25, %get3A_26] : memref<1x64xf32, #tpu.memory_space<vmem>>, vector<1x64xf32>
    %add3A_28 = vector.broadcast %get3A_27 : vector<1x64xf32> to vector<1000x64xf32>
    %add3A_29 = arith.addf %dot_general3A_24, %add3A_28 : vector<1000x64xf32>
    %get3A_30 = arith.constant 0 : index
    %get3A_31 = arith.constant 0 : index
    %get3A_32 = vector.load %arg8[%get3A_30, %get3A_31] : memref<128x64xf32, #tpu.memory_space<vmem>>, vector<128x64xf32>
    %dot_general3A_33 = arith.constant dense<0.000000e+00> : vector<1000x64xf32>
    %dot_general3A_34 = tpu.matmul %get3A_1, %get3A_32, %dot_general3A_33 {dimension_numbers = #tpu.dot_dimension_numbers<[1], [0], [0], [1], [0, 0, 1, 1], [], []>, transpose_lhs_hint = false} : vector<1000x128xf32>, vector<128x64xf32>, vector<1000x64xf32> -> vector<1000x64xf32>
    %get3A_35 = arith.constant 0 : index
    %get3A_36 = arith.constant 0 : index
    %get3A_37 = vector.load %arg9[%get3A_35, %get3A_36] : memref<1x64xf32, #tpu.memory_space<vmem>>, vector<1x64xf32>
    %add3A_38 = vector.broadcast %get3A_37 : vector<1x64xf32> to vector<1000x64xf32>
    %add3A_39 = arith.addf %dot_general3A_34, %add3A_38 : vector<1000x64xf32>
    %swap3A = arith.constant 0 : index
    %swap3A_40 = arith.constant 0 : index
    %swap3A_41 = vector.load %arg13[%swap3A, %swap3A_40] : memref<1000x64xf32, #tpu.memory_space<vmem>>, vector<1000x64xf32>
    tpu.vector_store %arg13[%swap3A, %swap3A_40], %add3A_39 {strides = array<i32>} : memref<1000x64xf32, #tpu.memory_space<vmem>>, vector<1000x64xf32>,
    %get3A_42 = arith.constant 0 : index
    %get3A_43 = arith.constant 0 : index
    %get3A_44 = vector.load %arg10[%get3A_42, %get3A_43] : memref<16x64xf32, #tpu.memory_space<vmem>>, vector<16x64xf32>
    %dot_general3A_45 = arith.constant dense<0.000000e+00> : vector<1000x16xf32>
    %dot_general3A_46 = tpu.matmul %add3A_9, %get3A_44, %dot_general3A_45 {dimension_numbers = #tpu.dot_dimension_numbers<[1], [1], [0], [0], [0, 0, 1, 0], [], []>, transpose_lhs_hint = false} : vector<1000x64xf32>, vector<16x64xf32>, vector<1000x16xf32> -> vector<1000x16xf32>
    %concatenate3A = tpu.concatenate %add3A_19, %add3A_29 in 1 : vector<1000x64xf32>, vector<1000x64xf32> -> vector<1000x128xf32>
    %swap3A_47 = arith.constant 0 : index
    %swap3A_48 = arith.constant 0 : index
    %swap3A_49 = vector.load %arg11[%swap3A_47, %swap3A_48] : memref<1000x128xf32, #tpu.memory_space<vmem>>, vector<1000x128xf32>
    tpu.vector_store %arg11[%swap3A_47, %swap3A_48], %concatenate3A {strides = array<i32>} : memref<1000x128xf32, #tpu.memory_space<vmem>>, vector<1000x128xf32>,
    %concatenate3A_50 = tpu.concatenate %add3A_9, %dot_general3A_46 in 1 : vector<1000x64xf32>, vector<1000x16xf32> -> vector<1000x80xf32>
    %swap3A_51 = arith.constant 0 : index
    %swap3A_52 = arith.constant 0 : index
    %swap3A_53 = vector.load %arg12[%swap3A_51, %swap3A_52] : memref<1000x80xf32, #tpu.memory_space<vmem>>, vector<1000x80xf32>
    tpu.vector_store %arg12[%swap3A_51, %swap3A_52], %concatenate3A_50 {strides = array<i32>} : memref<1000x80xf32, #tpu.memory_space<vmem>>, vector<1000x80xf32>,
    return
  }
  func.func @transform_0(%arg0: i32) -> (i32, i32) {
    %c0_i32 = arith.constant 0 : i32
    %c0_i32_0 = arith.constant 0 : i32
    return %arg0, %c0_i32 : i32, i32
  }
  func.func @transform_1(%arg0: i32) -> (i32, i32) {
    %c0_i32 = arith.constant 0 : i32
    %c0_i32_0 = arith.constant 0 : i32
    %c0_i32_1 = arith.constant 0 : i32
    return %c0_i32, %c0_i32_0 : i32, i32
  }
  func.func @transform_2(%arg0: i32) -> (i32, i32) {
    %c0_i32 = arith.constant 0 : i32
    %c0_i32_0 = arith.constant 0 : i32
    %c0_i32_1 = arith.constant 0 : i32
    return %c0_i32, %c0_i32_0 : i32, i32
  }
  func.func @transform_3(%arg0: i32) -> (i32, i32) {
    %c0_i32 = arith.constant 0 : i32
    %c0_i32_0 = arith.constant 0 : i32
    %c0_i32_1 = arith.constant 0 : i32
    return %c0_i32, %c0_i32_0 : i32, i32
  }
  func.func @transform_4(%arg0: i32) -> (i32, i32) {
    %c0_i32 = arith.constant 0 : i32
    %c0_i32_0 = arith.constant 0 : i32
    %c0_i32_1 = arith.constant 0 : i32
    return %c0_i32, %c0_i32_0 : i32, i32
  }
  func.func @transform_5(%arg0: i32) -> (i32, i32) {
    %c0_i32 = arith.constant 0 : i32
    %c0_i32_0 = arith.constant 0 : i32
    %c0_i32_1 = arith.constant 0 : i32
    return %c0_i32, %c0_i32_0 : i32, i32
  }
  func.func @transform_6(%arg0: i32) -> (i32, i32) {
    %c0_i32 = arith.constant 0 : i32
    %c0_i32_0 = arith.constant 0 : i32
    %c0_i32_1 = arith.constant 0 : i32
    return %c0_i32, %c0_i32_0 : i32, i32
  }
  func.func @transform_7(%arg0: i32) -> (i32, i32) {
    %c0_i32 = arith.constant 0 : i32
    %c0_i32_0 = arith.constant 0 : i32
    %c0_i32_1 = arith.constant 0 : i32
    return %c0_i32, %c0_i32_0 : i32, i32
  }
  func.func @transform_8(%arg0: i32) -> (i32, i32) {
    %c0_i32 = arith.constant 0 : i32
    %c0_i32_0 = arith.constant 0 : i32
    %c0_i32_1 = arith.constant 0 : i32
    return %c0_i32, %c0_i32_0 : i32, i32
  }
  func.func @transform_9(%arg0: i32) -> (i32, i32) {
    %c0_i32 = arith.constant 0 : i32
    %c0_i32_0 = arith.constant 0 : i32
    %c0_i32_1 = arith.constant 0 : i32
    return %c0_i32, %c0_i32_0 : i32, i32
  }
  func.func @transform_10(%arg0: i32) -> (i32, i32) {
    %c0_i32 = arith.constant 0 : i32
    %c0_i32_0 = arith.constant 0 : i32
    return %arg0, %c0_i32 : i32, i32
  }
  func.func @transform_11(%arg0: i32) -> (i32, i32) {
    %c0_i32 = arith.constant 0 : i32
    %c0_i32_0 = arith.constant 0 : i32
    return %arg0, %c0_i32 : i32, i32
  }
  func.func @transform_12(%arg0: i32) -> (i32, i32) {
    %c0_i32 = arith.constant 0 : i32
    %c0_i32_0 = arith.constant 0 : i32
    return %arg0, %c0_i32 : i32, i32
  }
}

module attributes {stable_mosaic.version = 14 : i64} {
  func.func @body(%arg0: i32, %arg1: memref<1x1000x96xf32, #tpu.memory_space<vmem>>, %arg2: memref<1x1000x96xf32, #tpu.memory_space<vmem>>, %arg3: memref<1000x64xf32, #tpu.memory_space<vmem>>, %arg4: memref<16x64xf32, #tpu.memory_space<vmem>>, %arg5: memref<64x16xf32, #tpu.memory_space<vmem>>, %arg6: memref<1x16xf32, #tpu.memory_space<vmem>>, %arg7: memref<64x16xf32, #tpu.memory_space<vmem>>, %arg8: memref<1x16xf32, #tpu.memory_space<vmem>>, %arg9: memref<64x16xf32, #tpu.memory_space<vmem>>, %arg10: memref<1x16xf32, #tpu.memory_space<vmem>>, %arg11: memref<64x16xf32, #tpu.memory_space<vmem>>, %arg12: memref<1x16xf32, #tpu.memory_space<vmem>>, %arg13: memref<16x16xf32, #tpu.memory_space<vmem>>, %arg14: memref<1000x32xf32, #tpu.memory_space<vmem>>, %arg15: memref<1000x32xf32, #tpu.memory_space<vmem>>, %arg16: memref<1000x16xf32, #tpu.memory_space<vmem>>) attributes {dimension_semantics = [#tpu.dimension_semantics<arbitrary>], iteration_bounds = array<i64: 10>, scalar_prefetch = 0 : i64, scratch_operands = 0 : i64, tpu.core_type = #tpu.core_type<tc>, window_params = [{transform_indices = @transform_0, window_bounds = array<i64: 1, 1000, 96>}, {transform_indices = @transform_1, window_bounds = array<i64: 1, 1000, 96>}, {transform_indices = @transform_2, window_bounds = array<i64: 1000, 64>}, {pipeline_mode = #tpu.pipeline_mode<synchronous>, transform_indices = @transform_3, window_bounds = array<i64: 16, 64>}, {pipeline_mode = #tpu.pipeline_mode<synchronous>, transform_indices = @transform_4, window_bounds = array<i64: 64, 16>}, {pipeline_mode = #tpu.pipeline_mode<synchronous>, transform_indices = @transform_5, window_bounds = array<i64: 1, 16>}, {pipeline_mode = #tpu.pipeline_mode<synchronous>, transform_indices = @transform_6, window_bounds = array<i64: 64, 16>}, {pipeline_mode = #tpu.pipeline_mode<synchronous>, transform_indices = @transform_7, window_bounds = array<i64: 1, 16>}, {pipeline_mode = #tpu.pipeline_mode<synchronous>, transform_indices = @transform_8, window_bounds = array<i64: 64, 16>}, {pipeline_mode = #tpu.pipeline_mode<synchronous>, transform_indices = @transform_9, window_bounds = array<i64: 1, 16>}, {pipeline_mode = #tpu.pipeline_mode<synchronous>, transform_indices = @transform_10, window_bounds = array<i64: 64, 16>}, {pipeline_mode = #tpu.pipeline_mode<synchronous>, transform_indices = @transform_11, window_bounds = array<i64: 1, 16>}, {pipeline_mode = #tpu.pipeline_mode<synchronous>, transform_indices = @transform_12, window_bounds = array<i64: 16, 16>}, {transform_indices = @transform_13, window_bounds = array<i64: 1000, 32>}, {transform_indices = @transform_14, window_bounds = array<i64: 1000, 32>}, {transform_indices = @transform_15, window_bounds = array<i64: 1000, 16>}]} {
    %get3A = arith.constant 0 : index
    %get3A_0 = arith.constant 0 : index
    %get3A_1 = arith.constant 0 : index
    %get3A_2 = vector.load %arg1[%get3A, %get3A_0, %get3A_1] : memref<1x1000x96xf32, #tpu.memory_space<vmem>>, vector<1x1000x96xf32>
    %get3A_3 = vector.shape_cast %get3A_2 : vector<1x1000x96xf32> to vector<1000x96xf32>
    %get3A_4 = arith.constant 0 : index
    %get3A_5 = arith.constant 0 : index
    %get3A_6 = arith.constant 0 : index
    %get3A_7 = vector.load %arg2[%get3A_4, %get3A_5, %get3A_6] : memref<1x1000x96xf32, #tpu.memory_space<vmem>>, vector<1x1000x96xf32>
    %get3A_8 = vector.shape_cast %get3A_7 : vector<1x1000x96xf32> to vector<1000x96xf32>
    %add3A = arith.addf %get3A_3, %get3A_8 : vector<1000x96xf32>
    %slice3A = vector.extract_strided_slice %add3A {offsets = [0, 0], sizes = [1000, 64], strides = [1, 1]} : vector<1000x96xf32> to vector<1000x64xf32>
    %slice3A_9 = vector.extract_strided_slice %add3A {offsets = [0, 64], sizes = [1000, 16], strides = [1, 1]} : vector<1000x96xf32> to vector<1000x16xf32>
    %slice3A_10 = vector.extract_strided_slice %add3A {offsets = [0, 80], sizes = [1000, 1], strides = [1, 1]} : vector<1000x96xf32> to vector<1000x1xf32>
    %get3A_11 = arith.constant 0 : index
    %get3A_12 = arith.constant 0 : index
    %get3A_13 = vector.load %arg4[%get3A_11, %get3A_12] : memref<16x64xf32, #tpu.memory_space<vmem>>, vector<16x64xf32>
    %dot_general3A = arith.constant dense<0.000000e+00> : vector<1000x64xf32>
    %dot_general3A_14 = tpu.matmul %slice3A_9, %get3A_13, %dot_general3A {dimension_numbers = #tpu.dot_dimension_numbers<[1], [0], [0], [1], [0, 0, 1, 1], [], []>, transpose_lhs_hint = false} : vector<1000x16xf32>, vector<16x64xf32>, vector<1000x64xf32> -> vector<1000x64xf32>
    %add3A_15 = arith.addf %slice3A, %dot_general3A_14 : vector<1000x64xf32>
    %add3A_16 = arith.constant 1.000000e-16 : f32
    %add3A_17 = vector.broadcast %add3A_16 : f32 to vector<1000x1xf32>
    %add3A_18 = arith.addf %slice3A_10, %add3A_17 : vector<1000x1xf32>
    %div3A = vector.broadcast %add3A_18 : vector<1000x1xf32> to vector<1000x64xf32>
    %div3A_19 = arith.divf %add3A_15, %div3A : vector<1000x64xf32>
    %get3A_20 = arith.constant 0 : index
    %get3A_21 = arith.constant 0 : index
    %get3A_22 = vector.load %arg3[%get3A_20, %get3A_21] : memref<1000x64xf32, #tpu.memory_space<vmem>>, vector<1000x64xf32>
    %add3A_23 = arith.addf %div3A_19, %get3A_22 : vector<1000x64xf32>
    %max3A = arith.constant 0.000000e+00 : f32
    %max3A_24 = vector.broadcast %max3A : f32 to vector<1000x64xf32>
    %max3A_25 = arith.maximumf %add3A_23, %max3A_24 : vector<1000x64xf32>
    %get3A_26 = arith.constant 0 : index
    %get3A_27 = arith.constant 0 : index
    %get3A_28 = vector.load %arg5[%get3A_26, %get3A_27] : memref<64x16xf32, #tpu.memory_space<vmem>>, vector<64x16xf32>
    %dot_general3A_29 = arith.constant dense<0.000000e+00> : vector<1000x16xf32>
    %dot_general3A_30 = tpu.matmul %max3A_25, %get3A_28, %dot_general3A_29 {dimension_numbers = #tpu.dot_dimension_numbers<[1], [0], [0], [1], [0, 0, 1, 1], [], []>, transpose_lhs_hint = false} : vector<1000x64xf32>, vector<64x16xf32>, vector<1000x16xf32> -> vector<1000x16xf32>
    %get3A_31 = arith.constant 0 : index
    %get3A_32 = arith.constant 0 : index
    %get3A_33 = vector.load %arg6[%get3A_31, %get3A_32] : memref<1x16xf32, #tpu.memory_space<vmem>>, vector<1x16xf32>
    %add3A_34 = vector.broadcast %get3A_33 : vector<1x16xf32> to vector<1000x16xf32>
    %add3A_35 = arith.addf %dot_general3A_30, %add3A_34 : vector<1000x16xf32>
    %get3A_36 = arith.constant 0 : index
    %get3A_37 = arith.constant 0 : index
    %get3A_38 = vector.load %arg7[%get3A_36, %get3A_37] : memref<64x16xf32, #tpu.memory_space<vmem>>, vector<64x16xf32>
    %dot_general3A_39 = arith.constant dense<0.000000e+00> : vector<1000x16xf32>
    %dot_general3A_40 = tpu.matmul %max3A_25, %get3A_38, %dot_general3A_39 {dimension_numbers = #tpu.dot_dimension_numbers<[1], [0], [0], [1], [0, 0, 1, 1], [], []>, transpose_lhs_hint = false} : vector<1000x64xf32>, vector<64x16xf32>, vector<1000x16xf32> -> vector<1000x16xf32>
    %get3A_41 = arith.constant 0 : index
    %get3A_42 = arith.constant 0 : index
    %get3A_43 = vector.load %arg8[%get3A_41, %get3A_42] : memref<1x16xf32, #tpu.memory_space<vmem>>, vector<1x16xf32>
    %add3A_44 = vector.broadcast %get3A_43 : vector<1x16xf32> to vector<1000x16xf32>
    %add3A_45 = arith.addf %dot_general3A_40, %add3A_44 : vector<1000x16xf32>
    %get3A_46 = arith.constant 0 : index
    %get3A_47 = arith.constant 0 : index
    %get3A_48 = vector.load %arg9[%get3A_46, %get3A_47] : memref<64x16xf32, #tpu.memory_space<vmem>>, vector<64x16xf32>
    %dot_general3A_49 = arith.constant dense<0.000000e+00> : vector<1000x16xf32>
    %dot_general3A_50 = tpu.matmul %max3A_25, %get3A_48, %dot_general3A_49 {dimension_numbers = #tpu.dot_dimension_numbers<[1], [0], [0], [1], [0, 0, 1, 1], [], []>, transpose_lhs_hint = false} : vector<1000x64xf32>, vector<64x16xf32>, vector<1000x16xf32> -> vector<1000x16xf32>
    %get3A_51 = arith.constant 0 : index
    %get3A_52 = arith.constant 0 : index
    %get3A_53 = vector.load %arg10[%get3A_51, %get3A_52] : memref<1x16xf32, #tpu.memory_space<vmem>>, vector<1x16xf32>
    %add3A_54 = vector.broadcast %get3A_53 : vector<1x16xf32> to vector<1000x16xf32>
    %add3A_55 = arith.addf %dot_general3A_50, %add3A_54 : vector<1000x16xf32>
    %get3A_56 = arith.constant 0 : index
    %get3A_57 = arith.constant 0 : index
    %get3A_58 = vector.load %arg11[%get3A_56, %get3A_57] : memref<64x16xf32, #tpu.memory_space<vmem>>, vector<64x16xf32>
    %dot_general3A_59 = arith.constant dense<0.000000e+00> : vector<1000x16xf32>
    %dot_general3A_60 = tpu.matmul %max3A_25, %get3A_58, %dot_general3A_59 {dimension_numbers = #tpu.dot_dimension_numbers<[1], [0], [0], [1], [0, 0, 1, 1], [], []>, transpose_lhs_hint = false} : vector<1000x64xf32>, vector<64x16xf32>, vector<1000x16xf32> -> vector<1000x16xf32>
    %get3A_61 = arith.constant 0 : index
    %get3A_62 = arith.constant 0 : index
    %get3A_63 = vector.load %arg12[%get3A_61, %get3A_62] : memref<1x16xf32, #tpu.memory_space<vmem>>, vector<1x16xf32>
    %add3A_64 = vector.broadcast %get3A_63 : vector<1x16xf32> to vector<1000x16xf32>
    %add3A_65 = arith.addf %dot_general3A_60, %add3A_64 : vector<1000x16xf32>
    %swap3A = arith.constant 0 : index
    %swap3A_66 = arith.constant 0 : index
    %swap3A_67 = vector.load %arg16[%swap3A, %swap3A_66] : memref<1000x16xf32, #tpu.memory_space<vmem>>, vector<1000x16xf32>
    tpu.vector_store %arg16[%swap3A, %swap3A_66], %add3A_65 {strides = array<i32>} : memref<1000x16xf32, #tpu.memory_space<vmem>>, vector<1000x16xf32>,
    %get3A_68 = arith.constant 0 : index
    %get3A_69 = arith.constant 0 : index
    %get3A_70 = vector.load %arg13[%get3A_68, %get3A_69] : memref<16x16xf32, #tpu.memory_space<vmem>>, vector<16x16xf32>
    %dot_general3A_71 = arith.constant dense<0.000000e+00> : vector<1000x16xf32>
    %dot_general3A_72 = tpu.matmul %add3A_35, %get3A_70, %dot_general3A_71 {dimension_numbers = #tpu.dot_dimension_numbers<[1], [1], [0], [0], [0, 0, 1, 0], [], []>, transpose_lhs_hint = false} : vector<1000x16xf32>, vector<16x16xf32>, vector<1000x16xf32> -> vector<1000x16xf32>
    %concatenate3A = tpu.concatenate %add3A_45, %add3A_55 in 1 : vector<1000x16xf32>, vector<1000x16xf32> -> vector<1000x32xf32>
    %swap3A_73 = arith.constant 0 : index
    %swap3A_74 = arith.constant 0 : index
    %swap3A_75 = vector.load %arg14[%swap3A_73, %swap3A_74] : memref<1000x32xf32, #tpu.memory_space<vmem>>, vector<1000x32xf32>
    tpu.vector_store %arg14[%swap3A_73, %swap3A_74], %concatenate3A {strides = array<i32>} : memref<1000x32xf32, #tpu.memory_space<vmem>>, vector<1000x32xf32>,
    %concatenate3A_76 = tpu.concatenate %add3A_35, %dot_general3A_72 in 1 : vector<1000x16xf32>, vector<1000x16xf32> -> vector<1000x32xf32>
    %swap3A_77 = arith.constant 0 : index
    %swap3A_78 = arith.constant 0 : index
    %swap3A_79 = vector.load %arg15[%swap3A_77, %swap3A_78] : memref<1000x32xf32, #tpu.memory_space<vmem>>, vector<1000x32xf32>
    tpu.vector_store %arg15[%swap3A_77, %swap3A_78], %concatenate3A_76 {strides = array<i32>} : memref<1000x32xf32, #tpu.memory_space<vmem>>, vector<1000x32xf32>,
    return
  }
  func.func @transform_0(%arg0: i32) -> (i32, i32, i32) {
    %c0_i32 = arith.constant 0 : i32
    %c0_i32_0 = arith.constant 0 : i32
    %c0_i32_1 = arith.constant 0 : i32
    return %c0_i32, %arg0, %c0_i32_0 : i32, i32, i32
  }
  func.func @transform_1(%arg0: i32) -> (i32, i32, i32) {
    %c1_i32 = arith.constant 1 : i32
    %c0_i32 = arith.constant 0 : i32
    %c0_i32_0 = arith.constant 0 : i32
    return %c1_i32, %arg0, %c0_i32 : i32, i32, i32
  }
  func.func @transform_2(%arg0: i32) -> (i32, i32) {
    %c0_i32 = arith.constant 0 : i32
    %c0_i32_0 = arith.constant 0 : i32
    return %arg0, %c0_i32 : i32, i32
  }
  func.func @transform_3(%arg0: i32) -> (i32, i32) {
    %c0_i32 = arith.constant 0 : i32
    %c0_i32_0 = arith.constant 0 : i32
    %c0_i32_1 = arith.constant 0 : i32
    return %c0_i32, %c0_i32_0 : i32, i32
  }
  func.func @transform_4(%arg0: i32) -> (i32, i32) {
    %c0_i32 = arith.constant 0 : i32
    %c0_i32_0 = arith.constant 0 : i32
    %c0_i32_1 = arith.constant 0 : i32
    return %c0_i32, %c0_i32_0 : i32, i32
  }
  func.func @transform_5(%arg0: i32) -> (i32, i32) {
    %c0_i32 = arith.constant 0 : i32
    %c0_i32_0 = arith.constant 0 : i32
    %c0_i32_1 = arith.constant 0 : i32
    return %c0_i32, %c0_i32_0 : i32, i32
  }
  func.func @transform_6(%arg0: i32) -> (i32, i32) {
    %c0_i32 = arith.constant 0 : i32
    %c0_i32_0 = arith.constant 0 : i32
    %c0_i32_1 = arith.constant 0 : i32
    return %c0_i32, %c0_i32_0 : i32, i32
  }
  func.func @transform_7(%arg0: i32) -> (i32, i32) {
    %c0_i32 = arith.constant 0 : i32
    %c0_i32_0 = arith.constant 0 : i32
    %c0_i32_1 = arith.constant 0 : i32
    return %c0_i32, %c0_i32_0 : i32, i32
  }
  func.func @transform_8(%arg0: i32) -> (i32, i32) {
    %c0_i32 = arith.constant 0 : i32
    %c0_i32_0 = arith.constant 0 : i32
    %c0_i32_1 = arith.constant 0 : i32
    return %c0_i32, %c0_i32_0 : i32, i32
  }
  func.func @transform_9(%arg0: i32) -> (i32, i32) {
    %c0_i32 = arith.constant 0 : i32
    %c0_i32_0 = arith.constant 0 : i32
    %c0_i32_1 = arith.constant 0 : i32
    return %c0_i32, %c0_i32_0 : i32, i32
  }
  func.func @transform_10(%arg0: i32) -> (i32, i32) {
    %c0_i32 = arith.constant 0 : i32
    %c0_i32_0 = arith.constant 0 : i32
    %c0_i32_1 = arith.constant 0 : i32
    return %c0_i32, %c0_i32_0 : i32, i32
  }
  func.func @transform_11(%arg0: i32) -> (i32, i32) {
    %c0_i32 = arith.constant 0 : i32
    %c0_i32_0 = arith.constant 0 : i32
    %c0_i32_1 = arith.constant 0 : i32
    return %c0_i32, %c0_i32_0 : i32, i32
  }
  func.func @transform_12(%arg0: i32) -> (i32, i32) {
    %c0_i32 = arith.constant 0 : i32
    %c0_i32_0 = arith.constant 0 : i32
    %c0_i32_1 = arith.constant 0 : i32
    return %c0_i32, %c0_i32_0 : i32, i32
  }
  func.func @transform_13(%arg0: i32) -> (i32, i32) {
    %c0_i32 = arith.constant 0 : i32
    %c0_i32_0 = arith.constant 0 : i32
    return %arg0, %c0_i32 : i32, i32
  }
  func.func @transform_14(%arg0: i32) -> (i32, i32) {
    %c0_i32 = arith.constant 0 : i32
    %c0_i32_0 = arith.constant 0 : i32
    return %arg0, %c0_i32 : i32, i32
  }
  func.func @transform_15(%arg0: i32) -> (i32, i32) {
    %c0_i32 = arith.constant 0 : i32
    %c0_i32_0 = arith.constant 0 : i32
    return %arg0, %c0_i32 : i32, i32
  }
}

module attributes {stable_mosaic.version = 14 : i64} {
  func.func @body(%arg0: i32, %arg1: memref<1x1000x48xf32, #tpu.memory_space<vmem>>, %arg2: memref<1x1000x48xf32, #tpu.memory_space<vmem>>, %arg3: memref<1000x16xf32, #tpu.memory_space<vmem>>, %arg4: memref<16x16xf32, #tpu.memory_space<vmem>>, %arg5: memref<1x1x1000xi32, #tpu.memory_space<vmem>>, %arg6: memref<16x1xf32, #tpu.memory_space<vmem>>, %arg7: memref<1x1xf32, #tpu.memory_space<vmem>>, %arg8: memref<64x1xf32, #tpu.memory_space<vmem>>, %arg9: memref<64x16xf32, #tpu.memory_space<vmem>>, %arg10: memref<64x1xf32, #tpu.memory_space<vmem>>) attributes {dimension_semantics = [#tpu.dimension_semantics<arbitrary>], iteration_bounds = array<i64: 10>, scalar_prefetch = 0 : i64, scratch_operands = 2 : i64, tpu.core_type = #tpu.core_type<tc>, window_params = [{transform_indices = @transform_0, window_bounds = array<i64: 1, 1000, 48>}, {transform_indices = @transform_1, window_bounds = array<i64: 1, 1000, 48>}, {transform_indices = @transform_2, window_bounds = array<i64: 1000, 16>}, {pipeline_mode = #tpu.pipeline_mode<synchronous>, transform_indices = @transform_3, window_bounds = array<i64: 16, 16>}, {transform_indices = @transform_4, window_bounds = array<i64: 1, 1, 1000>}, {pipeline_mode = #tpu.pipeline_mode<synchronous>, transform_indices = @transform_5, window_bounds = array<i64: 16, 1>}, {pipeline_mode = #tpu.pipeline_mode<synchronous>, transform_indices = @transform_6, window_bounds = array<i64: 1, 1>}, {pipeline_mode = #tpu.pipeline_mode<synchronous>, transform_indices = @transform_7, window_bounds = array<i64: 64, 1>}]} {
    %eq3A = arith.constant 0 : i32
    %eq3A_0 = arith.cmpi eq, %arg0, %eq3A : i32
    %convert_element_type3A = arith.extui %eq3A_0 : i1 to i32
    %cond3A = arith.constant 0 : i32
    %cond3A_1 = arith.cmpi ne, %convert_element_type3A, %cond3A : i32
    scf.if %cond3A_1 {
      %broadcast_in_dim3A_59 = arith.constant 0.000000e+00 : f32
      %broadcast_in_dim3A_60 = vector.broadcast %broadcast_in_dim3A_59 : f32 to vector<64x16xf32>
      %swap3A_61 = arith.constant 0 : index
      %swap3A_62 = arith.constant 0 : index
      %swap3A_63 = vector.load %arg9[%swap3A_61, %swap3A_62] : memref<64x16xf32, #tpu.memory_space<vmem>>, vector<64x16xf32>
      tpu.vector_store %arg9[%swap3A_61, %swap3A_62], %broadcast_in_dim3A_60 {strides = array<i32>} : memref<64x16xf32, #tpu.memory_space<vmem>>, vector<64x16xf32>,
      %broadcast_in_dim3A_64 = arith.constant 0.000000e+00 : f32
      %broadcast_in_dim3A_65 = vector.broadcast %broadcast_in_dim3A_64 : f32 to vector<64x1xf32>
      %swap3A_66 = arith.constant 0 : index
      %swap3A_67 = arith.constant 0 : index
      %swap3A_68 = vector.load %arg10[%swap3A_66, %swap3A_67] : memref<64x1xf32, #tpu.memory_space<vmem>>, vector<64x1xf32>
      tpu.vector_store %arg10[%swap3A_66, %swap3A_67], %broadcast_in_dim3A_65 {strides = array<i32>} : memref<64x1xf32, #tpu.memory_space<vmem>>, vector<64x1xf32>,
    } else {
    }
    %get3A = arith.constant 0 : index
    %get3A_2 = arith.constant 0 : index
    %get3A_3 = arith.constant 0 : index
    %get3A_4 = vector.load %arg1[%get3A, %get3A_2, %get3A_3] : memref<1x1000x48xf32, #tpu.memory_space<vmem>>, vector<1x1000x48xf32>
    %get3A_5 = vector.shape_cast %get3A_4 : vector<1x1000x48xf32> to vector<1000x48xf32>
    %get3A_6 = arith.constant 0 : index
    %get3A_7 = arith.constant 0 : index
    %get3A_8 = arith.constant 0 : index
    %get3A_9 = vector.load %arg2[%get3A_6, %get3A_7, %get3A_8] : memref<1x1000x48xf32, #tpu.memory_space<vmem>>, vector<1x1000x48xf32>
    %get3A_10 = vector.shape_cast %get3A_9 : vector<1x1000x48xf32> to vector<1000x48xf32>
    %add3A = arith.addf %get3A_5, %get3A_10 : vector<1000x48xf32>
    %slice3A = vector.extract_strided_slice %add3A {offsets = [0, 0], sizes = [1000, 16], strides = [1, 1]} : vector<1000x48xf32> to vector<1000x16xf32>
    %slice3A_11 = vector.extract_strided_slice %add3A {offsets = [0, 16], sizes = [1000, 16], strides = [1, 1]} : vector<1000x48xf32> to vector<1000x16xf32>
    %slice3A_12 = vector.extract_strided_slice %add3A {offsets = [0, 32], sizes = [1000, 1], strides = [1, 1]} : vector<1000x48xf32> to vector<1000x1xf32>
    %get3A_13 = arith.constant 0 : index
    %get3A_14 = arith.constant 0 : index
    %get3A_15 = vector.load %arg4[%get3A_13, %get3A_14] : memref<16x16xf32, #tpu.memory_space<vmem>>, vector<16x16xf32>
    %dot_general3A = arith.constant dense<0.000000e+00> : vector<1000x16xf32>
    %dot_general3A_16 = tpu.matmul %slice3A_11, %get3A_15, %dot_general3A {dimension_numbers = #tpu.dot_dimension_numbers<[1], [0], [0], [1], [0, 0, 1, 1], [], []>, transpose_lhs_hint = false} : vector<1000x16xf32>, vector<16x16xf32>, vector<1000x16xf32> -> vector<1000x16xf32>
    %add3A_17 = arith.addf %slice3A, %dot_general3A_16 : vector<1000x16xf32>
    %add3A_18 = arith.constant 1.000000e-16 : f32
    %add3A_19 = vector.broadcast %add3A_18 : f32 to vector<1000x1xf32>
    %add3A_20 = arith.addf %slice3A_12, %add3A_19 : vector<1000x1xf32>
    %div3A = vector.broadcast %add3A_20 : vector<1000x1xf32> to vector<1000x16xf32>
    %div3A_21 = arith.divf %add3A_17, %div3A : vector<1000x16xf32>
    %get3A_22 = arith.constant 0 : index
    %get3A_23 = arith.constant 0 : index
    %get3A_24 = vector.load %arg3[%get3A_22, %get3A_23] : memref<1000x16xf32, #tpu.memory_space<vmem>>, vector<1000x16xf32>
    %add3A_25 = arith.addf %div3A_21, %get3A_24 : vector<1000x16xf32>
    %max3A = arith.constant 0.000000e+00 : f32
    %max3A_26 = vector.broadcast %max3A : f32 to vector<1000x16xf32>
    %max3A_27 = arith.maximumf %add3A_25, %max3A_26 : vector<1000x16xf32>
    %get3A_28 = arith.constant 0 : index
    %get3A_29 = arith.constant 0 : index
    %get3A_30 = arith.constant 0 : index
    %get3A_31 = vector.load %arg5[%get3A_28, %get3A_29, %get3A_30] : memref<1x1x1000xi32, #tpu.memory_space<vmem>>, vector<1x1x1000xi32>
    %get3A_32 = vector.shape_cast %get3A_31 : vector<1x1x1000xi32> to vector<1000xi32>
    %broadcast_in_dim3A = vector.shape_cast %get3A_32 : vector<1000xi32> to vector<1x1000xi32>
    %iota3A = tpu.iota {dimensions = array<i32: 0>} : vector<64x1000xi32>
    %eq3A_33 = vector.broadcast %broadcast_in_dim3A : vector<1x1000xi32> to vector<64x1000xi32>
    %eq3A_34 = arith.cmpi eq, %eq3A_33, %iota3A : vector<64x1000xi32>
    %convert_element_type3A_35 = arith.extui %eq3A_34 : vector<64x1000xi1> to vector<64x1000xi32>
    %convert_element_type3A_36 = arith.sitofp %convert_element_type3A_35 : vector<64x1000xi32> to vector<64x1000xf32>
    %get3A_37 = arith.constant 0 : index
    %get3A_38 = arith.constant 0 : index
    %get3A_39 = vector.load %arg9[%get3A_37, %get3A_38] : memref<64x16xf32, #tpu.memory_space<vmem>>, vector<64x16xf32>
    %dot_general3A_40 = arith.constant dense<0.000000e+00> : vector<64x16xf32>
    %dot_general3A_41 = tpu.matmul %convert_element_type3A_36, %max3A_27, %dot_general3A_40 {dimension_numbers = #tpu.dot_dimension_numbers<[1], [0], [0], [1], [0, 0, 1, 1], [], []>, transpose_lhs_hint = false} : vector<64x1000xf32>, vector<1000x16xf32>, vector<64x16xf32> -> vector<64x16xf32>
    %add3A_42 = arith.addf %get3A_39, %dot_general3A_41 : vector<64x16xf32>
    %swap3A = arith.constant 0 : index
    %swap3A_43 = arith.constant 0 : index
    %swap3A_44 = vector.load %arg9[%swap3A, %swap3A_43] : memref<64x16xf32, #tpu.memory_space<vmem>>, vector<64x16xf32>
    tpu.vector_store %arg9[%swap3A, %swap3A_43], %add3A_42 {strides = array<i32>} : memref<64x16xf32, #tpu.memory_space<vmem>>, vector<64x16xf32>,
    %get3A_45 = arith.constant 0 : index
    %get3A_46 = arith.constant 0 : index
    %get3A_47 = vector.load %arg10[%get3A_45, %get3A_46] : memref<64x1xf32, #tpu.memory_space<vmem>>, vector<64x1xf32>
    %reduce_sum3A = arith.constant dense<0.000000e+00> : vector<64xf32>
    %reduce_sum3A_48 = vector.multi_reduction <add>, %convert_element_type3A_36, %reduce_sum3A [1] : vector<64x1000xf32> to vector<64xf32>
    %broadcast_in_dim3A_49 = vector.shape_cast %reduce_sum3A_48 : vector<64xf32> to vector<64x1xf32>
    %add3A_50 = arith.addf %get3A_47, %broadcast_in_dim3A_49 : vector<64x1xf32>
    %swap3A_51 = arith.constant 0 : index
    %swap3A_52 = arith.constant 0 : index
    %swap3A_53 = vector.load %arg10[%swap3A_51, %swap3A_52] : memref<64x1xf32, #tpu.memory_space<vmem>>, vector<64x1xf32>
    tpu.vector_store %arg10[%swap3A_51, %swap3A_52], %add3A_50 {strides = array<i32>} : memref<64x1xf32, #tpu.memory_space<vmem>>, vector<64x1xf32>,
    %eq3A_54 = arith.constant 9 : i32
    %eq3A_55 = arith.cmpi eq, %arg0, %eq3A_54 : i32
    %convert_element_type3A_56 = arith.extui %eq3A_55 : i1 to i32
    %cond3A_57 = arith.constant 0 : i32
    %cond3A_58 = arith.cmpi ne, %convert_element_type3A_56, %cond3A_57 : i32
    scf.if %cond3A_58 {
      %get3A_59 = arith.constant 0 : index
      %get3A_60 = arith.constant 0 : index
      %get3A_61 = vector.load %arg9[%get3A_59, %get3A_60] : memref<64x16xf32, #tpu.memory_space<vmem>>, vector<64x16xf32>
      %get3A_62 = arith.constant 0 : index
      %get3A_63 = arith.constant 0 : index
      %get3A_64 = vector.load %arg10[%get3A_62, %get3A_63] : memref<64x1xf32, #tpu.memory_space<vmem>>, vector<64x1xf32>
      %max3A_65 = arith.constant 1.000000e+00 : f32
      %max3A_66 = vector.broadcast %max3A_65 : f32 to vector<64x1xf32>
      %max3A_67 = arith.maximumf %get3A_64, %max3A_66 : vector<64x1xf32>
      %div3A_68 = vector.broadcast %max3A_67 : vector<64x1xf32> to vector<64x16xf32>
      %div3A_69 = arith.divf %get3A_61, %div3A_68 : vector<64x16xf32>
      %get3A_70 = arith.constant 0 : index
      %get3A_71 = arith.constant 0 : index
      %get3A_72 = vector.load %arg6[%get3A_70, %get3A_71] : memref<16x1xf32, #tpu.memory_space<vmem>>, vector<16x1xf32>
      %dot_general3A_73 = arith.constant dense<0.000000e+00> : vector<64x1xf32>
      %dot_general3A_74 = tpu.matmul %div3A_69, %get3A_72, %dot_general3A_73 {dimension_numbers = #tpu.dot_dimension_numbers<[1], [0], [0], [1], [0, 0, 1, 1], [], []>, transpose_lhs_hint = false} : vector<64x16xf32>, vector<16x1xf32>, vector<64x1xf32> -> vector<64x1xf32>
      %get3A_75 = arith.constant 0 : index
      %get3A_76 = arith.constant 0 : index
      %get3A_77 = vector.load %arg7[%get3A_75, %get3A_76] : memref<1x1xf32, #tpu.memory_space<vmem>>, vector<1x1xf32>
      %add3A_78 = vector.broadcast %get3A_77 : vector<1x1xf32> to vector<64x1xf32>
      %add3A_79 = arith.addf %dot_general3A_74, %add3A_78 : vector<64x1xf32>
      %logistic3A = arith.negf %add3A_79 : vector<64x1xf32>
      %logistic3A_80 = math.exp %logistic3A : vector<64x1xf32>
      %logistic3A_81 = arith.constant 1.000000e+00 : f32
      %logistic3A_82 = vector.broadcast %logistic3A_81 : f32 to vector<64x1xf32>
      %logistic3A_83 = arith.addf %logistic3A_82, %logistic3A_80 : vector<64x1xf32>
      %logistic3A_84 = arith.divf %logistic3A_82, %logistic3A_83 : vector<64x1xf32>
      %swap3A_85 = arith.constant 0 : index
      %swap3A_86 = arith.constant 0 : index
      %swap3A_87 = vector.load %arg8[%swap3A_85, %swap3A_86] : memref<64x1xf32, #tpu.memory_space<vmem>>, vector<64x1xf32>
      tpu.vector_store %arg8[%swap3A_85, %swap3A_86], %logistic3A_84 {strides = array<i32>} : memref<64x1xf32, #tpu.memory_space<vmem>>, vector<64x1xf32>,
    } else {
    }
    return
  }
  func.func @transform_0(%arg0: i32) -> (i32, i32, i32) {
    %c0_i32 = arith.constant 0 : i32
    %c0_i32_0 = arith.constant 0 : i32
    %c0_i32_1 = arith.constant 0 : i32
    return %c0_i32, %arg0, %c0_i32_0 : i32, i32, i32
  }
  func.func @transform_1(%arg0: i32) -> (i32, i32, i32) {
    %c1_i32 = arith.constant 1 : i32
    %c0_i32 = arith.constant 0 : i32
    %c0_i32_0 = arith.constant 0 : i32
    return %c1_i32, %arg0, %c0_i32 : i32, i32, i32
  }
  func.func @transform_2(%arg0: i32) -> (i32, i32) {
    %c0_i32 = arith.constant 0 : i32
    %c0_i32_0 = arith.constant 0 : i32
    return %arg0, %c0_i32 : i32, i32
  }
  func.func @transform_3(%arg0: i32) -> (i32, i32) {
    %c0_i32 = arith.constant 0 : i32
    %c0_i32_0 = arith.constant 0 : i32
    %c0_i32_1 = arith.constant 0 : i32
    return %c0_i32, %c0_i32_0 : i32, i32
  }
  func.func @transform_4(%arg0: i32) -> (i32, i32, i32) {
    %c0_i32 = arith.constant 0 : i32
    %c0_i32_0 = arith.constant 0 : i32
    %c0_i32_1 = arith.constant 0 : i32
    return %arg0, %c0_i32, %c0_i32_0 : i32, i32, i32
  }
  func.func @transform_5(%arg0: i32) -> (i32, i32) {
    %c0_i32 = arith.constant 0 : i32
    %c0_i32_0 = arith.constant 0 : i32
    %c0_i32_1 = arith.constant 0 : i32
    return %c0_i32, %c0_i32_0 : i32, i32
  }
  func.func @transform_6(%arg0: i32) -> (i32, i32) {
    %c0_i32 = arith.constant 0 : i32
    %c0_i32_0 = arith.constant 0 : i32
    %c0_i32_1 = arith.constant 0 : i32
    return %c0_i32, %c0_i32_0 : i32, i32
  }
  func.func @transform_7(%arg0: i32) -> (i32, i32) {
    %c0_i32 = arith.constant 0 : i32
    %c0_i32_0 = arith.constant 0 : i32
    %c0_i32_1 = arith.constant 0 : i32
    return %c0_i32, %c0_i32_0 : i32, i32
  }
}

</mosaic_0001>

<sc_bundles>
// kernel: kernel.10.cloned.1.call-start
scs
__scs_entry_jumppad:
0x0: {  	(pc) =	sbr.rel $0x88, $3  }
0x1: {  	(tag) =	ssettag $0x0;
	lr =	simm.s32 $0x1  }
0x2: {  	[smem:$0x3F89] =	sst lr;
	_ =	strace $0xD0000000  }
0x3: {  	_ = 	snop  }
0x4: {  	_ = 	snop  }
0x5: {  	_ = 	snop  }
0x6: {  	_ = 	snop  }
0x7: {  	_ = 	snop  }
__scs_overlays_trampoline_lowered:
0x8: {  	[smem:$0x3F98] =	sst s0  }
0x9: {  	[smem:$0x3F99] =	sst s1  }
0xa: {  	[smem:$0x3F9A] =	sst s2  }
0xb: {  	[smem:$0x3F9B] =	sst s3  }
0xc: {  	[smem:$0x3F9C] =	sst s4  }
0xd: {  	[smem:$0x3F9D] =	sst s5  }
0xe: {  	[smem:$0x3F9E] =	sst s6  }
0xf: {  	[smem:$0x3F9F] =	sst s7  }
0x10: {  	[smem:$0x3FA0] =	sst s8  }
0x11: {  	[smem:$0x3FA1] =	sst s9;
	s0 =	simm.s32 @!p0 $0x0  }
0x12: {  	s1 =	sld [smem:$0x3F87];
	s0 =	simm.s32 @p0 $0x1  }
0x13: {  	[smem:$0x3FA2] =	sst s0;
	s0 =	simm.s32 @!p1 $0x0  }
0x14: {  	s2 =	sld [smem:$0x3F86];
	s0 =	simm.s32 @p1 $0x1  }
0x15: {  	[smem:$0x3FA3] =	sst s0;
	s0 =	simm.s32 @!p2 $0x0  }
0x16: {  	s3 =	sld [smem:$0x3FDB];
	s0 =	simm.s32 @p2 $0x1  }
0x17: {  	s4 =	simm.s32 $0x1BF5;
	[smem:$0x3FA5] =	sst s0  }
0x18: {  	s0 =	sld [smem:$0x3F88];
	_ =	swait.ge [sflag:s4], $0x0  }
0x19: {  	s7 =	sld [smem:$0x3F89]  }
0x1a: {  	s8 =	sadd.s32 $0xFFFFE003, lr  }
0x1b: {  	s9 =	sadd.s32 $0xFFFFFEF7, lr;
	s5 =	simm.s32 $0xFFFFFFFF;
	p2 =	slt.u32 s8, $0xFFFFF086  }
0x1c: {  	p1 =	slt.u32 s9, $0xF7A;
	s5 =	simm.s32 @!p2 $0x0  }
0x1d: {  	s5 =	simm.s32 @p1 $0x1;
	p0 =	seq.s32 s7, s2  }
0x1e: {  	s7 =	smul.u32 @!p0 $0xF7A, s2;
	p2 =	seq.s32 @!p0 s5, $0x0  }
0x1f: {  	s9 =	smul.u32 $0xF7A, s1;
	s8 =	simm.s32 @!p0 $0x1BF5;
	p2 =	por !p2, p0  }
0x20: {  	[sflag:s8] =	ssyncset.s32 @!p0 $0xFFFFF086;
	s6 =	sadd.s32 @!p0 s3, s7;
	s7 =	simm.s32 @!p0 $0x108  }
0x21: {  	s3 =	sadd.s32 s3, s9;
	s6 =	sadd.s32 @!p0 $0x88, s6;
	s7 =	simm.s32 @p2 $0x1082  }
0x22: {  	[simem:s7], [sflag:s8] =	dma.local @!p0 [hbm:s6], $0xF7A  }
0x23: {  	s9 =	sor.u32 $0xD0000000, s2;
	s6 =	simm.s32 $0x108;
	_ =	swait.ge @!p0 [sflag:s8], $0x0  }
0x24: {  	s3 =	sadd.s32 $0x88, s3;
	s6 =	simm.s32 @!p1 $0x1082;
	[sflag:s4] =	ssyncset.s32 $0xFFFFF086  }
0x25: {  	[simem:s6], [sflag:s4] =	dma.local [hbm:s3], $0xF7A  }
0x26: {  	[smem:$0x3F89] =	sst s1;
	(tag) =	ssettag s2;
	_ =	strace s9  }
0x27: {  	s1 =	sld [smem:$0x3F99]  }
0x28: {  	s2 =	sld [smem:$0x3F9A]  }
0x29: {  	s4 =	sld [smem:$0x3F9C]  }
0x2a: {  	p0 =	seq.s32 s5, $0x0;
	s5 =	sld [smem:$0x3F9D]  }
0x2b: {  	s6 =	sld [smem:$0x3F9E]  }
0x2c: {  	s7 =	sld [smem:$0x3F9F]  }
0x2d: {  	s3 =	simm.s32 $0x108;
	s8 =	sld [smem:$0x3FA0]  }
0x2e: {  	s3 =	simm.s32 @!p0 $0x1082;
	s9 =	sld [smem:$0x3FA1]  }
0x2f: {  	lr =	sadd.s32 s0, s3;
	s0 =	sld [smem:$0x3F98]  }
0x30: {  	s3 =	sld [smem:$0x3F9B]  }
0x31: {  	[smem:$0x3FA4] =	sst s10  }
0x32: {  	s10 =	sld [smem:$0x3FA2];
	_ =	sdelay $0x3  }
0x33: {  	p0 =	seq.s32 s10, $0x1;
	s10 =	sld [smem:$0x3FA4];
	_ =	sdelay $0x3  }
0x34: {  	[smem:$0x3FA4] =	sst s10  }
0x35: {  	s10 =	sld [smem:$0x3FA3];
	_ =	sdelay $0x3  }
0x36: {  	p1 =	seq.s32 s10, $0x1;
	s10 =	sld [smem:$0x3FA4];
	_ =	sdelay $0x3  }
0x37: {  	[smem:$0x3FA4] =	sst s10  }
0x38: {  	s10 =	sld [smem:$0x3FA5]  }
0x39: {  	_ = 	snop;
	(pc) =	sbr.ind lr, $3  }
0x3a: {  	_ = 	snop  }
0x3b: {  	_ = 	snop  }
0x3c: {  	p2 =	seq.s32 s10, $0x1;
	s10 =	sld [smem:$0x3FA4]  }
0x3d: {  	_ =	shalt  }
0x3e: {  	_ =	shalt  }
0x3f: {  	_ =	shalt  }
0x40: {  	_ =	shalt  }
0x41: {  	_ =	shalt  }
0x42: {  	_ =	shalt  }
0x43: {  	_ =	shalt  }
0x44: {  	_ =	shalt  }
0x45: {  	_ =	shalt  }
0x46: {  	_ =	shalt  }
0x47: {  	_ =	shalt  }
0x48: {  	_ =	shalt  }
0x49: {  	_ =	shalt  }
0x4a: {  	_ =	shalt  }
0x4b: {  	_ =	shalt  }
0x4c: {  	_ =	shalt  }
0x4d: {  	_ =	shalt  }
0x4e: {  	_ =	shalt  }
0x4f: {  	_ =	shalt  }
0x50: {  	_ =	shalt  }
0x51: {  	_ =	shalt  }
0x52: {  	_ =	shalt  }
0x53: {  	_ =	shalt  }
0x54: {  	_ =	shalt  }
0x55: {  	_ =	shalt  }
0x56: {  	_ =	shalt  }
0x57: {  	_ =	shalt  }
0x58: {  	_ =	shalt  }
0x59: {  	_ =	shalt  }
0x5a: {  	_ =	shalt  }
0x5b: {  	_ =	shalt  }
0x5c: {  	_ =	shalt  }
0x5d: {  	_ =	shalt  }
0x5e: {  	_ =	shalt  }
0x5f: {  	_ =	shalt  }
0x60: {  	_ =	shalt  }
0x61: {  	_ =	shalt  }
0x62: {  	_ =	shalt  }
0x63: {  	_ =	shalt  }
0x64: {  	_ =	shalt  }
0x65: {  	_ =	shalt  }
0x66: {  	_ =	shalt  }
0x67: {  	_ =	shalt  }
0x68: {  	_ =	shalt  }
0x69: {  	_ =	shalt  }
0x6a: {  	_ =	shalt  }
0x6b: {  	_ =	shalt  }
0x6c: {  	_ =	shalt  }
0x6d: {  	_ =	shalt  }
0x6e: {  	_ =	shalt  }
0x6f: {  	_ =	shalt  }
0x70: {  	_ =	shalt  }
0x71: {  	_ =	shalt  }
0x72: {  	_ =	shalt  }
0x73: {  	_ =	shalt  }
0x74: {  	_ =	shalt  }
0x75: {  	_ =	shalt  }
0x76: {  	_ =	shalt  }
0x77: {  	_ =	shalt  }
0x78: {  	_ =	shalt  }
0x79: {  	_ =	shalt  }
0x7a: {  	_ =	shalt  }
0x7b: {  	_ =	shalt  }
0x7c: {  	_ =	shalt  }
0x7d: {  	_ =	shalt  }
0x7e: {  	_ =	shalt  }
0x7f: {  	_ =	shalt  }
0x80: {  	_ =	shalt  }
0x81: {  	_ =	shalt  }
0x82: {  	_ =	shalt  }
0x83: {  	_ =	shalt  }
0x84: {  	_ =	shalt  }
0x85: {  	_ =	shalt  }
0x86: {  	_ =	shalt  }
0x87: {  	_ =	shalt  }
.Lfunc_end0:
.L_simem_size_0:
called_computation.1_lowered:
.L_overlay_start_0:
0x88: {  	s2 =	sld [smem:$0x3FD9]  }
0x89: {  	s3 =	sld [smem:$0x3FFE];
	_ =	sdelay $0x1  }
0x8a: {  	s1 =	srdreg.scid  }
0x8b: {  	s0 =	sand.u32 $0x1, s1  }
0x8c: {  	s16 =	sshll.u32 s0, $0xA;
	s2 =	sadd.s32 s3, s2  }
0x8d: {  	s2 =	sadd.s32 s2, s16  }
0x8e: {  	[smem:$0x3FB0] =	sst s2  }
0x8f: {  	_ = 	snop  }
0x90: {  	(tm) =	ssettm $0x1  }
0x91: {  	s17 =	sld [smem:$0x3FFB];
	_ =	sdelay $0x3  }
0x92: {  	_ =	strace s17  }
0x93: {  	s2 =	sld [smem:$0x3FFC];
	_ =	sdelay $0x3  }
0x94: {  	_ =	strace s2  }
0x95: {  	s2 =	sld [smem:$0x3FFD];
	_ =	sdelay $0x3  }
0x96: {  	_ =	strace s2  }
0x97: {  	_ =	strace $0x8FFFFFFF  }
0x98: {  	s18 =	sld [smem:$0x3FDB];
	_ =	sdelay $0x1  }
0x99: {  	s19 =	simm.s32 $_scs_section_size  }
0x9a: {  	s4 =	simm.s32 $_size__tile_overlayer_lowered;
	s5 =	simm.s32 $_tile_overlayer_lowered  }
0x9b: {  	s22 =	simm.s32 $0x1BFF;
	s21 =	sshll.u32 s5, $0x1;
	s2 =	sadd.s32 s19, s18  }
0x9c: {  	s6 =	simm.s32 $0x0;
	s20 =	sshll.u32 s4, $0x1;
	s4 =	sadd.s32 s21, s2  }
0x9d: {  	[timem:s6], [sflag:s22] =	dma.local [hbm:s4], s20  }
0x9e: {  	_ =	swait.ge [sflag:s22], s20  }
0x9f: {  	s3 =	ssub.s32 $0x0, s20;
	[sflag:s22] =	ssyncset.done $0x0  }
0xa0: {  	[sflag:s22] =	ssyncadd.s32 s3;
	_ =	sdelay $0x1  }
0xa1: {  	s23 =	simm.s32 $0x1B8B  }
0xa2: {  	_ =	swait.ge [sflag:s23], $0x1  }
0xa3: {  	[sflag:s23] =	ssyncset.done $0x0  }
0xa4: {  	s25 =	simm.s32 $0x1B8E;
	s24 =	sld [smem:$0x3FFE];
	[sflag:s23] =	ssyncadd.s32 $0xFFFFFFFF  }
0xa5: {  	s26 =	simm.s32 $execute0_lowered;
	[smem:$0x3FD2] =	sst s25  }
0xa6: {  	s4 =	sshll.u32 s26, $0x1;
	_ =	strace $0x80000049;
	[dreg:$0x1] =	wrdreg $0xFFFFFFFF  }
0xa7: {  	s28 =	simm.s32 $_size_execute0_lowered;
	s2 =	sadd.s32 s2, s4;
	[dreg:$0x0] =	wrdreg $0x0  }
0xa8: {  	s4 =	sshll.u32 s28, $0x1;
	[dreg:$0x2] =	wrdreg s2  }
0xa9: {  	[dreg:$0x3] =	wrdreg s4  }
0xaa: {  	[dreg:$0x4] =	wrdreg $0xC0  }
0xab: {  	_ =	task [dreg:s6], $0x5FFFF  }
0xac: {  	[dreg:$0x1] =	wrdreg $0xFFFFFFFF  }
0xad: {  	[dreg:$0x0] =	wrdreg $0x60  }
0xae: {  	[dreg:$0x2] =	wrdreg s24  }
0xaf: {  	[dreg:$0x3] =	wrdreg $0xDE800  }
0xb0: {  	[dreg:$0x4] =	wrdreg $0x9  }
0xb1: {  	_ =	task.clear_ibuf [dreg:s6], $0x5FFFF;
	_ =	strace $0x90000049  }
0xb2: {  	s29 =	simm.s32 $0x9;
	_ =	strace $0x8000004B  }
0xb3: {  	_ =	swait.ge [sflag:s29], $0x1  }
0xb4: {  	[sflag:s29] =	ssyncadd.s32 $0xFFFFFFFF  }
0xb5: {  	_ =	strace $0x9000004B  }
0xb6: {  	_ =	sfence  }
0xb7: {  	s30 =	sld [smem:$0x0];
	_ =	sdelay $0x2  }
0xb8: {  	s31 =	sshll.u32 s1, $0xD;
	s1 =	sshrl.u32 s1, $0x2  }
0xb9: {  	s3 =	sand.u32 $0x4000, s31;
	s1 =	sadd.s32 s1, s30  }
0xba: {  	s0 =	sor.u32 s3, s0;
	s1 =	sshll.u32 s1, $0x11  }
0xbb: {  	s0 =	sor.u32 s1, s0  }
0xbc: {  	s0 =	sadd.s32 $0x8F2B, s0  }
0xbd: {  	[sflag:s0] =	ssyncadd.remote.s32 $0x1  }
0xbe: {  	_ =	sfence.sel $0xFFFF  }
0xbf: {  	[dreg:$0x0] =	wrdreg $0xFFFFFFFF;
	(pc) =	sbr.abs _section_cstart, $3  }
0xc0: {  	[dreg:$0x1] =	wrdreg $0xFFFFFFFF  }
0xc1: {  	_ =	task.clear_ibuf [dreg:s6], $0x2FFFF;
	_ =	strace $0x9FFFFFFF  }
0xc2: {  	(tm) =	ssettm $0x7FFFFFFF  }
0xc3: {  	_ =	shalt  }
tec
execute0_lowered:
.L_overlay_start_1:
0x0: {  	(tag) =	ssettag $0x1  }
0x1: {  	s0 =	srdreg.scid;
	s1 =	rddreg [dreg:$0x0]  }
0x2: {  	s14 =	stileid.u32;
	s2 =	rddreg [dreg:$0x1];
	s5 =	simm.s32 $0x0  }
0x3: {  	s23 =	simm.s32 $0xDB80;
	s24 =	simm.s32 $0x80;
	s28 =	simm.s32 $0xA300  }
0x4: {  	s29 =	simm.s32 $0x5200;
	s30 =	simm.s32 $0xA380;
	s31 =	simm.s32 $0x2  }
0x5: {  	s0 =	sand.u32 $0x1, s0;
	s3 =	sshll.u32 s14, $0x1;
	[smem:$0x7FF] =	sst s5  }
0x6: {  	s5 =	sadd.s32 $0x4F9200, s1;
	s6 =	sadd.s32 $0x17200, s1;
	s7 =	sadd.s32 $0x21000, s1  }
0x7: {  	s11 =	sadd.s32 $0x2AE00, s1;
	s17 =	smul.u32 $0x7500, s14;
	s18 =	sadd.s32 $0x17000, s1  }
0x8: {  	s15 =	sadd.s32 $0x75000, s2;
	s21 =	smul.u32 $0x1D400, s14;
	p1 =	sne.s32 s14, $0xF  }
0x9: {  	s3 =	sor.u32 s0, s3;
	s8 =	ssub.s32 $0x2, s0;
	s0 =	smul.u32 $0x75300, s0  }
0xa: {  	_ =	strace $0x8000004A;
	[dreg:$0x5] =	wrdreg s18;
	s4 =	smul.u32 $0x2700, s3  }
0xb: {  	[dreg:$0x7] =	wrdreg s15;
	s10 =	sshrl.u32 s8, $0x1;
	s12 =	smul.u32 $0x4E00, s3  }
0xc: {  	p0 =	seq.s32 s3, $0x1F;
	s22 =	sadd.s32 s17, s2;
	s10 =	ssub.s32 s8, s10  }
0xd: {  	s8 =	simm.s32 $0x52;
	s20 =	sadd.s32 s17, s0;
	s0 =	sshrl.u32 s0, $0x3  }
0xe: {  	s26 =	sshrl.u32 s22, $0x3;
	s22 =	simm.s32 $0x1;
	s16 =	sshrl.u32 s4, $0x3  }
0xf: {  	s8 =	simm.s32 @!p0 $0x4E;
	s19 =	sadd.s32 s5, s12;
	[dreg:$0xd] =	wrdreg s26  }
0x10: {  	s0 =	sadd.s32 s11, s0;
	s25 =	smax.u32 s10, $0x1;
	[dreg:$0x8] =	wrdreg s19  }
0x11: {  	s9 =	sadd.s32 s16, s1;
	s1 =	sadd.s32 $0xD200, s1;
	[dreg:$0xc] =	wrdreg s25  }
0x12: {  	p0 =	sne.s32 s3, $0x1F;
	s0 =	sadd.s32 $0xEA00, s0;
	[dreg:$0x6] =	wrdreg s1  }
0x13: {  	s26 =	simm.s32 $0xD380;
	s13 =	sadd.s32 $0xD400, s9;
	[dreg:$0xb] =	wrdreg s0  }
0x14: {  	s10 =	simm.s32 $0x0;
	s9 =	sadd.s32 $0x3600, s9;
	[dreg:$0x3] =	wrdreg s13  }
0x15: {  	s1 =	sshrl.u32 s20, $0x3;
	[dreg:$0x4] =	wrdreg s9;
	s9 =	sadd.s32 $0x100, s19  }
0x16: {  	s16 =	sshrl.u32 s8, $0x1;
	s1 =	sadd.s32 s11, s1;
	[dreg:$0x9] =	wrdreg s9  }
0x17: {  	v1 =	vlaneseq.u32;
	s0 =	simm.s32 $0xBB80;
	[dreg:$0xa] =	wrdreg s1;
	s9 =	sshrl.u32 s21, $0x2  }
0x18: {  	v0 =	vimm.f32 $0.0e+00;
	v1 =	vmul.u32 $0x10, v1;
	s21 =	simm.s32 $0x5;
	s1 =	simm.s32 $0x5280;
	s20 =	sadd.s32 s9, s2  }
.LBB2_1:
0x19: {  	s3 =	simm.s32 $0x0;
	s9 =	rddreg [dreg:$0x3]  }
0x1a: {  	[tilespmem:s3], [sflag:$0x5] =	stream.linear.gather [hbm4b:s9+s3], $0x2700, $0x38;
	[tilespmem:$0x153B0] =	vst v63  }
0x1b: {  	_ =	swait.ge [sflag:s21], $0x2700  }
0x1c: {  	[sflag:s21] =	ssyncset.done $0x0  }
0x1d: {  	s11 =	simm.s32 $0x2900;
	s19 =	rddreg [dreg:$0x4];
	[sflag:s21] =	ssyncadd.s32 $0xFFFFD900  }
0x1e: {  	[tilespmem:s11], [sflag:$0x5] =	stream.linear.gather [hbm4b:s19+s3], $0x2700, $0x38;
	[tilespmem:$0x153B0] =	vst v63  }
0x1f: {  	_ =	swait.ge [sflag:s21], $0x2700  }
0x20: {  	s9 =	simm.s32 @!p0 $0x2700;
	[sflag:s21] =	ssyncset.done $0x0  }
0x21: {  	s3 =	simm.s32 @!p0 $0x0;
	s11 =	rddreg [dreg:$0x5];
	[sflag:s21] =	ssyncadd.s32 $0xFFFFD900  }
0x22: {  	[tilespmem:s9], [sflag:$0x5] =	stream.linear.gather @!p0 [hbm4b:s11+s3], $0x200, $0x38;
	[tilespmem:$0x153B0] =	vst v63  }
0x23: {  	s9 =	simm.s32 @!p0 $0x5  }
0x24: {  	_ =	swait.ge @!p0 [sflag:s9], $0x200  }
0x25: {  	[sflag:s9] =	ssyncset.done @!p0 $0x0  }
0x26: {  	s11 =	simm.s32 @!p0 $0x5000;
	s12 =	rddreg [dreg:$0x6];
	[sflag:s9] =	ssyncadd.s32 @!p0 $0xFFFFFE00  }
0x27: {  	[tilespmem:s11], [sflag:$0x5] =	stream.linear.gather @!p0 [hbm4b:s12+s3], $0x200, $0x38;
	[tilespmem:$0x153B0] =	vst v63  }
0x28: {  	_ =	swait.ge @!p0 [sflag:s9], $0x200  }
0x29: {  	[sflag:s9] =	ssyncset.done @!p0 $0x0  }
0x2a: {  	[sflag:s9] =	ssyncadd.s32 @!p0 $0xFFFFFE00  }
0x2b: {  	[tilespmem:$0xDB80] =	vst v0  }
0x2c: {  	[tilespmem:$0xDB90] =	vst v0  }
0x2d: {  	[tilespmem:$0xDBA0] =	vst v0  }
0x2e: {  	[tilespmem:$0xDBB0] =	vst v0  }
0x2f: {  	[tilespmem:$0xDBC0] =	vst v0  }
0x30: {  	[tilespmem:$0xDBD0] =	vst v0  }
0x31: {  	[tilespmem:$0xDBE0] =	vst v0  }
0x32: {  	[tilespmem:$0xDBF0] =	vst v0  }
0x33: {  	[tilespmem:$0xDC00] =	vst v0  }
0x34: {  	[tilespmem:$0xDC10] =	vst v0  }
0x35: {  	[tilespmem:$0xDC20] =	vst v0  }
0x36: {  	[tilespmem:$0xDC30] =	vst v0  }
0x37: {  	[tilespmem:$0xDC40] =	vst v0  }
0x38: {  	[tilespmem:$0xDC50] =	vst v0  }
0x39: {  	[tilespmem:$0xDC60] =	vst v0  }
0x3a: {  	[tilespmem:$0xDC70] =	vst v0  }
0x3b: {  	[tilespmem:$0xDC80] =	vst v0  }
0x3c: {  	[tilespmem:$0xDC90] =	vst v0  }
0x3d: {  	[tilespmem:$0xDCA0] =	vst v0  }
0x3e: {  	[tilespmem:$0xDCB0] =	vst v0  }
0x3f: {  	[tilespmem:$0xDCC0] =	vst v0  }
0x40: {  	[tilespmem:$0xDCD0] =	vst v0  }
0x41: {  	[tilespmem:$0xDCE0] =	vst v0  }
0x42: {  	[tilespmem:$0xDCF0] =	vst v0  }
0x43: {  	[tilespmem:$0xDD00] =	vst v0  }
0x44: {  	[tilespmem:$0xDD10] =	vst v0  }
0x45: {  	[tilespmem:$0xDD20] =	vst v0  }
0x46: {  	[tilespmem:$0xDD30] =	vst v0  }
0x47: {  	[tilespmem:$0xDD40] =	vst v0  }
0x48: {  	[tilespmem:$0xDD50] =	vst v0  }
0x49: {  	[tilespmem:$0xDD60] =	vst v0  }
0x4a: {  	[tilespmem:$0xDD70] =	vst v0  }
0x4b: {  	[tilespmem:$0xDD80] =	vst v0  }
0x4c: {  	[tilespmem:$0xDD90] =	vst v0  }
0x4d: {  	[tilespmem:$0xDDA0] =	vst v0  }
0x4e: {  	[tilespmem:$0xDDB0] =	vst v0  }
0x4f: {  	[tilespmem:$0xDDC0] =	vst v0  }
0x50: {  	[tilespmem:$0xDDD0] =	vst v0  }
0x51: {  	[tilespmem:$0xDDE0] =	vst v0  }
0x52: {  	[tilespmem:$0xDDF0] =	vst v0  }
0x53: {  	[tilespmem:$0xDE00] =	vst v0  }
0x54: {  	[tilespmem:$0xDE10] =	vst v0  }
0x55: {  	[tilespmem:$0xDE20] =	vst v0  }
0x56: {  	[tilespmem:$0xDE30] =	vst v0  }
0x57: {  	[tilespmem:$0xDE40] =	vst v0  }
0x58: {  	[tilespmem:$0xDE50] =	vst v0  }
0x59: {  	[tilespmem:$0xDE60] =	vst v0  }
0x5a: {  	s25 =	sadd.s32 $0x0, s20;
	[tilespmem:$0xDE70] =	vst v0  }
0x5b: {  	[spmem:s25] =	stream.linear.scatter [tilespmem:s23], [sflag:$0x5], $0x300, $0x38;
	[tilespmem:$0x153B0] =	vst v63  }
0x5c: {  	s3 =	simm.s32 $0xC00;
	_ =	swait.ge [sflag:s21], $0x300  }
.LBB2_2:
0x5d: {  	s9 =	sshra.s32 s3, $0x2;
	[sflag:s21] =	ssyncset.done $0x0;
	p2 =	sne.s32 s3, $0x1C800  }
.Ltmp0:
0x5e: {  	s9 =	sadd.s32 s9, s20;
	[sflag:s21] =	ssyncadd.s32 $0xFFFFFD00;
	(pc) =	sbr.rel @p2 .LBB2_2-.Ltmp0, $3  }
0x5f: {  	[spmem:s9] =	stream.linear.scatter [tilespmem:s23], [sflag:$0x5], $0x300, $0x38;
	[tilespmem:$0x153B0] =	vst v63  }
0x60: {  	s3 =	sadd.s32 $0xC00, s3;
	_ =	sdelay $0x1  }
0x61: {  	_ =	swait.ge [sflag:s21], $0x300  }
0x62: {  	[sflag:s21] =	ssyncset.done $0x0  }
0x63: {  	s3 =	simm.s32 @!p1 $0xDB80;
	[sflag:s21] =	ssyncadd.s32 $0xFFFFFD00  }
0x64: {  	[spmem:s15] =	stream.linear.scatter @!p1 [tilespmem:s3], [sflag:$0x5], $0x300, $0x38;
	[tilespmem:$0x153B0] =	vst v63  }
0x65: {  	s3 =	simm.s32 @!p1 $0x5  }
0x66: {  	_ =	swait.ge @!p1 [sflag:s3], $0x300  }
0x67: {  	[sflag:s3] =	ssyncset.done @!p1 $0x0  }
0x68: {  	[sflag:s3] =	ssyncadd.s32 @!p1 $0xFFFFFD00  }
0x69: {  	s11 =	simm.s32 $0x0;
	s13 =	simm.s32 $0x5300;
	[bflag:$0x0] =	sbarrier.arrive $0xFFFF  }
0x6a: {  	[tilespmem:s13], [sflag:$0x1] =	stream.indirect.gather [hbm4b:s6+s24], $0x20, s11, s24, $0xb8;
	[tilespmem:$0x153B0] =	vst v63  }
0x6b: {  	s12 =	simm.s32 $0x2900;
	s14 =	simm.s32 $0x6300  }
0x6c: {  	[tilespmem:s14], [sflag:$0x1] =	stream.indirect.gather [hbm4b:s7+s24], $0x20, s12, s24, $0xb8;
	[tilespmem:$0x153B0] =	vst v63  }
0x6d: {  	s9 =	simm.s32 $0x7300;
	s15 =	rddreg [dreg:$0x8]  }
0x6e: {  	[tilespmem:s9], [sflag:$0x1] =	stream.linear.gather [hbm4b:s15+s11], $0x800, $0x38;
	[tilespmem:$0x153B0] =	vst v63  }
0x6f: {  	s17 =	simm.s32 $0x7B00  }
0x70: {  	[tilespmem:s17], [sflag:$0x2] =	stream.indirect.gather [hbm4b:s6+s24], $0x20, s24, s24, $0xb8;
	[tilespmem:$0x153B0] =	vst v63  }
0x71: {  	s18 =	simm.s32 $0x8B00;
	s15 =	simm.s32 $0x2980  }
0x72: {  	[tilespmem:s18], [sflag:$0x2] =	stream.indirect.gather [hbm4b:s7+s24], $0x20, s15, s24, $0xb8;
	[tilespmem:$0x153B0] =	vst v63  }
0x73: {  	s25 =	simm.s32 $0x9B00;
	s19 =	rddreg [dreg:$0x9]  }
0x74: {  	[tilespmem:s25], [sflag:$0x2] =	stream.linear.gather [hbm4b:s19+s11], $0x800, $0x38;
	[tilespmem:$0x153B0] =	vst v63  }
.LBB2_4:
0x75: {  	_ =	swait.ge [sflag:s22], $0x1000  }
0x76: {  	[sflag:s22] =	ssyncset.done $0x0  }
0x77: {  	[sflag:s22] =	ssyncadd.s32 $0xFFFFF000  }
0x78: {  	_ =	swait.ge [sflag:s22], $0x1000  }
0x79: {  	[sflag:s22] =	ssyncset.done $0x0  }
0x7a: {  	[sflag:s22] =	ssyncadd.s32 $0xFFFFF000  }
0x7b: {  	_ =	swait.ge [sflag:s22], $0x800  }
0x7c: {  	[sflag:s22] =	ssyncset.done $0x0  }
0x7d: {  	s9 =	simm.s32 $0x6340;
	[sflag:s22] =	ssyncadd.s32 $0xFFFFF800  }
0x7e: {  	s14 =	simm.s32 $0x7320;
	v3 =	vld [tilespmem:s9+$0x30]  }
0x7f: {  	v4 =	vld [tilespmem:s14+$0x10]  }
0x80: {  	s19 =	simm.s32 $0x5340;
	v5 =	vld [tilespmem:s9+$0x20]  }
0x81: {  	v6 =	vld [tilespmem:s19+$0x20]  }
0x82: {  	v2 =	vld [tilespmem:s14+$0xFFFFFFE0]  }
0x83: {  	v7 =	vld [tilespmem:s9+$0xFFFFFFC0]  }
0x84: {  	v8 =	vld [tilespmem:s19+$0xFFFFFFC0]  }
0x85: {  	v9 =	vld [tilespmem:s9+$0xFFFFFFF0]  }
0x86: {  	v10 =	vld [tilespmem:s14+$0xFFFFFFF0]  }
0x87: {  	v11 =	vld [tilespmem:s9+$0xFFFFFFE0]  }
0x88: {  	v12 =	vld [tilespmem:s19+$0xFFFFFFE0]  }
0x89: {  	v3 =	vmul.f32 v4, v3;
	v4 =	vmul.f32 v6, v5;
	v5 =	vld [tilespmem:s9+$0x10]  }
0x8a: {  	v6 =	vld [tilespmem:s14+$0x0]  }
0x8b: {  	v13 =	vadd.f32 v4, v3;
	v4 =	vld [tilespmem:s9+$0x0]  }
0x8c: {  	s18 =	simm.s32 $0xD3A0;
	s3 =	simm.s32 $0x0;
	v3 =	vmul.f32 v8, v7;
	v7 =	vld [tilespmem:s19+$0x0]  }
0x8d: {  	s17 =	simm.s32 $0xA310;
	s25 =	simm.s32 $0x10;
	v9 =	vmul.f32 v10, v9;
	v10 =	vmul.f32 v12, v11;
	v8 =	vld [tilespmem:s9+$0xFFFFFFD0];
	s9 =	simm.s32 $0x63C0;
	[tilespmem:s18+$0x10] =	vst v13  }
.LBB2_5:
0x8e: {  	v11 =	vld [tilespmem:s9+$0x30];
	s14 =	sadd.s32 $0x40, s14  }
0x8f: {  	v12 =	vld [tilespmem:s14+$0x10];
	v9 =	vadd.f32 v10, v9;
	v5 =	vmul.f32 v6, v5  }
0x90: {  	s19 =	sadd.s32 $0x80, s19;
	v6 =	vld [tilespmem:s9+$0x20]  }
0x91: {  	s3 =	sadd.s32 $0x4, s3;
	v10 =	vld [tilespmem:s19+$0x20];
	[tilespmem:s18+$0xFFFFFFF0] =	vst v9;
	v4 =	vmul.f32 v7, v4  }
0x92: {  	p2 =	slt.u32 s3, $0x7C;
	v7 =	vmul.f32 v2, v8;
	v2 =	vld [tilespmem:s14+$0xFFFFFFE0]  }
0x93: {  	v8 =	vld [tilespmem:s9+$0xFFFFFFC0];
	v4 =	vadd.f32 v4, v5  }
0x94: {  	v5 =	vld [tilespmem:s19+$0xFFFFFFC0];
	v3 =	vadd.f32 v3, v7  }
0x95: {  	v7 =	vld [tilespmem:s9+$0xFFFFFFF0];
	[tilespmem:s18+$0x0] =	vst v4  }
0x96: {  	v9 =	vmul.f32 v12, v11;
	v4 =	vld [tilespmem:s14+$0xFFFFFFF0];
	v6 =	vmul.f32 v10, v6;
	[tilespmem:s18+$0xFFFFFFE0] =	vst v3  }
0x97: {  	v10 =	vld [tilespmem:s9+$0xFFFFFFE0]  }
0x98: {  	v11 =	vld [tilespmem:s19+$0xFFFFFFE0];
	v9 =	vadd.f32 v6, v9  }
.Ltmp1:
0x99: {  	s18 =	sadd.s32 $0x40, s18;
	v3 =	vmul.f32 v5, v8;
	v5 =	vld [tilespmem:s9+$0x10];
	(pc) =	sbr.rel @p2 .LBB2_5-.Ltmp1, $4  }
0x9a: {  	v6 =	vld [tilespmem:s14+$0x0];
	[tilespmem:s18+$0x10] =	vst v9  }
0x9b: {  	v9 =	vmul.f32 v4, v7;
	v4 =	vld [tilespmem:s9+$0x0]  }
0x9c: {  	v7 =	vld [tilespmem:s19+$0x0]  }
0x9d: {  	v8 =	vld [tilespmem:s9+$0xFFFFFFD0];
	v10 =	vmul.f32 v11, v10;
	s9 =	sadd.s32 $0x80, s9  }
0x9e: {  	_ =	sdelay $0x1  }
0x9f: {  	v5 =	vmul.f32 v6, v5;
	v6 =	vmov s25  }
0xa0: {  	v6 =	vshll.u32 v6, $0x4;
	v4 =	vmul.f32 v7, v4  }
0xa1: {  	s3 =	simm.s32 $0x0;
	v9 =	vadd.f32 v10, v9;
	v6 =	vor.u32 v1, v6;
	v2 =	vmul.f32 v2, v8  }
0xa2: {  	v7 =	vmov s3;
	v11 =	vor.u32 $0x3, v6;
	v4 =	vadd.f32 v4, v5  }
0xa3: {  	[tilespmem:s18+$0xFFFFFFF0] =	vst v9;
	v7 =	vshll.u32 v7, $0x4;
	v13 =	vor.u32 $0x4, v6;
	v2 =	vadd.f32 v3, v2  }
0xa4: {  	v5 =	vor.u32 v1, v7;
	[tilespmem:s18+$0x0] =	vst v4  }
0xa5: {  	v3 =	vor.u32 $0x1, v5;
	[tilespmem:s18+$0xFFFFFFE0] =	vst v2  }
0xa6: {  	v15 =	vor.u32 $0x5, v6;
	v8 =	vld.idx.msk [tilespmem:v6+s26+$0x0], $0xffff  }
0xa7: {  	v2 =	vor.u32 $0x2, v5;
	v11 =	vld.idx.msk [tilespmem:v11+s26+$0x0], $0xffff  }
0xa8: {  	v17 =	vor.u32 $0x6, v6;
	v13 =	vld.idx.msk [tilespmem:v13+s26+$0x0], $0xffff  }
0xa9: {  	v10 =	vor.u32 $0x3, v5;
	v9 =	vld.idx.msk [tilespmem:v5+s26+$0x0], $0xffff  }
0xaa: {  	v19 =	vor.u32 $0x7, v6;
	v3 =	vld.idx.msk [tilespmem:v3+s26+$0x0], $0xffff  }
0xab: {  	v12 =	vor.u32 $0x4, v5;
	v15 =	vld.idx.msk [tilespmem:v15+s26+$0x0], $0xffff  }
0xac: {  	v4 =	vor.u32 $0x1, v6;
	v2 =	vld.idx.msk [tilespmem:v2+s26+$0x0], $0xffff  }
0xad: {  	v14 =	vor.u32 $0x5, v5;
	v17 =	vld.idx.msk [tilespmem:v17+s26+$0x0], $0xffff  }
0xae: {  	v7 =	vor.u32 $0x2, v6;
	v10 =	vld.idx.msk [tilespmem:v10+s26+$0x0], $0xffff  }
0xaf: {  	v16 =	vor.u32 $0x6, v5;
	v19 =	vld.idx.msk [tilespmem:v19+s26+$0x0], $0xffff;
	v3 =	vadd.f32 v3, v9  }
0xb0: {  	v21 =	vor.u32 $0x8, v6;
	v12 =	vld.idx.msk [tilespmem:v12+s26+$0x0], $0xffff  }
0xb1: {  	v18 =	vor.u32 $0x7, v5;
	v4 =	vld.idx.msk [tilespmem:v4+s26+$0x0], $0xffff;
	v2 =	vadd.f32 v2, v3  }
0xb2: {  	v22 =	vor.u32 $0x9, v6;
	v14 =	vld.idx.msk [tilespmem:v14+s26+$0x0], $0xffff  }
0xb3: {  	v20 =	vor.u32 $0x8, v5;
	v7 =	vld.idx.msk [tilespmem:v7+s26+$0x0], $0xffff;
	v2 =	vadd.f32 v10, v2  }
0xb4: {  	v23 =	vor.u32 $0xA, v6;
	v24 =	vor.u32 $0xB, v6;
	v25 =	vor.u32 $0xC, v6;
	v9 =	vld.idx.msk [tilespmem:v16+s26+$0x0], $0xffff  }
0xb5: {  	v48 =	vor.u32 $0xD, v6;
	v21 =	vld.idx.msk [tilespmem:v21+s26+$0x0], $0xffff;
	v16 =	vor.u32 $0x9, v5;
	v2 =	vadd.f32 v12, v2  }
0xb6: {  	v50 =	vor.u32 $0xE, v6;
	v6 =	vor.u32 $0xF, v6;
	v4 =	vadd.f32 v4, v8;
	v3 =	vld.idx.msk [tilespmem:v18+s26+$0x0], $0xffff  }
0xb7: {  	v22 =	vld.idx.msk [tilespmem:v22+s26+$0x0], $0xffff;
	v18 =	vor.u32 $0xA, v5;
	v2 =	vadd.f32 v14, v2  }
0xb8: {  	v8 =	vor.u32 $0xD, v5;
	v4 =	vadd.f32 v7, v4;
	v10 =	vld.idx.msk [tilespmem:v20+s26+$0x0], $0xffff  }
0xb9: {  	v47 =	vor.u32 $0xB, v5;
	v49 =	vld.idx.msk [tilespmem:v24+s26+$0x0], $0xffff;
	v2 =	vadd.f32 v9, v2  }
0xba: {  	v4 =	vadd.f32 v11, v4;
	v12 =	vld.idx.msk [tilespmem:v16+s26+$0x0], $0xffff  }
0xbb: {  	v6 =	vld.idx.msk [tilespmem:v6+s26+$0x0], $0xffff;
	v16 =	vor.u32 $0xC, v5;
	v2 =	vadd.f32 v3, v2  }
0xbc: {  	s25 =	simm.s32 $0x30;
	v4 =	vadd.f32 v13, v4;
	v14 =	vld.idx.msk [tilespmem:v18+s26+$0x0], $0xffff  }
0xbd: {  	v7 =	vor.u32 $0xE, v5;
	v11 =	vmov s25;
	v8 =	vld.idx.msk [tilespmem:v8+s26+$0x0], $0xffff;
	v2 =	vadd.f32 v10, v2  }
0xbe: {  	v11 =	vshll.u32 v11, $0x4;
	v4 =	vadd.f32 v15, v4;
	v9 =	vld.idx.msk [tilespmem:v47+s26+$0x0], $0xffff  }
0xbf: {  	s9 =	simm.s32 $0x20;
	v5 =	vor.u32 $0xF, v5;
	v13 =	vor.u32 v1, v11;
	v11 =	vld.idx.msk [tilespmem:v48+s26+$0x0], $0xffff;
	v12 =	vadd.f32 v12, v2  }
0xc0: {  	v4 =	vadd.f32 v17, v4;
	v3 =	vld.idx.msk [tilespmem:v16+s26+$0x0], $0xffff;
	v10 =	vmov s9  }
0xc1: {  	v18 =	vld.idx.msk [tilespmem:v23+s26+$0x0], $0xffff;
	v10 =	vshll.u32 v10, $0x4;
	v12 =	vadd.f32 v14, v12  }
0xc2: {  	v7 =	vld.idx.msk [tilespmem:v7+s26+$0x0], $0xffff;
	v4 =	vadd.f32 v19, v4;
	v2 =	vor.u32 v1, v10  }
0xc3: {  	v15 =	vld.idx.msk [tilespmem:v50+s26+$0x0], $0xffff;
	v14 =	vor.u32 $0x1, v13;
	v9 =	vadd.f32 v9, v12  }
0xc4: {  	v5 =	vld.idx.msk [tilespmem:v5+s26+$0x0], $0xffff;
	v4 =	vadd.f32 v21, v4;
	v10 =	vor.u32 $0x1, v2  }
0xc5: {  	v16 =	vld.idx.msk [tilespmem:v25+s26+$0x0], $0xffff;
	v12 =	vor.u32 $0x2, v13;
	v3 =	vadd.f32 v3, v9  }
0xc6: {  	v51 =	vld.idx.msk [tilespmem:v13+s26+$0x0], $0xffff;
	v17 =	vor.u32 $0x2, v2;
	v4 =	vadd.f32 v22, v4  }
0xc7: {  	v53 =	vor.u32 $0x3, v13;
	v19 =	vld.idx.msk [tilespmem:v2+s26+$0x0], $0xffff;
	v3 =	vadd.f32 v8, v3  }
0xc8: {  	v52 =	vor.u32 $0x3, v2;
	v4 =	vadd.f32 v18, v4;
	v14 =	vld.idx.msk [tilespmem:v14+s26+$0x0], $0xffff  }
0xc9: {  	v9 =	vld.idx.msk [tilespmem:v10+s26+$0x0], $0xffff;
	v3 =	vadd.f32 v7, v3  }
0xca: {  	v4 =	vadd.f32 v49, v4;
	v10 =	vor.u32 $0x4, v2;
	v12 =	vld.idx.msk [tilespmem:v12+s26+$0x0], $0xffff  }
0xcb: {  	v54 =	vor.u32 $0x4, v13;
	v8 =	vld.idx.msk [tilespmem:v17+s26+$0x0], $0xffff;
	v3 =	vadd.f32 v5, v3  }
0xcc: {  	v56 =	vld.idx.msk [tilespmem:v53+s26+$0x0], $0xffff;
	v4 =	vadd.f32 v16, v4;
	v17 =	vor.u32 $0x5, v2  }
0xcd: {  	v55 =	vor.u32 $0x5, v13;
	v7 =	vld.idx.msk [tilespmem:v52+s26+$0x0], $0xffff;
	v14 =	vadd.f32 v14, v51;
	v3 =	vmul.f32 $2.500000000e-01, v3  }
0xce: {  	v18 =	vor.u32 $0x6, v2;
	v4 =	vadd.f32 v11, v4;
	v5 =	vadd.f32 v9, v19  }
0xcf: {  	v57 =	vor.u32 $0x6, v13;
	v9 =	vld.idx.msk [tilespmem:v10+s26+$0x0], $0xffff;
	v12 =	vadd.f32 v12, v14;
	v3 =	vmul.f32 $1.442695020e+00, v3  }
0xd0: {  	v58 =	vld.idx.msk [tilespmem:v54+s26+$0x0], $0xffff;
	v4 =	vadd.f32 v15, v4;
	v19 =	vor.u32 $0x7, v2;
	v5 =	vadd.f32 v8, v5  }
0xd1: {  	v8 =	vld.idx.msk [tilespmem:v17+s26+$0x0], $0xffff;
	(erf) = vpow2.f32 v3;
	v3 =	vadd.f32 v56, v12;
	v12 =	vor.u32 $0xA, v2  }
0xd2: {  	v59 =	vld.idx.msk [tilespmem:v55+s26+$0x0], $0xffff;
	v10 =	vor.u32 $0x7, v13;
	v4 =	vadd.f32 v6, v4;
	v5 =	vadd.f32 v7, v5  }
0xd3: {  	v16 =	vor.u32 $0x8, v2;
	v7 =	vld.idx.msk [tilespmem:v18+s26+$0x0], $0xffff  }
0xd4: {  	v17 =	vor.u32 $0x8, v13;
	v4 =	vmul.f32 $2.500000000e-01, v4;
	v18 =	vld.idx.msk [tilespmem:v57+s26+$0x0], $0xffff;
	v5 =	vadd.f32 v9, v5  }
0xd5: {  	v11 =	vor.u32 $0x9, v2;
	v14 =	vor.u32 $0x9, v13;
	v9 =	vld.idx.msk [tilespmem:v19+s26+$0x0], $0xffff  }
0xd6: {  	v3 =	vadd.f32 v58, v3;
	v5 =	vadd.f32 v8, v5;
	v8 =	vld.idx.msk [tilespmem:v12+s26+$0x0], $0xffff;
	v12 =	vmul.f32 $1.442695020e+00, v4  }
0xd7: {  	v15 =	vld.idx.msk [tilespmem:v10+s26+$0x0], $0xffff;
	v19 =	vor.u32 $0xA, v13  }
0xd8: {  	v60 =	vor.u32 $0xB, v2;
	v16 =	vld.idx.msk [tilespmem:v16+s26+$0x0], $0xffff;
	v3 =	vadd.f32 v59, v3;
	(erf) = vpow2.f32 v12  }
0xd9: {  	v61 =	vor.u32 $0xB, v13;
	v17 =	vld.idx.msk [tilespmem:v17+s26+$0x0], $0xffff;
	v5 =	vadd.f32 v7, v5  }
0xda: {  	v63 =	vor.u32 $0xC, v2;
	v62 =	vld.idx.msk [tilespmem:v11+s26+$0x0], $0xffff;
	v3 =	vadd.f32 v18, v3  }
0xdb: {  	v6 =	vor.u32 $0xC, v13;
	v10 =	vld.idx.msk [tilespmem:v14+s26+$0x0], $0xffff;
	v7 =	vadd.f32 v9, v5  }
0xdc: {  	v14 =	vor.u32 $0xD, v2;
	v11 =	vld.idx.msk [tilespmem:v19+s26+$0x0], $0xffff;
	v15 =	vadd.f32 v15, v3  }
0xdd: {  	v4 =	vor.u32 $0xE, v13;
	v5 =	vor.u32 $0xD, v13;
	v9 =	vld.idx.msk [tilespmem:v60+s26+$0x0], $0xffff;
	v18 =	vadd.f32 v16, v7  }
0xde: {  	v3 =	vor.u32 $0xF, v13;
	v7 =	vld.idx.msk [tilespmem:v61+s26+$0x0], $0xffff;
	v13 =	vor.u32 $0xE, v2;
	v12 =	vpop (erf);
	v16 =	vadd.f32 v17, v15  }
0xdf: {  	s19 =	simm.s32 $0x50;
	s18 =	simm.s32 $0x2;
	[tilespmem:s17+$0xFFFFFFF0] =	vst v12;
	v15 =	vadd.f32 v62, v18;
	v12 =	vld.idx.msk [tilespmem:v63+s26+$0x0], $0xffff  }
.LBB2_7:
0xe0: {  	s3 =	sadd.s32 $0xFFFFFFF0, s19;
	v17 =	vmov s19;
	s18 =	sadd.s32 $0x2, s18;
	v18 =	vor.u32 $0xF, v2;
	v2 =	vadd.f32 v10, v16;
	v10 =	vld.idx.msk [tilespmem:v6+s26+$0x0], $0xffff  }
0xe1: {  	v6 =	vmov s3;
	v16 =	vshll.u32 v17, $0x4;
	p2 =	slt.u32 s18, $0x6;
	v8 =	vadd.f32 v8, v15;
	v14 =	vld.idx.msk [tilespmem:v14+s26+$0x0], $0xffff;
	v15 =	vpop (erf)  }
0xe2: {  	v6 =	vshll.u32 v6, $0x4;
	v16 =	vor.u32 v1, v16;
	v11 =	vadd.f32 v11, v2;
	v17 =	vld.idx.msk [tilespmem:v5+s26+$0x0], $0xffff;
	[tilespmem:s17+$0x0] =	vst v15  }
0xe3: {  	v2 =	vor.u32 v1, v6;
	v15 =	vor.u32 $0x1, v16;
	v5 =	vadd.f32 v9, v8;
	v8 =	vld.idx.msk [tilespmem:v13+s26+$0x0], $0xffff  }
0xe4: {  	v9 =	vor.u32 $0x2, v16;
	v13 =	vor.u32 $0x3, v16;
	v6 =	vor.u32 $0x1, v2;
	v19 =	vld.idx.msk [tilespmem:v4+s26+$0x0], $0xffff  }
0xe5: {  	v20 =	vor.u32 $0x4, v16;
	v21 =	vor.u32 $0x5, v16;
	v4 =	vadd.f32 v12, v5;
	v12 =	vld.idx.msk [tilespmem:v18+s26+$0x0], $0xffff  }
0xe6: {  	v22 =	vor.u32 $0x6, v16;
	v23 =	vor.u32 $0x7, v16;
	v18 =	vor.u32 $0x2, v2;
	v24 =	vld.idx.msk [tilespmem:v3+s26+$0x0], $0xffff  }
0xe7: {  	v26 =	vor.u32 $0x8, v16;
	v27 =	vor.u32 $0x9, v16;
	v25 =	vld.idx.msk [tilespmem:v16+s26+$0x0], $0xffff;
	v3 =	vadd.f32 v14, v4  }
0xe8: {  	v29 =	vor.u32 $0xA, v16;
	v30 =	vor.u32 $0xB, v16;
	v28 =	vor.u32 $0x3, v2;
	v14 =	vld.idx.msk [tilespmem:v2+s26+$0x0], $0xffff  }
0xe9: {  	v5 =	vor.u32 $0xD, v16;
	v31 =	vld.idx.msk [tilespmem:v6+s26+$0x0], $0xffff;
	v6 =	vor.u32 $0xC, v16;
	v8 =	vadd.f32 v8, v3  }
0xea: {  	v32 =	vor.u32 $0x4, v2;
	v7 =	vadd.f32 v7, v11;
	v4 =	vor.u32 $0xE, v16;
	v15 =	vld.idx.msk [tilespmem:v15+s26+$0x0], $0xffff  }
0xeb: {  	v3 =	vor.u32 $0xF, v16;
	v11 =	vld.idx.msk [tilespmem:v18+s26+$0x0], $0xffff;
	v8 =	vadd.f32 v12, v8  }
0xec: {  	v7 =	vadd.f32 v10, v7;
	v12 =	vor.u32 $0x5, v2;
	v9 =	vld.idx.msk [tilespmem:v9+s26+$0x0], $0xffff  }
0xed: {  	v10 =	vld.idx.msk [tilespmem:v28+s26+$0x0], $0xffff;
	v8 =	vmul.f32 $2.500000000e-01, v8  }
0xee: {  	v7 =	vadd.f32 v17, v7;
	v16 =	vor.u32 $0x6, v2;
	v13 =	vld.idx.msk [tilespmem:v13+s26+$0x0], $0xffff  }
0xef: {  	v14 =	vadd.f32 v31, v14;
	v17 =	vld.idx.msk [tilespmem:v32+s26+$0x0], $0xffff;
	v8 =	vmul.f32 $1.442695020e+00, v8  }
0xf0: {  	v7 =	vadd.f32 v19, v7;
	v18 =	vor.u32 $0x7, v2;
	v15 =	vadd.f32 v15, v25;
	v20 =	vld.idx.msk [tilespmem:v20+s26+$0x0], $0xffff  }
0xf1: {  	v11 =	vadd.f32 v11, v14;
	v12 =	vld.idx.msk [tilespmem:v12+s26+$0x0], $0xffff;
	(erf) = vpow2.f32 v8  }
0xf2: {  	v7 =	vadd.f32 v24, v7;
	v8 =	vor.u32 $0x8, v2;
	v9 =	vadd.f32 v9, v15;
	v14 =	vld.idx.msk [tilespmem:v21+s26+$0x0], $0xffff  }
0xf3: {  	v10 =	vadd.f32 v10, v11;
	v11 =	vld.idx.msk [tilespmem:v16+s26+$0x0], $0xffff  }
0xf4: {  	v7 =	vmul.f32 $2.500000000e-01, v7;
	v15 =	vor.u32 $0x9, v2;
	v9 =	vadd.f32 v13, v9;
	v13 =	vld.idx.msk [tilespmem:v22+s26+$0x0], $0xffff  }
0xf5: {  	v10 =	vadd.f32 v17, v10;
	v16 =	vld.idx.msk [tilespmem:v18+s26+$0x0], $0xffff  }
0xf6: {  	v7 =	vmul.f32 $1.442695020e+00, v7;
	v17 =	vor.u32 $0xA, v2;
	v9 =	vadd.f32 v20, v9;
	v18 =	vld.idx.msk [tilespmem:v23+s26+$0x0], $0xffff  }
0xf7: {  	v10 =	vadd.f32 v12, v10;
	v12 =	vld.idx.msk [tilespmem:v8+s26+$0x0], $0xffff  }
0xf8: {  	v19 =	vor.u32 $0xB, v2;
	v8 =	vadd.f32 v14, v9;
	v20 =	vld.idx.msk [tilespmem:v26+s26+$0x0], $0xffff;
	(erf) = vpow2.f32 v7  }
0xf9: {  	v7 =	vadd.f32 v11, v10;
	v15 =	vld.idx.msk [tilespmem:v15+s26+$0x0], $0xffff  }
0xfa: {  	s17 =	sadd.s32 $0x20, s17;
	v21 =	vor.u32 $0xC, v2;
	v9 =	vadd.f32 v13, v8;
	v10 =	vld.idx.msk [tilespmem:v27+s26+$0x0], $0xffff;
	v11 =	vpop (erf)  }
.Ltmp2:
0xfb: {  	v7 =	vadd.f32 v16, v7;
	v8 =	vld.idx.msk [tilespmem:v17+s26+$0x0], $0xffff;
	[tilespmem:s17+$0xFFFFFFF0] =	vst v11;
	(pc) =	sbr.rel @p2 .LBB2_7-.Ltmp2, $4  }
0xfc: {  	v14 =	vor.u32 $0xD, v2;
	v16 =	vadd.f32 v18, v9;
	v11 =	vld.idx.msk [tilespmem:v29+s26+$0x0], $0xffff  }
0xfd: {  	v12 =	vadd.f32 v12, v7;
	v9 =	vld.idx.msk [tilespmem:v19+s26+$0x0], $0xffff  }
0xfe: {  	v13 =	vor.u32 $0xE, v2;
	v16 =	vadd.f32 v20, v16;
	v7 =	vld.idx.msk [tilespmem:v30+s26+$0x0], $0xffff  }
0xff: {  	s19 =	sadd.s32 $0x20, s19;
	v15 =	vadd.f32 v15, v12;
	v12 =	vld.idx.msk [tilespmem:v21+s26+$0x0], $0xffff  }
0x100: {  	_ =	sdelay $0x2  }
0x101: {  	v10 =	vadd.f32 v10, v16  }
0x102: {  	v2 =	vor.u32 $0xF, v2;
	v6 =	vld.idx.msk [tilespmem:v6+s26+$0x0], $0xffff;
	v8 =	vadd.f32 v8, v15  }
0x103: {  	v14 =	vld.idx.msk [tilespmem:v14+s26+$0x0], $0xffff;
	v10 =	vadd.f32 v11, v10  }
0x104: {  	v5 =	vld.idx.msk [tilespmem:v5+s26+$0x0], $0xffff;
	v8 =	vadd.f32 v9, v8  }
0x105: {  	v61 =	vld.idx.msk [tilespmem:v13+s26+$0x0], $0xffff;
	v7 =	vadd.f32 v7, v10  }
0x106: {  	v4 =	vld.idx.msk [tilespmem:v4+s26+$0x0], $0xffff;
	v8 =	vadd.f32 v12, v8  }
0x107: {  	v2 =	vld.idx.msk [tilespmem:v2+s26+$0x0], $0xffff;
	v6 =	vadd.f32 v6, v7  }
0x108: {  	v3 =	vld.idx.msk [tilespmem:v3+s26+$0x0], $0xffff;
	v62 =	vadd.f32 v14, v8  }
0x109: {  	v5 =	vadd.f32 v5, v6  }
0x10a: {  	v63 =	vadd.f32 v61, v62  }
0x10b: {  	v4 =	vadd.f32 v4, v5  }
0x10c: {  	v2 =	vadd.f32 v2, v63  }
0x10d: {  	v3 =	vadd.f32 v3, v4  }
0x10e: {  	v2 =	vmul.f32 $2.500000000e-01, v2  }
0x10f: {  	v3 =	vmul.f32 $2.500000000e-01, v3  }
0x110: {  	v2 =	vmul.f32 $1.442695020e+00, v2  }
0x111: {  	v3 =	vmul.f32 $1.442695020e+00, v3  }
0x112: {  	(erf) = vpow2.f32 v2  }
0x113: {  	(erf) = vpow2.f32 v3;
	_ =	sdelay $0x6  }
0x114: {  	v2 =	vpop (erf)  }
0x115: {  	s3 =	sadd.s32 $0x20, s17;
	[tilespmem:s17+$0x0] =	vst v2;
	v2 =	vpop (erf)  }
0x116: {  	p2 =	seq.s32 s11, $0x0;
	v3 =	vmov s12;
	[tilespmem:s3+$0xFFFFFFF0] =	vst v2;
	v2 =	vpop (erf)  }
0x117: {  	[tilespmem:s3+$0x0] =	vst v2;
	s3 =	simm.s32 @!p2 $0x3  }
0x118: {  	_ =	swait.ge @!p2 [sflag:s3], $0x1800  }
0x119: {  	[sflag:s3] =	ssyncset.done @!p2 $0x0  }
0x11a: {  	[sflag:s3] =	ssyncadd.s32 @!p2 $0xFFFFE800;
	s3 =	simm.s32 $0x0  }
0x11b: {  	s9 =	simm.s32 $0x0;
	s13 =	simm.s32 $0x40;
	s17 =	sshll.u32 s11, $0x1;
	v2 =	vld.idx.msk [tilespmem:v3+s3+$0x0 ss:$0x1], $0xffff  }
.LBB2_9:
0x11c: {  	p3 =	sne.s32 s13, $0x1C0  }
.Ltmp3:
0x11d: {  	_ = 	snop;
	(pc) =	sbr.rel @p3 .LBB2_9-.Ltmp3, $3  }
0x11e: {  	_ =	sdelay $0x1  }
0x11f: {  	s14 =	sshra.s32 s13, $0x2;
	s13 =	sadd.s32 $0x40, s13  }
0x120: {  	[tilespmem:s3+$0x5200] =	vst v2;
	v2 =	vld.idx.msk [tilespmem:v3+s14+$0x0 ss:$0x1], $0xffff;
	s3 =	smov.u32 s14  }
0x121: {  	v3 =	vmov s9;
	s19 =	simm.s32 $0x1  }
0x122: {  	s25 =	simm.s32 $0x2;
	v3 =	vand.u32 $0xFFFFFFFC, v3;
	v4 =	vmov s19  }
0x123: {  	v5 =	vmov s25;
	v3 =	vbroadcast v3, $0x0;
	v4 =	vand.u32 $0xFFFFFFFD, v4  }
0x124: {  	v5 =	vand.u32 $0xFFFFFFFE, v5;
	v4 =	vbroadcast v4, $0x0  }
0x125: {  	v6 =	vbroadcast v5, $0x0;
	_ =	sdelay $0x1  }
0x126: {  	s18 =	simm.s32 $0x5350;
	[tilespmem:s3+$0x5200] =	vst v2  }
0x127: {  	s9 =	simm.s32 $0x3;
	s13 =	simm.s32 $0x4;
	v7 =	vld [tilespmem:s18+$0x0]  }
0x128: {  	s14 =	simm.s32 $0x5;
	v2 =	vmov s9;
	v17 =	vld.idx.msk [tilespmem:v3+s28+$0x0], $0xffff;
	v3 =	vmov s13  }
0x129: {  	s19 =	simm.s32 $0x7;
	v5 =	vld.idx.msk [tilespmem:v4+s28+$0x0], $0xffff;
	v3 =	vand.u32 $0xFFFFFFFC, v3;
	v4 =	vmov s14  }
0x12a: {  	v13 =	vld.idx.msk [tilespmem:v6+s28+$0x0], $0xffff;
	v6 =	vmov s19;
	v3 =	vbroadcast v3, $0x0;
	v4 =	vand.u32 $0xFFFFFFFD, v4  }
0x12b: {  	v9 =	vld [tilespmem:s18+$0xFFFFFFC0];
	v8 =	vbroadcast v4, $0x0  }
0x12c: {  	s25 =	simm.s32 $0x6;
	v10 =	vld [tilespmem:s18+$0xFFFFFFE0]  }
0x12d: {  	v4 =	vld.idx.msk [tilespmem:v2+s28+$0x0], $0xffff;
	v2 =	vmov s25  }
0x12e: {  	v11 =	vld [tilespmem:s18+$0x20];
	v2 =	vand.u32 $0xFFFFFFFE, v2  }
0x12f: {  	v12 =	vbroadcast v2, $0x0;
	v2 =	vld.idx.msk [tilespmem:v6+s28+$0x0], $0xffff;
	v7 =	vmul.f32 v7, v13  }
0x130: {  	s19 =	simm.s32 $0xA3E0;
	v9 =	vmul.f32 v9, v17;
	v3 =	vld.idx.msk [tilespmem:v3+s28+$0x0], $0xffff  }
0x131: {  	s18 =	simm.s32 $0x7320;
	[tilespmem:s19+$0x0] =	vst v7;
	v6 =	vld.idx.msk [tilespmem:v8+s28+$0x0], $0xffff;
	v8 =	vmul.f32 v10, v5  }
0x132: {  	[tilespmem:s19+$0xFFFFFFA0] =	vst v9;
	v15 =	vld [tilespmem:s18+$0x0]  }
0x133: {  	s9 =	simm.s32 $0x8;
	v16 =	vld [tilespmem:s18+$0xFFFFFFE0];
	[tilespmem:s19+$0xFFFFFFD0] =	vst v8  }
0x134: {  	s13 =	simm.s32 $0x9;
	s25 =	simm.s32 $0x53D0;
	v7 =	vmul.f32 v11, v4;
	v8 =	vmov s9;
	v9 =	vld [tilespmem:s18+$0xFFFFFFF0]  }
0x135: {  	s14 =	simm.s32 $0xB;
	v11 =	vld [tilespmem:s25+$0x0];
	[tilespmem:s19+$0xFFFFFFC0] =	vst v17;
	v10 =	vmov s13;
	v8 =	vand.u32 $0xFFFFFFFC, v8  }
0x136: {  	v14 =	vmov s14;
	[tilespmem:s19+$0x30] =	vst v7;
	v7 =	vld.idx.msk [tilespmem:v12+s28+$0x0], $0xffff;
	v12 =	vand.u32 $0xFFFFFFFD, v10;
	v10 =	vbroadcast v8, $0x0  }
0x137: {  	[tilespmem:s19+$0x20] =	vst v13;
	v8 =	vbroadcast v12, $0x0;
	v12 =	vld [tilespmem:s25+$0xFFFFFFC0];
	v15 =	vmul.f32 v15, v13  }
0x138: {  	s3 =	simm.s32 $0xC;
	s14 =	simm.s32 $0xA3E0;
	s9 =	simm.s32 $0xA;
	[tilespmem:s19+$0xFFFFFFF0] =	vst v5;
	v16 =	vmul.f32 v16, v17;
	v13 =	vld [tilespmem:s25+$0xFFFFFFE0]  }
.LBB2_11:
0x139: {  	p3 =	slt.u32 s3, $0x7C;
	v19 =	vmov s9;
	v18 =	vld [tilespmem:s25+$0x20];
	v9 =	vmul.f32 v9, v5;
	[tilespmem:s19+$0x10] =	vst v15;
	v5 =	vmov v6  }
0x13a: {  	v6 =	vand.u32 $0xFFFFFFFE, v19;
	[tilespmem:s19+$0xFFFFFFB0] =	vst v16;
	v15 =	vld [tilespmem:s18+$0x10]  }
0x13b: {  	v17 =	vmov v7;
	v16 =	vbroadcast v6, $0x0;
	v14 =	vld.idx.msk [tilespmem:v14+s28+$0x0], $0xffff;
	v11 =	vmul.f32 v11, v7;
	[tilespmem:s19+$0xFFFFFFE0] =	vst v9  }
0x13c: {  	s19 =	sadd.s32 $0xC0, s19;
	v19 =	vld.idx.msk [tilespmem:v10+s28+$0x0], $0xffff;
	v7 =	vmul.f32 v12, v3;
	[tilespmem:s14+$0x50] =	vst v4  }
0x13d: {  	s18 =	sadd.s32 $0x40, s18;
	v6 =	vld.idx.msk [tilespmem:v8+s28+$0x0], $0xffff;
	v8 =	vmul.f32 v13, v5;
	[tilespmem:s19+$0x0] =	vst v11  }
0x13e: {  	[tilespmem:s19+$0xFFFFFFA0] =	vst v7;
	v13 =	vld [tilespmem:s18+$0x0];
	v7 =	vmul.f32 v18, v2  }
0x13f: {  	v18 =	vld [tilespmem:s18+$0xFFFFFFE0];
	[tilespmem:s19+$0xFFFFFFD0] =	vst v8;
	v8 =	vmul.f32 v15, v4;
	v4 =	vmov v2  }
.Ltmp4:
0x140: {  	s9 =	sadd.s32 $0x1, s3;
	v12 =	vmov s3;
	v9 =	vld [tilespmem:s18+$0xFFFFFFF0];
	[tilespmem:s19+$0x30] =	vst v7;
	(pc) =	sbr.rel @p3 .LBB2_11-.Ltmp4, $4  }
0x141: {  	s25 =	sadd.s32 $0x80, s25;
	v10 =	vand.u32 $0xFFFFFFFC, v12;
	v11 =	vmov s9;
	s9 =	sadd.s32 $0x3, s3;
	v2 =	vmov v14;
	v7 =	vld.idx.msk [tilespmem:v16+s28+$0x0], $0xffff;
	[tilespmem:s14+$0x40] =	vst v8;
	s14 =	smov.u32 s19  }
0x142: {  	v10 =	vbroadcast v10, $0x0;
	v14 =	vmov s9;
	v8 =	vand.u32 $0xFFFFFFFD, v11;
	v11 =	vld [tilespmem:s25+$0x0];
	[tilespmem:s19+$0xFFFFFFF0] =	vst v5  }
0x143: {  	v8 =	vbroadcast v8, $0x0;
	v12 =	vld [tilespmem:s25+$0xFFFFFFC0];
	v15 =	vmul.f32 v13, v17;
	[tilespmem:s19+$0x20] =	vst v17  }
0x144: {  	s9 =	sadd.s32 $0x2, s3;
	s3 =	sadd.s32 $0x4, s3;
	v13 =	vld [tilespmem:s25+$0xFFFFFFE0];
	v16 =	vmul.f32 v18, v3;
	[tilespmem:s19+$0xFFFFFFC0] =	vst v3;
	v3 =	vmov v19  }
0x145: {  	_ =	sdelay $0x1  }
0x146: {  	v18 =	vld [tilespmem:s25+$0x20];
	[tilespmem:s19+$0x10] =	vst v15  }
0x147: {  	v17 =	vmov s9;
	v5 =	vmul.f32 v9, v5;
	v59 =	vld [tilespmem:s18+$0x10];
	[tilespmem:s14+$0x50] =	vst v4  }
0x148: {  	v14 =	vld.idx.msk [tilespmem:v14+s28+$0x0], $0xffff;
	v9 =	vand.u32 $0xFFFFFFFE, v17;
	[tilespmem:s19+$0xFFFFFFB0] =	vst v16;
	v11 =	vmul.f32 v11, v7  }
0x149: {  	s3 =	sadd.s32 $0xC0, s19;
	v9 =	vbroadcast v9, $0x0;
	[tilespmem:s19+$0xFFFFFFE0] =	vst v5;
	v5 =	vld.idx.msk [tilespmem:v10+s28+$0x0], $0xffff;
	v10 =	vmul.f32 v12, v3  }
0x14a: {  	v8 =	vld.idx.msk [tilespmem:v8+s28+$0x0], $0xffff;
	s19 =	sadd.s32 $0x40, s18;
	v60 =	vmul.f32 v13, v6;
	[tilespmem:s3+$0x0] =	vst v11  }
0x14b: {  	[tilespmem:s3+$0xFFFFFFA0] =	vst v10;
	v10 =	vld [tilespmem:s19+$0x0]  }
0x14c: {  	v4 =	vmul.f32 v59, v4;
	v61 =	vld [tilespmem:s19+$0xFFFFFFE0];
	[tilespmem:s3+$0xFFFFFFD0] =	vst v60  }
0x14d: {  	s13 =	sadd.s32 $0x80, s25;
	[tilespmem:s3+$0x20] =	vst v7;
	v12 =	vld [tilespmem:s19+$0xFFFFFFF0]  }
0x14e: {  	v11 =	vmul.f32 v18, v2;
	[tilespmem:s14+$0x40] =	vst v4;
	v4 =	vld [tilespmem:s13+$0x0]  }
0x14f: {  	[tilespmem:s3+$0xFFFFFFC0] =	vst v3;
	v9 =	vld.idx.msk [tilespmem:v9+s28+$0x0], $0xffff  }
0x150: {  	[tilespmem:s3+$0x30] =	vst v11;
	v11 =	vld [tilespmem:s13+$0xFFFFFFC0];
	v10 =	vmul.f32 v10, v7  }
0x151: {  	[tilespmem:s3+$0xFFFFFFF0] =	vst v6;
	v7 =	vld [tilespmem:s13+$0xFFFFFFE0]  }
0x152: {  	v13 =	vmul.f32 v61, v3;
	v3 =	vld [tilespmem:s13+$0x20];
	[tilespmem:s3+$0x10] =	vst v10  }
0x153: {  	v6 =	vmul.f32 v12, v6;
	v10 =	vld [tilespmem:s19+$0x10];
	[tilespmem:s3+$0x50] =	vst v2  }
0x154: {  	[tilespmem:s3+$0xFFFFFFB0] =	vst v13;
	v4 =	vmul.f32 v4, v9  }
0x155: {  	s14 =	sadd.s32 $0xC0, s3;
	[tilespmem:s3+$0xFFFFFFE0] =	vst v6;
	v6 =	vmul.f32 v11, v5  }
0x156: {  	[tilespmem:s14+$0x0] =	vst v4  }
0x157: {  	s9 =	sadd.s32 $0x40, s19;
	v7 =	vmul.f32 v7, v8;
	[tilespmem:s14+$0xFFFFFFA0] =	vst v6  }
0x158: {  	v4 =	vld [tilespmem:s9+$0x0];
	v3 =	vmul.f32 v3, v14;
	[tilespmem:s14+$0x20] =	vst v9  }
0x159: {  	v6 =	vld [tilespmem:s9+$0xFFFFFFE0];
	[tilespmem:s14+$0xFFFFFFD0] =	vst v7;
	v2 =	vmul.f32 v10, v2  }
0x15a: {  	v7 =	vld [tilespmem:s9+$0xFFFFFFF0];
	[tilespmem:s14+$0x30] =	vst v3  }
0x15b: {  	[tilespmem:s3+$0x40] =	vst v2;
	v2 =	vld [tilespmem:s9+$0x10]  }
0x15c: {  	[tilespmem:s14+$0xFFFFFFC0] =	vst v5  }
0x15d: {  	[tilespmem:s14+$0xFFFFFFF0] =	vst v8;
	v3 =	vmul.f32 v4, v9  }
0x15e: {  	[tilespmem:s14+$0x50] =	vst v14;
	v4 =	vmul.f32 v6, v5  }
0x15f: {  	v5 =	vmul.f32 v7, v8;
	[tilespmem:s14+$0x10] =	vst v3  }
0x160: {  	[tilespmem:s14+$0xFFFFFFB0] =	vst v4;
	v2 =	vmul.f32 v2, v14  }
0x161: {  	s3 =	sadd.s32 $0x2, s17;
	[tilespmem:s14+$0xFFFFFFE0] =	vst v5  }
0x162: {  	p3 =	sge.u32 s3, s8;
	[tilespmem:s14+$0x40] =	vst v2  }
0x163: {  	[spmem:s2] =	stream.indirect.scatter.add.f32 [tilespmem:s30], [sflag:$0x3], $0x30, s29, s24, $0xb8;
	[tilespmem:$0x153B0] =	vst v63  }
0x164: {  	s3 =	sshll.u32 @!p3 s3, $0x7;
	s9 =	simm.s32 @!p3 $0x80;
	s13 =	simm.s32 @!p3 $0x5300  }
0x165: {  	[tilespmem:s13], [sflag:$0x1] =	stream.indirect.gather @!p3 [hbm4b:s6+s9], $0x20, s3, s9, $0xb8;
	[tilespmem:$0x153B0] =	vst v63  }
0x166: {  	s13 =	sadd.s32 @!p3 $0x2900, s3;
	s3 =	sadd.s32 @!p3 s4, s3  }
0x167: {  	s14 =	simm.s32 @!p3 $0x6300;
	s3 =	sshll.u32 @!p3 s3, $0x1  }
0x168: {  	[tilespmem:s14], [sflag:$0x1] =	stream.indirect.gather @!p3 [hbm4b:s7+s9], $0x20, s13, s9, $0xb8;
	[tilespmem:$0x153B0] =	vst v63  }
0x169: {  	s3 =	sand.u32 @!p3 $0x1FFFFE00, s3  }
0x16a: {  	s9 =	simm.s32 @!p3 $0x0;
	s13 =	simm.s32 @!p3 $0x7300;
	s3 =	sadd.s32 @!p3 s5, s3  }
0x16b: {  	[tilespmem:s13], [sflag:$0x1] =	stream.linear.gather @!p3 [hbm4b:s3+s9], $0x800, $0x38;
	[tilespmem:$0x153B0] =	vst v63  }
0x16c: {  	_ =	swait.ge [sflag:s31], $0x1000  }
0x16d: {  	[sflag:s31] =	ssyncset.done $0x0  }
0x16e: {  	[sflag:s31] =	ssyncadd.s32 $0xFFFFF000  }
0x16f: {  	_ =	swait.ge [sflag:s31], $0x1000  }
0x170: {  	[sflag:s31] =	ssyncset.done $0x0  }
0x171: {  	[sflag:s31] =	ssyncadd.s32 $0xFFFFF000  }
0x172: {  	_ =	swait.ge [sflag:s31], $0x800  }
0x173: {  	[sflag:s31] =	ssyncset.done $0x0  }
0x174: {  	s18 =	simm.s32 $0x8B40;
	[sflag:s31] =	ssyncadd.s32 $0xFFFFF800  }
0x175: {  	s14 =	simm.s32 $0x9B20;
	v3 =	vld [tilespmem:s18+$0x30]  }
0x176: {  	v4 =	vld [tilespmem:s14+$0x10]  }
0x177: {  	s25 =	simm.s32 $0x7B40;
	v5 =	vld [tilespmem:s18+$0x20]  }
0x178: {  	v6 =	vld [tilespmem:s25+$0x20]  }
0x179: {  	v2 =	vld [tilespmem:s14+$0xFFFFFFE0]  }
0x17a: {  	v7 =	vld [tilespmem:s18+$0xFFFFFFC0]  }
0x17b: {  	v8 =	vld [tilespmem:s25+$0xFFFFFFC0]  }
0x17c: {  	v9 =	vld [tilespmem:s18+$0xFFFFFFF0]  }
0x17d: {  	v10 =	vld [tilespmem:s14+$0xFFFFFFF0]  }
0x17e: {  	v11 =	vld [tilespmem:s18+$0xFFFFFFE0]  }
0x17f: {  	v62 =	vld [tilespmem:s25+$0xFFFFFFE0]  }
0x180: {  	v3 =	vmul.f32 v4, v3;
	v5 =	vmul.f32 v6, v5;
	v4 =	vld [tilespmem:s18+$0x10]  }
0x181: {  	v6 =	vld [tilespmem:s14+$0x0]  }
0x182: {  	v63 =	vadd.f32 v5, v3;
	v5 =	vld [tilespmem:s18+$0x0]  }
0x183: {  	s19 =	simm.s32 $0xD3A0;
	v3 =	vmul.f32 v8, v7;
	v7 =	vld [tilespmem:s25+$0x0]  }
0x184: {  	s3 =	simm.s32 $0x0;
	s9 =	simm.s32 $0x8BC0;
	v9 =	vmul.f32 v10, v9;
	v10 =	vmul.f32 v62, v11;
	v8 =	vld [tilespmem:s18+$0xFFFFFFD0];
	[tilespmem:s19+$0x10] =	vst v63  }
.LBB2_13:
0x185: {  	v11 =	vld [tilespmem:s9+$0x30];
	s14 =	sadd.s32 $0x40, s14  }
0x186: {  	v12 =	vld [tilespmem:s14+$0x10];
	v9 =	vadd.f32 v10, v9;
	v4 =	vmul.f32 v6, v4  }
0x187: {  	s25 =	sadd.s32 $0x80, s25;
	v6 =	vld [tilespmem:s9+$0x20]  }
0x188: {  	s3 =	sadd.s32 $0x4, s3;
	v10 =	vld [tilespmem:s25+$0x20];
	[tilespmem:s19+$0xFFFFFFF0] =	vst v9;
	v5 =	vmul.f32 v7, v5  }
0x189: {  	p3 =	slt.u32 s3, $0x7C;
	v7 =	vmul.f32 v2, v8;
	v2 =	vld [tilespmem:s14+$0xFFFFFFE0]  }
0x18a: {  	v8 =	vld [tilespmem:s9+$0xFFFFFFC0];
	v4 =	vadd.f32 v5, v4  }
0x18b: {  	v5 =	vld [tilespmem:s25+$0xFFFFFFC0];
	v3 =	vadd.f32 v3, v7  }
0x18c: {  	v7 =	vld [tilespmem:s9+$0xFFFFFFF0];
	[tilespmem:s19+$0x0] =	vst v4  }
0x18d: {  	v4 =	vmul.f32 v12, v11;
	v9 =	vld [tilespmem:s14+$0xFFFFFFF0];
	v6 =	vmul.f32 v10, v6;
	[tilespmem:s19+$0xFFFFFFE0] =	vst v3  }
0x18e: {  	v10 =	vld [tilespmem:s9+$0xFFFFFFE0]  }
0x18f: {  	v11 =	vld [tilespmem:s25+$0xFFFFFFE0];
	v12 =	vadd.f32 v6, v4  }
.Ltmp5:
0x190: {  	s19 =	sadd.s32 $0x40, s19;
	v3 =	vmul.f32 v5, v8;
	v4 =	vld [tilespmem:s9+$0x10];
	(pc) =	sbr.rel @p3 .LBB2_13-.Ltmp5, $4  }
0x191: {  	s18 =	simm.s32 $0xA310;
	s13 =	simm.s32 $0x10;
	v6 =	vld [tilespmem:s14+$0x0];
	[tilespmem:s19+$0x10] =	vst v12  }
0x192: {  	v9 =	vmul.f32 v9, v7;
	v5 =	vld [tilespmem:s9+$0x0]  }
0x193: {  	v7 =	vld [tilespmem:s25+$0x0]  }
0x194: {  	v8 =	vld [tilespmem:s9+$0xFFFFFFD0];
	v10 =	vmul.f32 v11, v10;
	s9 =	sadd.s32 $0x80, s9  }
0x195: {  	_ =	sdelay $0x1  }
0x196: {  	v4 =	vmul.f32 v6, v4;
	v6 =	vmov s13  }
0x197: {  	v6 =	vshll.u32 v6, $0x4;
	v5 =	vmul.f32 v7, v5  }
0x198: {  	s3 =	simm.s32 $0x0;
	v9 =	vadd.f32 v10, v9;
	v6 =	vor.u32 v1, v6;
	v2 =	vmul.f32 v2, v8  }
0x199: {  	v7 =	vmov s3;
	v11 =	vor.u32 $0x3, v6;
	v4 =	vadd.f32 v5, v4  }
0x19a: {  	[tilespmem:s19+$0xFFFFFFF0] =	vst v9;
	v7 =	vshll.u32 v7, $0x4;
	v13 =	vor.u32 $0x4, v6;
	v2 =	vadd.f32 v3, v2  }
0x19b: {  	v5 =	vor.u32 v1, v7;
	[tilespmem:s19+$0x0] =	vst v4  }
0x19c: {  	v3 =	vor.u32 $0x1, v5;
	[tilespmem:s19+$0xFFFFFFE0] =	vst v2  }
0x19d: {  	v15 =	vor.u32 $0x5, v6;
	v8 =	vld.idx.msk [tilespmem:v6+s26+$0x0], $0xffff  }
0x19e: {  	v2 =	vor.u32 $0x2, v5;
	v11 =	vld.idx.msk [tilespmem:v11+s26+$0x0], $0xffff  }
0x19f: {  	v17 =	vor.u32 $0x6, v6;
	v13 =	vld.idx.msk [tilespmem:v13+s26+$0x0], $0xffff  }
0x1a0: {  	v10 =	vor.u32 $0x3, v5;
	v9 =	vld.idx.msk [tilespmem:v5+s26+$0x0], $0xffff  }
0x1a1: {  	v19 =	vor.u32 $0x7, v6;
	v3 =	vld.idx.msk [tilespmem:v3+s26+$0x0], $0xffff  }
0x1a2: {  	v12 =	vor.u32 $0x4, v5;
	v15 =	vld.idx.msk [tilespmem:v15+s26+$0x0], $0xffff  }
0x1a3: {  	v4 =	vor.u32 $0x1, v6;
	v2 =	vld.idx.msk [tilespmem:v2+s26+$0x0], $0xffff  }
0x1a4: {  	v14 =	vor.u32 $0x5, v5;
	v17 =	vld.idx.msk [tilespmem:v17+s26+$0x0], $0xffff  }
0x1a5: {  	v7 =	vor.u32 $0x2, v6;
	v10 =	vld.idx.msk [tilespmem:v10+s26+$0x0], $0xffff  }
0x1a6: {  	v16 =	vor.u32 $0x6, v5;
	v19 =	vld.idx.msk [tilespmem:v19+s26+$0x0], $0xffff;
	v3 =	vadd.f32 v3, v9  }
0x1a7: {  	v21 =	vor.u32 $0x8, v6;
	v12 =	vld.idx.msk [tilespmem:v12+s26+$0x0], $0xffff  }
0x1a8: {  	v18 =	vor.u32 $0x7, v5;
	v4 =	vld.idx.msk [tilespmem:v4+s26+$0x0], $0xffff;
	v2 =	vadd.f32 v2, v3  }
0x1a9: {  	v22 =	vor.u32 $0x9, v6;
	v14 =	vld.idx.msk [tilespmem:v14+s26+$0x0], $0xffff  }
0x1aa: {  	v20 =	vor.u32 $0x8, v5;
	v7 =	vld.idx.msk [tilespmem:v7+s26+$0x0], $0xffff;
	v2 =	vadd.f32 v10, v2  }
0x1ab: {  	v23 =	vor.u32 $0xA, v6;
	v24 =	vor.u32 $0xB, v6;
	v25 =	vor.u32 $0xC, v6;
	v9 =	vld.idx.msk [tilespmem:v16+s26+$0x0], $0xffff  }
0x1ac: {  	v48 =	vor.u32 $0xD, v6;
	v21 =	vld.idx.msk [tilespmem:v21+s26+$0x0], $0xffff;
	v16 =	vor.u32 $0x9, v5;
	v2 =	vadd.f32 v12, v2  }
0x1ad: {  	v50 =	vor.u32 $0xE, v6;
	v6 =	vor.u32 $0xF, v6;
	v4 =	vadd.f32 v4, v8;
	v3 =	vld.idx.msk [tilespmem:v18+s26+$0x0], $0xffff  }
0x1ae: {  	v22 =	vld.idx.msk [tilespmem:v22+s26+$0x0], $0xffff;
	v18 =	vor.u32 $0xA, v5;
	v2 =	vadd.f32 v14, v2  }
0x1af: {  	v8 =	vor.u32 $0xD, v5;
	v4 =	vadd.f32 v7, v4;
	v10 =	vld.idx.msk [tilespmem:v20+s26+$0x0], $0xffff  }
0x1b0: {  	v47 =	vor.u32 $0xB, v5;
	v49 =	vld.idx.msk [tilespmem:v24+s26+$0x0], $0xffff;
	v2 =	vadd.f32 v9, v2  }
0x1b1: {  	v4 =	vadd.f32 v11, v4;
	v12 =	vld.idx.msk [tilespmem:v16+s26+$0x0], $0xffff  }
0x1b2: {  	v6 =	vld.idx.msk [tilespmem:v6+s26+$0x0], $0xffff;
	v16 =	vor.u32 $0xC, v5;
	v2 =	vadd.f32 v3, v2  }
0x1b3: {  	s25 =	simm.s32 $0x30;
	v4 =	vadd.f32 v13, v4;
	v14 =	vld.idx.msk [tilespmem:v18+s26+$0x0], $0xffff  }
0x1b4: {  	v7 =	vor.u32 $0xE, v5;
	v11 =	vmov s25;
	v8 =	vld.idx.msk [tilespmem:v8+s26+$0x0], $0xffff;
	v2 =	vadd.f32 v10, v2  }
0x1b5: {  	v11 =	vshll.u32 v11, $0x4;
	v4 =	vadd.f32 v15, v4;
	v9 =	vld.idx.msk [tilespmem:v47+s26+$0x0], $0xffff  }
0x1b6: {  	s9 =	simm.s32 $0x20;
	v5 =	vor.u32 $0xF, v5;
	v13 =	vor.u32 v1, v11;
	v11 =	vld.idx.msk [tilespmem:v48+s26+$0x0], $0xffff;
	v12 =	vadd.f32 v12, v2  }
0x1b7: {  	v4 =	vadd.f32 v17, v4;
	v3 =	vld.idx.msk [tilespmem:v16+s26+$0x0], $0xffff;
	v10 =	vmov s9  }
0x1b8: {  	v18 =	vld.idx.msk [tilespmem:v23+s26+$0x0], $0xffff;
	v10 =	vshll.u32 v10, $0x4;
	v12 =	vadd.f32 v14, v12  }
0x1b9: {  	v7 =	vld.idx.msk [tilespmem:v7+s26+$0x0], $0xffff;
	v4 =	vadd.f32 v19, v4;
	v2 =	vor.u32 v1, v10  }
0x1ba: {  	v15 =	vld.idx.msk [tilespmem:v50+s26+$0x0], $0xffff;
	v14 =	vor.u32 $0x1, v13;
	v9 =	vadd.f32 v9, v12  }
0x1bb: {  	v5 =	vld.idx.msk [tilespmem:v5+s26+$0x0], $0xffff;
	v4 =	vadd.f32 v21, v4;
	v10 =	vor.u32 $0x1, v2  }
0x1bc: {  	v16 =	vld.idx.msk [tilespmem:v25+s26+$0x0], $0xffff;
	v12 =	vor.u32 $0x2, v13;
	v3 =	vadd.f32 v3, v9  }
0x1bd: {  	v51 =	vld.idx.msk [tilespmem:v13+s26+$0x0], $0xffff;
	v17 =	vor.u32 $0x2, v2;
	v4 =	vadd.f32 v22, v4  }
0x1be: {  	v53 =	vor.u32 $0x3, v13;
	v19 =	vld.idx.msk [tilespmem:v2+s26+$0x0], $0xffff;
	v3 =	vadd.f32 v8, v3  }
0x1bf: {  	v52 =	vor.u32 $0x3, v2;
	v4 =	vadd.f32 v18, v4;
	v14 =	vld.idx.msk [tilespmem:v14+s26+$0x0], $0xffff  }
0x1c0: {  	v9 =	vld.idx.msk [tilespmem:v10+s26+$0x0], $0xffff;
	v3 =	vadd.f32 v7, v3  }
0x1c1: {  	v4 =	vadd.f32 v49, v4;
	v10 =	vor.u32 $0x4, v2;
	v12 =	vld.idx.msk [tilespmem:v12+s26+$0x0], $0xffff  }
0x1c2: {  	v54 =	vor.u32 $0x4, v13;
	v8 =	vld.idx.msk [tilespmem:v17+s26+$0x0], $0xffff;
	v3 =	vadd.f32 v5, v3  }
0x1c3: {  	v56 =	vld.idx.msk [tilespmem:v53+s26+$0x0], $0xffff;
	v4 =	vadd.f32 v16, v4;
	v17 =	vor.u32 $0x5, v2  }
0x1c4: {  	v55 =	vor.u32 $0x5, v13;
	v7 =	vld.idx.msk [tilespmem:v52+s26+$0x0], $0xffff;
	v14 =	vadd.f32 v14, v51;
	v3 =	vmul.f32 $2.500000000e-01, v3  }
0x1c5: {  	v18 =	vor.u32 $0x6, v2;
	v4 =	vadd.f32 v11, v4;
	v5 =	vadd.f32 v9, v19  }
0x1c6: {  	v57 =	vor.u32 $0x6, v13;
	v9 =	vld.idx.msk [tilespmem:v10+s26+$0x0], $0xffff;
	v12 =	vadd.f32 v12, v14;
	v3 =	vmul.f32 $1.442695020e+00, v3  }
0x1c7: {  	v58 =	vld.idx.msk [tilespmem:v54+s26+$0x0], $0xffff;
	v4 =	vadd.f32 v15, v4;
	v19 =	vor.u32 $0x7, v2;
	v5 =	vadd.f32 v8, v5  }
0x1c8: {  	v8 =	vld.idx.msk [tilespmem:v17+s26+$0x0], $0xffff;
	(erf) = vpow2.f32 v3;
	v3 =	vadd.f32 v56, v12;
	v12 =	vor.u32 $0xA, v2  }
0x1c9: {  	v59 =	vld.idx.msk [tilespmem:v55+s26+$0x0], $0xffff;
	v10 =	vor.u32 $0x7, v13;
	v4 =	vadd.f32 v6, v4;
	v5 =	vadd.f32 v7, v5  }
0x1ca: {  	v16 =	vor.u32 $0x8, v2;
	v7 =	vld.idx.msk [tilespmem:v18+s26+$0x0], $0xffff  }
0x1cb: {  	v17 =	vor.u32 $0x8, v13;
	v4 =	vmul.f32 $2.500000000e-01, v4;
	v18 =	vld.idx.msk [tilespmem:v57+s26+$0x0], $0xffff;
	v5 =	vadd.f32 v9, v5  }
0x1cc: {  	v11 =	vor.u32 $0x9, v2;
	v14 =	vor.u32 $0x9, v13;
	v9 =	vld.idx.msk [tilespmem:v19+s26+$0x0], $0xffff  }
0x1cd: {  	v3 =	vadd.f32 v58, v3;
	v5 =	vadd.f32 v8, v5;
	v8 =	vld.idx.msk [tilespmem:v12+s26+$0x0], $0xffff;
	v12 =	vmul.f32 $1.442695020e+00, v4  }
0x1ce: {  	v15 =	vld.idx.msk [tilespmem:v10+s26+$0x0], $0xffff;
	v19 =	vor.u32 $0xA, v13  }
0x1cf: {  	v60 =	vor.u32 $0xB, v2;
	v16 =	vld.idx.msk [tilespmem:v16+s26+$0x0], $0xffff;
	v3 =	vadd.f32 v59, v3;
	(erf) = vpow2.f32 v12  }
0x1d0: {  	v61 =	vor.u32 $0xB, v13;
	v17 =	vld.idx.msk [tilespmem:v17+s26+$0x0], $0xffff;
	v5 =	vadd.f32 v7, v5  }
0x1d1: {  	v63 =	vor.u32 $0xC, v2;
	v62 =	vld.idx.msk [tilespmem:v11+s26+$0x0], $0xffff;
	v3 =	vadd.f32 v18, v3  }
0x1d2: {  	v6 =	vor.u32 $0xC, v13;
	v10 =	vld.idx.msk [tilespmem:v14+s26+$0x0], $0xffff;
	v7 =	vadd.f32 v9, v5  }
0x1d3: {  	v14 =	vor.u32 $0xD, v2;
	v11 =	vld.idx.msk [tilespmem:v19+s26+$0x0], $0xffff;
	v15 =	vadd.f32 v15, v3  }
0x1d4: {  	v4 =	vor.u32 $0xE, v13;
	v5 =	vor.u32 $0xD, v13;
	v9 =	vld.idx.msk [tilespmem:v60+s26+$0x0], $0xffff;
	v18 =	vadd.f32 v16, v7  }
0x1d5: {  	v3 =	vor.u32 $0xF, v13;
	v7 =	vld.idx.msk [tilespmem:v61+s26+$0x0], $0xffff;
	v13 =	vor.u32 $0xE, v2;
	v12 =	vpop (erf);
	v16 =	vadd.f32 v17, v15  }
0x1d6: {  	s19 =	simm.s32 $0x2;
	s25 =	simm.s32 $0x50;
	[tilespmem:s18+$0xFFFFFFF0] =	vst v12;
	v15 =	vadd.f32 v62, v18;
	v12 =	vld.idx.msk [tilespmem:v63+s26+$0x0], $0xffff  }
.LBB2_15:
0x1d7: {  	s3 =	sadd.s32 $0xFFFFFFF0, s25;
	v17 =	vmov s25;
	s19 =	sadd.s32 $0x2, s19;
	v18 =	vor.u32 $0xF, v2;
	v2 =	vadd.f32 v10, v16;
	v10 =	vld.idx.msk [tilespmem:v6+s26+$0x0], $0xffff  }
0x1d8: {  	v6 =	vmov s3;
	v16 =	vshll.u32 v17, $0x4;
	p3 =	slt.u32 s19, $0x6;
	v8 =	vadd.f32 v8, v15;
	v14 =	vld.idx.msk [tilespmem:v14+s26+$0x0], $0xffff;
	v15 =	vpop (erf)  }
0x1d9: {  	v6 =	vshll.u32 v6, $0x4;
	v16 =	vor.u32 v1, v16;
	v11 =	vadd.f32 v11, v2;
	v17 =	vld.idx.msk [tilespmem:v5+s26+$0x0], $0xffff;
	[tilespmem:s18+$0x0] =	vst v15  }
0x1da: {  	v2 =	vor.u32 v1, v6;
	v15 =	vor.u32 $0x1, v16;
	v5 =	vadd.f32 v9, v8;
	v8 =	vld.idx.msk [tilespmem:v13+s26+$0x0], $0xffff  }
0x1db: {  	v9 =	vor.u32 $0x2, v16;
	v13 =	vor.u32 $0x3, v16;
	v6 =	vor.u32 $0x1, v2;
	v19 =	vld.idx.msk [tilespmem:v4+s26+$0x0], $0xffff  }
0x1dc: {  	v20 =	vor.u32 $0x4, v16;
	v21 =	vor.u32 $0x5, v16;
	v4 =	vadd.f32 v12, v5;
	v12 =	vld.idx.msk [tilespmem:v18+s26+$0x0], $0xffff  }
0x1dd: {  	v22 =	vor.u32 $0x6, v16;
	v23 =	vor.u32 $0x7, v16;
	v18 =	vor.u32 $0x2, v2;
	v24 =	vld.idx.msk [tilespmem:v3+s26+$0x0], $0xffff  }
0x1de: {  	v26 =	vor.u32 $0x8, v16;
	v27 =	vor.u32 $0x9, v16;
	v25 =	vld.idx.msk [tilespmem:v16+s26+$0x0], $0xffff;
	v3 =	vadd.f32 v14, v4  }
0x1df: {  	v29 =	vor.u32 $0xA, v16;
	v30 =	vor.u32 $0xB, v16;
	v28 =	vor.u32 $0x3, v2;
	v14 =	vld.idx.msk [tilespmem:v2+s26+$0x0], $0xffff  }
0x1e0: {  	v5 =	vor.u32 $0xD, v16;
	v31 =	vld.idx.msk [tilespmem:v6+s26+$0x0], $0xffff;
	v6 =	vor.u32 $0xC, v16;
	v8 =	vadd.f32 v8, v3  }
0x1e1: {  	v32 =	vor.u32 $0x4, v2;
	v7 =	vadd.f32 v7, v11;
	v4 =	vor.u32 $0xE, v16;
	v15 =	vld.idx.msk [tilespmem:v15+s26+$0x0], $0xffff  }
0x1e2: {  	v3 =	vor.u32 $0xF, v16;
	v11 =	vld.idx.msk [tilespmem:v18+s26+$0x0], $0xffff;
	v8 =	vadd.f32 v12, v8  }
0x1e3: {  	v7 =	vadd.f32 v10, v7;
	v12 =	vor.u32 $0x5, v2;
	v9 =	vld.idx.msk [tilespmem:v9+s26+$0x0], $0xffff  }
0x1e4: {  	v10 =	vld.idx.msk [tilespmem:v28+s26+$0x0], $0xffff;
	v8 =	vmul.f32 $2.500000000e-01, v8  }
0x1e5: {  	v7 =	vadd.f32 v17, v7;
	v16 =	vor.u32 $0x6, v2;
	v13 =	vld.idx.msk [tilespmem:v13+s26+$0x0], $0xffff  }
0x1e6: {  	v14 =	vadd.f32 v31, v14;
	v17 =	vld.idx.msk [tilespmem:v32+s26+$0x0], $0xffff;
	v8 =	vmul.f32 $1.442695020e+00, v8  }
0x1e7: {  	v7 =	vadd.f32 v19, v7;
	v18 =	vor.u32 $0x7, v2;
	v15 =	vadd.f32 v15, v25;
	v20 =	vld.idx.msk [tilespmem:v20+s26+$0x0], $0xffff  }
0x1e8: {  	v11 =	vadd.f32 v11, v14;
	v12 =	vld.idx.msk [tilespmem:v12+s26+$0x0], $0xffff;
	(erf) = vpow2.f32 v8  }
0x1e9: {  	v7 =	vadd.f32 v24, v7;
	v8 =	vor.u32 $0x8, v2;
	v9 =	vadd.f32 v9, v15;
	v14 =	vld.idx.msk [tilespmem:v21+s26+$0x0], $0xffff  }
0x1ea: {  	v10 =	vadd.f32 v10, v11;
	v11 =	vld.idx.msk [tilespmem:v16+s26+$0x0], $0xffff  }
0x1eb: {  	v7 =	vmul.f32 $2.500000000e-01, v7;
	v15 =	vor.u32 $0x9, v2;
	v9 =	vadd.f32 v13, v9;
	v13 =	vld.idx.msk [tilespmem:v22+s26+$0x0], $0xffff  }
0x1ec: {  	v10 =	vadd.f32 v17, v10;
	v16 =	vld.idx.msk [tilespmem:v18+s26+$0x0], $0xffff  }
0x1ed: {  	v7 =	vmul.f32 $1.442695020e+00, v7;
	v17 =	vor.u32 $0xA, v2;
	v9 =	vadd.f32 v20, v9;
	v18 =	vld.idx.msk [tilespmem:v23+s26+$0x0], $0xffff  }
0x1ee: {  	v10 =	vadd.f32 v12, v10;
	v12 =	vld.idx.msk [tilespmem:v8+s26+$0x0], $0xffff  }
0x1ef: {  	v19 =	vor.u32 $0xB, v2;
	v8 =	vadd.f32 v14, v9;
	v20 =	vld.idx.msk [tilespmem:v26+s26+$0x0], $0xffff;
	(erf) = vpow2.f32 v7  }
0x1f0: {  	v7 =	vadd.f32 v11, v10;
	v15 =	vld.idx.msk [tilespmem:v15+s26+$0x0], $0xffff  }
0x1f1: {  	s18 =	sadd.s32 $0x20, s18;
	v21 =	vor.u32 $0xC, v2;
	v9 =	vadd.f32 v13, v8;
	v10 =	vld.idx.msk [tilespmem:v27+s26+$0x0], $0xffff;
	v11 =	vpop (erf)  }
.Ltmp6:
0x1f2: {  	v7 =	vadd.f32 v16, v7;
	v8 =	vld.idx.msk [tilespmem:v17+s26+$0x0], $0xffff;
	[tilespmem:s18+$0xFFFFFFF0] =	vst v11;
	(pc) =	sbr.rel @p3 .LBB2_15-.Ltmp6, $4  }
0x1f3: {  	v14 =	vor.u32 $0xD, v2;
	v16 =	vadd.f32 v18, v9;
	v11 =	vld.idx.msk [tilespmem:v29+s26+$0x0], $0xffff  }
0x1f4: {  	v12 =	vadd.f32 v12, v7;
	v9 =	vld.idx.msk [tilespmem:v19+s26+$0x0], $0xffff  }
0x1f5: {  	v13 =	vor.u32 $0xE, v2;
	v16 =	vadd.f32 v20, v16;
	v7 =	vld.idx.msk [tilespmem:v30+s26+$0x0], $0xffff  }
0x1f6: {  	s25 =	sadd.s32 $0x20, s25;
	v15 =	vadd.f32 v15, v12;
	v12 =	vld.idx.msk [tilespmem:v21+s26+$0x0], $0xffff  }
0x1f7: {  	_ =	sdelay $0x2  }
0x1f8: {  	v10 =	vadd.f32 v10, v16  }
0x1f9: {  	v2 =	vor.u32 $0xF, v2;
	v6 =	vld.idx.msk [tilespmem:v6+s26+$0x0], $0xffff;
	v8 =	vadd.f32 v8, v15  }
0x1fa: {  	v14 =	vld.idx.msk [tilespmem:v14+s26+$0x0], $0xffff;
	v10 =	vadd.f32 v11, v10  }
0x1fb: {  	v5 =	vld.idx.msk [tilespmem:v5+s26+$0x0], $0xffff;
	v8 =	vadd.f32 v9, v8  }
0x1fc: {  	v61 =	vld.idx.msk [tilespmem:v13+s26+$0x0], $0xffff;
	v7 =	vadd.f32 v7, v10  }
0x1fd: {  	v4 =	vld.idx.msk [tilespmem:v4+s26+$0x0], $0xffff;
	v8 =	vadd.f32 v12, v8  }
0x1fe: {  	v2 =	vld.idx.msk [tilespmem:v2+s26+$0x0], $0xffff;
	v6 =	vadd.f32 v6, v7  }
0x1ff: {  	v3 =	vld.idx.msk [tilespmem:v3+s26+$0x0], $0xffff;
	v62 =	vadd.f32 v14, v8  }
0x200: {  	v5 =	vadd.f32 v5, v6  }
0x201: {  	v63 =	vadd.f32 v61, v62  }
0x202: {  	v4 =	vadd.f32 v4, v5  }
0x203: {  	v2 =	vadd.f32 v2, v63  }
0x204: {  	v3 =	vadd.f32 v3, v4  }
0x205: {  	v2 =	vmul.f32 $2.500000000e-01, v2  }
0x206: {  	v3 =	vmul.f32 $2.500000000e-01, v3  }
0x207: {  	v2 =	vmul.f32 $1.442695020e+00, v2  }
0x208: {  	v3 =	vmul.f32 $1.442695020e+00, v3  }
0x209: {  	(erf) = vpow2.f32 v2  }
0x20a: {  	(erf) = vpow2.f32 v3;
	_ =	sdelay $0x6  }
0x20b: {  	v2 =	vpop (erf)  }
0x20c: {  	s3 =	sadd.s32 $0x20, s18;
	[tilespmem:s18+$0x0] =	vst v2;
	v2 =	vpop (erf)  }
0x20d: {  	v3 =	vmov s15;
	[tilespmem:s3+$0xFFFFFFF0] =	vst v2;
	v2 =	vpop (erf)  }
0x20e: {  	[tilespmem:s3+$0x0] =	vst v2;
	s3 =	simm.s32 @!p2 $0x4  }
0x20f: {  	_ =	swait.ge @!p2 [sflag:s3], $0x1800  }
0x210: {  	[sflag:s3] =	ssyncset.done @!p2 $0x0  }
0x211: {  	[sflag:s3] =	ssyncadd.s32 @!p2 $0xFFFFE800;
	s3 =	simm.s32 $0x0  }
0x212: {  	s9 =	simm.s32 $0x0;
	s13 =	simm.s32 $0x40;
	v2 =	vld.idx.msk [tilespmem:v3+s3+$0x0 ss:$0x1], $0xffff  }
.LBB2_17:
0x213: {  	p2 =	sne.s32 s13, $0x1C0  }
.Ltmp7:
0x214: {  	_ = 	snop;
	(pc) =	sbr.rel @p2 .LBB2_17-.Ltmp7, $3  }
0x215: {  	_ =	sdelay $0x1  }
0x216: {  	s14 =	sshra.s32 s13, $0x2;
	s13 =	sadd.s32 $0x40, s13  }
0x217: {  	[tilespmem:s3+$0x5280] =	vst v2;
	v2 =	vld.idx.msk [tilespmem:v3+s14+$0x0 ss:$0x1], $0xffff;
	s3 =	smov.u32 s14  }
0x218: {  	v3 =	vmov s9;
	s19 =	simm.s32 $0x1  }
0x219: {  	s25 =	simm.s32 $0x2;
	v3 =	vand.u32 $0xFFFFFFFC, v3;
	v4 =	vmov s19  }
0x21a: {  	v5 =	vmov s25;
	v3 =	vbroadcast v3, $0x0;
	v4 =	vand.u32 $0xFFFFFFFD, v4  }
0x21b: {  	v5 =	vand.u32 $0xFFFFFFFE, v5;
	v4 =	vbroadcast v4, $0x0  }
0x21c: {  	v6 =	vbroadcast v5, $0x0;
	_ =	sdelay $0x1  }
0x21d: {  	s18 =	simm.s32 $0x7B50;
	[tilespmem:s3+$0x5280] =	vst v2  }
0x21e: {  	s9 =	simm.s32 $0x3;
	s13 =	simm.s32 $0x4;
	v7 =	vld [tilespmem:s18+$0x0]  }
0x21f: {  	s14 =	simm.s32 $0x5;
	v2 =	vmov s9;
	v17 =	vld.idx.msk [tilespmem:v3+s28+$0x0], $0xffff;
	v3 =	vmov s13  }
0x220: {  	s19 =	simm.s32 $0x7;
	v5 =	vld.idx.msk [tilespmem:v4+s28+$0x0], $0xffff;
	v3 =	vand.u32 $0xFFFFFFFC, v3;
	v4 =	vmov s14  }
0x221: {  	v13 =	vld.idx.msk [tilespmem:v6+s28+$0x0], $0xffff;
	v6 =	vmov s19;
	v3 =	vbroadcast v3, $0x0;
	v4 =	vand.u32 $0xFFFFFFFD, v4  }
0x222: {  	v9 =	vld [tilespmem:s18+$0xFFFFFFC0];
	v8 =	vbroadcast v4, $0x0  }
0x223: {  	s25 =	simm.s32 $0x6;
	v10 =	vld [tilespmem:s18+$0xFFFFFFE0]  }
0x224: {  	v4 =	vld.idx.msk [tilespmem:v2+s28+$0x0], $0xffff;
	v2 =	vmov s25  }
0x225: {  	v11 =	vld [tilespmem:s18+$0x20];
	v2 =	vand.u32 $0xFFFFFFFE, v2  }
0x226: {  	v12 =	vbroadcast v2, $0x0;
	v2 =	vld.idx.msk [tilespmem:v6+s28+$0x0], $0xffff;
	v7 =	vmul.f32 v7, v13  }
0x227: {  	s19 =	simm.s32 $0xBBE0;
	v9 =	vmul.f32 v9, v17;
	v3 =	vld.idx.msk [tilespmem:v3+s28+$0x0], $0xffff  }
0x228: {  	s18 =	simm.s32 $0x9B20;
	[tilespmem:s19+$0x0] =	vst v7;
	v6 =	vld.idx.msk [tilespmem:v8+s28+$0x0], $0xffff;
	v8 =	vmul.f32 v10, v5  }
0x229: {  	[tilespmem:s19+$0xFFFFFFA0] =	vst v9;
	v15 =	vld [tilespmem:s18+$0x0]  }
0x22a: {  	s9 =	simm.s32 $0x8;
	v16 =	vld [tilespmem:s18+$0xFFFFFFE0];
	[tilespmem:s19+$0xFFFFFFD0] =	vst v8  }
0x22b: {  	s13 =	simm.s32 $0x9;
	s25 =	simm.s32 $0x7BD0;
	v7 =	vmul.f32 v11, v4;
	v8 =	vmov s9;
	v9 =	vld [tilespmem:s18+$0xFFFFFFF0]  }
0x22c: {  	s14 =	simm.s32 $0xB;
	v11 =	vld [tilespmem:s25+$0x0];
	[tilespmem:s19+$0xFFFFFFC0] =	vst v17;
	v10 =	vmov s13;
	v8 =	vand.u32 $0xFFFFFFFC, v8  }
0x22d: {  	v14 =	vmov s14;
	[tilespmem:s19+$0x30] =	vst v7;
	v7 =	vld.idx.msk [tilespmem:v12+s28+$0x0], $0xffff;
	v12 =	vand.u32 $0xFFFFFFFD, v10;
	v10 =	vbroadcast v8, $0x0  }
0x22e: {  	[tilespmem:s19+$0x20] =	vst v13;
	v8 =	vbroadcast v12, $0x0;
	v12 =	vld [tilespmem:s25+$0xFFFFFFC0];
	v15 =	vmul.f32 v15, v13  }
0x22f: {  	s3 =	simm.s32 $0xC;
	s14 =	simm.s32 $0xBBE0;
	s9 =	simm.s32 $0xA;
	[tilespmem:s19+$0xFFFFFFF0] =	vst v5;
	v16 =	vmul.f32 v16, v17;
	v13 =	vld [tilespmem:s25+$0xFFFFFFE0]  }
.LBB2_19:
0x230: {  	p2 =	slt.u32 s3, $0x7C;
	v19 =	vmov s9;
	v18 =	vld [tilespmem:s25+$0x20];
	v9 =	vmul.f32 v9, v5;
	[tilespmem:s19+$0x10] =	vst v15;
	v5 =	vmov v6  }
0x231: {  	v6 =	vand.u32 $0xFFFFFFFE, v19;
	[tilespmem:s19+$0xFFFFFFB0] =	vst v16;
	v15 =	vld [tilespmem:s18+$0x10]  }
0x232: {  	v17 =	vmov v7;
	v16 =	vbroadcast v6, $0x0;
	v14 =	vld.idx.msk [tilespmem:v14+s28+$0x0], $0xffff;
	v11 =	vmul.f32 v11, v7;
	[tilespmem:s19+$0xFFFFFFE0] =	vst v9  }
0x233: {  	s19 =	sadd.s32 $0xC0, s19;
	v19 =	vld.idx.msk [tilespmem:v10+s28+$0x0], $0xffff;
	v7 =	vmul.f32 v12, v3;
	[tilespmem:s14+$0x50] =	vst v4  }
0x234: {  	s18 =	sadd.s32 $0x40, s18;
	v6 =	vld.idx.msk [tilespmem:v8+s28+$0x0], $0xffff;
	v8 =	vmul.f32 v13, v5;
	[tilespmem:s19+$0x0] =	vst v11  }
0x235: {  	[tilespmem:s19+$0xFFFFFFA0] =	vst v7;
	v13 =	vld [tilespmem:s18+$0x0];
	v7 =	vmul.f32 v18, v2  }
0x236: {  	v18 =	vld [tilespmem:s18+$0xFFFFFFE0];
	[tilespmem:s19+$0xFFFFFFD0] =	vst v8;
	v8 =	vmul.f32 v15, v4;
	v4 =	vmov v2  }
.Ltmp8:
0x237: {  	s9 =	sadd.s32 $0x1, s3;
	v12 =	vmov s3;
	v9 =	vld [tilespmem:s18+$0xFFFFFFF0];
	[tilespmem:s19+$0x30] =	vst v7;
	(pc) =	sbr.rel @p2 .LBB2_19-.Ltmp8, $4  }
0x238: {  	s25 =	sadd.s32 $0x80, s25;
	v10 =	vand.u32 $0xFFFFFFFC, v12;
	v11 =	vmov s9;
	s9 =	sadd.s32 $0x3, s3;
	v2 =	vmov v14;
	v7 =	vld.idx.msk [tilespmem:v16+s28+$0x0], $0xffff;
	[tilespmem:s14+$0x40] =	vst v8;
	s14 =	smov.u32 s19  }
0x239: {  	v10 =	vbroadcast v10, $0x0;
	v14 =	vmov s9;
	v8 =	vand.u32 $0xFFFFFFFD, v11;
	v11 =	vld [tilespmem:s25+$0x0];
	[tilespmem:s19+$0xFFFFFFF0] =	vst v5  }
0x23a: {  	v8 =	vbroadcast v8, $0x0;
	v12 =	vld [tilespmem:s25+$0xFFFFFFC0];
	v15 =	vmul.f32 v13, v17;
	[tilespmem:s19+$0x20] =	vst v17  }
0x23b: {  	s9 =	sadd.s32 $0x2, s3;
	s3 =	sadd.s32 $0x4, s3;
	v13 =	vld [tilespmem:s25+$0xFFFFFFE0];
	v16 =	vmul.f32 v18, v3;
	[tilespmem:s19+$0xFFFFFFC0] =	vst v3;
	v3 =	vmov v19  }
0x23c: {  	_ =	sdelay $0x1  }
0x23d: {  	v18 =	vld [tilespmem:s25+$0x20];
	[tilespmem:s19+$0x10] =	vst v15  }
0x23e: {  	v5 =	vmul.f32 v9, v5;
	v48 =	vld [tilespmem:s18+$0x10];
	[tilespmem:s14+$0x50] =	vst v4  }
0x23f: {  	v14 =	vld.idx.msk [tilespmem:v14+s28+$0x0], $0xffff;
	[tilespmem:s19+$0xFFFFFFB0] =	vst v16;
	v11 =	vmul.f32 v11, v7  }
0x240: {  	v17 =	vmov s9;
	v49 =	vld.idx.msk [tilespmem:v10+s28+$0x0], $0xffff;
	s3 =	sadd.s32 $0xC0, s19;
	[tilespmem:s19+$0xFFFFFFE0] =	vst v5;
	v50 =	vmul.f32 v12, v3  }
0x241: {  	v8 =	vld.idx.msk [tilespmem:v8+s28+$0x0], $0xffff;
	s13 =	sadd.s32 $0x80, s25;
	v47 =	vand.u32 $0xFFFFFFFE, v17;
	[tilespmem:s3+$0x0] =	vst v11  }
0x242: {  	v57 =	vld [tilespmem:s13+$0xFFFFFFC0];
	v9 =	vbroadcast v47, $0x0;
	s19 =	sadd.s32 $0x40, s18;
	v51 =	vmul.f32 v13, v6;
	[tilespmem:s3+$0xFFFFFFA0] =	vst v50  }
0x243: {  	v52 =	vld [tilespmem:s19+$0x0];
	[tilespmem:s3+$0x20] =	vst v7  }
0x244: {  	v58 =	vld [tilespmem:s13+$0xFFFFFFE0];
	v53 =	vmul.f32 v18, v2;
	[tilespmem:s3+$0xFFFFFFD0] =	vst v51  }
0x245: {  	v55 =	vmul.f32 v48, v4;
	v54 =	vld [tilespmem:s19+$0xFFFFFFE0];
	[tilespmem:s3+$0xFFFFFFC0] =	vst v3  }
0x246: {  	v56 =	vld [tilespmem:s13+$0x0];
	[tilespmem:s3+$0x30] =	vst v53  }
0x247: {  	v12 =	vld [tilespmem:s19+$0xFFFFFFF0];
	[tilespmem:s14+$0x40] =	vst v55  }
0x248: {  	v61 =	vmul.f32 v57, v49;
	[tilespmem:s3+$0xFFFFFFF0] =	vst v6;
	v9 =	vld.idx.msk [tilespmem:v9+s28+$0x0], $0xffff  }
0x249: {  	s25 =	sadd.s32 $0xC0, s3;
	v60 =	vld [tilespmem:s19+$0x10];
	[tilespmem:s3+$0x50] =	vst v2;
	v10 =	vmul.f32 v52, v7  }
0x24a: {  	[tilespmem:s25+$0xFFFFFFA0] =	vst v61;
	v7 =	vmul.f32 v58, v8;
	v13 =	vmul.f32 v54, v3;
	v3 =	vld [tilespmem:s13+$0x20]  }
0x24b: {  	[tilespmem:s3+$0x10] =	vst v10  }
0x24c: {  	s9 =	sadd.s32 $0x40, s19;
	[tilespmem:s25+$0xFFFFFFD0] =	vst v7  }
0x24d: {  	v59 =	vmul.f32 v12, v6;
	v6 =	vld [tilespmem:s9+$0xFFFFFFE0];
	[tilespmem:s25+$0xFFFFFFC0] =	vst v49  }
0x24e: {  	[tilespmem:s3+$0xFFFFFFB0] =	vst v13;
	v4 =	vmul.f32 v56, v9  }
0x24f: {  	v7 =	vld [tilespmem:s9+$0xFFFFFFF0];
	[tilespmem:s25+$0xFFFFFFF0] =	vst v8;
	v3 =	vmul.f32 v3, v14  }
0x250: {  	v2 =	vmul.f32 v60, v2;
	[tilespmem:s25+$0x0] =	vst v4  }
0x251: {  	v4 =	vld [tilespmem:s9+$0x0];
	[tilespmem:s25+$0x30] =	vst v3  }
0x252: {  	[tilespmem:s3+$0x40] =	vst v2;
	v2 =	vld [tilespmem:s9+$0x10]  }
0x253: {  	[tilespmem:s3+$0xFFFFFFE0] =	vst v59;
	v62 =	vmul.f32 v6, v49  }
0x254: {  	[tilespmem:s25+$0x20] =	vst v9  }
0x255: {  	v63 =	vmul.f32 v7, v8;
	[tilespmem:s25+$0xFFFFFFB0] =	vst v62  }
0x256: {  	[tilespmem:s25+$0x50] =	vst v14;
	v3 =	vmul.f32 v4, v9  }
0x257: {  	[tilespmem:s25+$0xFFFFFFE0] =	vst v63;
	v2 =	vmul.f32 v2, v14  }
0x258: {  	s3 =	sadd.s32 $0x3, s17;
	[tilespmem:s25+$0x10] =	vst v3  }
0x259: {  	p2 =	sge.u32 s3, s8;
	[tilespmem:s25+$0x40] =	vst v2  }
0x25a: {  	[spmem:s2] =	stream.indirect.scatter.add.f32 [tilespmem:s0], [sflag:$0x4], $0x30, s1, s24, $0xb8;
	[tilespmem:$0x153B0] =	vst v63  }
0x25b: {  	s3 =	sshll.u32 @!p2 s3, $0x7;
	s13 =	simm.s32 @!p2 $0x7B00;
	s9 =	simm.s32 @!p2 $0x80  }
0x25c: {  	[tilespmem:s13], [sflag:$0x2] =	stream.indirect.gather @!p2 [hbm4b:s6+s9], $0x20, s3, s9, $0xb8;
	[tilespmem:$0x153B0] =	vst v63  }
0x25d: {  	s13 =	sadd.s32 @!p2 $0x2900, s3;
	s3 =	sadd.s32 @!p2 s4, s3  }
0x25e: {  	s14 =	simm.s32 @!p2 $0x8B00;
	s3 =	sshll.u32 @!p2 s3, $0x1  }
0x25f: {  	[tilespmem:s14], [sflag:$0x2] =	stream.indirect.gather @!p2 [hbm4b:s7+s9], $0x20, s13, s9, $0xb8;
	[tilespmem:$0x153B0] =	vst v63  }
0x260: {  	s11 =	sadd.s32 $0x1, s11;
	s3 =	sand.u32 @!p2 $0x1FFFFF00, s3  }
0x261: {  	s9 =	simm.s32 @!p2 $0x0;
	s13 =	simm.s32 @!p2 $0x9B00;
	s3 =	sadd.s32 @!p2 s5, s3  }
0x262: {  	[tilespmem:s13], [sflag:$0x2] =	stream.linear.gather @!p2 [hbm4b:s3+s9], $0x800, $0x38;
	[tilespmem:$0x153B0] =	vst v63  }
0x263: {  	p2 =	sne.s32 s11, s16  }
.Ltmp9:
0x264: {  	_ = 	snop;
	(pc) =	sbr.rel @p2 .LBB2_4-.Ltmp9, $2  }
0x265: {  	_ =	sdelay $0x2  }
0x266: {  	s12 =	sadd.s32 $0x100, s12;
	s15 =	sadd.s32 $0x100, s15  }
0x267: {  	s3 =	simm.s32 $0x3  }
0x268: {  	_ =	swait.ge [sflag:s3], $0x1800  }
0x269: {  	[sflag:s3] =	ssyncset.done $0x0  }
0x26a: {  	s18 =	simm.s32 $0x4;
	[sflag:s3] =	ssyncadd.s32 $0xFFFFE800  }
0x26b: {  	_ =	swait.ge [sflag:s18], $0x1800  }
0x26c: {  	[sflag:s18] =	ssyncset.done $0x0  }
0x26d: {  	[sflag:s18] =	ssyncadd.s32 $0xFFFFE800  }
0x26e: {  	s19 =	stileid.u32;
	[bflag:$0x0] =	sbarrier.arrive $0xFFFF  }
0x26f: {  	s3 =	sshll.u32 s19, $0x6;
	s9 =	rddreg [dreg:$0xa]  }
0x270: {  	s3 =	sor.u32 $0x1C05, s3;
	s11 =	rddreg [dreg:$0xd]  }
0x271: {  	[hbm:s9], [sflag:s3] =	dma.local [spmem:s11], $0xEA0  }
0x272: {  	_ =	swait.ge [sflag:s21], $0xEA0  }
0x273: {  	[sflag:s21] =	ssyncset.done $0x0;
	s15 =	rddreg [dreg:$0x7]  }
0x274: {  	s11 =	rddreg [dreg:$0xb];
	[sflag:s21] =	ssyncadd.s32 $0xFFFFF160;
	s9 =	sshrl.u32 @!p1 s15, $0x3  }
0x275: {  	[hbm:s11], [sflag:s3] =	dma.local @!p1 [spmem:s9], $0x60  }
0x276: {  	s3 =	simm.s32 @!p1 $0x5  }
0x277: {  	_ =	swait.ge @!p1 [sflag:s3], $0x60  }
0x278: {  	s10 =	sadd.s32 $0x1, s10;
	s25 =	rddreg [dreg:$0xc]  }
0x279: {  	p2 =	sne.s32 s10, s25  }
.Ltmp10:
0x27a: {  	_ = 	snop;
	(pc) =	sbr.rel @p2 .LBB2_1-.Ltmp10, $3  }
0x27b: {  	_ =	sdelay $0x1  }
0x27c: {  	[sflag:s3] =	ssyncset.done @!p1 $0x0  }
0x27d: {  	[sflag:s3] =	ssyncadd.s32 @!p1 $0xFFFFFFA0  }
0x27e: {  	_ =	sfence.sel $0x180000  }
0x27f: {  	[bflag:$0x0] =	sbarrier.arrive $0xFFFF  }
0x280: {  	_ =	strace $0x9000004A  }
0x281: {  	s0 =	stileid.u32;
	[bflag:$0x2] =	sbarrier.arrive $0xFFFF  }
0x282: {  	p0 =	sne.s32 s0, $0x0;
	s0 =	rddreg [dreg:$0x2]  }
0x283: {  	s0 =	sadd.s32 @!p0 $0x100000, s0  }
0x284: {  	[sflag:s0] =	ssyncadd.tile.s32 @!p0 $0x1;
	_ =	shalt  }
.Lfunc_end2:
_tile_overlayer_lowered:
.L_overlay_start_2:
0x285: {  	(tag) =	ssettag $0x2  }
0x286: {  	s0 =	rddreg [dreg:$0x0];
	s2 =	stileid.u32  }
0x287: {  	s1 =	rddreg [dreg:$0x1];
	p0 =	sne.s32 s2, $0x0  }
0x288: {  	s3 =	rddreg [dreg:$0x2];
	[bflag:$0x3] =	sbarrier.arrive $0xFFFF;
	s2 =	simm.s32 @!p0 $0x1C05  }
0x289: {  	[timem:s3], [sflag:s2] =	dma.local @!p0 [hbm:s0], s1  }
0x28a: {  	s0 =	simm.s32 @!p0 $0x5  }
0x28b: {  	_ =	swait.ge @!p0 [sflag:s0], s1  }
0x28c: {  	s1 =	ssub.s32 @!p0 $0x0, s1;
	[sflag:s0] =	ssyncset.done @!p0 $0x0  }
0x28d: {  	[sflag:s0] =	ssyncadd.s32 @!p0 s1  }
0x28e: {  	[bflag:$0x3] =	sbarrier.arrive $0xFFFF  }
0x28f: {  	_ =	shalt  }

// kernel: kernel.7.cloned.1.call-start
scs
__scs_entry_jumppad:
0x0: {  	(pc) =	sbr.rel $0x88, $3  }
0x1: {  	(tag) =	ssettag $0x0;
	lr =	simm.s32 $0x1  }
0x2: {  	[smem:$0x3F89] =	sst lr;
	_ =	strace $0xD0000000  }
0x3: {  	_ = 	snop  }
0x4: {  	_ = 	snop  }
0x5: {  	_ = 	snop  }
0x6: {  	_ = 	snop  }
0x7: {  	_ = 	snop  }
__scs_overlays_trampoline_lowered:
0x8: {  	[smem:$0x3F98] =	sst s0  }
0x9: {  	[smem:$0x3F99] =	sst s1  }
0xa: {  	[smem:$0x3F9A] =	sst s2  }
0xb: {  	[smem:$0x3F9B] =	sst s3  }
0xc: {  	[smem:$0x3F9C] =	sst s4  }
0xd: {  	[smem:$0x3F9D] =	sst s5  }
0xe: {  	[smem:$0x3F9E] =	sst s6  }
0xf: {  	[smem:$0x3F9F] =	sst s7  }
0x10: {  	[smem:$0x3FA0] =	sst s8  }
0x11: {  	[smem:$0x3FA1] =	sst s9;
	s0 =	simm.s32 @!p0 $0x0  }
0x12: {  	s1 =	sld [smem:$0x3F87];
	s0 =	simm.s32 @p0 $0x1  }
0x13: {  	[smem:$0x3FA2] =	sst s0;
	s0 =	simm.s32 @!p1 $0x0  }
0x14: {  	s2 =	sld [smem:$0x3F86];
	s0 =	simm.s32 @p1 $0x1  }
0x15: {  	[smem:$0x3FA3] =	sst s0;
	s0 =	simm.s32 @!p2 $0x0  }
0x16: {  	s3 =	sld [smem:$0x3FDB];
	s0 =	simm.s32 @p2 $0x1  }
0x17: {  	s4 =	simm.s32 $0x1BF5;
	[smem:$0x3FA5] =	sst s0  }
0x18: {  	s0 =	sld [smem:$0x3F88];
	_ =	swait.ge [sflag:s4], $0x0  }
0x19: {  	s7 =	sld [smem:$0x3F89]  }
0x1a: {  	s8 =	sadd.s32 $0xFFFFE003, lr  }
0x1b: {  	s9 =	sadd.s32 $0xFFFFFEF7, lr;
	s5 =	simm.s32 $0xFFFFFFFF;
	p2 =	slt.u32 s8, $0xFFFFF086  }
0x1c: {  	p1 =	slt.u32 s9, $0xF7A;
	s5 =	simm.s32 @!p2 $0x0  }
0x1d: {  	s5 =	simm.s32 @p1 $0x1;
	p0 =	seq.s32 s7, s2  }
0x1e: {  	s7 =	smul.u32 @!p0 $0xF7A, s2;
	p2 =	seq.s32 @!p0 s5, $0x0  }
0x1f: {  	s9 =	smul.u32 $0xF7A, s1;
	s8 =	simm.s32 @!p0 $0x1BF5;
	p2 =	por !p2, p0  }
0x20: {  	[sflag:s8] =	ssyncset.s32 @!p0 $0xFFFFF086;
	s6 =	sadd.s32 @!p0 s3, s7;
	s7 =	simm.s32 @!p0 $0x108  }
0x21: {  	s3 =	sadd.s32 s3, s9;
	s6 =	sadd.s32 @!p0 $0x88, s6;
	s7 =	simm.s32 @p2 $0x1082  }
0x22: {  	[simem:s7], [sflag:s8] =	dma.local @!p0 [hbm:s6], $0xF7A  }
0x23: {  	s9 =	sor.u32 $0xD0000000, s2;
	s6 =	simm.s32 $0x108;
	_ =	swait.ge @!p0 [sflag:s8], $0x0  }
0x24: {  	s3 =	sadd.s32 $0x88, s3;
	s6 =	simm.s32 @!p1 $0x1082;
	[sflag:s4] =	ssyncset.s32 $0xFFFFF086  }
0x25: {  	[simem:s6], [sflag:s4] =	dma.local [hbm:s3], $0xF7A  }
0x26: {  	[smem:$0x3F89] =	sst s1;
	(tag) =	ssettag s2;
	_ =	strace s9  }
0x27: {  	s1 =	sld [smem:$0x3F99]  }
0x28: {  	s2 =	sld [smem:$0x3F9A]  }
0x29: {  	s4 =	sld [smem:$0x3F9C]  }
0x2a: {  	p0 =	seq.s32 s5, $0x0;
	s5 =	sld [smem:$0x3F9D]  }
0x2b: {  	s6 =	sld [smem:$0x3F9E]  }
0x2c: {  	s7 =	sld [smem:$0x3F9F]  }
0x2d: {  	s3 =	simm.s32 $0x108;
	s8 =	sld [smem:$0x3FA0]  }
0x2e: {  	s3 =	simm.s32 @!p0 $0x1082;
	s9 =	sld [smem:$0x3FA1]  }
0x2f: {  	lr =	sadd.s32 s0, s3;
	s0 =	sld [smem:$0x3F98]  }
0x30: {  	s3 =	sld [smem:$0x3F9B]  }
0x31: {  	[smem:$0x3FA4] =	sst s10  }
0x32: {  	s10 =	sld [smem:$0x3FA2];
	_ =	sdelay $0x3  }
0x33: {  	p0 =	seq.s32 s10, $0x1;
	s10 =	sld [smem:$0x3FA4];
	_ =	sdelay $0x3  }
0x34: {  	[smem:$0x3FA4] =	sst s10  }
0x35: {  	s10 =	sld [smem:$0x3FA3];
	_ =	sdelay $0x3  }
0x36: {  	p1 =	seq.s32 s10, $0x1;
	s10 =	sld [smem:$0x3FA4];
	_ =	sdelay $0x3  }
0x37: {  	[smem:$0x3FA4] =	sst s10  }
0x38: {  	s10 =	sld [smem:$0x3FA5]  }
0x39: {  	_ = 	snop;
	(pc) =	sbr.ind lr, $3  }
0x3a: {  	_ = 	snop  }
0x3b: {  	_ = 	snop  }
0x3c: {  	p2 =	seq.s32 s10, $0x1;
	s10 =	sld [smem:$0x3FA4]  }
0x3d: {  	_ =	shalt  }
0x3e: {  	_ =	shalt  }
0x3f: {  	_ =	shalt  }
0x40: {  	_ =	shalt  }
0x41: {  	_ =	shalt  }
0x42: {  	_ =	shalt  }
0x43: {  	_ =	shalt  }
0x44: {  	_ =	shalt  }
0x45: {  	_ =	shalt  }
0x46: {  	_ =	shalt  }
0x47: {  	_ =	shalt  }
0x48: {  	_ =	shalt  }
0x49: {  	_ =	shalt  }
0x4a: {  	_ =	shalt  }
0x4b: {  	_ =	shalt  }
0x4c: {  	_ =	shalt  }
0x4d: {  	_ =	shalt  }
0x4e: {  	_ =	shalt  }
0x4f: {  	_ =	shalt  }
0x50: {  	_ =	shalt  }
0x51: {  	_ =	shalt  }
0x52: {  	_ =	shalt  }
0x53: {  	_ =	shalt  }
0x54: {  	_ =	shalt  }
0x55: {  	_ =	shalt  }
0x56: {  	_ =	shalt  }
0x57: {  	_ =	shalt  }
0x58: {  	_ =	shalt  }
0x59: {  	_ =	shalt  }
0x5a: {  	_ =	shalt  }
0x5b: {  	_ =	shalt  }
0x5c: {  	_ =	shalt  }
0x5d: {  	_ =	shalt  }
0x5e: {  	_ =	shalt  }
0x5f: {  	_ =	shalt  }
0x60: {  	_ =	shalt  }
0x61: {  	_ =	shalt  }
0x62: {  	_ =	shalt  }
0x63: {  	_ =	shalt  }
0x64: {  	_ =	shalt  }
0x65: {  	_ =	shalt  }
0x66: {  	_ =	shalt  }
0x67: {  	_ =	shalt  }
0x68: {  	_ =	shalt  }
0x69: {  	_ =	shalt  }
0x6a: {  	_ =	shalt  }
0x6b: {  	_ =	shalt  }
0x6c: {  	_ =	shalt  }
0x6d: {  	_ =	shalt  }
0x6e: {  	_ =	shalt  }
0x6f: {  	_ =	shalt  }
0x70: {  	_ =	shalt  }
0x71: {  	_ =	shalt  }
0x72: {  	_ =	shalt  }
0x73: {  	_ =	shalt  }
0x74: {  	_ =	shalt  }
0x75: {  	_ =	shalt  }
0x76: {  	_ =	shalt  }
0x77: {  	_ =	shalt  }
0x78: {  	_ =	shalt  }
0x79: {  	_ =	shalt  }
0x7a: {  	_ =	shalt  }
0x7b: {  	_ =	shalt  }
0x7c: {  	_ =	shalt  }
0x7d: {  	_ =	shalt  }
0x7e: {  	_ =	shalt  }
0x7f: {  	_ =	shalt  }
0x80: {  	_ =	shalt  }
0x81: {  	_ =	shalt  }
0x82: {  	_ =	shalt  }
0x83: {  	_ =	shalt  }
0x84: {  	_ =	shalt  }
0x85: {  	_ =	shalt  }
0x86: {  	_ =	shalt  }
0x87: {  	_ =	shalt  }
.Lfunc_end0:
.L_simem_size_0:
called_computation_lowered:
.L_overlay_start_0:
0x88: {  	s2 =	sld [smem:$0x3FD9]  }
0x89: {  	s3 =	sld [smem:$0x3FFE];
	_ =	sdelay $0x1  }
0x8a: {  	s1 =	srdreg.scid  }
0x8b: {  	s0 =	sand.u32 $0x1, s1  }
0x8c: {  	s16 =	sshll.u32 s0, $0xA;
	s2 =	sadd.s32 s3, s2  }
0x8d: {  	s2 =	sadd.s32 s2, s16  }
0x8e: {  	[smem:$0x3FB0] =	sst s2  }
0x8f: {  	_ = 	snop  }
0x90: {  	(tm) =	ssettm $0x1  }
0x91: {  	s17 =	sld [smem:$0x3FFB];
	_ =	sdelay $0x3  }
0x92: {  	_ =	strace s17  }
0x93: {  	s2 =	sld [smem:$0x3FFC];
	_ =	sdelay $0x3  }
0x94: {  	_ =	strace s2  }
0x95: {  	s2 =	sld [smem:$0x3FFD];
	_ =	sdelay $0x3  }
0x96: {  	_ =	strace s2  }
0x97: {  	_ =	strace $0x8FFFFFFF  }
0x98: {  	s18 =	sld [smem:$0x3FDB];
	_ =	sdelay $0x1  }
0x99: {  	s19 =	simm.s32 $_scs_section_size  }
0x9a: {  	s4 =	simm.s32 $_size__tile_overlayer_lowered;
	s5 =	simm.s32 $_tile_overlayer_lowered  }
0x9b: {  	s22 =	simm.s32 $0x1BFF;
	s21 =	sshll.u32 s5, $0x1;
	s2 =	sadd.s32 s19, s18  }
0x9c: {  	s6 =	simm.s32 $0x0;
	s20 =	sshll.u32 s4, $0x1;
	s4 =	sadd.s32 s21, s2  }
0x9d: {  	[timem:s6], [sflag:s22] =	dma.local [hbm:s4], s20  }
0x9e: {  	_ =	swait.ge [sflag:s22], s20  }
0x9f: {  	s3 =	ssub.s32 $0x0, s20;
	[sflag:s22] =	ssyncset.done $0x0  }
0xa0: {  	[sflag:s22] =	ssyncadd.s32 s3;
	_ =	sdelay $0x1  }
0xa1: {  	s23 =	simm.s32 $0x1B8B  }
0xa2: {  	_ =	swait.ge [sflag:s23], $0x1  }
0xa3: {  	[sflag:s23] =	ssyncset.done $0x0  }
0xa4: {  	s25 =	simm.s32 $0x1B8E;
	s24 =	sld [smem:$0x3FFE];
	[sflag:s23] =	ssyncadd.s32 $0xFFFFFFFF  }
0xa5: {  	s26 =	simm.s32 $execute0_lowered;
	[smem:$0x3FD2] =	sst s25  }
0xa6: {  	s4 =	sshll.u32 s26, $0x1;
	_ =	strace $0x80000046;
	[dreg:$0x1] =	wrdreg $0xFFFFFFFF  }
0xa7: {  	s28 =	simm.s32 $_size_execute0_lowered;
	s2 =	sadd.s32 s2, s4;
	[dreg:$0x0] =	wrdreg $0x0  }
0xa8: {  	s4 =	sshll.u32 s28, $0x1;
	[dreg:$0x2] =	wrdreg s2  }
0xa9: {  	[dreg:$0x3] =	wrdreg s4  }
0xaa: {  	[dreg:$0x4] =	wrdreg $0xC0  }
0xab: {  	_ =	task [dreg:s6], $0x5FFFF  }
0xac: {  	[dreg:$0x1] =	wrdreg $0xFFFFFFFF  }
0xad: {  	[dreg:$0x0] =	wrdreg $0x60  }
0xae: {  	[dreg:$0x2] =	wrdreg s24  }
0xaf: {  	[dreg:$0x3] =	wrdreg $0xFCC00  }
0xb0: {  	[dreg:$0x4] =	wrdreg $0x9  }
0xb1: {  	_ =	task.clear_ibuf [dreg:s6], $0x5FFFF;
	_ =	strace $0x90000046  }
0xb2: {  	s29 =	simm.s32 $0x9;
	_ =	strace $0x80000048  }
0xb3: {  	_ =	swait.ge [sflag:s29], $0x1  }
0xb4: {  	[sflag:s29] =	ssyncadd.s32 $0xFFFFFFFF  }
0xb5: {  	_ =	strace $0x90000048  }
0xb6: {  	_ =	sfence  }
0xb7: {  	s30 =	sld [smem:$0x0];
	_ =	sdelay $0x2  }
0xb8: {  	s31 =	sshll.u32 s1, $0xD;
	s1 =	sshrl.u32 s1, $0x2  }
0xb9: {  	s3 =	sand.u32 $0x4000, s31;
	s1 =	sadd.s32 s1, s30  }
0xba: {  	s0 =	sor.u32 s3, s0;
	s1 =	sshll.u32 s1, $0x11  }
0xbb: {  	s0 =	sor.u32 s1, s0  }
0xbc: {  	s0 =	sadd.s32 $0x8F2B, s0  }
0xbd: {  	[sflag:s0] =	ssyncadd.remote.s32 $0x1  }
0xbe: {  	_ =	sfence.sel $0xFFFF  }
0xbf: {  	[dreg:$0x0] =	wrdreg $0xFFFFFFFF;
	(pc) =	sbr.abs _section_cstart, $3  }
0xc0: {  	[dreg:$0x1] =	wrdreg $0xFFFFFFFF  }
0xc1: {  	_ =	task.clear_ibuf [dreg:s6], $0x2FFFF;
	_ =	strace $0x9FFFFFFF  }
0xc2: {  	(tm) =	ssettm $0x7FFFFFFF  }
0xc3: {  	_ =	shalt  }
tec
execute0_lowered:
.L_overlay_start_1:
0x0: {  	(tag) =	ssettag $0x1  }
0x1: {  	s0 =	srdreg.scid;
	s1 =	rddreg [dreg:$0x0]  }
0x2: {  	s14 =	stileid.u32;
	s2 =	rddreg [dreg:$0x1];
	s5 =	simm.s32 $0x0  }
0x3: {  	s23 =	simm.s32 $0xF6C0;
	s24 =	simm.s32 $0x40;
	s28 =	simm.s32 $0xC280  }
0x4: {  	s29 =	simm.s32 $0x5200;
	s30 =	simm.s32 $0xC2C0;
	s31 =	simm.s32 $0x2  }
0x5: {  	s0 =	sand.u32 $0x1, s0;
	s3 =	sshll.u32 s14, $0x1;
	[smem:$0x7FF] =	sst s5  }
0x6: {  	s5 =	sadd.s32 $0x4F9200, s1;
	s6 =	sadd.s32 $0x17200, s1;
	s7 =	sadd.s32 $0x3E400, s1  }
0x7: {  	s11 =	sadd.s32 $0x56C00, s1;
	s17 =	smul.u32 $0xEA00, s14;
	s18 =	sadd.s32 $0x17000, s1  }
0x8: {  	s15 =	sadd.s32 $0xEA000, s2;
	s21 =	smul.u32 $0x3A800, s14;
	p1 =	sne.s32 s14, $0xF  }
0x9: {  	s3 =	sor.u32 s0, s3;
	s8 =	ssub.s32 $0x2, s0;
	s0 =	smul.u32 $0xEA600, s0  }
0xa: {  	_ =	strace $0x80000047;
	[dreg:$0x5] =	wrdreg s18;
	s4 =	smul.u32 $0x2700, s3  }
0xb: {  	[dreg:$0x7] =	wrdreg s15;
	s10 =	sshrl.u32 s8, $0x1;
	s12 =	smul.u32 $0x4E00, s3  }
0xc: {  	p0 =	seq.s32 s3, $0x1F;
	s22 =	sadd.s32 s17, s2;
	s10 =	ssub.s32 s8, s10  }
0xd: {  	s8 =	simm.s32 $0xA4;
	s20 =	sadd.s32 s17, s0;
	s0 =	sshrl.u32 s0, $0x3  }
0xe: {  	s26 =	sshrl.u32 s22, $0x3;
	s22 =	simm.s32 $0x1;
	s16 =	sshrl.u32 s4, $0x3  }
0xf: {  	s8 =	simm.s32 @!p0 $0x9C;
	s19 =	sadd.s32 s5, s12;
	[dreg:$0xd] =	wrdreg s26  }
0x10: {  	s0 =	sadd.s32 s11, s0;
	s25 =	smax.u32 s10, $0x1;
	[dreg:$0x8] =	wrdreg s19  }
0x11: {  	s9 =	sadd.s32 s16, s1;
	s1 =	sadd.s32 $0xD200, s1;
	[dreg:$0xc] =	wrdreg s25  }
0x12: {  	p0 =	sne.s32 s3, $0x1F;
	s0 =	sadd.s32 $0x1D400, s0;
	[dreg:$0x6] =	wrdreg s1  }
0x13: {  	s26 =	simm.s32 $0xF2C0;
	s13 =	sadd.s32 $0xD400, s9;
	[dreg:$0xb] =	wrdreg s0  }
0x14: {  	s10 =	simm.s32 $0x0;
	s9 =	sadd.s32 $0x3600, s9;
	[dreg:$0x3] =	wrdreg s13  }
0x15: {  	s1 =	sshrl.u32 s20, $0x3;
	[dreg:$0x4] =	wrdreg s9;
	s9 =	sadd.s32 $0x80, s19  }
0x16: {  	s16 =	sshrl.u32 s8, $0x1;
	s1 =	sadd.s32 s11, s1;
	[dreg:$0x9] =	wrdreg s9  }
0x17: {  	v1 =	vlaneseq.u32;
	s0 =	simm.s32 $0xDAC0;
	[dreg:$0xa] =	wrdreg s1;
	s9 =	sshrl.u32 s21, $0x2  }
0x18: {  	v0 =	vimm.f32 $0.0e+00;
	v1 =	vmul.u32 $0x10, v1;
	s21 =	simm.s32 $0x5;
	s1 =	simm.s32 $0x5240;
	s20 =	sadd.s32 s9, s2  }
.LBB2_1:
0x19: {  	s3 =	simm.s32 $0x0;
	s9 =	rddreg [dreg:$0x3]  }
0x1a: {  	[tilespmem:s3], [sflag:$0x5] =	stream.linear.gather [hbm4b:s9+s3], $0x2700, $0x38;
	[tilespmem:$0x1E720] =	vst v63  }
0x1b: {  	_ =	swait.ge [sflag:s21], $0x2700  }
0x1c: {  	[sflag:s21] =	ssyncset.done $0x0  }
0x1d: {  	s11 =	simm.s32 $0x2900;
	s19 =	rddreg [dreg:$0x4];
	[sflag:s21] =	ssyncadd.s32 $0xFFFFD900  }
0x1e: {  	[tilespmem:s11], [sflag:$0x5] =	stream.linear.gather [hbm4b:s19+s3], $0x2700, $0x38;
	[tilespmem:$0x1E720] =	vst v63  }
0x1f: {  	_ =	swait.ge [sflag:s21], $0x2700  }
0x20: {  	s9 =	simm.s32 @!p0 $0x2700;
	[sflag:s21] =	ssyncset.done $0x0  }
0x21: {  	s3 =	simm.s32 @!p0 $0x0;
	s11 =	rddreg [dreg:$0x5];
	[sflag:s21] =	ssyncadd.s32 $0xFFFFD900  }
0x22: {  	[tilespmem:s9], [sflag:$0x5] =	stream.linear.gather @!p0 [hbm4b:s11+s3], $0x200, $0x38;
	[tilespmem:$0x1E720] =	vst v63  }
0x23: {  	s9 =	simm.s32 @!p0 $0x5  }
0x24: {  	_ =	swait.ge @!p0 [sflag:s9], $0x200  }
0x25: {  	[sflag:s9] =	ssyncset.done @!p0 $0x0  }
0x26: {  	s11 =	simm.s32 @!p0 $0x5000;
	s12 =	rddreg [dreg:$0x6];
	[sflag:s9] =	ssyncadd.s32 @!p0 $0xFFFFFE00  }
0x27: {  	[tilespmem:s11], [sflag:$0x5] =	stream.linear.gather @!p0 [hbm4b:s12+s3], $0x200, $0x38;
	[tilespmem:$0x1E720] =	vst v63  }
0x28: {  	_ =	swait.ge @!p0 [sflag:s9], $0x200  }
0x29: {  	[sflag:s9] =	ssyncset.done @!p0 $0x0  }
0x2a: {  	[sflag:s9] =	ssyncadd.s32 @!p0 $0xFFFFFE00  }
0x2b: {  	[tilespmem:$0xF6C0] =	vst v0  }
0x2c: {  	[tilespmem:$0xF6D0] =	vst v0  }
0x2d: {  	[tilespmem:$0xF6E0] =	vst v0  }
0x2e: {  	[tilespmem:$0xF6F0] =	vst v0  }
0x2f: {  	[tilespmem:$0xF700] =	vst v0  }
0x30: {  	[tilespmem:$0xF710] =	vst v0  }
0x31: {  	[tilespmem:$0xF720] =	vst v0  }
0x32: {  	[tilespmem:$0xF730] =	vst v0  }
0x33: {  	[tilespmem:$0xF740] =	vst v0  }
0x34: {  	[tilespmem:$0xF750] =	vst v0  }
0x35: {  	[tilespmem:$0xF760] =	vst v0  }
0x36: {  	[tilespmem:$0xF770] =	vst v0  }
0x37: {  	[tilespmem:$0xF780] =	vst v0  }
0x38: {  	[tilespmem:$0xF790] =	vst v0  }
0x39: {  	[tilespmem:$0xF7A0] =	vst v0  }
0x3a: {  	[tilespmem:$0xF7B0] =	vst v0  }
0x3b: {  	[tilespmem:$0xF7C0] =	vst v0  }
0x3c: {  	[tilespmem:$0xF7D0] =	vst v0  }
0x3d: {  	[tilespmem:$0xF7E0] =	vst v0  }
0x3e: {  	[tilespmem:$0xF7F0] =	vst v0  }
0x3f: {  	[tilespmem:$0xF800] =	vst v0  }
0x40: {  	[tilespmem:$0xF810] =	vst v0  }
0x41: {  	[tilespmem:$0xF820] =	vst v0  }
0x42: {  	[tilespmem:$0xF830] =	vst v0  }
0x43: {  	[tilespmem:$0xF840] =	vst v0  }
0x44: {  	[tilespmem:$0xF850] =	vst v0  }
0x45: {  	[tilespmem:$0xF860] =	vst v0  }
0x46: {  	[tilespmem:$0xF870] =	vst v0  }
0x47: {  	[tilespmem:$0xF880] =	vst v0  }
0x48: {  	[tilespmem:$0xF890] =	vst v0  }
0x49: {  	[tilespmem:$0xF8A0] =	vst v0  }
0x4a: {  	[tilespmem:$0xF8B0] =	vst v0  }
0x4b: {  	[tilespmem:$0xF8C0] =	vst v0  }
0x4c: {  	[tilespmem:$0xF8D0] =	vst v0  }
0x4d: {  	[tilespmem:$0xF8E0] =	vst v0  }
0x4e: {  	[tilespmem:$0xF8F0] =	vst v0  }
0x4f: {  	[tilespmem:$0xF900] =	vst v0  }
0x50: {  	[tilespmem:$0xF910] =	vst v0  }
0x51: {  	[tilespmem:$0xF920] =	vst v0  }
0x52: {  	[tilespmem:$0xF930] =	vst v0  }
0x53: {  	[tilespmem:$0xF940] =	vst v0  }
0x54: {  	[tilespmem:$0xF950] =	vst v0  }
0x55: {  	[tilespmem:$0xF960] =	vst v0  }
0x56: {  	[tilespmem:$0xF970] =	vst v0  }
0x57: {  	[tilespmem:$0xF980] =	vst v0  }
0x58: {  	[tilespmem:$0xF990] =	vst v0  }
0x59: {  	[tilespmem:$0xF9A0] =	vst v0  }
0x5a: {  	[tilespmem:$0xF9B0] =	vst v0  }
0x5b: {  	[tilespmem:$0xF9C0] =	vst v0  }
0x5c: {  	[tilespmem:$0xF9D0] =	vst v0  }
0x5d: {  	[tilespmem:$0xF9E0] =	vst v0  }
0x5e: {  	[tilespmem:$0xF9F0] =	vst v0  }
0x5f: {  	[tilespmem:$0xFA00] =	vst v0  }
0x60: {  	[tilespmem:$0xFA10] =	vst v0  }
0x61: {  	[tilespmem:$0xFA20] =	vst v0  }
0x62: {  	[tilespmem:$0xFA30] =	vst v0  }
0x63: {  	[tilespmem:$0xFA40] =	vst v0  }
0x64: {  	[tilespmem:$0xFA50] =	vst v0  }
0x65: {  	[tilespmem:$0xFA60] =	vst v0  }
0x66: {  	[tilespmem:$0xFA70] =	vst v0  }
0x67: {  	[tilespmem:$0xFA80] =	vst v0  }
0x68: {  	[tilespmem:$0xFA90] =	vst v0  }
0x69: {  	[tilespmem:$0xFAA0] =	vst v0  }
0x6a: {  	[tilespmem:$0xFAB0] =	vst v0  }
0x6b: {  	[tilespmem:$0xFAC0] =	vst v0  }
0x6c: {  	[tilespmem:$0xFAD0] =	vst v0  }
0x6d: {  	[tilespmem:$0xFAE0] =	vst v0  }
0x6e: {  	[tilespmem:$0xFAF0] =	vst v0  }
0x6f: {  	[tilespmem:$0xFB00] =	vst v0  }
0x70: {  	[tilespmem:$0xFB10] =	vst v0  }
0x71: {  	[tilespmem:$0xFB20] =	vst v0  }
0x72: {  	[tilespmem:$0xFB30] =	vst v0  }
0x73: {  	[tilespmem:$0xFB40] =	vst v0  }
0x74: {  	[tilespmem:$0xFB50] =	vst v0  }
0x75: {  	[tilespmem:$0xFB60] =	vst v0  }
0x76: {  	[tilespmem:$0xFB70] =	vst v0  }
0x77: {  	[tilespmem:$0xFB80] =	vst v0  }
0x78: {  	[tilespmem:$0xFB90] =	vst v0  }
0x79: {  	[tilespmem:$0xFBA0] =	vst v0  }
0x7a: {  	[tilespmem:$0xFBB0] =	vst v0  }
0x7b: {  	[tilespmem:$0xFBC0] =	vst v0  }
0x7c: {  	[tilespmem:$0xFBD0] =	vst v0  }
0x7d: {  	[tilespmem:$0xFBE0] =	vst v0  }
0x7e: {  	[tilespmem:$0xFBF0] =	vst v0  }
0x7f: {  	[tilespmem:$0xFC00] =	vst v0  }
0x80: {  	[tilespmem:$0xFC10] =	vst v0  }
0x81: {  	[tilespmem:$0xFC20] =	vst v0  }
0x82: {  	[tilespmem:$0xFC30] =	vst v0  }
0x83: {  	[tilespmem:$0xFC40] =	vst v0  }
0x84: {  	[tilespmem:$0xFC50] =	vst v0  }
0x85: {  	[tilespmem:$0xFC60] =	vst v0  }
0x86: {  	[tilespmem:$0xFC70] =	vst v0  }
0x87: {  	[tilespmem:$0xFC80] =	vst v0  }
0x88: {  	[tilespmem:$0xFC90] =	vst v0  }
0x89: {  	[tilespmem:$0xFCA0] =	vst v0  }
0x8a: {  	s25 =	sadd.s32 $0x0, s20;
	[tilespmem:$0xFCB0] =	vst v0  }
0x8b: {  	[spmem:s25] =	stream.linear.scatter [tilespmem:s23], [sflag:$0x5], $0x600, $0x38;
	[tilespmem:$0x1E720] =	vst v63  }
0x8c: {  	s3 =	simm.s32 $0x1800;
	_ =	swait.ge [sflag:s21], $0x600  }
.LBB2_2:
0x8d: {  	s9 =	sshra.s32 s3, $0x2;
	[sflag:s21] =	ssyncset.done $0x0;
	p2 =	sne.s32 s3, $0x39000  }
.Ltmp0:
0x8e: {  	s9 =	sadd.s32 s9, s20;
	[sflag:s21] =	ssyncadd.s32 $0xFFFFFA00;
	(pc) =	sbr.rel @p2 .LBB2_2-.Ltmp0, $3  }
0x8f: {  	[spmem:s9] =	stream.linear.scatter [tilespmem:s23], [sflag:$0x5], $0x600, $0x38;
	[tilespmem:$0x1E720] =	vst v63  }
0x90: {  	s3 =	sadd.s32 $0x1800, s3;
	_ =	sdelay $0x1  }
0x91: {  	_ =	swait.ge [sflag:s21], $0x600  }
0x92: {  	[sflag:s21] =	ssyncset.done $0x0  }
0x93: {  	s3 =	simm.s32 @!p1 $0xF6C0;
	[sflag:s21] =	ssyncadd.s32 $0xFFFFFA00  }
0x94: {  	[spmem:s15] =	stream.linear.scatter @!p1 [tilespmem:s3], [sflag:$0x5], $0x600, $0x38;
	[tilespmem:$0x1E720] =	vst v63  }
0x95: {  	s3 =	simm.s32 @!p1 $0x5  }
0x96: {  	_ =	swait.ge @!p1 [sflag:s3], $0x600  }
0x97: {  	[sflag:s3] =	ssyncset.done @!p1 $0x0  }
0x98: {  	[sflag:s3] =	ssyncadd.s32 @!p1 $0xFFFFFA00  }
0x99: {  	s11 =	simm.s32 $0x0;
	s13 =	simm.s32 $0x5280;
	[bflag:$0x0] =	sbarrier.arrive $0xFFFF  }
0x9a: {  	[tilespmem:s13], [sflag:$0x1] =	stream.indirect.gather [hbm4b:s6+s24], $0x80, s11, s24, $0xb8;
	[tilespmem:$0x1E720] =	vst v63  }
0x9b: {  	s12 =	simm.s32 $0x2900;
	s14 =	simm.s32 $0x7280  }
0x9c: {  	[tilespmem:s14], [sflag:$0x1] =	stream.indirect.gather [hbm4b:s7+s24], $0x50, s12, s24, $0xb8;
	[tilespmem:$0x1E720] =	vst v63  }
0x9d: {  	s9 =	simm.s32 $0x8680;
	s15 =	rddreg [dreg:$0x8]  }
0x9e: {  	[tilespmem:s9], [sflag:$0x1] =	stream.linear.gather [hbm4b:s15+s11], $0x400, $0x38;
	[tilespmem:$0x1E720] =	vst v63  }
0x9f: {  	s17 =	simm.s32 $0x8A80  }
0xa0: {  	[tilespmem:s17], [sflag:$0x2] =	stream.indirect.gather [hbm4b:s6+s24], $0x80, s24, s24, $0xb8;
	[tilespmem:$0x1E720] =	vst v63  }
0xa1: {  	s18 =	simm.s32 $0xAA80;
	s15 =	simm.s32 $0x2940  }
0xa2: {  	[tilespmem:s18], [sflag:$0x2] =	stream.indirect.gather [hbm4b:s7+s24], $0x50, s15, s24, $0xb8;
	[tilespmem:$0x1E720] =	vst v63  }
0xa3: {  	s25 =	simm.s32 $0xBE80;
	s19 =	rddreg [dreg:$0x9]  }
0xa4: {  	[tilespmem:s25], [sflag:$0x2] =	stream.linear.gather [hbm4b:s19+s11], $0x400, $0x38;
	[tilespmem:$0x1E720] =	vst v63  }
.LBB2_4:
0xa5: {  	_ =	swait.ge [sflag:s22], $0x2000  }
0xa6: {  	[sflag:s22] =	ssyncset.done $0x0  }
0xa7: {  	[sflag:s22] =	ssyncadd.s32 $0xFFFFE000  }
0xa8: {  	_ =	swait.ge [sflag:s22], $0x1400  }
0xa9: {  	[sflag:s22] =	ssyncset.done $0x0  }
0xaa: {  	[sflag:s22] =	ssyncadd.s32 $0xFFFFEC00  }
0xab: {  	_ =	swait.ge [sflag:s22], $0x400  }
0xac: {  	[sflag:s22] =	ssyncset.done $0x0  }
0xad: {  	s9 =	simm.s32 $0x7320;
	[sflag:s22] =	ssyncadd.s32 $0xFFFFFC00  }
0xae: {  	s14 =	simm.s32 $0x86A0;
	v2 =	vld [tilespmem:s9+$0x90]  }
0xaf: {  	v3 =	vld [tilespmem:s14+$0x10]  }
0xb0: {  	s17 =	simm.s32 $0x5380;
	v4 =	vld [tilespmem:s9+$0x50]  }
0xb1: {  	v5 =	vld [tilespmem:s17+$0x80]  }
0xb2: {  	v6 =	vld [tilespmem:s9+$0x60]  }
0xb3: {  	v7 =	vld [tilespmem:s17+$0x90]  }
0xb4: {  	v8 =	vld [tilespmem:s9+$0x70]  }
0xb5: {  	v9 =	vld [tilespmem:s17+$0xA0]  }
0xb6: {  	v10 =	vld [tilespmem:s9+$0x80]  }
0xb7: {  	v11 =	vld [tilespmem:s17+$0xB0]  }
0xb8: {  	v12 =	vld [tilespmem:s14+$0xFFFFFFE0]  }
0xb9: {  	v13 =	vld [tilespmem:s9+$0xFFFFFF60]  }
0xba: {  	v14 =	vld [tilespmem:s17+$0xFFFFFF00]  }
0xbb: {  	v15 =	vld [tilespmem:s9+$0xFFFFFFF0]  }
0xbc: {  	v16 =	vld [tilespmem:s14+$0xFFFFFFF0]  }
0xbd: {  	v17 =	vld [tilespmem:s9+$0xFFFFFFB0]  }
0xbe: {  	v18 =	vld [tilespmem:s17+$0xFFFFFF80]  }
0xbf: {  	v19 =	vld [tilespmem:s9+$0x40]  }
0xc0: {  	v20 =	vld [tilespmem:s14+$0x0]  }
0xc1: {  	v21 =	vld [tilespmem:s9+$0x0]  }
0xc2: {  	v22 =	vld [tilespmem:s17+$0x0]  }
0xc3: {  	v23 =	vld [tilespmem:s9+$0xFFFFFFA0]  }
0xc4: {  	v24 =	vld [tilespmem:s9+$0xFFFFFF70]  }
0xc5: {  	v25 =	vld [tilespmem:s17+$0xFFFFFF10]  }
0xc6: {  	v26 =	vld [tilespmem:s9+$0xFFFFFFC0]  }
0xc7: {  	v27 =	vld [tilespmem:s17+$0xFFFFFF90]  }
0xc8: {  	v28 =	vld [tilespmem:s9+$0x10]  }
0xc9: {  	v29 =	vld [tilespmem:s9+$0xFFFFFF80];
	v2 =	vmul.f32 v3, v2;
	v3 =	vmul.f32 v5, v4  }
0xca: {  	v4 =	vld [tilespmem:s17+$0x10];
	v5 =	vmul.f32 v9, v8  }
0xcb: {  	v8 =	vmul.f32 v14, v13;
	v9 =	vld [tilespmem:s17+$0xFFFFFFA0];
	v2 =	vadd.f32 v3, v2;
	v3 =	vmul.f32 v7, v6  }
0xcc: {  	v58 =	vmul.f32 v18, v17;
	v59 =	vmul.f32 v20, v19;
	v6 =	vld [tilespmem:s17+$0xFFFFFF20]  }
0xcd: {  	v61 =	vmul.f32 v22, v21;
	v7 =	vld [tilespmem:s9+$0xFFFFFFD0];
	v2 =	vadd.f32 v3, v2;
	v3 =	vmul.f32 v11, v10  }
0xce: {  	v57 =	vld [tilespmem:s9+$0x20];
	v10 =	vmul.f32 v16, v15;
	v11 =	vmul.f32 v12, v23  }
0xcf: {  	v60 =	vld [tilespmem:s17+$0x20];
	v63 =	vmul.f32 v27, v26;
	v14 =	vadd.f32 v61, v59;
	v5 =	vadd.f32 v5, v2  }
0xd0: {  	v8 =	vadd.f32 v8, v11;
	v11 =	vmul.f32 v25, v24;
	v2 =	vld [tilespmem:s9+$0xFFFFFF90];
	v10 =	vadd.f32 v58, v10  }
0xd1: {  	v4 =	vmul.f32 v4, v28;
	v6 =	vmul.f32 v6, v29;
	v62 =	vadd.f32 v3, v5;
	v5 =	vld [tilespmem:s17+$0xFFFFFF30]  }
0xd2: {  	v8 =	vadd.f32 v11, v8;
	v3 =	vld [tilespmem:s9+$0xFFFFFFE0];
	v10 =	vadd.f32 v63, v10;
	v11 =	vmul.f32 v9, v7  }
0xd3: {  	v9 =	vld [tilespmem:s17+$0xFFFFFFB0];
	v7 =	vadd.f32 v4, v14  }
0xd4: {  	s3 =	simm.s32 $0xF2E0;
	v4 =	vld [tilespmem:s9+$0x30];
	v8 =	vadd.f32 v6, v8;
	v6 =	vadd.f32 v11, v10;
	v11 =	vmul.f32 v60, v57  }
0xd5: {  	s19 =	simm.s32 $0x0;
	p2 =	por $0x1, $0x1;
	s9 =	simm.s32 $0x7460;
	[tilespmem:s3+$0x10] =	vst v62;
	v10 =	vld [tilespmem:s17+$0x30]  }
.LBB2_5:
0xd6: {  	v12 =	vld [tilespmem:s9+$0x90];
	v2 =	vmul.f32 v5, v2;
	v5 =	vadd.f32 v11, v7;
	s14 =	sadd.s32 $0x40, s14  }
0xd7: {  	v7 =	vld [tilespmem:s14+$0x10]  }
0xd8: {  	s17 =	sadd.s32 $0x200, s17;
	v11 =	vld [tilespmem:s9+$0x50];
	v2 =	vadd.f32 v2, v8;
	v3 =	vmul.f32 v9, v3  }
0xd9: {  	s19 =	sadd.s32 $0x4, s19;
	v8 =	vld [tilespmem:s17+$0x80]  }
0xda: {  	p3 =	slt.u32 s19, $0x3C;
	v9 =	vld [tilespmem:s9+$0x60];
	[tilespmem:s3+$0xFFFFFFE0] =	vst v2;
	v2 =	vadd.f32 v3, v6;
	v3 =	vmul.f32 v10, v4  }
0xdb: {  	v4 =	vld [tilespmem:s17+$0x90]  }
0xdc: {  	v6 =	vld [tilespmem:s9+$0x70];
	[tilespmem:s3+$0xFFFFFFF0] =	vst v2;
	v2 =	vadd.f32 v3, v5  }
0xdd: {  	v3 =	vld [tilespmem:s17+$0xA0]  }
0xde: {  	v5 =	vmul.f32 v7, v12;
	v7 =	vmul.f32 v8, v11;
	v8 =	vld [tilespmem:s9+$0x80];
	[tilespmem:s3+$0x0] =	vst v2  }
0xdf: {  	v2 =	vld [tilespmem:s17+$0xB0]  }
0xe0: {  	v10 =	vld [tilespmem:s14+$0xFFFFFFE0];
	v5 =	vadd.f32 v7, v5;
	v4 =	vmul.f32 v4, v9  }
0xe1: {  	v7 =	vld [tilespmem:s9+$0xFFFFFF60]  }
0xe2: {  	v9 =	vld [tilespmem:s17+$0xFFFFFF00];
	v4 =	vadd.f32 v4, v5;
	v3 =	vmul.f32 v3, v6  }
0xe3: {  	v5 =	vld [tilespmem:s9+$0xFFFFFFF0]  }
0xe4: {  	v6 =	vld [tilespmem:s14+$0xFFFFFFF0];
	v3 =	vadd.f32 v3, v4;
	v2 =	vmul.f32 v2, v8  }
0xe5: {  	v4 =	vld [tilespmem:s9+$0xFFFFFFB0]  }
0xe6: {  	v8 =	vld [tilespmem:s17+$0xFFFFFF80];
	v2 =	vadd.f32 v2, v3  }
0xe7: {  	s3 =	sadd.s32 $0x40, s3;
	v3 =	vmul.f32 v9, v7;
	v7 =	vld [tilespmem:s9+$0x40]  }
0xe8: {  	s18 =	simm.s32 $0x0;
	v9 =	vld [tilespmem:s14+$0x0];
	[tilespmem:s3+$0x10] =	vst v2  }
0xe9: {  	v2 =	vmul.f32 v6, v5;
	v5 =	vld [tilespmem:s9+$0x0]  }
0xea: {  	v6 =	vld [tilespmem:s17+$0x0]  }
0xeb: {  	v11 =	vld [tilespmem:s9+$0xFFFFFFA0];
	v4 =	vmul.f32 v8, v4  }
0xec: {  	v8 =	vld [tilespmem:s9+$0xFFFFFF70]  }
0xed: {  	v12 =	vld [tilespmem:s17+$0xFFFFFF10];
	v2 =	vadd.f32 v4, v2;
	v4 =	vmul.f32 v9, v7  }
0xee: {  	v7 =	vld [tilespmem:s9+$0xFFFFFFC0]  }
0xef: {  	v9 =	vld [tilespmem:s17+$0xFFFFFF90];
	v5 =	vmul.f32 v6, v5  }
0xf0: {  	v6 =	vmul.f32 v10, v11;
	v10 =	vld [tilespmem:s9+$0x10]  }
0xf1: {  	v4 =	vadd.f32 v5, v4;
	v5 =	vld [tilespmem:s17+$0x10]  }
0xf2: {  	v3 =	vadd.f32 v3, v6;
	v6 =	vmul.f32 v12, v8;
	v8 =	vld [tilespmem:s9+$0xFFFFFF80]  }
0xf3: {  	v11 =	vld [tilespmem:s17+$0xFFFFFF20]  }
0xf4: {  	v3 =	vadd.f32 v6, v3;
	v6 =	vmul.f32 v9, v7;
	v9 =	vld [tilespmem:s9+$0xFFFFFFD0]  }
0xf5: {  	v12 =	vld [tilespmem:s17+$0xFFFFFFA0]  }
0xf6: {  	v6 =	vadd.f32 v6, v2;
	v5 =	vmul.f32 v5, v10;
	v10 =	vld [tilespmem:s9+$0x20]  }
0xf7: {  	v13 =	vld [tilespmem:s17+$0x20]  }
0xf8: {  	v8 =	vmul.f32 v11, v8;
	v2 =	vld [tilespmem:s9+$0xFFFFFF90];
	v7 =	vadd.f32 v5, v4  }
.Ltmp1:
0xf9: {  	v5 =	vld [tilespmem:s17+$0xFFFFFF30];
	(pc) =	sbr.rel @p3 .LBB2_5-.Ltmp1, $4  }
0xfa: {  	v8 =	vadd.f32 v8, v3;
	v4 =	vmul.f32 v12, v9;
	v3 =	vld [tilespmem:s9+$0xFFFFFFE0]  }
0xfb: {  	v9 =	vld [tilespmem:s17+$0xFFFFFFB0]  }
0xfc: {  	v6 =	vadd.f32 v4, v6;
	v11 =	vmul.f32 v13, v10;
	v4 =	vld [tilespmem:s9+$0x30]  }
0xfd: {  	s9 =	sadd.s32 $0x140, s9;
	v10 =	vld [tilespmem:s17+$0x30]  }
0xfe: {  	_ =	sdelay $0x1  }
0xff: {  	v2 =	vmul.f32 v5, v2  }
0x100: {  	v3 =	vmul.f32 v9, v3  }
0x101: {  	v63 =	vadd.f32 v11, v7;
	v2 =	vadd.f32 v2, v8;
	v4 =	vmul.f32 v10, v4  }
0x102: {  	v3 =	vadd.f32 v3, v6  }
0x103: {  	[tilespmem:s3+$0xFFFFFFE0] =	vst v2;
	v2 =	vadd.f32 v4, v63  }
0x104: {  	[tilespmem:s3+$0xFFFFFFF0] =	vst v3  }
0x105: {  	[tilespmem:s3+$0x0] =	vst v2  }
.LBB2_7:
0x106: {  	v2 =	vmov s18  }
0x107: {  	s3 =	sor.u32 $0x10, s18;
	v2 =	vshll.u32 v2, $0x4  }
0x108: {  	v3 =	vmov s3;
	v2 =	vor.u32 v1, v2  }
0x109: {  	v3 =	vshll.u32 v3, $0x4;
	v4 =	vor.u32 $0x1, v2  }
0x10a: {  	v3 =	vor.u32 v1, v3  }
0x10b: {  	v5 =	vor.u32 $0x1, v3  }
0x10c: {  	v6 =	vor.u32 $0x2, v2  }
0x10d: {  	v8 =	vor.u32 $0x2, v3;
	v7 =	vld.idx.msk [tilespmem:v2+s26+$0x0], $0xffff  }
0x10e: {  	v9 =	vor.u32 $0x3, v2;
	v4 =	vld.idx.msk [tilespmem:v4+s26+$0x0], $0xffff  }
0x10f: {  	v11 =	vor.u32 $0x3, v3;
	v10 =	vld.idx.msk [tilespmem:v3+s26+$0x0], $0xffff  }
0x110: {  	v12 =	vor.u32 $0x4, v2;
	v5 =	vld.idx.msk [tilespmem:v5+s26+$0x0], $0xffff  }
0x111: {  	v13 =	vor.u32 $0x4, v3;
	v6 =	vld.idx.msk [tilespmem:v6+s26+$0x0], $0xffff  }
0x112: {  	v14 =	vor.u32 $0x5, v2;
	v8 =	vld.idx.msk [tilespmem:v8+s26+$0x0], $0xffff  }
0x113: {  	v15 =	vor.u32 $0x5, v3;
	v9 =	vld.idx.msk [tilespmem:v9+s26+$0x0], $0xffff  }
0x114: {  	v43 =	vor.u32 $0x6, v2;
	v11 =	vld.idx.msk [tilespmem:v11+s26+$0x0], $0xffff;
	v4 =	vadd.f32 v4, v7  }
0x115: {  	v44 =	vor.u32 $0x6, v3;
	v12 =	vld.idx.msk [tilespmem:v12+s26+$0x0], $0xffff;
	v5 =	vadd.f32 v5, v10  }
0x116: {  	v45 =	vor.u32 $0x7, v2;
	v13 =	vld.idx.msk [tilespmem:v13+s26+$0x0], $0xffff;
	v4 =	vadd.f32 v6, v4  }
0x117: {  	v46 =	vor.u32 $0x7, v3;
	v14 =	vld.idx.msk [tilespmem:v14+s26+$0x0], $0xffff;
	v5 =	vadd.f32 v8, v5  }
0x118: {  	v47 =	vor.u32 $0x8, v2;
	v15 =	vld.idx.msk [tilespmem:v15+s26+$0x0], $0xffff;
	v4 =	vadd.f32 v9, v4  }
0x119: {  	v48 =	vor.u32 $0x8, v3;
	v7 =	vld.idx.msk [tilespmem:v43+s26+$0x0], $0xffff;
	v5 =	vadd.f32 v11, v5  }
0x11a: {  	v49 =	vor.u32 $0x9, v2;
	v10 =	vld.idx.msk [tilespmem:v44+s26+$0x0], $0xffff;
	v4 =	vadd.f32 v12, v4  }
0x11b: {  	v50 =	vor.u32 $0x9, v3;
	v6 =	vld.idx.msk [tilespmem:v45+s26+$0x0], $0xffff;
	v5 =	vadd.f32 v13, v5  }
0x11c: {  	v51 =	vor.u32 $0xA, v2;
	v8 =	vld.idx.msk [tilespmem:v46+s26+$0x0], $0xffff;
	v4 =	vadd.f32 v14, v4  }
0x11d: {  	v52 =	vor.u32 $0xA, v3;
	v9 =	vld.idx.msk [tilespmem:v47+s26+$0x0], $0xffff;
	v5 =	vadd.f32 v15, v5  }
0x11e: {  	v53 =	vor.u32 $0xB, v2;
	v11 =	vld.idx.msk [tilespmem:v48+s26+$0x0], $0xffff;
	v4 =	vadd.f32 v7, v4  }
0x11f: {  	v54 =	vor.u32 $0xB, v3;
	v12 =	vld.idx.msk [tilespmem:v49+s26+$0x0], $0xffff;
	v5 =	vadd.f32 v10, v5  }
0x120: {  	v55 =	vor.u32 $0xC, v2;
	v13 =	vld.idx.msk [tilespmem:v50+s26+$0x0], $0xffff;
	v4 =	vadd.f32 v6, v4  }
0x121: {  	v56 =	vor.u32 $0xC, v3;
	v14 =	vld.idx.msk [tilespmem:v51+s26+$0x0], $0xffff;
	v5 =	vadd.f32 v8, v5  }
0x122: {  	v57 =	vor.u32 $0xD, v2;
	v15 =	vld.idx.msk [tilespmem:v52+s26+$0x0], $0xffff;
	v4 =	vadd.f32 v9, v4  }
0x123: {  	v58 =	vor.u32 $0xD, v3;
	v7 =	vld.idx.msk [tilespmem:v53+s26+$0x0], $0xffff;
	v5 =	vadd.f32 v11, v5  }
0x124: {  	v59 =	vor.u32 $0xE, v2;
	v10 =	vld.idx.msk [tilespmem:v54+s26+$0x0], $0xffff;
	v4 =	vadd.f32 v12, v4  }
0x125: {  	v60 =	vor.u32 $0xE, v3;
	v6 =	vld.idx.msk [tilespmem:v55+s26+$0x0], $0xffff;
	v5 =	vadd.f32 v13, v5  }
0x126: {  	v2 =	vor.u32 $0xF, v2;
	v8 =	vld.idx.msk [tilespmem:v56+s26+$0x0], $0xffff;
	v4 =	vadd.f32 v14, v4  }
0x127: {  	v3 =	vor.u32 $0xF, v3;
	v9 =	vld.idx.msk [tilespmem:v57+s26+$0x0], $0xffff;
	v5 =	vadd.f32 v15, v5  }
0x128: {  	v61 =	vld.idx.msk [tilespmem:v58+s26+$0x0], $0xffff;
	v4 =	vadd.f32 v7, v4  }
0x129: {  	v62 =	vld.idx.msk [tilespmem:v59+s26+$0x0], $0xffff;
	v5 =	vadd.f32 v10, v5  }
0x12a: {  	v63 =	vld.idx.msk [tilespmem:v60+s26+$0x0], $0xffff;
	v4 =	vadd.f32 v6, v4  }
0x12b: {  	v2 =	vld.idx.msk [tilespmem:v2+s26+$0x0], $0xffff;
	v5 =	vadd.f32 v8, v5  }
0x12c: {  	v3 =	vld.idx.msk [tilespmem:v3+s26+$0x0], $0xffff;
	v4 =	vadd.f32 v9, v4  }
0x12d: {  	v5 =	vadd.f32 v61, v5  }
0x12e: {  	v4 =	vadd.f32 v62, v4  }
0x12f: {  	v5 =	vadd.f32 v63, v5  }
0x130: {  	v2 =	vadd.f32 v2, v4  }
0x131: {  	v3 =	vadd.f32 v3, v5  }
0x132: {  	v2 =	vmul.f32 $1.250000000e-01, v2  }
0x133: {  	v3 =	vmul.f32 $1.250000000e-01, v3  }
0x134: {  	v2 =	vmul.f32 $1.442695020e+00, v2  }
0x135: {  	v3 =	vmul.f32 $1.442695020e+00, v3  }
0x136: {  	(erf) = vpow2.f32 v2  }
0x137: {  	(erf) = vpow2.f32 v3;
	_ =	sdelay $0x4  }
0x138: {  	p3 =	por p2, p2  }
.Ltmp2:
0x139: {  	_ = 	snop;
	(pc) =	sbr.rel @p3 .LBB2_7-.Ltmp2, $4  }
0x13a: {  	_ = 	snop  }
0x13b: {  	v2 =	vpop (erf)  }
0x13c: {  	[tilespmem:s18+$0xC280] =	vst v2;
	v2 =	vpop (erf)  }
0x13d: {  	p2 =	por $0x0, $0x0;
	[tilespmem:s18+$0xC290] =	vst v2;
	s18 =	simm.s32 $0x20  }
0x13e: {  	p2 =	seq.s32 s11, $0x0;
	v3 =	vmov s12  }
0x13f: {  	s3 =	simm.s32 @!p2 $0x3  }
0x140: {  	_ =	swait.ge @!p2 [sflag:s3], $0x1800  }
0x141: {  	[sflag:s3] =	ssyncset.done @!p2 $0x0  }
0x142: {  	[sflag:s3] =	ssyncadd.s32 @!p2 $0xFFFFE800;
	s3 =	simm.s32 $0x0  }
0x143: {  	s17 =	sshll.u32 s11, $0x1;
	s9 =	simm.s32 $0x0;
	s13 =	simm.s32 $0x40;
	v2 =	vld.idx.msk [tilespmem:v3+s3+$0x0 ss:$0x1], $0xffff  }
.LBB2_9:
0x144: {  	p3 =	sne.s32 s13, $0xC0  }
.Ltmp3:
0x145: {  	_ = 	snop;
	(pc) =	sbr.rel @p3 .LBB2_9-.Ltmp3, $3  }
0x146: {  	_ =	sdelay $0x1  }
0x147: {  	s14 =	sshra.s32 s13, $0x2;
	s13 =	sadd.s32 $0x40, s13  }
0x148: {  	[tilespmem:s3+$0x5200] =	vst v2;
	v2 =	vld.idx.msk [tilespmem:v3+s14+$0x0 ss:$0x1], $0xffff;
	s3 =	smov.u32 s14  }
0x149: {  	s13 =	simm.s32 $0x3;
	s19 =	simm.s32 $0x1  }
0x14a: {  	v3 =	vmov s9;
	s25 =	simm.s32 $0x2;
	v4 =	vmov s13;
	v5 =	vmov s19  }
0x14b: {  	v3 =	vand.u32 $0xFFFFFFFC, v3;
	v6 =	vmov s25;
	v5 =	vand.u32 $0xFFFFFFFD, v5  }
0x14c: {  	v3 =	vbroadcast v3, $0x0;
	v7 =	vbroadcast v5, $0x0;
	v5 =	vand.u32 $0xFFFFFFFE, v6  }
0x14d: {  	v8 =	vbroadcast v5, $0x0  }
0x14e: {  	[tilespmem:s3+$0x5200] =	vst v2;
	s3 =	simm.s32 $0x53C0  }
0x14f: {  	v2 =	vld [tilespmem:s3+$0x0]  }
0x150: {  	v5 =	vld.idx.msk [tilespmem:v4+s28+$0x0], $0xffff  }
0x151: {  	v4 =	vld [tilespmem:s3+$0xFFFFFF80]  }
0x152: {  	v6 =	vld.idx.msk [tilespmem:v3+s28+$0x0], $0xffff  }
0x153: {  	v8 =	vld.idx.msk [tilespmem:v8+s28+$0x0], $0xffff  }
0x154: {  	v3 =	vld [tilespmem:s3+$0xFFFFFF00]  }
0x155: {  	v9 =	vld.idx.msk [tilespmem:v7+s28+$0x0], $0xffff  }
0x156: {  	v7 =	vld [tilespmem:s3+$0x80];
	_ =	sdelay $0x1  }
0x157: {  	v2 =	vmul.f32 v2, v8  }
0x158: {  	s19 =	simm.s32 $0xC380;
	v3 =	vmul.f32 v3, v6  }
0x159: {  	[tilespmem:s19+$0x0] =	vst v2  }
0x15a: {  	[tilespmem:s19+$0xFFFFFF40] =	vst v3;
	v3 =	vmul.f32 v7, v5;
	v2 =	vmul.f32 v4, v9;
	v4 =	vld [tilespmem:s3+$0x10]  }
0x15b: {  	v7 =	vld [tilespmem:s3+$0xFFFFFF10]  }
0x15c: {  	[tilespmem:s19+$0x60] =	vst v3  }
0x15d: {  	s18 =	simm.s32 $0x5;
	v11 =	vld [tilespmem:s3+$0x90];
	[tilespmem:s19+$0xFFFFFFA0] =	vst v2  }
0x15e: {  	v12 =	vmov s18;
	v10 =	vld [tilespmem:s3+$0xFFFFFF90]  }
0x15f: {  	s14 =	simm.s32 $0x4;
	s25 =	simm.s32 $0x6;
	v12 =	vand.u32 $0xFFFFFFFD, v12;
	v4 =	vmul.f32 v4, v8  }
0x160: {  	v13 =	vmov s25;
	v3 =	vmov s14;
	s14 =	simm.s32 $0x55C0;
	v7 =	vmul.f32 v7, v6  }
0x161: {  	v15 =	vld [tilespmem:s14+$0xFFFFFF00];
	[tilespmem:s19+$0x10] =	vst v4;
	v4 =	vbroadcast v12, $0x0;
	v12 =	vand.u32 $0xFFFFFFFE, v13  }
0x162: {  	[tilespmem:s19+$0xFFFFFF50] =	vst v7;
	v7 =	vmul.f32 v11, v5;
	v12 =	vbroadcast v12, $0x0;
	v13 =	vld [tilespmem:s3+$0x20]  }
0x163: {  	v16 =	vld [tilespmem:s14+$0xFFFFFF80];
	v10 =	vmul.f32 v10, v9  }
0x164: {  	v3 =	vand.u32 $0xFFFFFFFC, v3;
	v11 =	vld [tilespmem:s3+$0xFFFFFF20];
	[tilespmem:s19+$0x70] =	vst v7  }
0x165: {  	v3 =	vbroadcast v3, $0x0;
	v14 =	vld [tilespmem:s3+$0xA0];
	[tilespmem:s19+$0xFFFFFFB0] =	vst v10  }
0x166: {  	s13 =	simm.s32 $0x7;
	v10 =	vld [tilespmem:s3+$0xFFFFFFA0]  }
0x167: {  	v2 =	vmov s13;
	v7 =	vld.idx.msk [tilespmem:v4+s28+$0x0], $0xffff;
	v13 =	vmul.f32 v13, v8  }
0x168: {  	v4 =	vld.idx.msk [tilespmem:v12+s28+$0x0], $0xffff  }
0x169: {  	v12 =	vld [tilespmem:s14+$0x0];
	[tilespmem:s19+$0x20] =	vst v13  }
0x16a: {  	v13 =	vld [tilespmem:s3+$0x30]  }
0x16b: {  	v3 =	vld.idx.msk [tilespmem:v3+s28+$0x0], $0xffff;
	v10 =	vmul.f32 v10, v9  }
0x16c: {  	v2 =	vld.idx.msk [tilespmem:v2+s28+$0x0], $0xffff;
	v11 =	vmul.f32 v11, v6  }
0x16d: {  	v14 =	vmul.f32 v14, v5;
	[tilespmem:s19+$0xFFFFFFC0] =	vst v10;
	v10 =	vld [tilespmem:s14+$0x80]  }
0x16e: {  	[tilespmem:s19+$0xFFFFFF60] =	vst v11;
	v11 =	vmul.f32 v12, v4;
	v12 =	vld [tilespmem:s3+$0xFFFFFFB0]  }
0x16f: {  	s18 =	simm.s32 $0xC500;
	[tilespmem:s19+$0x80] =	vst v14;
	v14 =	vld [tilespmem:s3+$0xFFFFFF30];
	v13 =	vmul.f32 v13, v8  }
0x170: {  	v15 =	vmul.f32 v15, v3;
	v17 =	vld [tilespmem:s3+$0xB0];
	[tilespmem:s18+$0x0] =	vst v11  }
0x171: {  	s25 =	simm.s32 $0x86A0;
	v11 =	vmul.f32 v16, v7;
	v16 =	vld [tilespmem:s14+$0x10];
	[tilespmem:s19+$0x30] =	vst v13  }
0x172: {  	[tilespmem:s18+$0xFFFFFF40] =	vst v15;
	v10 =	vmul.f32 v10, v2;
	v18 =	vld [tilespmem:s25+$0x0]  }
0x173: {  	s13 =	simm.s32 $0xB;
	v21 =	vld [tilespmem:s14+$0xFFFFFF10];
	[tilespmem:s18+$0xFFFFFFA0] =	vst v11;
	v12 =	vmul.f32 v12, v9  }
0x174: {  	s9 =	simm.s32 $0x8;
	v15 =	vmov s13;
	v13 =	vmul.f32 v14, v6;
	v11 =	vld [tilespmem:s14+$0xFFFFFF90];
	[tilespmem:s18+$0x60] =	vst v10  }
0x175: {  	v19 =	vmul.f32 v17, v5;
	v14 =	vmov s9;
	s9 =	simm.s32 $0x9;
	v10 =	vld [tilespmem:s14+$0x90];
	[tilespmem:s19+$0xFFFFFFD0] =	vst v12  }
0x176: {  	v20 =	vmov s9;
	[tilespmem:s19+$0xFFFFFF70] =	vst v13;
	v16 =	vmul.f32 v16, v4;
	v13 =	vld [tilespmem:s25+$0xFFFFFFF0]  }
0x177: {  	s13 =	simm.s32 $0xA;
	[tilespmem:s19+$0x90] =	vst v19;
	v19 =	vand.u32 $0xFFFFFFFD, v20;
	v12 =	vand.u32 $0xFFFFFFFC, v14;
	v14 =	vld [tilespmem:s25+$0xFFFFFFE0];
	v17 =	vmul.f32 v18, v8  }
0x178: {  	s3 =	simm.s32 $0x55C0;
	s9 =	simm.s32 $0xC;
	v20 =	vmov s13;
	v12 =	vbroadcast v12, $0x0;
	v18 =	vmul.f32 v21, v3;
	[tilespmem:s18+$0x10] =	vst v16;
	v16 =	vld [tilespmem:s25+$0x10]  }
.LBB2_11:
0x179: {  	p3 =	slt.u32 s9, $0x3C;
	v19 =	vbroadcast v19, $0x0;
	v20 =	vand.u32 $0xFFFFFFFE, v20;
	v15 =	vld.idx.msk [tilespmem:v15+s28+$0x0], $0xffff;
	v11 =	vmul.f32 v11, v7;
	[tilespmem:s19+$0x40] =	vst v17  }
0x17a: {  	v17 =	vbroadcast v20, $0x0;
	[tilespmem:s18+$0xFFFFFF50] =	vst v18;
	v18 =	vld [tilespmem:s14+$0x20];
	v10 =	vmul.f32 v10, v2  }
0x17b: {  	v20 =	vld [tilespmem:s14+$0xFFFFFF20];
	[tilespmem:s18+$0xFFFFFFB0] =	vst v11;
	v11 =	vmul.f32 v13, v9  }
0x17c: {  	v13 =	vld [tilespmem:s14+$0xFFFFFFA0];
	[tilespmem:s18+$0x70] =	vst v10;
	v10 =	vmul.f32 v14, v6  }
0x17d: {  	v14 =	vld [tilespmem:s14+$0xA0];
	[tilespmem:s19+$0xFFFFFFE0] =	vst v11;
	v11 =	vmul.f32 v16, v5  }
0x17e: {  	v12 =	vld.idx.msk [tilespmem:v12+s28+$0x0], $0xffff;
	[tilespmem:s19+$0xFFFFFF80] =	vst v10  }
0x17f: {  	v10 =	vld.idx.msk [tilespmem:v19+s28+$0x0], $0xffff;
	v16 =	vmul.f32 v18, v4;
	[tilespmem:s19+$0xA0] =	vst v11  }
0x180: {  	s14 =	sadd.s32 $0x200, s14;
	v11 =	vld.idx.msk [tilespmem:v17+s28+$0x0], $0xffff;
	v17 =	vmul.f32 v20, v3;
	[tilespmem:s19+$0xFFFFFFF0] =	vst v9;
	v9 =	vmov v7  }
0x181: {  	v18 =	vld [tilespmem:s14+$0x0];
	v7 =	vmul.f32 v13, v9;
	[tilespmem:s18+$0x20] =	vst v16  }
0x182: {  	[tilespmem:s18+$0xFFFFFF60] =	vst v17;
	v13 =	vld [tilespmem:s3+$0x30];
	v14 =	vmul.f32 v14, v2  }
0x183: {  	v16 =	vld [tilespmem:s14+$0xFFFFFF00];
	[tilespmem:s18+$0xFFFFFFC0] =	vst v7  }
0x184: {  	v17 =	vld [tilespmem:s14+$0xFFFFFF80];
	[tilespmem:s18+$0x80] =	vst v14  }
0x185: {  	v14 =	vld [tilespmem:s14+$0x80];
	[tilespmem:s19+$0x50] =	vst v8;
	v7 =	vmov v10;
	v8 =	vmov v4  }
0x186: {  	v4 =	vmovc v11;
	v10 =	vmul.f32 v18, v11;
	v18 =	vld [tilespmem:s3+$0xFFFFFFB0];
	[tilespmem:s19+$0xFFFFFF90] =	vst v6;
	v6 =	vmov v3;
	v3 =	vmov v12  }
0x187: {  	v12 =	vld [tilespmem:s3+$0xFFFFFF30];
	v11 =	vmul.f32 v13, v8;
	[tilespmem:s19+$0xB0] =	vst v5;
	v5 =	vmov v2;
	v2 =	vmov v15;
	s19 =	smov.u32 s18;
	s18 =	sadd.s32 $0x180, s18  }
0x188: {  	v13 =	vmul.f32 v16, v3;
	[tilespmem:s18+$0x0] =	vst v10;
	v16 =	vld [tilespmem:s3+$0xB0];
	s3 =	smov.u32 s14  }
0x189: {  	s25 =	sadd.s32 $0x40, s25;
	v10 =	vmul.f32 v17, v7;
	v17 =	vld [tilespmem:s14+$0x10];
	[tilespmem:s19+$0x30] =	vst v11  }
0x18a: {  	[tilespmem:s18+$0xFFFFFF40] =	vst v13;
	v13 =	vmul.f32 v14, v2;
	v19 =	vld [tilespmem:s25+$0x0]  }
0x18b: {  	s13 =	sadd.s32 $0x3, s9;
	v21 =	vld [tilespmem:s14+$0xFFFFFF10];
	[tilespmem:s18+$0xFFFFFFA0] =	vst v10;
	v14 =	vmul.f32 v18, v9  }
.Ltmp4:
0x18c: {  	v15 =	vmov s13;
	v11 =	vld [tilespmem:s14+$0xFFFFFF90];
	[tilespmem:s18+$0x60] =	vst v13;
	v12 =	vmul.f32 v12, v6;
	(pc) =	sbr.rel @p3 .LBB2_11-.Ltmp4, $4  }
0x18d: {  	v13 =	vmov s9;
	v10 =	vld [tilespmem:s14+$0x90];
	[tilespmem:s19+$0xFFFFFFD0] =	vst v14;
	v16 =	vmul.f32 v16, v5  }
0x18e: {  	s13 =	sadd.s32 $0x1, s9;
	v14 =	vand.u32 $0xFFFFFFFC, v13;
	v22 =	vmul.f32 v17, v4;
	[tilespmem:s19+$0xFFFFFF70] =	vst v12;
	v13 =	vld [tilespmem:s25+$0xFFFFFFF0]  }
0x18f: {  	v18 =	vmov s13;
	s13 =	sadd.s32 $0x2, s9;
	v12 =	vbroadcast v14, $0x0;
	v14 =	vld [tilespmem:s25+$0xFFFFFFE0];
	v17 =	vmul.f32 v19, v8;
	[tilespmem:s19+$0x90] =	vst v16  }
0x190: {  	v20 =	vmov s13;
	s9 =	sadd.s32 $0x4, s9;
	v19 =	vand.u32 $0xFFFFFFFD, v18;
	v18 =	vmul.f32 v21, v3;
	[tilespmem:s18+$0x10] =	vst v22;
	v16 =	vld [tilespmem:s25+$0x10]  }
0x191: {  	_ =	sdelay $0x3  }
0x192: {  	v15 =	vld.idx.msk [tilespmem:v15+s28+$0x0], $0xffff;
	[tilespmem:s19+$0x40] =	vst v17  }
0x193: {  	v19 =	vbroadcast v19, $0x0;
	v20 =	vand.u32 $0xFFFFFFFE, v20;
	v11 =	vmul.f32 v11, v7;
	v12 =	vld.idx.msk [tilespmem:v12+s28+$0x0], $0xffff;
	s13 =	sadd.s32 $0x200, s14;
	[tilespmem:s19+$0xFFFFFFF0] =	vst v9  }
0x194: {  	[tilespmem:s19+$0x50] =	vst v8;
	v20 =	vbroadcast v20, $0x0;
	v10 =	vmul.f32 v10, v2;
	v37 =	vld [tilespmem:s13+$0x0]  }
0x195: {  	[tilespmem:s18+$0xFFFFFFB0] =	vst v11;
	v13 =	vmul.f32 v13, v9;
	v9 =	vld [tilespmem:s13+$0x80]  }
0x196: {  	v11 =	vld [tilespmem:s14+$0xFFFFFFA0];
	[tilespmem:s18+$0x70] =	vst v10;
	v10 =	vmul.f32 v14, v6  }
0x197: {  	[tilespmem:s19+$0xFFFFFF90] =	vst v6;
	v38 =	vld [tilespmem:s13+$0xFFFFFF00]  }
0x198: {  	[tilespmem:s19+$0xFFFFFF80] =	vst v10;
	v10 =	vld [tilespmem:s13+$0xFFFFFF80]  }
0x199: {  	[tilespmem:s19+$0xB0] =	vst v5;
	v34 =	vld.idx.msk [tilespmem:v19+s28+$0x0], $0xffff  }
0x19a: {  	[tilespmem:s18+$0xFFFFFF50] =	vst v18;
	v35 =	vld.idx.msk [tilespmem:v20+s28+$0x0], $0xffff;
	v9 =	vmul.f32 v9, v15  }
0x19b: {  	v33 =	vld [tilespmem:s14+$0x20];
	s9 =	sadd.s32 $0x180, s18;
	[tilespmem:s19+$0xFFFFFFE0] =	vst v13;
	v11 =	vmul.f32 v11, v7  }
0x19c: {  	v36 =	vmul.f32 v16, v5;
	v40 =	vld [tilespmem:s14+$0xA0];
	[tilespmem:s9+$0x60] =	vst v9  }
0x19d: {  	v21 =	vld [tilespmem:s14+$0xFFFFFF20];
	[tilespmem:s18+$0xFFFFFFC0] =	vst v11;
	v11 =	vmul.f32 v38, v12  }
0x19e: {  	[tilespmem:s19+$0xA0] =	vst v36;
	v9 =	vld [tilespmem:s13+$0x90];
	v10 =	vmul.f32 v10, v34  }
0x19f: {  	v8 =	vld [tilespmem:s3+$0xFFFFFFB0];
	v16 =	vmul.f32 v37, v35;
	[tilespmem:s9+$0xFFFFFF40] =	vst v11  }
0x1a0: {  	v18 =	vmul.f32 v33, v4;
	[tilespmem:s9+$0xFFFFFFA0] =	vst v10;
	v42 =	vld [tilespmem:s13+$0xFFFFFF10]  }
0x1a1: {  	v10 =	vmul.f32 v40, v2;
	[tilespmem:s9+$0x0] =	vst v16;
	v11 =	vld [tilespmem:s13+$0xFFFFFF90]  }
0x1a2: {  	v39 =	vmul.f32 v21, v3;
	[tilespmem:s18+$0x20] =	vst v18;
	v41 =	vld [tilespmem:s13+$0x10]  }
0x1a3: {  	[tilespmem:s18+$0x80] =	vst v10;
	v10 =	vld [tilespmem:s3+$0x30];
	v9 =	vmul.f32 v9, v15  }
0x1a4: {  	[tilespmem:s18+$0xFFFFFF60] =	vst v39;
	v8 =	vmul.f32 v8, v7  }
0x1a5: {  	v43 =	vld [tilespmem:s3+$0xFFFFFF30];
	[tilespmem:s9+$0x70] =	vst v9;
	v16 =	vmul.f32 v42, v12  }
0x1a6: {  	v9 =	vld [tilespmem:s13+$0xA0];
	[tilespmem:s18+$0xFFFFFFD0] =	vst v8;
	v5 =	vmul.f32 v11, v34  }
0x1a7: {  	v6 =	vmul.f32 v41, v35;
	[tilespmem:s9+$0xFFFFFF50] =	vst v16  }
0x1a8: {  	v11 =	vld [tilespmem:s3+$0xB0];
	[tilespmem:s9+$0xFFFFFFB0] =	vst v5;
	v5 =	vmul.f32 v10, v4  }
0x1a9: {  	[tilespmem:s9+$0x10] =	vst v6;
	v10 =	vld [tilespmem:s13+$0xFFFFFFA0]  }
0x1aa: {  	s19 =	sadd.s32 $0x40, s25;
	v6 =	vld [tilespmem:s13+$0x20];
	[tilespmem:s18+$0x30] =	vst v5;
	v5 =	vmul.f32 v43, v3  }
0x1ab: {  	v9 =	vmul.f32 v9, v15;
	v44 =	vld [tilespmem:s19+$0x0];
	[tilespmem:s18+$0x50] =	vst v4  }
0x1ac: {  	v16 =	vld [tilespmem:s13+$0xFFFFFF20];
	[tilespmem:s18+$0xFFFFFF70] =	vst v5  }
0x1ad: {  	v8 =	vmul.f32 v11, v2;
	[tilespmem:s9+$0x80] =	vst v9  }
0x1ae: {  	v5 =	vld [tilespmem:s19+$0xFFFFFFF0];
	[tilespmem:s18+$0xFFFFFFF0] =	vst v7  }
0x1af: {  	[tilespmem:s18+$0x90] =	vst v8;
	v6 =	vmul.f32 v6, v35  }
0x1b0: {  	v11 =	vld [tilespmem:s19+$0xFFFFFFE0];
	[tilespmem:s18+$0xFFFFFF90] =	vst v3;
	v8 =	vmul.f32 v10, v34  }
0x1b1: {  	v16 =	vmul.f32 v16, v12;
	v10 =	vld [tilespmem:s19+$0x10];
	[tilespmem:s9+$0x20] =	vst v6  }
0x1b2: {  	[tilespmem:s9+$0xFFFFFFC0] =	vst v8;
	v6 =	vld [tilespmem:s13+$0x30]  }
0x1b3: {  	[tilespmem:s9+$0xFFFFFF60] =	vst v16;
	v8 =	vmul.f32 v44, v4;
	v45 =	vld [tilespmem:s13+$0xFFFFFFB0]  }
0x1b4: {  	[tilespmem:s18+$0xB0] =	vst v2;
	v9 =	vld [tilespmem:s13+$0xFFFFFF30];
	v5 =	vmul.f32 v5, v7  }
0x1b5: {  	[tilespmem:s18+$0x40] =	vst v8;
	v8 =	vmul.f32 v11, v3;
	v11 =	vld [tilespmem:s13+$0xB0]  }
0x1b6: {  	[tilespmem:s18+$0xFFFFFFE0] =	vst v5;
	v5 =	vmul.f32 v10, v2  }
0x1b7: {  	[tilespmem:s18+$0xFFFFFF80] =	vst v8;
	v6 =	vmul.f32 v6, v35  }
0x1b8: {  	[tilespmem:s18+$0xA0] =	vst v5;
	v5 =	vmul.f32 v45, v34  }
0x1b9: {  	s3 =	sadd.s32 $0x40, s19;
	[tilespmem:s9+$0x30] =	vst v6;
	v6 =	vmul.f32 v9, v12  }
0x1ba: {  	[tilespmem:s9+$0xFFFFFFD0] =	vst v5;
	v5 =	vmul.f32 v11, v15;
	v8 =	vld [tilespmem:s3+$0x0]  }
0x1bb: {  	[tilespmem:s9+$0xFFFFFF70] =	vst v6;
	v6 =	vld [tilespmem:s3+$0xFFFFFFF0]  }
0x1bc: {  	[tilespmem:s9+$0x90] =	vst v5;
	v9 =	vld [tilespmem:s3+$0xFFFFFFE0]  }
0x1bd: {  	[tilespmem:s9+$0x50] =	vst v35;
	v5 =	vld [tilespmem:s3+$0x10]  }
0x1be: {  	[tilespmem:s9+$0xFFFFFFF0] =	vst v34  }
0x1bf: {  	[tilespmem:s9+$0xB0] =	vst v15;
	v3 =	vmul.f32 v8, v35  }
0x1c0: {  	[tilespmem:s9+$0xFFFFFF90] =	vst v12;
	v2 =	vmul.f32 v6, v34  }
0x1c1: {  	[tilespmem:s9+$0x40] =	vst v3;
	v3 =	vmul.f32 v9, v12  }
0x1c2: {  	[tilespmem:s9+$0xFFFFFFE0] =	vst v2;
	v2 =	vmul.f32 v5, v15  }
0x1c3: {  	s3 =	sadd.s32 $0x2, s17;
	[tilespmem:s9+$0xFFFFFF80] =	vst v3  }
0x1c4: {  	p3 =	sge.u32 s3, s8;
	[tilespmem:s9+$0xA0] =	vst v2  }
0x1c5: {  	[spmem:s2] =	stream.indirect.scatter.add.f32 [tilespmem:s30], [sflag:$0x3], $0x60, s29, s24, $0xb8;
	[tilespmem:$0x1E720] =	vst v63  }
0x1c6: {  	s3 =	sshll.u32 @!p3 s3, $0x6;
	s13 =	simm.s32 @!p3 $0x5280;
	s9 =	simm.s32 @!p3 $0x40  }
0x1c7: {  	[tilespmem:s13], [sflag:$0x1] =	stream.indirect.gather @!p3 [hbm4b:s6+s9], $0x80, s3, s9, $0xb8;
	[tilespmem:$0x1E720] =	vst v63  }
0x1c8: {  	s13 =	sadd.s32 @!p3 $0x2900, s3;
	s3 =	sadd.s32 @!p3 s4, s3  }
0x1c9: {  	s14 =	simm.s32 @!p3 $0x7280;
	s3 =	sshll.u32 @!p3 s3, $0x1  }
0x1ca: {  	[tilespmem:s14], [sflag:$0x1] =	stream.indirect.gather @!p3 [hbm4b:s7+s9], $0x50, s13, s9, $0xb8;
	[tilespmem:$0x1E720] =	vst v63  }
0x1cb: {  	s3 =	sand.u32 @!p3 $0x1FFFFF00, s3  }
0x1cc: {  	s9 =	simm.s32 @!p3 $0x0;
	s13 =	simm.s32 @!p3 $0x8680;
	s3 =	sadd.s32 @!p3 s5, s3  }
0x1cd: {  	[tilespmem:s13], [sflag:$0x1] =	stream.linear.gather @!p3 [hbm4b:s3+s9], $0x400, $0x38;
	[tilespmem:$0x1E720] =	vst v63  }
0x1ce: {  	_ =	swait.ge [sflag:s31], $0x2000  }
0x1cf: {  	[sflag:s31] =	ssyncset.done $0x0  }
0x1d0: {  	[sflag:s31] =	ssyncadd.s32 $0xFFFFE000  }
0x1d1: {  	_ =	swait.ge [sflag:s31], $0x1400  }
0x1d2: {  	[sflag:s31] =	ssyncset.done $0x0  }
0x1d3: {  	[sflag:s31] =	ssyncadd.s32 $0xFFFFEC00  }
0x1d4: {  	_ =	swait.ge [sflag:s31], $0x400  }
0x1d5: {  	[sflag:s31] =	ssyncset.done $0x0  }
0x1d6: {  	s25 =	simm.s32 $0xAB20;
	[sflag:s31] =	ssyncadd.s32 $0xFFFFFC00  }
0x1d7: {  	s14 =	simm.s32 $0xBEA0;
	v2 =	vld [tilespmem:s25+$0x90]  }
0x1d8: {  	v3 =	vld [tilespmem:s14+$0x10]  }
0x1d9: {  	s18 =	simm.s32 $0x8B80;
	v4 =	vld [tilespmem:s25+$0x50]  }
0x1da: {  	v5 =	vld [tilespmem:s18+$0x80]  }
0x1db: {  	v6 =	vld [tilespmem:s25+$0x60]  }
0x1dc: {  	v7 =	vld [tilespmem:s18+$0x90]  }
0x1dd: {  	v8 =	vld [tilespmem:s25+$0x70]  }
0x1de: {  	v9 =	vld [tilespmem:s18+$0xA0]  }
0x1df: {  	v10 =	vld [tilespmem:s25+$0x80]  }
0x1e0: {  	v11 =	vld [tilespmem:s18+$0xB0]  }
0x1e1: {  	v46 =	vld [tilespmem:s14+$0xFFFFFFE0]  }
0x1e2: {  	v47 =	vld [tilespmem:s25+$0xFFFFFF60]  }
0x1e3: {  	v48 =	vld [tilespmem:s18+$0xFFFFFF00]  }
0x1e4: {  	v49 =	vld [tilespmem:s25+$0xFFFFFFF0]  }
0x1e5: {  	v50 =	vld [tilespmem:s14+$0xFFFFFFF0]  }
0x1e6: {  	v51 =	vld [tilespmem:s25+$0xFFFFFFB0]  }
0x1e7: {  	v52 =	vld [tilespmem:s18+$0xFFFFFF80]  }
0x1e8: {  	v53 =	vld [tilespmem:s25+$0x40]  }
0x1e9: {  	v54 =	vld [tilespmem:s14+$0x0]  }
0x1ea: {  	v55 =	vld [tilespmem:s25+$0x0]  }
0x1eb: {  	v22 =	vld [tilespmem:s18+$0x0]  }
0x1ec: {  	v23 =	vld [tilespmem:s25+$0xFFFFFFA0]  }
0x1ed: {  	v24 =	vld [tilespmem:s25+$0xFFFFFF70]  }
0x1ee: {  	v25 =	vld [tilespmem:s18+$0xFFFFFF10]  }
0x1ef: {  	v26 =	vld [tilespmem:s25+$0xFFFFFFC0]  }
0x1f0: {  	v27 =	vld [tilespmem:s18+$0xFFFFFF90]  }
0x1f1: {  	v28 =	vld [tilespmem:s25+$0x10]  }
0x1f2: {  	v29 =	vld [tilespmem:s25+$0xFFFFFF80];
	v2 =	vmul.f32 v3, v2;
	v3 =	vmul.f32 v5, v4  }
0x1f3: {  	v56 =	vld [tilespmem:s25+$0x20]  }
0x1f4: {  	v4 =	vld [tilespmem:s18+$0x10];
	v2 =	vadd.f32 v3, v2;
	v3 =	vmul.f32 v7, v6  }
0x1f5: {  	v5 =	vmul.f32 v9, v8;
	v8 =	vmul.f32 v48, v47;
	v9 =	vld [tilespmem:s18+$0xFFFFFFA0]  }
0x1f6: {  	v58 =	vmul.f32 v54, v53;
	v60 =	vmul.f32 v22, v55;
	v6 =	vld [tilespmem:s18+$0xFFFFFF20];
	v2 =	vadd.f32 v3, v2  }
0x1f7: {  	v7 =	vld [tilespmem:s25+$0xFFFFFFD0];
	v3 =	vmul.f32 v11, v10;
	v11 =	vmul.f32 v46, v23  }
0x1f8: {  	v59 =	vld [tilespmem:s18+$0x20];
	v57 =	vmul.f32 v52, v51;
	v10 =	vmul.f32 v50, v49;
	v5 =	vadd.f32 v5, v2  }
0x1f9: {  	v14 =	vadd.f32 v60, v58;
	v8 =	vadd.f32 v8, v11;
	v11 =	vmul.f32 v25, v24;
	v2 =	vld [tilespmem:s25+$0xFFFFFF90]  }
0x1fa: {  	v62 =	vmul.f32 v27, v26;
	v10 =	vadd.f32 v57, v10;
	v61 =	vadd.f32 v3, v5;
	v5 =	vld [tilespmem:s18+$0xFFFFFF30]  }
0x1fb: {  	v4 =	vmul.f32 v4, v28;
	v6 =	vmul.f32 v6, v29;
	v11 =	vadd.f32 v11, v8;
	v3 =	vld [tilespmem:s25+$0xFFFFFFE0]  }
0x1fc: {  	v63 =	vmul.f32 v9, v7;
	v10 =	vadd.f32 v62, v10;
	v8 =	vld [tilespmem:s18+$0xFFFFFFB0]  }
0x1fd: {  	s3 =	simm.s32 $0xF2E0;
	v7 =	vadd.f32 v4, v14;
	v4 =	vld [tilespmem:s25+$0x30];
	v9 =	vadd.f32 v6, v11;
	v11 =	vmul.f32 v59, v56  }
0x1fe: {  	s9 =	simm.s32 $0xAC60;
	s25 =	simm.s32 $0x0;
	[tilespmem:s3+$0x10] =	vst v61;
	v6 =	vadd.f32 v63, v10;
	v10 =	vld [tilespmem:s18+$0x30]  }
.LBB2_13:
0x1ff: {  	v12 =	vld [tilespmem:s9+$0x90];
	v2 =	vmul.f32 v5, v2;
	v5 =	vadd.f32 v11, v7;
	s14 =	sadd.s32 $0x40, s14  }
0x200: {  	v7 =	vld [tilespmem:s14+$0x10]  }
0x201: {  	s18 =	sadd.s32 $0x200, s18;
	v11 =	vld [tilespmem:s9+$0x50];
	v2 =	vadd.f32 v2, v9;
	v3 =	vmul.f32 v8, v3  }
0x202: {  	s25 =	sadd.s32 $0x4, s25;
	v8 =	vld [tilespmem:s18+$0x80]  }
0x203: {  	p4 =	slt.u32 s25, $0x3C;
	v9 =	vld [tilespmem:s9+$0x60];
	[tilespmem:s3+$0xFFFFFFE0] =	vst v2;
	v2 =	vadd.f32 v3, v6;
	v3 =	vmul.f32 v10, v4  }
0x204: {  	v4 =	vld [tilespmem:s18+$0x90]  }
0x205: {  	v6 =	vld [tilespmem:s9+$0x70];
	[tilespmem:s3+$0xFFFFFFF0] =	vst v2;
	v2 =	vadd.f32 v3, v5  }
0x206: {  	v3 =	vld [tilespmem:s18+$0xA0]  }
0x207: {  	v5 =	vmul.f32 v7, v12;
	v7 =	vmul.f32 v8, v11;
	v8 =	vld [tilespmem:s9+$0x80];
	[tilespmem:s3+$0x0] =	vst v2  }
0x208: {  	v2 =	vld [tilespmem:s18+$0xB0]  }
0x209: {  	v10 =	vld [tilespmem:s14+$0xFFFFFFE0];
	v5 =	vadd.f32 v7, v5;
	v4 =	vmul.f32 v4, v9  }
0x20a: {  	v7 =	vld [tilespmem:s9+$0xFFFFFF60]  }
0x20b: {  	v9 =	vld [tilespmem:s18+$0xFFFFFF00];
	v4 =	vadd.f32 v4, v5;
	v3 =	vmul.f32 v3, v6  }
0x20c: {  	v5 =	vld [tilespmem:s9+$0xFFFFFFF0]  }
0x20d: {  	v6 =	vld [tilespmem:s14+$0xFFFFFFF0];
	v3 =	vadd.f32 v3, v4;
	v2 =	vmul.f32 v2, v8  }
0x20e: {  	v4 =	vld [tilespmem:s9+$0xFFFFFFB0]  }
0x20f: {  	v8 =	vld [tilespmem:s18+$0xFFFFFF80];
	v2 =	vadd.f32 v2, v3  }
0x210: {  	s3 =	sadd.s32 $0x40, s3;
	v3 =	vmul.f32 v9, v7;
	v7 =	vld [tilespmem:s9+$0x40]  }
0x211: {  	s19 =	simm.s32 $0x0;
	p3 =	por $0x1, $0x1;
	v9 =	vld [tilespmem:s14+$0x0];
	[tilespmem:s3+$0x10] =	vst v2  }
0x212: {  	v2 =	vmul.f32 v6, v5;
	v5 =	vld [tilespmem:s9+$0x0]  }
0x213: {  	v6 =	vld [tilespmem:s18+$0x0]  }
0x214: {  	v11 =	vld [tilespmem:s9+$0xFFFFFFA0];
	v4 =	vmul.f32 v8, v4  }
0x215: {  	v8 =	vld [tilespmem:s9+$0xFFFFFF70]  }
0x216: {  	v12 =	vld [tilespmem:s18+$0xFFFFFF10];
	v2 =	vadd.f32 v4, v2;
	v4 =	vmul.f32 v9, v7  }
0x217: {  	v7 =	vld [tilespmem:s9+$0xFFFFFFC0]  }
0x218: {  	v9 =	vld [tilespmem:s18+$0xFFFFFF90];
	v5 =	vmul.f32 v6, v5  }
0x219: {  	v6 =	vmul.f32 v10, v11;
	v10 =	vld [tilespmem:s9+$0x10]  }
0x21a: {  	v4 =	vadd.f32 v5, v4;
	v5 =	vld [tilespmem:s18+$0x10]  }
0x21b: {  	v3 =	vadd.f32 v3, v6;
	v6 =	vmul.f32 v12, v8;
	v8 =	vld [tilespmem:s9+$0xFFFFFF80]  }
0x21c: {  	v11 =	vld [tilespmem:s18+$0xFFFFFF20]  }
0x21d: {  	v3 =	vadd.f32 v6, v3;
	v6 =	vmul.f32 v9, v7;
	v12 =	vld [tilespmem:s9+$0xFFFFFFD0]  }
0x21e: {  	v13 =	vld [tilespmem:s18+$0xFFFFFFA0]  }
0x21f: {  	v6 =	vadd.f32 v6, v2;
	v5 =	vmul.f32 v5, v10;
	v10 =	vld [tilespmem:s9+$0x20]  }
0x220: {  	v14 =	vld [tilespmem:s18+$0x20]  }
0x221: {  	v8 =	vmul.f32 v11, v8;
	v2 =	vld [tilespmem:s9+$0xFFFFFF90];
	v7 =	vadd.f32 v5, v4  }
.Ltmp5:
0x222: {  	v5 =	vld [tilespmem:s18+$0xFFFFFF30];
	(pc) =	sbr.rel @p4 .LBB2_13-.Ltmp5, $4  }
0x223: {  	v9 =	vadd.f32 v8, v3;
	v4 =	vmul.f32 v13, v12;
	v3 =	vld [tilespmem:s9+$0xFFFFFFE0]  }
0x224: {  	v8 =	vld [tilespmem:s18+$0xFFFFFFB0]  }
0x225: {  	v6 =	vadd.f32 v4, v6;
	v11 =	vmul.f32 v14, v10;
	v4 =	vld [tilespmem:s9+$0x30]  }
0x226: {  	s9 =	sadd.s32 $0x140, s9;
	v10 =	vld [tilespmem:s18+$0x30]  }
0x227: {  	_ =	sdelay $0x1  }
0x228: {  	v2 =	vmul.f32 v5, v2  }
0x229: {  	v3 =	vmul.f32 v8, v3  }
0x22a: {  	v63 =	vadd.f32 v11, v7;
	v2 =	vadd.f32 v2, v9;
	v4 =	vmul.f32 v10, v4  }
0x22b: {  	v3 =	vadd.f32 v3, v6  }
0x22c: {  	[tilespmem:s3+$0xFFFFFFE0] =	vst v2;
	v2 =	vadd.f32 v4, v63  }
0x22d: {  	[tilespmem:s3+$0xFFFFFFF0] =	vst v3  }
0x22e: {  	[tilespmem:s3+$0x0] =	vst v2  }
.LBB2_15:
0x22f: {  	v2 =	vmov s19  }
0x230: {  	s3 =	sor.u32 $0x10, s19;
	v2 =	vshll.u32 v2, $0x4  }
0x231: {  	v3 =	vmov s3;
	v2 =	vor.u32 v1, v2  }
0x232: {  	v3 =	vshll.u32 v3, $0x4;
	v4 =	vor.u32 $0x1, v2  }
0x233: {  	v3 =	vor.u32 v1, v3  }
0x234: {  	v5 =	vor.u32 $0x1, v3  }
0x235: {  	v6 =	vor.u32 $0x2, v2  }
0x236: {  	v8 =	vor.u32 $0x2, v3;
	v7 =	vld.idx.msk [tilespmem:v2+s26+$0x0], $0xffff  }
0x237: {  	v9 =	vor.u32 $0x3, v2;
	v4 =	vld.idx.msk [tilespmem:v4+s26+$0x0], $0xffff  }
0x238: {  	v11 =	vor.u32 $0x3, v3;
	v10 =	vld.idx.msk [tilespmem:v3+s26+$0x0], $0xffff  }
0x239: {  	v12 =	vor.u32 $0x4, v2;
	v5 =	vld.idx.msk [tilespmem:v5+s26+$0x0], $0xffff  }
0x23a: {  	v13 =	vor.u32 $0x4, v3;
	v6 =	vld.idx.msk [tilespmem:v6+s26+$0x0], $0xffff  }
0x23b: {  	v14 =	vor.u32 $0x5, v2;
	v8 =	vld.idx.msk [tilespmem:v8+s26+$0x0], $0xffff  }
0x23c: {  	v15 =	vor.u32 $0x5, v3;
	v9 =	vld.idx.msk [tilespmem:v9+s26+$0x0], $0xffff  }
0x23d: {  	v43 =	vor.u32 $0x6, v2;
	v11 =	vld.idx.msk [tilespmem:v11+s26+$0x0], $0xffff;
	v4 =	vadd.f32 v4, v7  }
0x23e: {  	v44 =	vor.u32 $0x6, v3;
	v12 =	vld.idx.msk [tilespmem:v12+s26+$0x0], $0xffff;
	v5 =	vadd.f32 v5, v10  }
0x23f: {  	v45 =	vor.u32 $0x7, v2;
	v13 =	vld.idx.msk [tilespmem:v13+s26+$0x0], $0xffff;
	v4 =	vadd.f32 v6, v4  }
0x240: {  	v46 =	vor.u32 $0x7, v3;
	v14 =	vld.idx.msk [tilespmem:v14+s26+$0x0], $0xffff;
	v5 =	vadd.f32 v8, v5  }
0x241: {  	v47 =	vor.u32 $0x8, v2;
	v15 =	vld.idx.msk [tilespmem:v15+s26+$0x0], $0xffff;
	v4 =	vadd.f32 v9, v4  }
0x242: {  	v48 =	vor.u32 $0x8, v3;
	v7 =	vld.idx.msk [tilespmem:v43+s26+$0x0], $0xffff;
	v5 =	vadd.f32 v11, v5  }
0x243: {  	v49 =	vor.u32 $0x9, v2;
	v10 =	vld.idx.msk [tilespmem:v44+s26+$0x0], $0xffff;
	v4 =	vadd.f32 v12, v4  }
0x244: {  	v50 =	vor.u32 $0x9, v3;
	v6 =	vld.idx.msk [tilespmem:v45+s26+$0x0], $0xffff;
	v5 =	vadd.f32 v13, v5  }
0x245: {  	v51 =	vor.u32 $0xA, v2;
	v8 =	vld.idx.msk [tilespmem:v46+s26+$0x0], $0xffff;
	v4 =	vadd.f32 v14, v4  }
0x246: {  	v52 =	vor.u32 $0xA, v3;
	v9 =	vld.idx.msk [tilespmem:v47+s26+$0x0], $0xffff;
	v5 =	vadd.f32 v15, v5  }
0x247: {  	v53 =	vor.u32 $0xB, v2;
	v11 =	vld.idx.msk [tilespmem:v48+s26+$0x0], $0xffff;
	v4 =	vadd.f32 v7, v4  }
0x248: {  	v54 =	vor.u32 $0xB, v3;
	v12 =	vld.idx.msk [tilespmem:v49+s26+$0x0], $0xffff;
	v5 =	vadd.f32 v10, v5  }
0x249: {  	v55 =	vor.u32 $0xC, v2;
	v13 =	vld.idx.msk [tilespmem:v50+s26+$0x0], $0xffff;
	v4 =	vadd.f32 v6, v4  }
0x24a: {  	v56 =	vor.u32 $0xC, v3;
	v14 =	vld.idx.msk [tilespmem:v51+s26+$0x0], $0xffff;
	v5 =	vadd.f32 v8, v5  }
0x24b: {  	v57 =	vor.u32 $0xD, v2;
	v15 =	vld.idx.msk [tilespmem:v52+s26+$0x0], $0xffff;
	v4 =	vadd.f32 v9, v4  }
0x24c: {  	v58 =	vor.u32 $0xD, v3;
	v7 =	vld.idx.msk [tilespmem:v53+s26+$0x0], $0xffff;
	v5 =	vadd.f32 v11, v5  }
0x24d: {  	v59 =	vor.u32 $0xE, v2;
	v10 =	vld.idx.msk [tilespmem:v54+s26+$0x0], $0xffff;
	v4 =	vadd.f32 v12, v4  }
0x24e: {  	v60 =	vor.u32 $0xE, v3;
	v6 =	vld.idx.msk [tilespmem:v55+s26+$0x0], $0xffff;
	v5 =	vadd.f32 v13, v5  }
0x24f: {  	v2 =	vor.u32 $0xF, v2;
	v8 =	vld.idx.msk [tilespmem:v56+s26+$0x0], $0xffff;
	v4 =	vadd.f32 v14, v4  }
0x250: {  	v3 =	vor.u32 $0xF, v3;
	v9 =	vld.idx.msk [tilespmem:v57+s26+$0x0], $0xffff;
	v5 =	vadd.f32 v15, v5  }
0x251: {  	v61 =	vld.idx.msk [tilespmem:v58+s26+$0x0], $0xffff;
	v4 =	vadd.f32 v7, v4  }
0x252: {  	v62 =	vld.idx.msk [tilespmem:v59+s26+$0x0], $0xffff;
	v5 =	vadd.f32 v10, v5  }
0x253: {  	v63 =	vld.idx.msk [tilespmem:v60+s26+$0x0], $0xffff;
	v4 =	vadd.f32 v6, v4  }
0x254: {  	v2 =	vld.idx.msk [tilespmem:v2+s26+$0x0], $0xffff;
	v5 =	vadd.f32 v8, v5  }
0x255: {  	v3 =	vld.idx.msk [tilespmem:v3+s26+$0x0], $0xffff;
	v4 =	vadd.f32 v9, v4  }
0x256: {  	v5 =	vadd.f32 v61, v5  }
0x257: {  	v4 =	vadd.f32 v62, v4  }
0x258: {  	v5 =	vadd.f32 v63, v5  }
0x259: {  	v2 =	vadd.f32 v2, v4  }
0x25a: {  	v3 =	vadd.f32 v3, v5  }
0x25b: {  	v2 =	vmul.f32 $1.250000000e-01, v2  }
0x25c: {  	v3 =	vmul.f32 $1.250000000e-01, v3  }
0x25d: {  	v2 =	vmul.f32 $1.442695020e+00, v2  }
0x25e: {  	v3 =	vmul.f32 $1.442695020e+00, v3  }
0x25f: {  	(erf) = vpow2.f32 v2  }
0x260: {  	(erf) = vpow2.f32 v3;
	_ =	sdelay $0x4  }
0x261: {  	p4 =	por p3, p3  }
.Ltmp6:
0x262: {  	_ = 	snop;
	(pc) =	sbr.rel @p4 .LBB2_15-.Ltmp6, $4  }
0x263: {  	_ = 	snop  }
0x264: {  	v2 =	vpop (erf)  }
0x265: {  	[tilespmem:s19+$0xC280] =	vst v2;
	v2 =	vpop (erf)  }
0x266: {  	p3 =	por $0x0, $0x0;
	[tilespmem:s19+$0xC290] =	vst v2;
	s19 =	simm.s32 $0x20  }
0x267: {  	v3 =	vmov s15  }
0x268: {  	s3 =	simm.s32 @!p2 $0x4  }
0x269: {  	_ =	swait.ge @!p2 [sflag:s3], $0x1800  }
0x26a: {  	[sflag:s3] =	ssyncset.done @!p2 $0x0  }
0x26b: {  	[sflag:s3] =	ssyncadd.s32 @!p2 $0xFFFFE800;
	s3 =	simm.s32 $0x0  }
0x26c: {  	s9 =	simm.s32 $0x0;
	s13 =	simm.s32 $0x40;
	v2 =	vld.idx.msk [tilespmem:v3+s3+$0x0 ss:$0x1], $0xffff  }
.LBB2_17:
0x26d: {  	p2 =	sne.s32 s13, $0xC0  }
.Ltmp7:
0x26e: {  	_ = 	snop;
	(pc) =	sbr.rel @p2 .LBB2_17-.Ltmp7, $3  }
0x26f: {  	_ =	sdelay $0x1  }
0x270: {  	s14 =	sshra.s32 s13, $0x2;
	s13 =	sadd.s32 $0x40, s13  }
0x271: {  	[tilespmem:s3+$0x5240] =	vst v2;
	v2 =	vld.idx.msk [tilespmem:v3+s14+$0x0 ss:$0x1], $0xffff;
	s3 =	smov.u32 s14  }
0x272: {  	s13 =	simm.s32 $0x3;
	s19 =	simm.s32 $0x1  }
0x273: {  	v3 =	vmov s9;
	s25 =	simm.s32 $0x2;
	v4 =	vmov s13;
	v5 =	vmov s19  }
0x274: {  	v3 =	vand.u32 $0xFFFFFFFC, v3;
	v6 =	vmov s25;
	v5 =	vand.u32 $0xFFFFFFFD, v5  }
0x275: {  	v3 =	vbroadcast v3, $0x0;
	v7 =	vbroadcast v5, $0x0;
	v5 =	vand.u32 $0xFFFFFFFE, v6  }
0x276: {  	v8 =	vbroadcast v5, $0x0  }
0x277: {  	[tilespmem:s3+$0x5240] =	vst v2;
	s3 =	simm.s32 $0x8BC0  }
0x278: {  	v2 =	vld [tilespmem:s3+$0x0]  }
0x279: {  	v5 =	vld.idx.msk [tilespmem:v4+s28+$0x0], $0xffff  }
0x27a: {  	v4 =	vld [tilespmem:s3+$0xFFFFFF80]  }
0x27b: {  	v6 =	vld.idx.msk [tilespmem:v3+s28+$0x0], $0xffff  }
0x27c: {  	v8 =	vld.idx.msk [tilespmem:v8+s28+$0x0], $0xffff  }
0x27d: {  	v3 =	vld [tilespmem:s3+$0xFFFFFF00]  }
0x27e: {  	v9 =	vld.idx.msk [tilespmem:v7+s28+$0x0], $0xffff  }
0x27f: {  	v7 =	vld [tilespmem:s3+$0x80];
	_ =	sdelay $0x1  }
0x280: {  	v2 =	vmul.f32 v2, v8  }
0x281: {  	s19 =	simm.s32 $0xDB80;
	v3 =	vmul.f32 v3, v6  }
0x282: {  	[tilespmem:s19+$0x0] =	vst v2  }
0x283: {  	[tilespmem:s19+$0xFFFFFF40] =	vst v3;
	v3 =	vmul.f32 v7, v5;
	v2 =	vmul.f32 v4, v9;
	v4 =	vld [tilespmem:s3+$0x10]  }
0x284: {  	v7 =	vld [tilespmem:s3+$0xFFFFFF10]  }
0x285: {  	[tilespmem:s19+$0x60] =	vst v3  }
0x286: {  	s18 =	simm.s32 $0x5;
	v11 =	vld [tilespmem:s3+$0x90];
	[tilespmem:s19+$0xFFFFFFA0] =	vst v2  }
0x287: {  	v12 =	vmov s18;
	v10 =	vld [tilespmem:s3+$0xFFFFFF90]  }
0x288: {  	s14 =	simm.s32 $0x4;
	s25 =	simm.s32 $0x6;
	v12 =	vand.u32 $0xFFFFFFFD, v12;
	v4 =	vmul.f32 v4, v8  }
0x289: {  	v13 =	vmov s25;
	v3 =	vmov s14;
	s14 =	simm.s32 $0x8DC0;
	v7 =	vmul.f32 v7, v6  }
0x28a: {  	v15 =	vld [tilespmem:s14+$0xFFFFFF00];
	[tilespmem:s19+$0x10] =	vst v4;
	v4 =	vbroadcast v12, $0x0;
	v12 =	vand.u32 $0xFFFFFFFE, v13  }
0x28b: {  	[tilespmem:s19+$0xFFFFFF50] =	vst v7;
	v7 =	vmul.f32 v11, v5;
	v12 =	vbroadcast v12, $0x0;
	v13 =	vld [tilespmem:s3+$0x20]  }
0x28c: {  	v16 =	vld [tilespmem:s14+$0xFFFFFF80];
	v10 =	vmul.f32 v10, v9  }
0x28d: {  	v3 =	vand.u32 $0xFFFFFFFC, v3;
	v11 =	vld [tilespmem:s3+$0xFFFFFF20];
	[tilespmem:s19+$0x70] =	vst v7  }
0x28e: {  	v3 =	vbroadcast v3, $0x0;
	v14 =	vld [tilespmem:s3+$0xA0];
	[tilespmem:s19+$0xFFFFFFB0] =	vst v10  }
0x28f: {  	s13 =	simm.s32 $0x7;
	v10 =	vld [tilespmem:s3+$0xFFFFFFA0]  }
0x290: {  	v2 =	vmov s13;
	v7 =	vld.idx.msk [tilespmem:v4+s28+$0x0], $0xffff;
	v13 =	vmul.f32 v13, v8  }
0x291: {  	v4 =	vld.idx.msk [tilespmem:v12+s28+$0x0], $0xffff  }
0x292: {  	v12 =	vld [tilespmem:s14+$0x0];
	[tilespmem:s19+$0x20] =	vst v13  }
0x293: {  	v13 =	vld [tilespmem:s3+$0x30]  }
0x294: {  	v3 =	vld.idx.msk [tilespmem:v3+s28+$0x0], $0xffff;
	v10 =	vmul.f32 v10, v9  }
0x295: {  	v2 =	vld.idx.msk [tilespmem:v2+s28+$0x0], $0xffff;
	v11 =	vmul.f32 v11, v6  }
0x296: {  	v14 =	vmul.f32 v14, v5;
	[tilespmem:s19+$0xFFFFFFC0] =	vst v10;
	v10 =	vld [tilespmem:s14+$0x80]  }
0x297: {  	[tilespmem:s19+$0xFFFFFF60] =	vst v11;
	v11 =	vmul.f32 v12, v4;
	v12 =	vld [tilespmem:s3+$0xFFFFFFB0]  }
0x298: {  	s18 =	simm.s32 $0xDD00;
	[tilespmem:s19+$0x80] =	vst v14;
	v14 =	vld [tilespmem:s3+$0xFFFFFF30];
	v13 =	vmul.f32 v13, v8  }
0x299: {  	v15 =	vmul.f32 v15, v3;
	v17 =	vld [tilespmem:s3+$0xB0];
	[tilespmem:s18+$0x0] =	vst v11  }
0x29a: {  	s25 =	simm.s32 $0xBEA0;
	v11 =	vmul.f32 v16, v7;
	v16 =	vld [tilespmem:s14+$0x10];
	[tilespmem:s19+$0x30] =	vst v13  }
0x29b: {  	[tilespmem:s18+$0xFFFFFF40] =	vst v15;
	v10 =	vmul.f32 v10, v2;
	v18 =	vld [tilespmem:s25+$0x0]  }
0x29c: {  	s13 =	simm.s32 $0xB;
	v21 =	vld [tilespmem:s14+$0xFFFFFF10];
	[tilespmem:s18+$0xFFFFFFA0] =	vst v11;
	v12 =	vmul.f32 v12, v9  }
0x29d: {  	s9 =	simm.s32 $0x8;
	v15 =	vmov s13;
	v13 =	vmul.f32 v14, v6;
	v11 =	vld [tilespmem:s14+$0xFFFFFF90];
	[tilespmem:s18+$0x60] =	vst v10  }
0x29e: {  	v19 =	vmul.f32 v17, v5;
	v14 =	vmov s9;
	s9 =	simm.s32 $0x9;
	v10 =	vld [tilespmem:s14+$0x90];
	[tilespmem:s19+$0xFFFFFFD0] =	vst v12  }
0x29f: {  	v20 =	vmov s9;
	[tilespmem:s19+$0xFFFFFF70] =	vst v13;
	v16 =	vmul.f32 v16, v4;
	v13 =	vld [tilespmem:s25+$0xFFFFFFF0]  }
0x2a0: {  	s13 =	simm.s32 $0xA;
	[tilespmem:s19+$0x90] =	vst v19;
	v19 =	vand.u32 $0xFFFFFFFD, v20;
	v12 =	vand.u32 $0xFFFFFFFC, v14;
	v14 =	vld [tilespmem:s25+$0xFFFFFFE0];
	v17 =	vmul.f32 v18, v8  }
0x2a1: {  	s3 =	simm.s32 $0x8DC0;
	s9 =	simm.s32 $0xC;
	v20 =	vmov s13;
	v12 =	vbroadcast v12, $0x0;
	v18 =	vmul.f32 v21, v3;
	[tilespmem:s18+$0x10] =	vst v16;
	v16 =	vld [tilespmem:s25+$0x10]  }
.LBB2_19:
0x2a2: {  	p2 =	slt.u32 s9, $0x3C;
	v19 =	vbroadcast v19, $0x0;
	v20 =	vand.u32 $0xFFFFFFFE, v20;
	v15 =	vld.idx.msk [tilespmem:v15+s28+$0x0], $0xffff;
	v11 =	vmul.f32 v11, v7;
	[tilespmem:s19+$0x40] =	vst v17  }
0x2a3: {  	v17 =	vbroadcast v20, $0x0;
	[tilespmem:s18+$0xFFFFFF50] =	vst v18;
	v18 =	vld [tilespmem:s14+$0x20];
	v10 =	vmul.f32 v10, v2  }
0x2a4: {  	v20 =	vld [tilespmem:s14+$0xFFFFFF20];
	[tilespmem:s18+$0xFFFFFFB0] =	vst v11;
	v11 =	vmul.f32 v13, v9  }
0x2a5: {  	v13 =	vld [tilespmem:s14+$0xFFFFFFA0];
	[tilespmem:s18+$0x70] =	vst v10;
	v10 =	vmul.f32 v14, v6  }
0x2a6: {  	v14 =	vld [tilespmem:s14+$0xA0];
	[tilespmem:s19+$0xFFFFFFE0] =	vst v11;
	v11 =	vmul.f32 v16, v5  }
0x2a7: {  	v12 =	vld.idx.msk [tilespmem:v12+s28+$0x0], $0xffff;
	[tilespmem:s19+$0xFFFFFF80] =	vst v10  }
0x2a8: {  	v10 =	vld.idx.msk [tilespmem:v19+s28+$0x0], $0xffff;
	v16 =	vmul.f32 v18, v4;
	[tilespmem:s19+$0xA0] =	vst v11  }
0x2a9: {  	s14 =	sadd.s32 $0x200, s14;
	v11 =	vld.idx.msk [tilespmem:v17+s28+$0x0], $0xffff;
	v17 =	vmul.f32 v20, v3;
	[tilespmem:s19+$0xFFFFFFF0] =	vst v9;
	v9 =	vmov v7  }
0x2aa: {  	v18 =	vld [tilespmem:s14+$0x0];
	v7 =	vmul.f32 v13, v9;
	[tilespmem:s18+$0x20] =	vst v16  }
0x2ab: {  	[tilespmem:s18+$0xFFFFFF60] =	vst v17;
	v13 =	vld [tilespmem:s3+$0x30];
	v14 =	vmul.f32 v14, v2  }
0x2ac: {  	v16 =	vld [tilespmem:s14+$0xFFFFFF00];
	[tilespmem:s18+$0xFFFFFFC0] =	vst v7  }
0x2ad: {  	v17 =	vld [tilespmem:s14+$0xFFFFFF80];
	[tilespmem:s18+$0x80] =	vst v14  }
0x2ae: {  	v14 =	vld [tilespmem:s14+$0x80];
	[tilespmem:s19+$0x50] =	vst v8;
	v7 =	vmov v10;
	v8 =	vmov v4  }
0x2af: {  	v4 =	vmovc v11;
	v10 =	vmul.f32 v18, v11;
	v18 =	vld [tilespmem:s3+$0xFFFFFFB0];
	[tilespmem:s19+$0xFFFFFF90] =	vst v6;
	v6 =	vmov v3;
	v3 =	vmov v12  }
0x2b0: {  	v12 =	vld [tilespmem:s3+$0xFFFFFF30];
	v11 =	vmul.f32 v13, v8;
	[tilespmem:s19+$0xB0] =	vst v5;
	v5 =	vmov v2;
	v2 =	vmov v15;
	s19 =	smov.u32 s18;
	s18 =	sadd.s32 $0x180, s18  }
0x2b1: {  	v13 =	vmul.f32 v16, v3;
	[tilespmem:s18+$0x0] =	vst v10;
	v16 =	vld [tilespmem:s3+$0xB0];
	s3 =	smov.u32 s14  }
0x2b2: {  	s25 =	sadd.s32 $0x40, s25;
	v10 =	vmul.f32 v17, v7;
	v17 =	vld [tilespmem:s14+$0x10];
	[tilespmem:s19+$0x30] =	vst v11  }
0x2b3: {  	[tilespmem:s18+$0xFFFFFF40] =	vst v13;
	v13 =	vmul.f32 v14, v2;
	v19 =	vld [tilespmem:s25+$0x0]  }
0x2b4: {  	s13 =	sadd.s32 $0x3, s9;
	v21 =	vld [tilespmem:s14+$0xFFFFFF10];
	[tilespmem:s18+$0xFFFFFFA0] =	vst v10;
	v14 =	vmul.f32 v18, v9  }
.Ltmp8:
0x2b5: {  	v15 =	vmov s13;
	v11 =	vld [tilespmem:s14+$0xFFFFFF90];
	[tilespmem:s18+$0x60] =	vst v13;
	v12 =	vmul.f32 v12, v6;
	(pc) =	sbr.rel @p2 .LBB2_19-.Ltmp8, $4  }
0x2b6: {  	v13 =	vmov s9;
	v10 =	vld [tilespmem:s14+$0x90];
	[tilespmem:s19+$0xFFFFFFD0] =	vst v14;
	v16 =	vmul.f32 v16, v5  }
0x2b7: {  	s13 =	sadd.s32 $0x1, s9;
	v14 =	vand.u32 $0xFFFFFFFC, v13;
	v22 =	vmul.f32 v17, v4;
	[tilespmem:s19+$0xFFFFFF70] =	vst v12;
	v13 =	vld [tilespmem:s25+$0xFFFFFFF0]  }
0x2b8: {  	v18 =	vmov s13;
	s13 =	sadd.s32 $0x2, s9;
	v12 =	vbroadcast v14, $0x0;
	v14 =	vld [tilespmem:s25+$0xFFFFFFE0];
	v17 =	vmul.f32 v19, v8;
	[tilespmem:s19+$0x90] =	vst v16  }
0x2b9: {  	v20 =	vmov s13;
	s9 =	sadd.s32 $0x4, s9;
	v19 =	vand.u32 $0xFFFFFFFD, v18;
	v18 =	vmul.f32 v21, v3;
	[tilespmem:s18+$0x10] =	vst v22;
	v16 =	vld [tilespmem:s25+$0x10]  }
0x2ba: {  	_ =	sdelay $0x3  }
0x2bb: {  	v15 =	vld.idx.msk [tilespmem:v15+s28+$0x0], $0xffff;
	[tilespmem:s19+$0x40] =	vst v17  }
0x2bc: {  	v63 =	vld [tilespmem:s14+$0x20];
	[tilespmem:s19+$0xFFFFFFF0] =	vst v9  }
0x2bd: {  	v19 =	vbroadcast v19, $0x0;
	v20 =	vand.u32 $0xFFFFFFFE, v20;
	v12 =	vld.idx.msk [tilespmem:v12+s28+$0x0], $0xffff;
	s13 =	sadd.s32 $0x200, s14;
	[tilespmem:s19+$0x50] =	vst v8  }
0x2be: {  	[tilespmem:s19+$0xFFFFFF90] =	vst v6;
	v20 =	vbroadcast v20, $0x0;
	v26 =	vld [tilespmem:s13+$0x0]  }
0x2bf: {  	v11 =	vmul.f32 v11, v7;
	[tilespmem:s19+$0xB0] =	vst v5;
	v27 =	vld [tilespmem:s13+$0xFFFFFF80]  }
0x2c0: {  	[tilespmem:s18+$0xFFFFFF50] =	vst v18;
	v10 =	vmul.f32 v10, v2;
	v28 =	vld [tilespmem:s13+$0xFFFFFF00]  }
0x2c1: {  	v30 =	vld [tilespmem:s13+$0x80];
	[tilespmem:s18+$0xFFFFFFB0] =	vst v11;
	v13 =	vmul.f32 v13, v9  }
0x2c2: {  	v21 =	vld [tilespmem:s14+$0xFFFFFF20];
	[tilespmem:s18+$0x70] =	vst v10;
	v23 =	vmul.f32 v14, v6  }
0x2c3: {  	[tilespmem:s19+$0xFFFFFFE0] =	vst v13;
	v25 =	vmul.f32 v16, v5;
	v17 =	vld.idx.msk [tilespmem:v19+s28+$0x0], $0xffff  }
0x2c4: {  	[tilespmem:s19+$0xFFFFFF80] =	vst v23;
	v18 =	vmul.f32 v63, v4;
	v24 =	vld.idx.msk [tilespmem:v20+s28+$0x0], $0xffff  }
0x2c5: {  	v11 =	vld [tilespmem:s14+$0xFFFFFFA0];
	[tilespmem:s19+$0xA0] =	vst v25;
	v32 =	vmul.f32 v28, v12  }
0x2c6: {  	s9 =	sadd.s32 $0x180, s18;
	v31 =	vld [tilespmem:s14+$0xA0];
	v9 =	vmul.f32 v30, v15;
	[tilespmem:s18+$0x20] =	vst v18  }
0x2c7: {  	v29 =	vmul.f32 v21, v3;
	[tilespmem:s9+$0xFFFFFF40] =	vst v32;
	v37 =	vld [tilespmem:s3+$0x30]  }
0x2c8: {  	[tilespmem:s9+$0x60] =	vst v9;
	v36 =	vld [tilespmem:s13+$0xFFFFFF10];
	v10 =	vmul.f32 v27, v17  }
0x2c9: {  	[tilespmem:s18+$0xFFFFFF60] =	vst v29;
	v9 =	vld [tilespmem:s13+$0x90];
	v16 =	vmul.f32 v26, v24  }
0x2ca: {  	v11 =	vmul.f32 v11, v7;
	[tilespmem:s9+$0xFFFFFFA0] =	vst v10  }
0x2cb: {  	v34 =	vmul.f32 v31, v2;
	[tilespmem:s9+$0x0] =	vst v16;
	v35 =	vld [tilespmem:s13+$0xFFFFFF90]  }
0x2cc: {  	[tilespmem:s18+$0xFFFFFFC0] =	vst v11;
	v43 =	vmul.f32 v37, v4;
	v33 =	vld [tilespmem:s13+$0x10]  }
0x2cd: {  	v40 =	vld [tilespmem:s3+$0xFFFFFF30];
	[tilespmem:s18+$0x80] =	vst v34;
	v16 =	vmul.f32 v36, v12  }
0x2ce: {  	v38 =	vld [tilespmem:s3+$0xFFFFFFB0];
	v9 =	vmul.f32 v9, v15;
	[tilespmem:s18+$0x30] =	vst v43  }
0x2cf: {  	[tilespmem:s9+$0xFFFFFF50] =	vst v16  }
0x2d0: {  	s25 =	sadd.s32 $0x40, s25;
	v42 =	vld [tilespmem:s3+$0xB0];
	[tilespmem:s9+$0x70] =	vst v9;
	v41 =	vmul.f32 v35, v17  }
0x2d1: {  	v46 =	vld [tilespmem:s25+$0x0];
	[tilespmem:s18+$0x50] =	vst v4;
	v39 =	vmul.f32 v33, v24  }
0x2d2: {  	v45 =	vmul.f32 v40, v3;
	v16 =	vld [tilespmem:s13+$0xFFFFFF20];
	[tilespmem:s9+$0xFFFFFFB0] =	vst v41  }
0x2d3: {  	v8 =	vmul.f32 v38, v7;
	[tilespmem:s9+$0x10] =	vst v39;
	v44 =	vld [tilespmem:s13+$0xFFFFFFA0]  }
0x2d4: {  	[tilespmem:s18+$0xFFFFFF70] =	vst v45;
	v6 =	vld [tilespmem:s13+$0x20]  }
0x2d5: {  	v9 =	vld [tilespmem:s13+$0xA0];
	v47 =	vmul.f32 v42, v2;
	[tilespmem:s18+$0xFFFFFFD0] =	vst v8  }
0x2d6: {  	v49 =	vld [tilespmem:s25+$0xFFFFFFE0];
	[tilespmem:s18+$0xFFFFFF90] =	vst v3  }
0x2d7: {  	[tilespmem:s18+$0x90] =	vst v47  }
0x2d8: {  	v48 =	vld [tilespmem:s25+$0xFFFFFFF0];
	[tilespmem:s18+$0xFFFFFFF0] =	vst v7;
	v50 =	vmul.f32 v44, v17  }
0x2d9: {  	v51 =	vld [tilespmem:s25+$0x10];
	[tilespmem:s18+$0xB0] =	vst v2;
	v6 =	vmul.f32 v6, v24  }
0x2da: {  	v9 =	vmul.f32 v9, v15;
	[tilespmem:s9+$0xFFFFFFC0] =	vst v50  }
0x2db: {  	v16 =	vmul.f32 v16, v12;
	[tilespmem:s9+$0x20] =	vst v6;
	v53 =	vld [tilespmem:s13+$0xFFFFFFB0]  }
0x2dc: {  	v52 =	vmul.f32 v46, v4;
	[tilespmem:s9+$0x80] =	vst v9;
	v6 =	vld [tilespmem:s13+$0x30]  }
0x2dd: {  	v55 =	vmul.f32 v49, v3;
	[tilespmem:s9+$0xFFFFFF60] =	vst v16;
	v56 =	vld [tilespmem:s13+$0xB0]  }
0x2de: {  	[tilespmem:s18+$0x40] =	vst v52;
	v5 =	vmul.f32 v48, v7;
	v54 =	vld [tilespmem:s13+$0xFFFFFF30]  }
0x2df: {  	v57 =	vmul.f32 v51, v2;
	[tilespmem:s18+$0xFFFFFF80] =	vst v55  }
0x2e0: {  	[tilespmem:s18+$0xFFFFFFE0] =	vst v5;
	v58 =	vmul.f32 v53, v17  }
0x2e1: {  	[tilespmem:s18+$0xA0] =	vst v57;
	v6 =	vmul.f32 v6, v24  }
0x2e2: {  	s3 =	sadd.s32 $0x40, s25;
	v61 =	vmul.f32 v56, v15;
	[tilespmem:s9+$0xFFFFFFD0] =	vst v58  }
0x2e3: {  	v59 =	vmul.f32 v54, v12;
	[tilespmem:s9+$0x30] =	vst v6;
	v62 =	vld [tilespmem:s3+$0xFFFFFFF0]  }
0x2e4: {  	[tilespmem:s9+$0x90] =	vst v61;
	v60 =	vld [tilespmem:s3+$0x0]  }
0x2e5: {  	[tilespmem:s9+$0xFFFFFF70] =	vst v59;
	v5 =	vld [tilespmem:s3+$0x10]  }
0x2e6: {  	v63 =	vld [tilespmem:s3+$0xFFFFFFE0];
	[tilespmem:s9+$0xFFFFFF90] =	vst v12  }
0x2e7: {  	[tilespmem:s9+$0xB0] =	vst v15  }
0x2e8: {  	[tilespmem:s9+$0xFFFFFFF0] =	vst v17;
	v2 =	vmul.f32 v62, v17  }
0x2e9: {  	[tilespmem:s9+$0x50] =	vst v24;
	v3 =	vmul.f32 v60, v24  }
0x2ea: {  	[tilespmem:s9+$0xFFFFFFE0] =	vst v2;
	v2 =	vmul.f32 v5, v15  }
0x2eb: {  	[tilespmem:s9+$0x40] =	vst v3;
	v3 =	vmul.f32 v63, v12  }
0x2ec: {  	s3 =	sadd.s32 $0x3, s17;
	[tilespmem:s9+$0xA0] =	vst v2  }
0x2ed: {  	p2 =	sge.u32 s3, s8;
	[tilespmem:s9+$0xFFFFFF80] =	vst v3  }
0x2ee: {  	[spmem:s2] =	stream.indirect.scatter.add.f32 [tilespmem:s0], [sflag:$0x4], $0x60, s1, s24, $0xb8;
	[tilespmem:$0x1E720] =	vst v63  }
0x2ef: {  	s3 =	sshll.u32 @!p2 s3, $0x6;
	s13 =	simm.s32 @!p2 $0x8A80;
	s9 =	simm.s32 @!p2 $0x40  }
0x2f0: {  	[tilespmem:s13], [sflag:$0x2] =	stream.indirect.gather @!p2 [hbm4b:s6+s9], $0x80, s3, s9, $0xb8;
	[tilespmem:$0x1E720] =	vst v63  }
0x2f1: {  	s13 =	sadd.s32 @!p2 $0x2900, s3;
	s3 =	sadd.s32 @!p2 s4, s3  }
0x2f2: {  	s14 =	simm.s32 @!p2 $0xAA80;
	s3 =	sshll.u32 @!p2 s3, $0x1  }
0x2f3: {  	[tilespmem:s14], [sflag:$0x2] =	stream.indirect.gather @!p2 [hbm4b:s7+s9], $0x50, s13, s9, $0xb8;
	[tilespmem:$0x1E720] =	vst v63  }
0x2f4: {  	s11 =	sadd.s32 $0x1, s11;
	s3 =	sand.u32 @!p2 $0x1FFFFF80, s3  }
0x2f5: {  	s9 =	simm.s32 @!p2 $0x0;
	s13 =	simm.s32 @!p2 $0xBE80;
	s3 =	sadd.s32 @!p2 s5, s3  }
0x2f6: {  	[tilespmem:s13], [sflag:$0x2] =	stream.linear.gather @!p2 [hbm4b:s3+s9], $0x400, $0x38;
	[tilespmem:$0x1E720] =	vst v63  }
0x2f7: {  	p2 =	sne.s32 s11, s16  }
.Ltmp9:
0x2f8: {  	_ = 	snop;
	(pc) =	sbr.rel @p2 .LBB2_4-.Ltmp9, $2  }
0x2f9: {  	_ =	sdelay $0x2  }
0x2fa: {  	s12 =	sadd.s32 $0x80, s12;
	s15 =	sadd.s32 $0x80, s15  }
0x2fb: {  	s3 =	simm.s32 $0x3  }
0x2fc: {  	_ =	swait.ge [sflag:s3], $0x1800  }
0x2fd: {  	[sflag:s3] =	ssyncset.done $0x0  }
0x2fe: {  	s18 =	simm.s32 $0x4;
	[sflag:s3] =	ssyncadd.s32 $0xFFFFE800  }
0x2ff: {  	_ =	swait.ge [sflag:s18], $0x1800  }
0x300: {  	[sflag:s18] =	ssyncset.done $0x0  }
0x301: {  	[sflag:s18] =	ssyncadd.s32 $0xFFFFE800  }
0x302: {  	s19 =	stileid.u32;
	[bflag:$0x0] =	sbarrier.arrive $0xFFFF  }
0x303: {  	s3 =	sshll.u32 s19, $0x6;
	s9 =	rddreg [dreg:$0xa]  }
0x304: {  	s3 =	sor.u32 $0x1C05, s3;
	s11 =	rddreg [dreg:$0xd]  }
0x305: {  	[hbm:s9], [sflag:s3] =	dma.local [spmem:s11], $0x1D40  }
0x306: {  	_ =	swait.ge [sflag:s21], $0x1D40  }
0x307: {  	[sflag:s21] =	ssyncset.done $0x0;
	s15 =	rddreg [dreg:$0x7]  }
0x308: {  	s11 =	rddreg [dreg:$0xb];
	[sflag:s21] =	ssyncadd.s32 $0xFFFFE2C0;
	s9 =	sshrl.u32 @!p1 s15, $0x3  }
0x309: {  	[hbm:s11], [sflag:s3] =	dma.local @!p1 [spmem:s9], $0xC0  }
0x30a: {  	s3 =	simm.s32 @!p1 $0x5  }
0x30b: {  	_ =	swait.ge @!p1 [sflag:s3], $0xC0  }
0x30c: {  	s10 =	sadd.s32 $0x1, s10;
	s25 =	rddreg [dreg:$0xc]  }
0x30d: {  	p2 =	sne.s32 s10, s25  }
.Ltmp10:
0x30e: {  	_ = 	snop;
	(pc) =	sbr.rel @p2 .LBB2_1-.Ltmp10, $3  }
0x30f: {  	_ =	sdelay $0x1  }
0x310: {  	[sflag:s3] =	ssyncset.done @!p1 $0x0  }
0x311: {  	[sflag:s3] =	ssyncadd.s32 @!p1 $0xFFFFFF40  }
0x312: {  	_ =	sfence.sel $0x180000  }
0x313: {  	[bflag:$0x0] =	sbarrier.arrive $0xFFFF  }
0x314: {  	_ =	strace $0x90000047  }
0x315: {  	s0 =	stileid.u32;
	[bflag:$0x2] =	sbarrier.arrive $0xFFFF  }
0x316: {  	p0 =	sne.s32 s0, $0x0;
	s0 =	rddreg [dreg:$0x2]  }
0x317: {  	s0 =	sadd.s32 @!p0 $0x100000, s0  }
0x318: {  	[sflag:s0] =	ssyncadd.tile.s32 @!p0 $0x1;
	_ =	shalt  }
.Lfunc_end2:
_tile_overlayer_lowered:
.L_overlay_start_2:
0x319: {  	(tag) =	ssettag $0x2  }
0x31a: {  	s0 =	rddreg [dreg:$0x0];
	s2 =	stileid.u32  }
0x31b: {  	s1 =	rddreg [dreg:$0x1];
	p0 =	sne.s32 s2, $0x0  }
0x31c: {  	s3 =	rddreg [dreg:$0x2];
	[bflag:$0x3] =	sbarrier.arrive $0xFFFF;
	s2 =	simm.s32 @!p0 $0x1C05  }
0x31d: {  	[timem:s3], [sflag:s2] =	dma.local @!p0 [hbm:s0], s1  }
0x31e: {  	s0 =	simm.s32 @!p0 $0x5  }
0x31f: {  	_ =	swait.ge @!p0 [sflag:s0], s1  }
0x320: {  	s1 =	ssub.s32 @!p0 $0x0, s1;
	[sflag:s0] =	ssyncset.done @!p0 $0x0  }
0x321: {  	[sflag:s0] =	ssyncadd.s32 @!p0 s1  }
0x322: {  	[bflag:$0x3] =	sbarrier.arrive $0xFFFF  }
0x323: {  	_ =	shalt  }

</sc_bundles>
